<compile_context>
chip_gen: v7x
topology: tpu7x:2x2x1
jax: 0.10.2.dev20260603
libtpu: 0.0.44.dev20260713+nightly
codegen_flags: <defaults>
</compile_context>

<pallas_src>
import functools

import jax
import jax.numpy as jnp
import numpy as np
from jax import lax
from jax.experimental import pallas as pl
from jax.experimental.pallas import tpu as pltpu
from jax.experimental.pallas import tpu_sc as plsc

_PREC_SEL = lax.Precision.HIGHEST
_PREC_W = lax.Precision.DEFAULT

N = 10000
E = 320000
EMB = 128
FEAT = 256
L = 5
B = 16

NC = 2
NS = 16
CH = 128
GPT = 80
HGPT = GPT // 2
EPT = GPT * CH
EP = NC * NS * EPT
ACC = 10112
RPT = ACC // NS
DUMMY = 10008

BR = 400
NB = N // BR


def _make_sc_agg(D):
    mesh = plsc.VectorSubcoreMesh(core_axis_name="c", subcore_axis_name="s")

    @functools.partial(
        pl.kernel,
        out_type=jax.ShapeDtypeStruct((NC, ACC, D), jnp.float32),
        mesh=mesh,
        scratch_types=[
            pltpu.VMEM((HGPT, CH), jnp.int32),
            pltpu.VMEM((HGPT, CH), jnp.int32),
            pltpu.VMEM((2, CH, D), jnp.float32),
            pltpu.VMEM_SHARED((ACC, D), jnp.float32),
            pltpu.SemaphoreType.DMA,
            pltpu.SemaphoreType.DMA,
        ],
    )
    def sc_agg(table_hbm, src_hbm, dst_hbm, zeros_hbm, out_hbm,
               srcv, dstv, stage, acc, gsem, ssem):
        c = lax.axis_index("c")
        s = lax.axis_index("s")
        pltpu.sync_copy(zeros_hbm, acc.at[pl.ds(s * RPT, RPT)])
        plsc.subcore_barrier()

        for hidx in range(2):
            pltpu.sync_copy(src_hbm.at[c, s, pl.ds(hidx * HGPT, HGPT)], srcv)
            pltpu.sync_copy(dst_hbm.at[c, s, pl.ds(hidx * HGPT, HGPT)], dstv)
            pltpu.async_copy(table_hbm.at[srcv.at[0]], stage.at[0], gsem)

            def chunk(g, carry):
                @pl.when(g + 1 < HGPT)
                def _():
                    pltpu.async_copy(table_hbm.at[srcv.at[g + 1]],
                                     stage.at[(g + 1) % 2], gsem)
                pltpu.make_async_copy(table_hbm.at[srcv.at[g]],
                                      stage.at[g % 2], gsem).wait()
                pltpu.async_copy(stage.at[g % 2], acc.at[dstv.at[g]], ssem,
                                 add=True).wait()
                return carry

            lax.fori_loop(0, HGPT, chunk, 0)
        plsc.subcore_barrier()
        pltpu.sync_copy(acc.at[pl.ds(s * RPT, RPT)],
                        out_hbm.at[c, pl.ds(s * RPT, RPT)])

    return sc_agg


_sc_agg_h = _make_sc_agg(EMB)


def _embed_body(x0_ref, x1_ref, e1_ref, e2_ref, w_ref, hw_ref):
    x0 = x0_ref[0, 0, :]
    x1 = x1_ref[0, 0, :]
    i1 = lax.broadcasted_iota(jnp.int32, (BR, 128), 1)
    oh1 = (x0[:, None] == i1).astype(jnp.float32)
    i2 = lax.broadcasted_iota(jnp.int32, (BR, 8), 1)
    oh2 = (x1[:, None] == i2).astype(jnp.float32)
    h = jnp.dot(oh1, e1_ref[...], preferred_element_type=jnp.float32, precision=_PREC_SEL)
    h += jnp.dot(oh2, e2_ref[...], preferred_element_type=jnp.float32, precision=_PREC_SEL)
    hw_ref[...] = jnp.dot(h, w_ref[...], preferred_element_type=jnp.float32, precision=_PREC_W)


def _embed(x0r, x1r, e1p, e2p, w0):
    return pl.pallas_call(
        _embed_body,
        grid=(NB,),
        in_specs=[
            pl.BlockSpec((1, 1, BR), lambda i: (i, 0, 0)),
            pl.BlockSpec((1, 1, BR), lambda i: (i, 0, 0)),
            pl.BlockSpec((128, 128), lambda i: (0, 0)),
            pl.BlockSpec((8, 128), lambda i: (0, 0)),
            pl.BlockSpec((128, 128), lambda i: (0, 0)),
        ],
        out_specs=pl.BlockSpec((BR, 128), lambda i: (i, 0)),
        out_shape=jax.ShapeDtypeStruct((N, 128), jnp.float32),
    )(x0r, x1r, e1p, e2p, w0)


def _layerA_body(hw_ref, a0_ref, a1_ref, c0_ref, c1_ref, g_ref, pb_ref,
                 out_ref, sums_ref):
    i = pl.program_id(0)
    cnt = c0_ref[...] + c1_ref[...]
    out = hw_ref[...] + a0_ref[...] + a1_ref[...]
    out += jnp.dot(cnt, g_ref[...], preferred_element_type=jnp.float32, precision=_PREC_SEL)
    out += pb_ref[0, :][None, :]
    out_ref[...] = out

    @pl.when(i == 0)
    def _():
        sums_ref[...] = jnp.zeros((8, 128), jnp.float32)

    colsum = jnp.sum(out, axis=0)
    upd = jnp.concatenate(
        [colsum[None], jnp.zeros((7, 128), jnp.float32)], axis=0)
    sums_ref[...] += upd


def _layerA(hw, a0, a1, c0, c1, g, pb):
    return pl.pallas_call(
        _layerA_body,
        grid=(NB,),
        in_specs=[
            pl.BlockSpec((BR, 128), lambda i: (i, 0)),
            pl.BlockSpec((BR, 128), lambda i: (i, 0)),
            pl.BlockSpec((BR, 128), lambda i: (i, 0)),
            pl.BlockSpec((BR, 128), lambda i: (i, 0)),
            pl.BlockSpec((BR, 128), lambda i: (i, 0)),
            pl.BlockSpec((128, 128), lambda i: (0, 0)),
            pl.BlockSpec((8, 128), lambda i: (0, 0)),
        ],
        out_specs=[
            pl.BlockSpec((BR, 128), lambda i: (i, 0)),
            pl.BlockSpec((8, 128), lambda i: (0, 0)),
        ],
        out_shape=[
            jax.ShapeDtypeStruct((N, 128), jnp.float32),
            jax.ShapeDtypeStruct((8, 128), jnp.float32),
        ],
    )(hw, a0, a1, c0, c1, g, pb)


def _var_body(out_ref, sums_ref, var_ref):
    i = pl.program_id(0)
    mean = sums_ref[0, :] * (1.0 / N)
    d = out_ref[...] - mean[None, :]

    @pl.when(i == 0)
    def _():
        var_ref[...] = jnp.zeros((8, 128), jnp.float32)

    v = jnp.sum(d * d, axis=0)
    var_ref[...] += jnp.concatenate(
        [v[None], jnp.zeros((7, 128), jnp.float32)], axis=0)


def _var_pass(out, sums):
    return pl.pallas_call(
        _var_body,
        grid=(NB,),
        in_specs=[
            pl.BlockSpec((BR, 128), lambda i: (i, 0)),
            pl.BlockSpec((8, 128), lambda i: (0, 0)),
        ],
        out_specs=pl.BlockSpec((8, 128), lambda i: (0, 0)),
        out_shape=jax.ShapeDtypeStruct((8, 128), jnp.float32),
    )(out, sums)


def _layerB_mm_body(out_ref, sums_ref, var_ref, pb_ref, w_ref, hw_ref):
    mean = sums_ref[0, :] * (1.0 / N)
    var = var_ref[0, :] * (1.0 / N)
    gamma = pb_ref[1, :]
    beta = pb_ref[2, :]
    s = jnp.sqrt(var + 1e-5)
    h = gamma[None, :] * ((out_ref[...] - mean[None, :]) / s[None, :]) \
        + beta[None, :]
    h = jnp.maximum(h, 0.0)
    hw_ref[...] = jnp.dot(h, w_ref[...], preferred_element_type=jnp.float32,
                          precision=_PREC_W)


def _layerB_mm(out, sums, var, pb, w):
    return pl.pallas_call(
        _layerB_mm_body,
        grid=(NB,),
        in_specs=[
            pl.BlockSpec((BR, 128), lambda i: (i, 0)),
            pl.BlockSpec((8, 128), lambda i: (0, 0)),
            pl.BlockSpec((8, 128), lambda i: (0, 0)),
            pl.BlockSpec((8, 128), lambda i: (0, 0)),
            pl.BlockSpec((128, 128), lambda i: (0, 0)),
        ],
        out_specs=pl.BlockSpec((BR, 128), lambda i: (i, 0)),
        out_shape=jax.ShapeDtypeStruct((N, 128), jnp.float32),
    )(out, sums, var, pb, w)


def _layerB_last_body(out_ref, sums_ref, var_ref, pb_ref, h_ref):
    mean = sums_ref[0, :] * (1.0 / N)
    var = var_ref[0, :] * (1.0 / N)
    gamma = pb_ref[1, :]
    beta = pb_ref[2, :]
    s = jnp.sqrt(var + 1e-5)
    h_ref[...] = gamma[None, :] * ((out_ref[...] - mean[None, :])
                                   / s[None, :]) + beta[None, :]


def _layerB_last(out, sums, var, pb):
    return pl.pallas_call(
        _layerB_last_body,
        grid=(NB,),
        in_specs=[
            pl.BlockSpec((BR, 128), lambda i: (i, 0)),
            pl.BlockSpec((8, 128), lambda i: (0, 0)),
            pl.BlockSpec((8, 128), lambda i: (0, 0)),
            pl.BlockSpec((8, 128), lambda i: (0, 0)),
        ],
        out_specs=pl.BlockSpec((BR, 128), lambda i: (i, 0)),
        out_shape=jax.ShapeDtypeStruct((N, 128), jnp.float32),
    )(out, sums, var, pb)


def _pool_body(h_ref, b_ref, fw_ref, fb_ref, p1w_ref, p1b_ref, p2w_ref, p2b_ref,
               hf_ref, pred_ref, accs_ref, accc_ref):
    i = pl.program_id(0)

    @pl.when(i == 0)
    def _():
        accs_ref[...] = jnp.zeros((16, 128), jnp.float32)
        accc_ref[...] = jnp.zeros((16, 128), jnp.float32)

    b = b_ref[0, 0, :]
    ib = lax.broadcasted_iota(jnp.int32, (BR, 16), 1)
    oh = (b[:, None] == ib).astype(jnp.float32)
    sums = lax.dot_general(oh, h_ref[...], (((0,), (0,)), ((), ())),
                           preferred_element_type=jnp.float32,
                           precision=_PREC_SEL)
    cnt = jnp.sum(oh, axis=0)
    accs_ref[...] += sums
    accc_ref[...] += jnp.broadcast_to(cnt[:, None], (16, 128))

    @pl.when(i == NB - 1)
    def _():
        hg = accs_ref[...] / jnp.maximum(accc_ref[...], 1.0)
        hf = jnp.dot(hg, fw_ref[...], preferred_element_type=jnp.float32, precision=_PREC_W)
        hf += fb_ref[0, :][None, :]
        hf_ref[...] = hf
        z = jnp.dot(hf, p1w_ref[...], preferred_element_type=jnp.float32, precision=_PREC_W)
        z += p1b_ref[0, :][None, :]
        mid = jnp.maximum(z, 0.0) + jnp.log1p(jnp.exp(-jnp.abs(z)))
        pred = jnp.dot(mid, p2w_ref[...], preferred_element_type=jnp.float32, precision=_PREC_W)
        pred += p2b_ref[0, :][None, :]
        pred_ref[...] = pred


def _pool_head(h, br, fw, fb, p1w, p1b, p2w, p2b):
    return pl.pallas_call(
        _pool_body,
        grid=(NB,),
        in_specs=[
            pl.BlockSpec((BR, 128), lambda i: (i, 0)),
            pl.BlockSpec((1, 1, BR), lambda i: (i, 0, 0)),
            pl.BlockSpec((128, 256), lambda i: (0, 0)),
            pl.BlockSpec((8, 256), lambda i: (0, 0)),
            pl.BlockSpec((256, 128), lambda i: (0, 0)),
            pl.BlockSpec((8, 128), lambda i: (0, 0)),
            pl.BlockSpec((128, 128), lambda i: (0, 0)),
            pl.BlockSpec((8, 128), lambda i: (0, 0)),
        ],
        out_specs=[
            pl.BlockSpec((16, 256), lambda i: (0, 0)),
            pl.BlockSpec((16, 128), lambda i: (0, 0)),
        ],
        out_shape=[
            jax.ShapeDtypeStruct((16, 256), jnp.float32),
            jax.ShapeDtypeStruct((16, 128), jnp.float32),
        ],
        scratch_shapes=[
            pltpu.VMEM((16, 128), jnp.float32),
            pltpu.VMEM((16, 128), jnp.float32),
        ],
    )(h, br, fw, fb, p1w, p1b, p2w, p2b)


_MREP = 64
_M_NP = np.zeros((16 * _MREP, 128), np.float32)
for _r in range(_MREP):
    for _p in range(9):
        _M_NP[_r * 16 + _p, _p // 3] = 1.0
        _M_NP[_r * 16 + _p, 4 + _p % 3] = 1.0


def _row8(v):
    return jnp.zeros((8, v.shape[0]), jnp.float32).at[0].set(v)


def kernel(x, edge_index, edge_attr, batch, params):
    x = x.astype(jnp.int32)
    ei = edge_index.astype(jnp.int32)
    ea = edge_attr.astype(jnp.int32)
    batch = batch.astype(jnp.int32)

    src, dst = ei[0], ei[1]
    p = ea[:, 0] * 3 + ea[:, 1] + (jnp.arange(E, dtype=jnp.int32) % _MREP) * 16
    pad = EP - E

    ar = jnp.arange(pad, dtype=jnp.int32)

    def tile_layout(a, dummy):
        return jnp.concatenate([a, dummy]).reshape(
            GPT, NC, NS, CH).transpose(1, 2, 0, 3)

    srcp = tile_layout(src, ar % N)
    dstp = tile_layout(dst, N + (ar % (ACC - N)))
    pp = tile_layout(p, ar % (16 * _MREP))

    zeros_h = jnp.zeros((RPT, EMB), jnp.float32)
    m_tab = jnp.asarray(_M_NP)

    x0r = x[:, 0].reshape(NB, 1, BR)
    x1r = x[:, 1].reshape(NB, 1, BR)
    e1p = jnp.zeros((128, 128), jnp.float32).at[:119].set(params["emb1"])
    e2p = jnp.zeros((8, 128), jnp.float32).at[:3].set(params["emb2"])

    hw = _embed(x0r, x1r, e1p, e2p, params["W"][0])
    cnt = _sc_agg_h(m_tab, pp, dstp, zeros_h)
    c0 = cnt[0, :N]
    c1 = cnt[1, :N]

    for l in range(L):
        agg = _sc_agg_h(hw, srcp, dstp, zeros_h)
        g16 = jnp.zeros((128,), jnp.float32)
        g16 = g16.at[0:3].set(params["ee1"][l][0:3, 0])
        g16 = g16.at[4:7].set(params["ee2"][l][0:3, 0])
        gmat = jnp.broadcast_to(g16[:, None], (128, 128))
        beff = (params["b"][l] + params["ee1"][l][4, 0]
                + params["ee2"][l][0, 0])
        pb = jnp.zeros((8, 128), jnp.float32)
        pb = pb.at[0].set(beff).at[1].set(params["gamma"][l])
        pb = pb.at[2].set(params["beta"][l])
        out, sums = _layerA(hw, agg[0, :N], agg[1, :N], c0, c1, gmat, pb)
        var = _var_pass(out, sums)
        if l < L - 1:
            hw = _layerB_mm(out, sums, var, pb, params["W"][l + 1])
        else:
            h = _layerB_last(out, sums, var, pb)

    br = batch.reshape(NB, 1, BR)
    p2wp = jnp.zeros((128, 128), jnp.float32).at[:, :2].set(params["p2_W"])
    p2bp = jnp.zeros((128,), jnp.float32).at[:2].set(params["p2_b"])
    hf, predf = _pool_head(
        h, br, params["feat_W"], _row8(params["feat_b"]),
        params["p1_W"], _row8(params["p1_b"]), p2wp, _row8(p2bp))
    return hf, predf[:, :2]

# --- scband reference (transcript-rebuilt; emitter-appended) ---
"""Pipeline reference for scband-gcn-62457414418905 (READ-ONLY COPY).

The authoritative reference and input builder live on the scoring server;
editing this copy changes nothing except your own understanding.
"""

import jax, jax.numpy as jnp
import numpy as np

N = 10000
E = 320000
EMB = 128
FEAT = 256
L = 5
B = 16

def setup_inputs(seed: int = 0) -> dict:
    key = jax.random.key(seed)
    ks = jax.random.split(key, 8)
    x = jax.random.randint(ks[0], (N, 2), 0, 3)
    edge_index = jax.random.randint(ks[1], (2, E), 0, N)
    edge_attr = jax.random.randint(ks[2], (E, 2), 0, 3)
    batch = jnp.sort(jax.random.randint(ks[3], (N,), 0, B))
    pk = jax.random.split(ks[4], 3 * L + 8)
    params = {
        "emb1": jax.random.normal(pk[0], (119, EMB)) * 0.05,
        "emb2": jax.random.normal(pk[1], (3, EMB)) * 0.05,
        "W": [jax.random.normal(pk[2 + i], (EMB, EMB)) * (1.0 / np.sqrt(EMB)) for i in range(L)],
        "b": [jnp.zeros((EMB,)) for _ in range(L)],
        "ee1": [jax.random.normal(pk[2 + L + i], (5, 1)) * 0.05 for i in range(L)],
        "ee2": [jax.random.normal(pk[2 + 2 * L + i], (3, 1)) * 0.05 for i in range(L)],
        "gamma": [jnp.ones((EMB,)) for _ in range(L)],
        "beta": [jnp.zeros((EMB,)) for _ in range(L)],
        "feat_W": jax.random.normal(pk[2 + 3 * L], (EMB, FEAT)) * (1.0 / np.sqrt(EMB)),
        "feat_b": jnp.zeros((FEAT,)),
        "p1_W": jax.random.normal(pk[3 + 3 * L], (FEAT, FEAT // 2)) * (1.0 / np.sqrt(FEAT)),
        "p1_b": jnp.zeros((FEAT // 2,)),
        "p2_W": jax.random.normal(pk[4 + 3 * L], (FEAT // 2, 2)) * (1.0 / np.sqrt(FEAT // 2)),
        "p2_b": jnp.zeros((2,)),
    }
    return {"x": x, "edge_index": edge_index, "edge_attr": edge_attr, "batch": batch, "params": params}

def _forward(params, x, edge_index, edge_attr, batch):
    # atom-type embeddings
    h = params["emb1"][x[:, 0]] + params["emb2"][x[:, 1]]
    n = h.shape[0]
    # self loops (original adds them inside every GCNConv on the same raw edge_index)
    loops = jnp.arange(n, dtype=edge_index.dtype)
    ei = jnp.concatenate([edge_index, jnp.stack([loops, loops])], axis=1)
    sl = jnp.concatenate([jnp.full((n, 1), 4, edge_attr.dtype), jnp.zeros((n, 1), edge_attr.dtype)], axis=1)
    ea = jnp.concatenate([edge_attr, sl], axis=0)
    src, dst = ei[0], ei[1]
    # gcn_norm is computed in the original forward but its result is DISCARDED (edge_index, __ = gcn_norm(...))
    deg = jax.ops.segment_sum(jnp.ones((src.shape[0],), jnp.float32), dst, num_segments=n)
    dinv = jnp.where(deg > 0, deg ** -0.5, 0.0)
    _norm = dinv[src] * dinv[dst]  # unused, matching original
    for l in range(L):
        ee = params["ee1"][l][ea[:, 0]] + params["ee2"][l][ea[:, 1]]  # [E+N, 1]
        hw = h @ params["W"][l]
        msg = hw[src] + ee  # message(x_j, edge_attr) = edge_attr + x_j (broadcast)
        out = jax.ops.segment_sum(msg, dst, num_segments=n) + params["b"][l]
        # BatchNorm1d in training mode (module default): biased batch statistics
        mean = out.mean(axis=0)
        var = out.var(axis=0)
        h = params["gamma"][l] * (out - mean) / jnp.sqrt(var + 1e-5) + params["beta"][l]
        if l < L - 1:
            h = jax.nn.relu(h)
        # dropout with drop_ratio=0 is the identity
    # global_mean_pool
    counts = jax.ops.segment_sum(jnp.ones((n,), jnp.float32), batch, num_segments=B)
    sums = jax.ops.segment_sum(h, batch, num_segments=B)
    hg = sums / jnp.maximum(counts, 1.0)[:, None]
    hf = hg @ params["feat_W"] + params["feat_b"]
    mid = jax.nn.softplus(hf @ params["p1_W"] + params["p1_b"])
    pred = mid @ params["p2_W"] + params["p2_b"]
    return hf, pred

def reference(x, edge_index, edge_attr, batch, params):
    return _forward(params, x, edge_index, edge_attr, batch)

if __name__ == "__main__":
    import jax
    _d = setup_inputs()
    print(jax.jit(kernel)(*tuple(_d.values())))

</pallas_src>

<mosaic_0001>
#map = affine_map<(d0, d1) -> (0, 0)>
#map1 = affine_map<(d0, d1) -> (0, 0, 0, 0)>
#map2 = affine_map<(d0, d1) -> (0, 0, 0)>
module attributes {stable_mosaic.version = 14 : i64} {
  func.func @sc_agg(%arg0: i32, %arg1: i32, %arg2: memref<1024x128xf32, #tpu.memory_space<hbm>>, %arg3: memref<2x16x80x128xi32, #tpu.memory_space<hbm>>, %arg4: memref<2x16x80x128xi32, #tpu.memory_space<hbm>>, %arg5: memref<632x128xf32, #tpu.memory_space<hbm>>, %arg6: memref<2x10112x128xf32, #tpu.memory_space<hbm>>, %arg7: memref<40x128xi32, #tpu.memory_space<vmem>>, %arg8: memref<40x128xi32, #tpu.memory_space<vmem>>, %arg9: memref<2x128x128xf32, #tpu.memory_space<vmem>>, %arg10: memref<10112x128xf32, #tpu.memory_space<vmem_shared>>, %arg11: memref<!tpu.dma_semaphore, #tpu.memory_space<semaphore_mem>>, %arg12: memref<!tpu.dma_semaphore, #tpu.memory_space<semaphore_mem>>) attributes {dimension_semantics = [#tpu.dimension_semantics<core_parallel>, #tpu.dimension_semantics<subcore_parallel>], iteration_bounds = array<i64: 2, 16>, scalar_prefetch = 0 : i64, scratch_operands = 6 : i64, tpu.core_type = #tpu.core_type<sc_vector_subcore>, window_params = [{transform_indices = #map}, {transform_indices = #map1}, {transform_indices = #map1}, {transform_indices = #map}, {transform_indices = #map2}]} {
    %mul3A = arith.constant 632 : i32
    %mul3A_0 = arith.muli %arg1, %mul3A : i32
    "tpu.region"() ({
      %run_scoped3A = tpu.sem_alloc : memref<!tpu.dma_semaphore, #tpu.memory_space<semaphore_mem>>
      %dma_start3A_40 = arith.constant 0 : i32
      %dma_start3A_41 = tpu.memref_slice %arg10[%mul3A_0, %dma_start3A_40] : memref<10112x128xf32, #tpu.memory_space<vmem_shared>> -> memref<632x128xf32, #tpu.memory_space<vmem_shared>>
      tpu.enqueue_dma source(%arg5 : memref<632x128xf32, #tpu.memory_space<hbm>>) target(%dma_start3A_41 : memref<632x128xf32, #tpu.memory_space<vmem_shared>>) target_semaphore(%run_scoped3A : memref<!tpu.dma_semaphore, #tpu.memory_space<semaphore_mem>>)
      %dma_wait3A = arith.constant 0 : i32
      %dma_wait3A_42 = tpu.memref_slice %arg10[%mul3A_0, %dma_wait3A] : memref<10112x128xf32, #tpu.memory_space<vmem_shared>> -> memref<632x128xf32, #tpu.memory_space<vmem_shared>>
      tpu.wait_dma2 semaphore(%run_scoped3A : memref<!tpu.dma_semaphore, #tpu.memory_space<semaphore_mem>>) src(%arg5 : memref<632x128xf32, #tpu.memory_space<hbm>>) dst(%dma_wait3A_42 : memref<632x128xf32, #tpu.memory_space<vmem_shared>>)
      tpu.yield
    }) : () -> ()
    %barrier3A = arith.constant 0 : index
    tpu.barrier barrier_id(%barrier3A)
    "tpu.region"() ({
      %run_scoped3A = tpu.sem_alloc : memref<!tpu.dma_semaphore, #tpu.memory_space<semaphore_mem>>
      %dma_start3A_40 = arith.constant 0 : i32
      %dma_start3A_41 = arith.constant 0 : i32
      %dma_start3A_42 = tpu.memref_slice %arg3[%arg0, %arg1, %dma_start3A_40, %dma_start3A_41] : memref<2x16x80x128xi32, #tpu.memory_space<hbm>> -> memref<1x1x40x128xi32, #tpu.memory_space<hbm>>
      %dma_start3A_43 = tpu.memref_squeeze %dma_start3A_42 : memref<1x1x40x128xi32, #tpu.memory_space<hbm>> -> memref<40x128xi32, #tpu.memory_space<hbm>>
      %dma_start3A_44 = arith.constant 0 : i32
      %dma_start3A_45 = arith.constant 0 : i32
      %dma_start3A_46 = tpu.memref_slice %arg3[%arg0, %arg1, %dma_start3A_44, %dma_start3A_45] : memref<2x16x80x128xi32, #tpu.memory_space<hbm>> -> memref<1x1x40x128xi32, #tpu.memory_space<hbm>>
      %dma_start3A_47 = tpu.memref_squeeze %dma_start3A_46 : memref<1x1x40x128xi32, #tpu.memory_space<hbm>> -> memref<40x128xi32, #tpu.memory_space<hbm>>
      tpu.enqueue_dma source(%dma_start3A_47 : memref<40x128xi32, #tpu.memory_space<hbm>>) target(%arg7 : memref<40x128xi32, #tpu.memory_space<vmem>>) target_semaphore(%run_scoped3A : memref<!tpu.dma_semaphore, #tpu.memory_space<semaphore_mem>>)
      %dma_wait3A = arith.constant 0 : i32
      %dma_wait3A_48 = arith.constant 0 : i32
      %dma_wait3A_49 = tpu.memref_slice %arg3[%arg0, %arg1, %dma_wait3A, %dma_wait3A_48] : memref<2x16x80x128xi32, #tpu.memory_space<hbm>> -> memref<1x1x40x128xi32, #tpu.memory_space<hbm>>
      %dma_wait3A_50 = tpu.memref_squeeze %dma_wait3A_49 : memref<1x1x40x128xi32, #tpu.memory_space<hbm>> -> memref<40x128xi32, #tpu.memory_space<hbm>>
      %dma_wait3A_51 = arith.constant 0 : i32
      %dma_wait3A_52 = arith.constant 0 : i32
      %dma_wait3A_53 = tpu.memref_slice %arg3[%arg0, %arg1, %dma_wait3A_51, %dma_wait3A_52] : memref<2x16x80x128xi32, #tpu.memory_space<hbm>> -> memref<1x1x40x128xi32, #tpu.memory_space<hbm>>
      %dma_wait3A_54 = tpu.memref_squeeze %dma_wait3A_53 : memref<1x1x40x128xi32, #tpu.memory_space<hbm>> -> memref<40x128xi32, #tpu.memory_space<hbm>>
      tpu.wait_dma2 semaphore(%run_scoped3A : memref<!tpu.dma_semaphore, #tpu.memory_space<semaphore_mem>>) src(%dma_wait3A_54 : memref<40x128xi32, #tpu.memory_space<hbm>>) dst(%arg7 : memref<40x128xi32, #tpu.memory_space<vmem>>)
      tpu.yield
    }) : () -> ()
    "tpu.region"() ({
      %run_scoped3A = tpu.sem_alloc : memref<!tpu.dma_semaphore, #tpu.memory_space<semaphore_mem>>
      %dma_start3A_40 = arith.constant 0 : i32
      %dma_start3A_41 = arith.constant 0 : i32
      %dma_start3A_42 = tpu.memref_slice %arg4[%arg0, %arg1, %dma_start3A_40, %dma_start3A_41] : memref<2x16x80x128xi32, #tpu.memory_space<hbm>> -> memref<1x1x40x128xi32, #tpu.memory_space<hbm>>
      %dma_start3A_43 = tpu.memref_squeeze %dma_start3A_42 : memref<1x1x40x128xi32, #tpu.memory_space<hbm>> -> memref<40x128xi32, #tpu.memory_space<hbm>>
      %dma_start3A_44 = arith.constant 0 : i32
      %dma_start3A_45 = arith.constant 0 : i32
      %dma_start3A_46 = tpu.memref_slice %arg4[%arg0, %arg1, %dma_start3A_44, %dma_start3A_45] : memref<2x16x80x128xi32, #tpu.memory_space<hbm>> -> memref<1x1x40x128xi32, #tpu.memory_space<hbm>>
      %dma_start3A_47 = tpu.memref_squeeze %dma_start3A_46 : memref<1x1x40x128xi32, #tpu.memory_space<hbm>> -> memref<40x128xi32, #tpu.memory_space<hbm>>
      tpu.enqueue_dma source(%dma_start3A_47 : memref<40x128xi32, #tpu.memory_space<hbm>>) target(%arg8 : memref<40x128xi32, #tpu.memory_space<vmem>>) target_semaphore(%run_scoped3A : memref<!tpu.dma_semaphore, #tpu.memory_space<semaphore_mem>>)
      %dma_wait3A = arith.constant 0 : i32
      %dma_wait3A_48 = arith.constant 0 : i32
      %dma_wait3A_49 = tpu.memref_slice %arg4[%arg0, %arg1, %dma_wait3A, %dma_wait3A_48] : memref<2x16x80x128xi32, #tpu.memory_space<hbm>> -> memref<1x1x40x128xi32, #tpu.memory_space<hbm>>
      %dma_wait3A_50 = tpu.memref_squeeze %dma_wait3A_49 : memref<1x1x40x128xi32, #tpu.memory_space<hbm>> -> memref<40x128xi32, #tpu.memory_space<hbm>>
      %dma_wait3A_51 = arith.constant 0 : i32
      %dma_wait3A_52 = arith.constant 0 : i32
      %dma_wait3A_53 = tpu.memref_slice %arg4[%arg0, %arg1, %dma_wait3A_51, %dma_wait3A_52] : memref<2x16x80x128xi32, #tpu.memory_space<hbm>> -> memref<1x1x40x128xi32, #tpu.memory_space<hbm>>
      %dma_wait3A_54 = tpu.memref_squeeze %dma_wait3A_53 : memref<1x1x40x128xi32, #tpu.memory_space<hbm>> -> memref<40x128xi32, #tpu.memory_space<hbm>>
      tpu.wait_dma2 semaphore(%run_scoped3A : memref<!tpu.dma_semaphore, #tpu.memory_space<semaphore_mem>>) src(%dma_wait3A_54 : memref<40x128xi32, #tpu.memory_space<hbm>>) dst(%arg8 : memref<40x128xi32, #tpu.memory_space<vmem>>)
      tpu.yield
    }) : () -> ()
    %dma_start3A = arith.constant 0 : i32
    %dma_start3A_1 = arith.constant 0 : i32
    %dma_start3A_2 = arith.constant 0 : i32
    %dma_start3A_3 = arith.constant 0 : i32
    %dma_start3A_4 = tpu.memref_slice %arg9[%dma_start3A_1, %dma_start3A_2, %dma_start3A_3] : memref<2x128x128xf32, #tpu.memory_space<vmem>> -> memref<1x128x128xf32, #tpu.memory_space<vmem>>
    %dma_start3A_5 = tpu.memref_squeeze %dma_start3A_4 : memref<1x128x128xf32, #tpu.memory_space<vmem>> -> memref<128x128xf32, #tpu.memory_space<vmem>>
    %dma_start3A_6 = arith.constant 0 : i32
    %dma_start3A_7 = tpu.memref_slice %arg7[%dma_start3A, %dma_start3A_6] : memref<40x128xi32, #tpu.memory_space<vmem>> -> memref<1x128xi32, #tpu.memory_space<vmem>>
    %dma_start3A_8 = tpu.memref_squeeze %dma_start3A_7 : memref<1x128xi32, #tpu.memory_space<vmem>> -> memref<128xi32, #tpu.memory_space<vmem>>
    %dma_start3A_9 = arith.constant 0 : i32
    %dma_start3A_10 = arith.constant 0 : i32
    %dma_start3A_11 = tpu.memref_slice %arg2[%dma_start3A_9, %dma_start3A_10] : memref<1024x128xf32, #tpu.memory_space<hbm>> -> memref<1024x128xf32, #tpu.memory_space<hbm>>
    tpu.enqueue_indirect_dma source(%dma_start3A_11 : memref<1024x128xf32, #tpu.memory_space<hbm>>) target(%dma_start3A_5 : memref<128x128xf32, #tpu.memory_space<vmem>>) offsets(%dma_start3A_8 : memref<128xi32, #tpu.memory_space<vmem>>) semaphore(%arg11 : memref<!tpu.dma_semaphore, #tpu.memory_space<semaphore_mem>>)
    %scan3A = arith.constant 0 : i32
    %scan3A_12 = arith.constant 0 : i32
    %scan3A_13 = arith.constant 40 : i32
    %scan3A_14 = arith.addi %scan3A_12, %scan3A_13 : i32
    %scan3A_15 = arith.constant 1 : i32
    scf.for %scan3A_40 = %scan3A_12 to %scan3A_14 step %scan3A_15  : i32 {
      %add3A = arith.constant 1 : i32
      %add3A_41 = arith.addi %scan3A_40, %add3A : i32
      %lt3A = arith.constant 40 : i32
      %lt3A_42 = arith.cmpi slt, %add3A_41, %lt3A : i32
      %convert_element_type3A = arith.extui %lt3A_42 : i1 to i32
      %cond3A = arith.constant 0 : i32
      %cond3A_43 = arith.cmpi ne, %convert_element_type3A, %cond3A : i32
      scf.if %cond3A_43 {
        %add3A_99 = arith.constant 1 : i32
        %add3A_100 = arith.addi %scan3A_40, %add3A_99 : i32
        %add3A_101 = arith.constant 1 : i32
        %add3A_102 = arith.addi %scan3A_40, %add3A_101 : i32
        %jit3A_103 = arith.constant 2 : i32
        %eq3A_104 = arith.constant 0 : i32
        %eq3A_105 = arith.cmpi eq, %jit3A_103, %eq3A_104 : i32
        %jit3A_106 = arith.constant 1 : i32
        %select_n3A_107 = arith.select %eq3A_105, %jit3A_106, %jit3A_103 : i32
        %rem3A_108 = arith.remsi %add3A_102, %select_n3A_107 : i32
        %ne3A_109 = arith.constant 0 : i32
        %ne3A_110 = arith.cmpi ne, %rem3A_108, %ne3A_109 : i32
        %lt3A_111 = arith.constant 0 : i32
        %lt3A_112 = arith.cmpi slt, %rem3A_108, %lt3A_111 : i32
        %lt3A_113 = arith.constant 0 : i32
        %lt3A_114 = arith.cmpi slt, %select_n3A_107, %lt3A_113 : i32
        %ne3A_115 = arith.xori %lt3A_112, %lt3A_114 : i1
        %and3A_116 = arith.andi %ne3A_115, %ne3A_110 : i1
        %add3A_117 = arith.addi %rem3A_108, %select_n3A_107 : i32
        %select_n3A_118 = arith.select %and3A_116, %add3A_117, %rem3A_108 : i32
        %dma_start3A_119 = arith.constant 0 : i32
        %dma_start3A_120 = arith.constant 0 : i32
        %dma_start3A_121 = tpu.memref_slice %arg9[%select_n3A_118, %dma_start3A_119, %dma_start3A_120] : memref<2x128x128xf32, #tpu.memory_space<vmem>> -> memref<1x128x128xf32, #tpu.memory_space<vmem>>
        %dma_start3A_122 = tpu.memref_squeeze %dma_start3A_121 : memref<1x128x128xf32, #tpu.memory_space<vmem>> -> memref<128x128xf32, #tpu.memory_space<vmem>>
        %dma_start3A_123 = arith.constant 0 : i32
        %dma_start3A_124 = tpu.memref_slice %arg7[%add3A_100, %dma_start3A_123] : memref<40x128xi32, #tpu.memory_space<vmem>> -> memref<1x128xi32, #tpu.memory_space<vmem>>
        %dma_start3A_125 = tpu.memref_squeeze %dma_start3A_124 : memref<1x128xi32, #tpu.memory_space<vmem>> -> memref<128xi32, #tpu.memory_space<vmem>>
        %dma_start3A_126 = arith.constant 0 : i32
        %dma_start3A_127 = arith.constant 0 : i32
        %dma_start3A_128 = tpu.memref_slice %arg2[%dma_start3A_126, %dma_start3A_127] : memref<1024x128xf32, #tpu.memory_space<hbm>> -> memref<1024x128xf32, #tpu.memory_space<hbm>>
        tpu.enqueue_indirect_dma source(%dma_start3A_128 : memref<1024x128xf32, #tpu.memory_space<hbm>>) target(%dma_start3A_122 : memref<128x128xf32, #tpu.memory_space<vmem>>) offsets(%dma_start3A_125 : memref<128xi32, #tpu.memory_space<vmem>>) semaphore(%arg11 : memref<!tpu.dma_semaphore, #tpu.memory_space<semaphore_mem>>)
      } else {
      }
      %jit3A = arith.constant 2 : i32
      %eq3A = arith.constant 0 : i32
      %eq3A_44 = arith.cmpi eq, %jit3A, %eq3A : i32
      %jit3A_45 = arith.constant 1 : i32
      %select_n3A = arith.select %eq3A_44, %jit3A_45, %jit3A : i32
      %rem3A = arith.remsi %scan3A_40, %select_n3A : i32
      %ne3A = arith.constant 0 : i32
      %ne3A_46 = arith.cmpi ne, %rem3A, %ne3A : i32
      %lt3A_47 = arith.constant 0 : i32
      %lt3A_48 = arith.cmpi slt, %rem3A, %lt3A_47 : i32
      %lt3A_49 = arith.constant 0 : i32
      %lt3A_50 = arith.cmpi slt, %select_n3A, %lt3A_49 : i32
      %ne3A_51 = arith.xori %lt3A_48, %lt3A_50 : i1
      %and3A = arith.andi %ne3A_51, %ne3A_46 : i1
      %add3A_52 = arith.addi %rem3A, %select_n3A : i32
      %select_n3A_53 = arith.select %and3A, %add3A_52, %rem3A : i32
      %dma_wait3A = arith.constant 0 : i32
      %dma_wait3A_54 = arith.constant 0 : i32
      %dma_wait3A_55 = tpu.memref_slice %arg9[%select_n3A_53, %dma_wait3A, %dma_wait3A_54] : memref<2x128x128xf32, #tpu.memory_space<vmem>> -> memref<1x128x128xf32, #tpu.memory_space<vmem>>
      %dma_wait3A_56 = tpu.memref_squeeze %dma_wait3A_55 : memref<1x128x128xf32, #tpu.memory_space<vmem>> -> memref<128x128xf32, #tpu.memory_space<vmem>>
      %dma_wait3A_57 = arith.constant 0 : i32
      %dma_wait3A_58 = tpu.memref_slice %arg7[%scan3A_40, %dma_wait3A_57] : memref<40x128xi32, #tpu.memory_space<vmem>> -> memref<1x128xi32, #tpu.memory_space<vmem>>
      %dma_wait3A_59 = tpu.memref_squeeze %dma_wait3A_58 : memref<1x128xi32, #tpu.memory_space<vmem>> -> memref<128xi32, #tpu.memory_space<vmem>>
      %dma_wait3A_60 = arith.constant 0 : i32
      %dma_wait3A_61 = arith.constant 0 : i32
      %dma_wait3A_62 = tpu.memref_slice %arg2[%dma_wait3A_60, %dma_wait3A_61] : memref<1024x128xf32, #tpu.memory_space<hbm>> -> memref<1024x128xf32, #tpu.memory_space<hbm>>
      tpu.wait_indirect_dma semaphore(%arg11 : memref<!tpu.dma_semaphore, #tpu.memory_space<semaphore_mem>>) src(%dma_wait3A_62 : memref<1024x128xf32, #tpu.memory_space<hbm>>) dst(%dma_wait3A_56 : memref<128x128xf32, #tpu.memory_space<vmem>>)
      %jit3A_63 = arith.constant 2 : i32
      %eq3A_64 = arith.constant 0 : i32
      %eq3A_65 = arith.cmpi eq, %jit3A_63, %eq3A_64 : i32
      %jit3A_66 = arith.constant 1 : i32
      %select_n3A_67 = arith.select %eq3A_65, %jit3A_66, %jit3A_63 : i32
      %rem3A_68 = arith.remsi %scan3A_40, %select_n3A_67 : i32
      %ne3A_69 = arith.constant 0 : i32
      %ne3A_70 = arith.cmpi ne, %rem3A_68, %ne3A_69 : i32
      %lt3A_71 = arith.constant 0 : i32
      %lt3A_72 = arith.cmpi slt, %rem3A_68, %lt3A_71 : i32
      %lt3A_73 = arith.constant 0 : i32
      %lt3A_74 = arith.cmpi slt, %select_n3A_67, %lt3A_73 : i32
      %ne3A_75 = arith.xori %lt3A_72, %lt3A_74 : i1
      %and3A_76 = arith.andi %ne3A_75, %ne3A_70 : i1
      %add3A_77 = arith.addi %rem3A_68, %select_n3A_67 : i32
      %select_n3A_78 = arith.select %and3A_76, %add3A_77, %rem3A_68 : i32
      %dma_start3A_79 = arith.constant 0 : i32
      %dma_start3A_80 = arith.constant 0 : i32
      %dma_start3A_81 = tpu.memref_slice %arg9[%select_n3A_78, %dma_start3A_79, %dma_start3A_80] : memref<2x128x128xf32, #tpu.memory_space<vmem>> -> memref<1x128x128xf32, #tpu.memory_space<vmem>>
      %dma_start3A_82 = tpu.memref_squeeze %dma_start3A_81 : memref<1x128x128xf32, #tpu.memory_space<vmem>> -> memref<128x128xf32, #tpu.memory_space<vmem>>
      %dma_start3A_83 = arith.constant 0 : i32
      %dma_start3A_84 = tpu.memref_slice %arg8[%scan3A_40, %dma_start3A_83] : memref<40x128xi32, #tpu.memory_space<vmem>> -> memref<1x128xi32, #tpu.memory_space<vmem>>
      %dma_start3A_85 = tpu.memref_squeeze %dma_start3A_84 : memref<1x128xi32, #tpu.memory_space<vmem>> -> memref<128xi32, #tpu.memory_space<vmem>>
      %dma_start3A_86 = arith.constant 0 : i32
      %dma_start3A_87 = arith.constant 0 : i32
      %dma_start3A_88 = tpu.memref_slice %arg10[%dma_start3A_86, %dma_start3A_87] : memref<10112x128xf32, #tpu.memory_space<vmem_shared>> -> memref<10112x128xf32, #tpu.memory_space<vmem_shared>>
      tpu.enqueue_indirect_dma source(%dma_start3A_82 : memref<128x128xf32, #tpu.memory_space<vmem>>) target(%dma_start3A_88 : memref<10112x128xf32, #tpu.memory_space<vmem_shared>>) offsets(%dma_start3A_85 : memref<128xi32, #tpu.memory_space<vmem>>) semaphore(%arg12 : memref<!tpu.dma_semaphore, #tpu.memory_space<semaphore_mem>>) {add = true}
      %dma_wait3A_89 = arith.constant 0 : i32
      %dma_wait3A_90 = arith.constant 0 : i32
      %dma_wait3A_91 = tpu.memref_slice %arg9[%select_n3A_78, %dma_wait3A_89, %dma_wait3A_90] : memref<2x128x128xf32, #tpu.memory_space<vmem>> -> memref<1x128x128xf32, #tpu.memory_space<vmem>>
      %dma_wait3A_92 = tpu.memref_squeeze %dma_wait3A_91 : memref<1x128x128xf32, #tpu.memory_space<vmem>> -> memref<128x128xf32, #tpu.memory_space<vmem>>
      %dma_wait3A_93 = arith.constant 0 : i32
      %dma_wait3A_94 = tpu.memref_slice %arg8[%scan3A_40, %dma_wait3A_93] : memref<40x128xi32, #tpu.memory_space<vmem>> -> memref<1x128xi32, #tpu.memory_space<vmem>>
      %dma_wait3A_95 = tpu.memref_squeeze %dma_wait3A_94 : memref<1x128xi32, #tpu.memory_space<vmem>> -> memref<128xi32, #tpu.memory_space<vmem>>
      %dma_wait3A_96 = arith.constant 0 : i32
      %dma_wait3A_97 = arith.constant 0 : i32
      %dma_wait3A_98 = tpu.memref_slice %arg10[%dma_wait3A_96, %dma_wait3A_97] : memref<10112x128xf32, #tpu.memory_space<vmem_shared>> -> memref<10112x128xf32, #tpu.memory_space<vmem_shared>>
      tpu.wait_indirect_dma semaphore(%arg12 : memref<!tpu.dma_semaphore, #tpu.memory_space<semaphore_mem>>) src(%dma_wait3A_92 : memref<128x128xf32, #tpu.memory_space<vmem>>) dst(%dma_wait3A_98 : memref<10112x128xf32, #tpu.memory_space<vmem_shared>>)
    }
    %scan3A_16 = arith.constant 40 : i32
    "tpu.region"() ({
      %run_scoped3A = tpu.sem_alloc : memref<!tpu.dma_semaphore, #tpu.memory_space<semaphore_mem>>
      %dma_start3A_40 = arith.constant 40 : i32
      %dma_start3A_41 = arith.constant 0 : i32
      %dma_start3A_42 = tpu.memref_slice %arg3[%arg0, %arg1, %dma_start3A_40, %dma_start3A_41] : memref<2x16x80x128xi32, #tpu.memory_space<hbm>> -> memref<1x1x40x128xi32, #tpu.memory_space<hbm>>
      %dma_start3A_43 = tpu.memref_squeeze %dma_start3A_42 : memref<1x1x40x128xi32, #tpu.memory_space<hbm>> -> memref<40x128xi32, #tpu.memory_space<hbm>>
      %dma_start3A_44 = arith.constant 40 : i32
      %dma_start3A_45 = arith.constant 0 : i32
      %dma_start3A_46 = tpu.memref_slice %arg3[%arg0, %arg1, %dma_start3A_44, %dma_start3A_45] : memref<2x16x80x128xi32, #tpu.memory_space<hbm>> -> memref<1x1x40x128xi32, #tpu.memory_space<hbm>>
      %dma_start3A_47 = tpu.memref_squeeze %dma_start3A_46 : memref<1x1x40x128xi32, #tpu.memory_space<hbm>> -> memref<40x128xi32, #tpu.memory_space<hbm>>
      tpu.enqueue_dma source(%dma_start3A_47 : memref<40x128xi32, #tpu.memory_space<hbm>>) target(%arg7 : memref<40x128xi32, #tpu.memory_space<vmem>>) target_semaphore(%run_scoped3A : memref<!tpu.dma_semaphore, #tpu.memory_space<semaphore_mem>>)
      %dma_wait3A = arith.constant 40 : i32
      %dma_wait3A_48 = arith.constant 0 : i32
      %dma_wait3A_49 = tpu.memref_slice %arg3[%arg0, %arg1, %dma_wait3A, %dma_wait3A_48] : memref<2x16x80x128xi32, #tpu.memory_space<hbm>> -> memref<1x1x40x128xi32, #tpu.memory_space<hbm>>
      %dma_wait3A_50 = tpu.memref_squeeze %dma_wait3A_49 : memref<1x1x40x128xi32, #tpu.memory_space<hbm>> -> memref<40x128xi32, #tpu.memory_space<hbm>>
      %dma_wait3A_51 = arith.constant 40 : i32
      %dma_wait3A_52 = arith.constant 0 : i32
      %dma_wait3A_53 = tpu.memref_slice %arg3[%arg0, %arg1, %dma_wait3A_51, %dma_wait3A_52] : memref<2x16x80x128xi32, #tpu.memory_space<hbm>> -> memref<1x1x40x128xi32, #tpu.memory_space<hbm>>
      %dma_wait3A_54 = tpu.memref_squeeze %dma_wait3A_53 : memref<1x1x40x128xi32, #tpu.memory_space<hbm>> -> memref<40x128xi32, #tpu.memory_space<hbm>>
      tpu.wait_dma2 semaphore(%run_scoped3A : memref<!tpu.dma_semaphore, #tpu.memory_space<semaphore_mem>>) src(%dma_wait3A_54 : memref<40x128xi32, #tpu.memory_space<hbm>>) dst(%arg7 : memref<40x128xi32, #tpu.memory_space<vmem>>)
      tpu.yield
    }) : () -> ()
    "tpu.region"() ({
      %run_scoped3A = tpu.sem_alloc : memref<!tpu.dma_semaphore, #tpu.memory_space<semaphore_mem>>
      %dma_start3A_40 = arith.constant 40 : i32
      %dma_start3A_41 = arith.constant 0 : i32
      %dma_start3A_42 = tpu.memref_slice %arg4[%arg0, %arg1, %dma_start3A_40, %dma_start3A_41] : memref<2x16x80x128xi32, #tpu.memory_space<hbm>> -> memref<1x1x40x128xi32, #tpu.memory_space<hbm>>
      %dma_start3A_43 = tpu.memref_squeeze %dma_start3A_42 : memref<1x1x40x128xi32, #tpu.memory_space<hbm>> -> memref<40x128xi32, #tpu.memory_space<hbm>>
      %dma_start3A_44 = arith.constant 40 : i32
      %dma_start3A_45 = arith.constant 0 : i32
      %dma_start3A_46 = tpu.memref_slice %arg4[%arg0, %arg1, %dma_start3A_44, %dma_start3A_45] : memref<2x16x80x128xi32, #tpu.memory_space<hbm>> -> memref<1x1x40x128xi32, #tpu.memory_space<hbm>>
      %dma_start3A_47 = tpu.memref_squeeze %dma_start3A_46 : memref<1x1x40x128xi32, #tpu.memory_space<hbm>> -> memref<40x128xi32, #tpu.memory_space<hbm>>
      tpu.enqueue_dma source(%dma_start3A_47 : memref<40x128xi32, #tpu.memory_space<hbm>>) target(%arg8 : memref<40x128xi32, #tpu.memory_space<vmem>>) target_semaphore(%run_scoped3A : memref<!tpu.dma_semaphore, #tpu.memory_space<semaphore_mem>>)
      %dma_wait3A = arith.constant 40 : i32
      %dma_wait3A_48 = arith.constant 0 : i32
      %dma_wait3A_49 = tpu.memref_slice %arg4[%arg0, %arg1, %dma_wait3A, %dma_wait3A_48] : memref<2x16x80x128xi32, #tpu.memory_space<hbm>> -> memref<1x1x40x128xi32, #tpu.memory_space<hbm>>
      %dma_wait3A_50 = tpu.memref_squeeze %dma_wait3A_49 : memref<1x1x40x128xi32, #tpu.memory_space<hbm>> -> memref<40x128xi32, #tpu.memory_space<hbm>>
      %dma_wait3A_51 = arith.constant 40 : i32
      %dma_wait3A_52 = arith.constant 0 : i32
      %dma_wait3A_53 = tpu.memref_slice %arg4[%arg0, %arg1, %dma_wait3A_51, %dma_wait3A_52] : memref<2x16x80x128xi32, #tpu.memory_space<hbm>> -> memref<1x1x40x128xi32, #tpu.memory_space<hbm>>
      %dma_wait3A_54 = tpu.memref_squeeze %dma_wait3A_53 : memref<1x1x40x128xi32, #tpu.memory_space<hbm>> -> memref<40x128xi32, #tpu.memory_space<hbm>>
      tpu.wait_dma2 semaphore(%run_scoped3A : memref<!tpu.dma_semaphore, #tpu.memory_space<semaphore_mem>>) src(%dma_wait3A_54 : memref<40x128xi32, #tpu.memory_space<hbm>>) dst(%arg8 : memref<40x128xi32, #tpu.memory_space<vmem>>)
      tpu.yield
    }) : () -> ()
    %dma_start3A_17 = arith.constant 0 : i32
    %dma_start3A_18 = arith.constant 0 : i32
    %dma_start3A_19 = arith.constant 0 : i32
    %dma_start3A_20 = arith.constant 0 : i32
    %dma_start3A_21 = tpu.memref_slice %arg9[%dma_start3A_18, %dma_start3A_19, %dma_start3A_20] : memref<2x128x128xf32, #tpu.memory_space<vmem>> -> memref<1x128x128xf32, #tpu.memory_space<vmem>>
    %dma_start3A_22 = tpu.memref_squeeze %dma_start3A_21 : memref<1x128x128xf32, #tpu.memory_space<vmem>> -> memref<128x128xf32, #tpu.memory_space<vmem>>
    %dma_start3A_23 = arith.constant 0 : i32
    %dma_start3A_24 = tpu.memref_slice %arg7[%dma_start3A_17, %dma_start3A_23] : memref<40x128xi32, #tpu.memory_space<vmem>> -> memref<1x128xi32, #tpu.memory_space<vmem>>
    %dma_start3A_25 = tpu.memref_squeeze %dma_start3A_24 : memref<1x128xi32, #tpu.memory_space<vmem>> -> memref<128xi32, #tpu.memory_space<vmem>>
    %dma_start3A_26 = arith.constant 0 : i32
    %dma_start3A_27 = arith.constant 0 : i32
    %dma_start3A_28 = tpu.memref_slice %arg2[%dma_start3A_26, %dma_start3A_27] : memref<1024x128xf32, #tpu.memory_space<hbm>> -> memref<1024x128xf32, #tpu.memory_space<hbm>>
    tpu.enqueue_indirect_dma source(%dma_start3A_28 : memref<1024x128xf32, #tpu.memory_space<hbm>>) target(%dma_start3A_22 : memref<128x128xf32, #tpu.memory_space<vmem>>) offsets(%dma_start3A_25 : memref<128xi32, #tpu.memory_space<vmem>>) semaphore(%arg11 : memref<!tpu.dma_semaphore, #tpu.memory_space<semaphore_mem>>)
    %scan3A_29 = arith.constant 0 : i32
    %scan3A_30 = arith.constant 0 : i32
    %scan3A_31 = arith.constant 40 : i32
    %scan3A_32 = arith.addi %scan3A_30, %scan3A_31 : i32
    %scan3A_33 = arith.constant 1 : i32
    scf.for %scan3A_40 = %scan3A_30 to %scan3A_32 step %scan3A_33  : i32 {
      %add3A = arith.constant 1 : i32
      %add3A_41 = arith.addi %scan3A_40, %add3A : i32
      %lt3A = arith.constant 40 : i32
      %lt3A_42 = arith.cmpi slt, %add3A_41, %lt3A : i32
      %convert_element_type3A = arith.extui %lt3A_42 : i1 to i32
      %cond3A = arith.constant 0 : i32
      %cond3A_43 = arith.cmpi ne, %convert_element_type3A, %cond3A : i32
      scf.if %cond3A_43 {
        %add3A_99 = arith.constant 1 : i32
        %add3A_100 = arith.addi %scan3A_40, %add3A_99 : i32
        %add3A_101 = arith.constant 1 : i32
        %add3A_102 = arith.addi %scan3A_40, %add3A_101 : i32
        %jit3A_103 = arith.constant 2 : i32
        %eq3A_104 = arith.constant 0 : i32
        %eq3A_105 = arith.cmpi eq, %jit3A_103, %eq3A_104 : i32
        %jit3A_106 = arith.constant 1 : i32
        %select_n3A_107 = arith.select %eq3A_105, %jit3A_106, %jit3A_103 : i32
        %rem3A_108 = arith.remsi %add3A_102, %select_n3A_107 : i32
        %ne3A_109 = arith.constant 0 : i32
        %ne3A_110 = arith.cmpi ne, %rem3A_108, %ne3A_109 : i32
        %lt3A_111 = arith.constant 0 : i32
        %lt3A_112 = arith.cmpi slt, %rem3A_108, %lt3A_111 : i32
        %lt3A_113 = arith.constant 0 : i32
        %lt3A_114 = arith.cmpi slt, %select_n3A_107, %lt3A_113 : i32
        %ne3A_115 = arith.xori %lt3A_112, %lt3A_114 : i1
        %and3A_116 = arith.andi %ne3A_115, %ne3A_110 : i1
        %add3A_117 = arith.addi %rem3A_108, %select_n3A_107 : i32
        %select_n3A_118 = arith.select %and3A_116, %add3A_117, %rem3A_108 : i32
        %dma_start3A_119 = arith.constant 0 : i32
        %dma_start3A_120 = arith.constant 0 : i32
        %dma_start3A_121 = tpu.memref_slice %arg9[%select_n3A_118, %dma_start3A_119, %dma_start3A_120] : memref<2x128x128xf32, #tpu.memory_space<vmem>> -> memref<1x128x128xf32, #tpu.memory_space<vmem>>
        %dma_start3A_122 = tpu.memref_squeeze %dma_start3A_121 : memref<1x128x128xf32, #tpu.memory_space<vmem>> -> memref<128x128xf32, #tpu.memory_space<vmem>>
        %dma_start3A_123 = arith.constant 0 : i32
        %dma_start3A_124 = tpu.memref_slice %arg7[%add3A_100, %dma_start3A_123] : memref<40x128xi32, #tpu.memory_space<vmem>> -> memref<1x128xi32, #tpu.memory_space<vmem>>
        %dma_start3A_125 = tpu.memref_squeeze %dma_start3A_124 : memref<1x128xi32, #tpu.memory_space<vmem>> -> memref<128xi32, #tpu.memory_space<vmem>>
        %dma_start3A_126 = arith.constant 0 : i32
        %dma_start3A_127 = arith.constant 0 : i32
        %dma_start3A_128 = tpu.memref_slice %arg2[%dma_start3A_126, %dma_start3A_127] : memref<1024x128xf32, #tpu.memory_space<hbm>> -> memref<1024x128xf32, #tpu.memory_space<hbm>>
        tpu.enqueue_indirect_dma source(%dma_start3A_128 : memref<1024x128xf32, #tpu.memory_space<hbm>>) target(%dma_start3A_122 : memref<128x128xf32, #tpu.memory_space<vmem>>) offsets(%dma_start3A_125 : memref<128xi32, #tpu.memory_space<vmem>>) semaphore(%arg11 : memref<!tpu.dma_semaphore, #tpu.memory_space<semaphore_mem>>)
      } else {
      }
      %jit3A = arith.constant 2 : i32
      %eq3A = arith.constant 0 : i32
      %eq3A_44 = arith.cmpi eq, %jit3A, %eq3A : i32
      %jit3A_45 = arith.constant 1 : i32
      %select_n3A = arith.select %eq3A_44, %jit3A_45, %jit3A : i32
      %rem3A = arith.remsi %scan3A_40, %select_n3A : i32
      %ne3A = arith.constant 0 : i32
      %ne3A_46 = arith.cmpi ne, %rem3A, %ne3A : i32
      %lt3A_47 = arith.constant 0 : i32
      %lt3A_48 = arith.cmpi slt, %rem3A, %lt3A_47 : i32
      %lt3A_49 = arith.constant 0 : i32
      %lt3A_50 = arith.cmpi slt, %select_n3A, %lt3A_49 : i32
      %ne3A_51 = arith.xori %lt3A_48, %lt3A_50 : i1
      %and3A = arith.andi %ne3A_51, %ne3A_46 : i1
      %add3A_52 = arith.addi %rem3A, %select_n3A : i32
      %select_n3A_53 = arith.select %and3A, %add3A_52, %rem3A : i32
      %dma_wait3A = arith.constant 0 : i32
      %dma_wait3A_54 = arith.constant 0 : i32
      %dma_wait3A_55 = tpu.memref_slice %arg9[%select_n3A_53, %dma_wait3A, %dma_wait3A_54] : memref<2x128x128xf32, #tpu.memory_space<vmem>> -> memref<1x128x128xf32, #tpu.memory_space<vmem>>
      %dma_wait3A_56 = tpu.memref_squeeze %dma_wait3A_55 : memref<1x128x128xf32, #tpu.memory_space<vmem>> -> memref<128x128xf32, #tpu.memory_space<vmem>>
      %dma_wait3A_57 = arith.constant 0 : i32
      %dma_wait3A_58 = tpu.memref_slice %arg7[%scan3A_40, %dma_wait3A_57] : memref<40x128xi32, #tpu.memory_space<vmem>> -> memref<1x128xi32, #tpu.memory_space<vmem>>
      %dma_wait3A_59 = tpu.memref_squeeze %dma_wait3A_58 : memref<1x128xi32, #tpu.memory_space<vmem>> -> memref<128xi32, #tpu.memory_space<vmem>>
      %dma_wait3A_60 = arith.constant 0 : i32
      %dma_wait3A_61 = arith.constant 0 : i32
      %dma_wait3A_62 = tpu.memref_slice %arg2[%dma_wait3A_60, %dma_wait3A_61] : memref<1024x128xf32, #tpu.memory_space<hbm>> -> memref<1024x128xf32, #tpu.memory_space<hbm>>
      tpu.wait_indirect_dma semaphore(%arg11 : memref<!tpu.dma_semaphore, #tpu.memory_space<semaphore_mem>>) src(%dma_wait3A_62 : memref<1024x128xf32, #tpu.memory_space<hbm>>) dst(%dma_wait3A_56 : memref<128x128xf32, #tpu.memory_space<vmem>>)
      %jit3A_63 = arith.constant 2 : i32
      %eq3A_64 = arith.constant 0 : i32
      %eq3A_65 = arith.cmpi eq, %jit3A_63, %eq3A_64 : i32
      %jit3A_66 = arith.constant 1 : i32
      %select_n3A_67 = arith.select %eq3A_65, %jit3A_66, %jit3A_63 : i32
      %rem3A_68 = arith.remsi %scan3A_40, %select_n3A_67 : i32
      %ne3A_69 = arith.constant 0 : i32
      %ne3A_70 = arith.cmpi ne, %rem3A_68, %ne3A_69 : i32
      %lt3A_71 = arith.constant 0 : i32
      %lt3A_72 = arith.cmpi slt, %rem3A_68, %lt3A_71 : i32
      %lt3A_73 = arith.constant 0 : i32
      %lt3A_74 = arith.cmpi slt, %select_n3A_67, %lt3A_73 : i32
      %ne3A_75 = arith.xori %lt3A_72, %lt3A_74 : i1
      %and3A_76 = arith.andi %ne3A_75, %ne3A_70 : i1
      %add3A_77 = arith.addi %rem3A_68, %select_n3A_67 : i32
      %select_n3A_78 = arith.select %and3A_76, %add3A_77, %rem3A_68 : i32
      %dma_start3A_79 = arith.constant 0 : i32
      %dma_start3A_80 = arith.constant 0 : i32
      %dma_start3A_81 = tpu.memref_slice %arg9[%select_n3A_78, %dma_start3A_79, %dma_start3A_80] : memref<2x128x128xf32, #tpu.memory_space<vmem>> -> memref<1x128x128xf32, #tpu.memory_space<vmem>>
      %dma_start3A_82 = tpu.memref_squeeze %dma_start3A_81 : memref<1x128x128xf32, #tpu.memory_space<vmem>> -> memref<128x128xf32, #tpu.memory_space<vmem>>
      %dma_start3A_83 = arith.constant 0 : i32
      %dma_start3A_84 = tpu.memref_slice %arg8[%scan3A_40, %dma_start3A_83] : memref<40x128xi32, #tpu.memory_space<vmem>> -> memref<1x128xi32, #tpu.memory_space<vmem>>
      %dma_start3A_85 = tpu.memref_squeeze %dma_start3A_84 : memref<1x128xi32, #tpu.memory_space<vmem>> -> memref<128xi32, #tpu.memory_space<vmem>>
      %dma_start3A_86 = arith.constant 0 : i32
      %dma_start3A_87 = arith.constant 0 : i32
      %dma_start3A_88 = tpu.memref_slice %arg10[%dma_start3A_86, %dma_start3A_87] : memref<10112x128xf32, #tpu.memory_space<vmem_shared>> -> memref<10112x128xf32, #tpu.memory_space<vmem_shared>>
      tpu.enqueue_indirect_dma source(%dma_start3A_82 : memref<128x128xf32, #tpu.memory_space<vmem>>) target(%dma_start3A_88 : memref<10112x128xf32, #tpu.memory_space<vmem_shared>>) offsets(%dma_start3A_85 : memref<128xi32, #tpu.memory_space<vmem>>) semaphore(%arg12 : memref<!tpu.dma_semaphore, #tpu.memory_space<semaphore_mem>>) {add = true}
      %dma_wait3A_89 = arith.constant 0 : i32
      %dma_wait3A_90 = arith.constant 0 : i32
      %dma_wait3A_91 = tpu.memref_slice %arg9[%select_n3A_78, %dma_wait3A_89, %dma_wait3A_90] : memref<2x128x128xf32, #tpu.memory_space<vmem>> -> memref<1x128x128xf32, #tpu.memory_space<vmem>>
      %dma_wait3A_92 = tpu.memref_squeeze %dma_wait3A_91 : memref<1x128x128xf32, #tpu.memory_space<vmem>> -> memref<128x128xf32, #tpu.memory_space<vmem>>
      %dma_wait3A_93 = arith.constant 0 : i32
      %dma_wait3A_94 = tpu.memref_slice %arg8[%scan3A_40, %dma_wait3A_93] : memref<40x128xi32, #tpu.memory_space<vmem>> -> memref<1x128xi32, #tpu.memory_space<vmem>>
      %dma_wait3A_95 = tpu.memref_squeeze %dma_wait3A_94 : memref<1x128xi32, #tpu.memory_space<vmem>> -> memref<128xi32, #tpu.memory_space<vmem>>
      %dma_wait3A_96 = arith.constant 0 : i32
      %dma_wait3A_97 = arith.constant 0 : i32
      %dma_wait3A_98 = tpu.memref_slice %arg10[%dma_wait3A_96, %dma_wait3A_97] : memref<10112x128xf32, #tpu.memory_space<vmem_shared>> -> memref<10112x128xf32, #tpu.memory_space<vmem_shared>>
      tpu.wait_indirect_dma semaphore(%arg12 : memref<!tpu.dma_semaphore, #tpu.memory_space<semaphore_mem>>) src(%dma_wait3A_92 : memref<128x128xf32, #tpu.memory_space<vmem>>) dst(%dma_wait3A_98 : memref<10112x128xf32, #tpu.memory_space<vmem_shared>>)
    }
    %scan3A_34 = arith.constant 40 : i32
    %barrier3A_35 = arith.constant 0 : index
    tpu.barrier barrier_id(%barrier3A_35)
    %mul3A_36 = arith.constant 632 : i32
    %mul3A_37 = arith.muli %arg1, %mul3A_36 : i32
    %mul3A_38 = arith.constant 632 : i32
    %mul3A_39 = arith.muli %arg1, %mul3A_38 : i32
    "tpu.region"() ({
      %run_scoped3A = tpu.sem_alloc : memref<!tpu.dma_semaphore, #tpu.memory_space<semaphore_mem>>
      %dma_start3A_40 = arith.constant 0 : i32
      %dma_start3A_41 = tpu.memref_slice %arg6[%arg0, %mul3A_39, %dma_start3A_40] : memref<2x10112x128xf32, #tpu.memory_space<hbm>> -> memref<1x632x128xf32, #tpu.memory_space<hbm>>
      %dma_start3A_42 = tpu.memref_squeeze %dma_start3A_41 : memref<1x632x128xf32, #tpu.memory_space<hbm>> -> memref<632x128xf32, #tpu.memory_space<hbm>>
      %dma_start3A_43 = arith.constant 0 : i32
      %dma_start3A_44 = tpu.memref_slice %arg10[%mul3A_37, %dma_start3A_43] : memref<10112x128xf32, #tpu.memory_space<vmem_shared>> -> memref<632x128xf32, #tpu.memory_space<vmem_shared>>
      tpu.enqueue_dma source(%dma_start3A_44 : memref<632x128xf32, #tpu.memory_space<vmem_shared>>) target(%dma_start3A_42 : memref<632x128xf32, #tpu.memory_space<hbm>>) target_semaphore(%run_scoped3A : memref<!tpu.dma_semaphore, #tpu.memory_space<semaphore_mem>>)
      %dma_wait3A = arith.constant 0 : i32
      %dma_wait3A_45 = tpu.memref_slice %arg6[%arg0, %mul3A_39, %dma_wait3A] : memref<2x10112x128xf32, #tpu.memory_space<hbm>> -> memref<1x632x128xf32, #tpu.memory_space<hbm>>
      %dma_wait3A_46 = tpu.memref_squeeze %dma_wait3A_45 : memref<1x632x128xf32, #tpu.memory_space<hbm>> -> memref<632x128xf32, #tpu.memory_space<hbm>>
      %dma_wait3A_47 = arith.constant 0 : i32
      %dma_wait3A_48 = tpu.memref_slice %arg10[%mul3A_37, %dma_wait3A_47] : memref<10112x128xf32, #tpu.memory_space<vmem_shared>> -> memref<632x128xf32, #tpu.memory_space<vmem_shared>>
      tpu.wait_dma2 semaphore(%run_scoped3A : memref<!tpu.dma_semaphore, #tpu.memory_space<semaphore_mem>>) src(%dma_wait3A_48 : memref<632x128xf32, #tpu.memory_space<vmem_shared>>) dst(%dma_wait3A_46 : memref<632x128xf32, #tpu.memory_space<hbm>>)
      tpu.yield
    }) : () -> ()
    return
  }
}

#map = affine_map<(d0, d1) -> (0, 0)>
#map1 = affine_map<(d0, d1) -> (0, 0, 0, 0)>
#map2 = affine_map<(d0, d1) -> (0, 0, 0)>
module attributes {stable_mosaic.version = 14 : i64} {
  func.func @sc_agg(%arg0: i32, %arg1: i32, %arg2: memref<10000x128xf32, #tpu.memory_space<hbm>>, %arg3: memref<2x16x80x128xi32, #tpu.memory_space<hbm>>, %arg4: memref<2x16x80x128xi32, #tpu.memory_space<hbm>>, %arg5: memref<632x128xf32, #tpu.memory_space<hbm>>, %arg6: memref<2x10112x128xf32, #tpu.memory_space<hbm>>, %arg7: memref<40x128xi32, #tpu.memory_space<vmem>>, %arg8: memref<40x128xi32, #tpu.memory_space<vmem>>, %arg9: memref<2x128x128xf32, #tpu.memory_space<vmem>>, %arg10: memref<10112x128xf32, #tpu.memory_space<vmem_shared>>, %arg11: memref<!tpu.dma_semaphore, #tpu.memory_space<semaphore_mem>>, %arg12: memref<!tpu.dma_semaphore, #tpu.memory_space<semaphore_mem>>) attributes {dimension_semantics = [#tpu.dimension_semantics<core_parallel>, #tpu.dimension_semantics<subcore_parallel>], iteration_bounds = array<i64: 2, 16>, scalar_prefetch = 0 : i64, scratch_operands = 6 : i64, tpu.core_type = #tpu.core_type<sc_vector_subcore>, window_params = [{transform_indices = #map}, {transform_indices = #map1}, {transform_indices = #map1}, {transform_indices = #map}, {transform_indices = #map2}]} {
    %mul3A = arith.constant 632 : i32
    %mul3A_0 = arith.muli %arg1, %mul3A : i32
    "tpu.region"() ({
      %run_scoped3A = tpu.sem_alloc : memref<!tpu.dma_semaphore, #tpu.memory_space<semaphore_mem>>
      %dma_start3A_40 = arith.constant 0 : i32
      %dma_start3A_41 = tpu.memref_slice %arg10[%mul3A_0, %dma_start3A_40] : memref<10112x128xf32, #tpu.memory_space<vmem_shared>> -> memref<632x128xf32, #tpu.memory_space<vmem_shared>>
      tpu.enqueue_dma source(%arg5 : memref<632x128xf32, #tpu.memory_space<hbm>>) target(%dma_start3A_41 : memref<632x128xf32, #tpu.memory_space<vmem_shared>>) target_semaphore(%run_scoped3A : memref<!tpu.dma_semaphore, #tpu.memory_space<semaphore_mem>>)
      %dma_wait3A = arith.constant 0 : i32
      %dma_wait3A_42 = tpu.memref_slice %arg10[%mul3A_0, %dma_wait3A] : memref<10112x128xf32, #tpu.memory_space<vmem_shared>> -> memref<632x128xf32, #tpu.memory_space<vmem_shared>>
      tpu.wait_dma2 semaphore(%run_scoped3A : memref<!tpu.dma_semaphore, #tpu.memory_space<semaphore_mem>>) src(%arg5 : memref<632x128xf32, #tpu.memory_space<hbm>>) dst(%dma_wait3A_42 : memref<632x128xf32, #tpu.memory_space<vmem_shared>>)
      tpu.yield
    }) : () -> ()
    %barrier3A = arith.constant 0 : index
    tpu.barrier barrier_id(%barrier3A)
    "tpu.region"() ({
      %run_scoped3A = tpu.sem_alloc : memref<!tpu.dma_semaphore, #tpu.memory_space<semaphore_mem>>
      %dma_start3A_40 = arith.constant 0 : i32
      %dma_start3A_41 = arith.constant 0 : i32
      %dma_start3A_42 = tpu.memref_slice %arg3[%arg0, %arg1, %dma_start3A_40, %dma_start3A_41] : memref<2x16x80x128xi32, #tpu.memory_space<hbm>> -> memref<1x1x40x128xi32, #tpu.memory_space<hbm>>
      %dma_start3A_43 = tpu.memref_squeeze %dma_start3A_42 : memref<1x1x40x128xi32, #tpu.memory_space<hbm>> -> memref<40x128xi32, #tpu.memory_space<hbm>>
      %dma_start3A_44 = arith.constant 0 : i32
      %dma_start3A_45 = arith.constant 0 : i32
      %dma_start3A_46 = tpu.memref_slice %arg3[%arg0, %arg1, %dma_start3A_44, %dma_start3A_45] : memref<2x16x80x128xi32, #tpu.memory_space<hbm>> -> memref<1x1x40x128xi32, #tpu.memory_space<hbm>>
      %dma_start3A_47 = tpu.memref_squeeze %dma_start3A_46 : memref<1x1x40x128xi32, #tpu.memory_space<hbm>> -> memref<40x128xi32, #tpu.memory_space<hbm>>
      tpu.enqueue_dma source(%dma_start3A_47 : memref<40x128xi32, #tpu.memory_space<hbm>>) target(%arg7 : memref<40x128xi32, #tpu.memory_space<vmem>>) target_semaphore(%run_scoped3A : memref<!tpu.dma_semaphore, #tpu.memory_space<semaphore_mem>>)
      %dma_wait3A = arith.constant 0 : i32
      %dma_wait3A_48 = arith.constant 0 : i32
      %dma_wait3A_49 = tpu.memref_slice %arg3[%arg0, %arg1, %dma_wait3A, %dma_wait3A_48] : memref<2x16x80x128xi32, #tpu.memory_space<hbm>> -> memref<1x1x40x128xi32, #tpu.memory_space<hbm>>
      %dma_wait3A_50 = tpu.memref_squeeze %dma_wait3A_49 : memref<1x1x40x128xi32, #tpu.memory_space<hbm>> -> memref<40x128xi32, #tpu.memory_space<hbm>>
      %dma_wait3A_51 = arith.constant 0 : i32
      %dma_wait3A_52 = arith.constant 0 : i32
      %dma_wait3A_53 = tpu.memref_slice %arg3[%arg0, %arg1, %dma_wait3A_51, %dma_wait3A_52] : memref<2x16x80x128xi32, #tpu.memory_space<hbm>> -> memref<1x1x40x128xi32, #tpu.memory_space<hbm>>
      %dma_wait3A_54 = tpu.memref_squeeze %dma_wait3A_53 : memref<1x1x40x128xi32, #tpu.memory_space<hbm>> -> memref<40x128xi32, #tpu.memory_space<hbm>>
      tpu.wait_dma2 semaphore(%run_scoped3A : memref<!tpu.dma_semaphore, #tpu.memory_space<semaphore_mem>>) src(%dma_wait3A_54 : memref<40x128xi32, #tpu.memory_space<hbm>>) dst(%arg7 : memref<40x128xi32, #tpu.memory_space<vmem>>)
      tpu.yield
    }) : () -> ()
    "tpu.region"() ({
      %run_scoped3A = tpu.sem_alloc : memref<!tpu.dma_semaphore, #tpu.memory_space<semaphore_mem>>
      %dma_start3A_40 = arith.constant 0 : i32
      %dma_start3A_41 = arith.constant 0 : i32
      %dma_start3A_42 = tpu.memref_slice %arg4[%arg0, %arg1, %dma_start3A_40, %dma_start3A_41] : memref<2x16x80x128xi32, #tpu.memory_space<hbm>> -> memref<1x1x40x128xi32, #tpu.memory_space<hbm>>
      %dma_start3A_43 = tpu.memref_squeeze %dma_start3A_42 : memref<1x1x40x128xi32, #tpu.memory_space<hbm>> -> memref<40x128xi32, #tpu.memory_space<hbm>>
      %dma_start3A_44 = arith.constant 0 : i32
      %dma_start3A_45 = arith.constant 0 : i32
      %dma_start3A_46 = tpu.memref_slice %arg4[%arg0, %arg1, %dma_start3A_44, %dma_start3A_45] : memref<2x16x80x128xi32, #tpu.memory_space<hbm>> -> memref<1x1x40x128xi32, #tpu.memory_space<hbm>>
      %dma_start3A_47 = tpu.memref_squeeze %dma_start3A_46 : memref<1x1x40x128xi32, #tpu.memory_space<hbm>> -> memref<40x128xi32, #tpu.memory_space<hbm>>
      tpu.enqueue_dma source(%dma_start3A_47 : memref<40x128xi32, #tpu.memory_space<hbm>>) target(%arg8 : memref<40x128xi32, #tpu.memory_space<vmem>>) target_semaphore(%run_scoped3A : memref<!tpu.dma_semaphore, #tpu.memory_space<semaphore_mem>>)
      %dma_wait3A = arith.constant 0 : i32
      %dma_wait3A_48 = arith.constant 0 : i32
      %dma_wait3A_49 = tpu.memref_slice %arg4[%arg0, %arg1, %dma_wait3A, %dma_wait3A_48] : memref<2x16x80x128xi32, #tpu.memory_space<hbm>> -> memref<1x1x40x128xi32, #tpu.memory_space<hbm>>
      %dma_wait3A_50 = tpu.memref_squeeze %dma_wait3A_49 : memref<1x1x40x128xi32, #tpu.memory_space<hbm>> -> memref<40x128xi32, #tpu.memory_space<hbm>>
      %dma_wait3A_51 = arith.constant 0 : i32
      %dma_wait3A_52 = arith.constant 0 : i32
      %dma_wait3A_53 = tpu.memref_slice %arg4[%arg0, %arg1, %dma_wait3A_51, %dma_wait3A_52] : memref<2x16x80x128xi32, #tpu.memory_space<hbm>> -> memref<1x1x40x128xi32, #tpu.memory_space<hbm>>
      %dma_wait3A_54 = tpu.memref_squeeze %dma_wait3A_53 : memref<1x1x40x128xi32, #tpu.memory_space<hbm>> -> memref<40x128xi32, #tpu.memory_space<hbm>>
      tpu.wait_dma2 semaphore(%run_scoped3A : memref<!tpu.dma_semaphore, #tpu.memory_space<semaphore_mem>>) src(%dma_wait3A_54 : memref<40x128xi32, #tpu.memory_space<hbm>>) dst(%arg8 : memref<40x128xi32, #tpu.memory_space<vmem>>)
      tpu.yield
    }) : () -> ()
    %dma_start3A = arith.constant 0 : i32
    %dma_start3A_1 = arith.constant 0 : i32
    %dma_start3A_2 = arith.constant 0 : i32
    %dma_start3A_3 = arith.constant 0 : i32
    %dma_start3A_4 = tpu.memref_slice %arg9[%dma_start3A_1, %dma_start3A_2, %dma_start3A_3] : memref<2x128x128xf32, #tpu.memory_space<vmem>> -> memref<1x128x128xf32, #tpu.memory_space<vmem>>
    %dma_start3A_5 = tpu.memref_squeeze %dma_start3A_4 : memref<1x128x128xf32, #tpu.memory_space<vmem>> -> memref<128x128xf32, #tpu.memory_space<vmem>>
    %dma_start3A_6 = arith.constant 0 : i32
    %dma_start3A_7 = tpu.memref_slice %arg7[%dma_start3A, %dma_start3A_6] : memref<40x128xi32, #tpu.memory_space<vmem>> -> memref<1x128xi32, #tpu.memory_space<vmem>>
    %dma_start3A_8 = tpu.memref_squeeze %dma_start3A_7 : memref<1x128xi32, #tpu.memory_space<vmem>> -> memref<128xi32, #tpu.memory_space<vmem>>
    %dma_start3A_9 = arith.constant 0 : i32
    %dma_start3A_10 = arith.constant 0 : i32
    %dma_start3A_11 = tpu.memref_slice %arg2[%dma_start3A_9, %dma_start3A_10] : memref<10000x128xf32, #tpu.memory_space<hbm>> -> memref<10000x128xf32, #tpu.memory_space<hbm>>
    tpu.enqueue_indirect_dma source(%dma_start3A_11 : memref<10000x128xf32, #tpu.memory_space<hbm>>) target(%dma_start3A_5 : memref<128x128xf32, #tpu.memory_space<vmem>>) offsets(%dma_start3A_8 : memref<128xi32, #tpu.memory_space<vmem>>) semaphore(%arg11 : memref<!tpu.dma_semaphore, #tpu.memory_space<semaphore_mem>>)
    %scan3A = arith.constant 0 : i32
    %scan3A_12 = arith.constant 0 : i32
    %scan3A_13 = arith.constant 40 : i32
    %scan3A_14 = arith.addi %scan3A_12, %scan3A_13 : i32
    %scan3A_15 = arith.constant 1 : i32
    scf.for %scan3A_40 = %scan3A_12 to %scan3A_14 step %scan3A_15  : i32 {
      %add3A = arith.constant 1 : i32
      %add3A_41 = arith.addi %scan3A_40, %add3A : i32
      %lt3A = arith.constant 40 : i32
      %lt3A_42 = arith.cmpi slt, %add3A_41, %lt3A : i32
      %convert_element_type3A = arith.extui %lt3A_42 : i1 to i32
      %cond3A = arith.constant 0 : i32
      %cond3A_43 = arith.cmpi ne, %convert_element_type3A, %cond3A : i32
      scf.if %cond3A_43 {
        %add3A_99 = arith.constant 1 : i32
        %add3A_100 = arith.addi %scan3A_40, %add3A_99 : i32
        %add3A_101 = arith.constant 1 : i32
        %add3A_102 = arith.addi %scan3A_40, %add3A_101 : i32
        %jit3A_103 = arith.constant 2 : i32
        %eq3A_104 = arith.constant 0 : i32
        %eq3A_105 = arith.cmpi eq, %jit3A_103, %eq3A_104 : i32
        %jit3A_106 = arith.constant 1 : i32
        %select_n3A_107 = arith.select %eq3A_105, %jit3A_106, %jit3A_103 : i32
        %rem3A_108 = arith.remsi %add3A_102, %select_n3A_107 : i32
        %ne3A_109 = arith.constant 0 : i32
        %ne3A_110 = arith.cmpi ne, %rem3A_108, %ne3A_109 : i32
        %lt3A_111 = arith.constant 0 : i32
        %lt3A_112 = arith.cmpi slt, %rem3A_108, %lt3A_111 : i32
        %lt3A_113 = arith.constant 0 : i32
        %lt3A_114 = arith.cmpi slt, %select_n3A_107, %lt3A_113 : i32
        %ne3A_115 = arith.xori %lt3A_112, %lt3A_114 : i1
        %and3A_116 = arith.andi %ne3A_115, %ne3A_110 : i1
        %add3A_117 = arith.addi %rem3A_108, %select_n3A_107 : i32
        %select_n3A_118 = arith.select %and3A_116, %add3A_117, %rem3A_108 : i32
        %dma_start3A_119 = arith.constant 0 : i32
        %dma_start3A_120 = arith.constant 0 : i32
        %dma_start3A_121 = tpu.memref_slice %arg9[%select_n3A_118, %dma_start3A_119, %dma_start3A_120] : memref<2x128x128xf32, #tpu.memory_space<vmem>> -> memref<1x128x128xf32, #tpu.memory_space<vmem>>
        %dma_start3A_122 = tpu.memref_squeeze %dma_start3A_121 : memref<1x128x128xf32, #tpu.memory_space<vmem>> -> memref<128x128xf32, #tpu.memory_space<vmem>>
        %dma_start3A_123 = arith.constant 0 : i32
        %dma_start3A_124 = tpu.memref_slice %arg7[%add3A_100, %dma_start3A_123] : memref<40x128xi32, #tpu.memory_space<vmem>> -> memref<1x128xi32, #tpu.memory_space<vmem>>
        %dma_start3A_125 = tpu.memref_squeeze %dma_start3A_124 : memref<1x128xi32, #tpu.memory_space<vmem>> -> memref<128xi32, #tpu.memory_space<vmem>>
        %dma_start3A_126 = arith.constant 0 : i32
        %dma_start3A_127 = arith.constant 0 : i32
        %dma_start3A_128 = tpu.memref_slice %arg2[%dma_start3A_126, %dma_start3A_127] : memref<10000x128xf32, #tpu.memory_space<hbm>> -> memref<10000x128xf32, #tpu.memory_space<hbm>>
        tpu.enqueue_indirect_dma source(%dma_start3A_128 : memref<10000x128xf32, #tpu.memory_space<hbm>>) target(%dma_start3A_122 : memref<128x128xf32, #tpu.memory_space<vmem>>) offsets(%dma_start3A_125 : memref<128xi32, #tpu.memory_space<vmem>>) semaphore(%arg11 : memref<!tpu.dma_semaphore, #tpu.memory_space<semaphore_mem>>)
      } else {
      }
      %jit3A = arith.constant 2 : i32
      %eq3A = arith.constant 0 : i32
      %eq3A_44 = arith.cmpi eq, %jit3A, %eq3A : i32
      %jit3A_45 = arith.constant 1 : i32
      %select_n3A = arith.select %eq3A_44, %jit3A_45, %jit3A : i32
      %rem3A = arith.remsi %scan3A_40, %select_n3A : i32
      %ne3A = arith.constant 0 : i32
      %ne3A_46 = arith.cmpi ne, %rem3A, %ne3A : i32
      %lt3A_47 = arith.constant 0 : i32
      %lt3A_48 = arith.cmpi slt, %rem3A, %lt3A_47 : i32
      %lt3A_49 = arith.constant 0 : i32
      %lt3A_50 = arith.cmpi slt, %select_n3A, %lt3A_49 : i32
      %ne3A_51 = arith.xori %lt3A_48, %lt3A_50 : i1
      %and3A = arith.andi %ne3A_51, %ne3A_46 : i1
      %add3A_52 = arith.addi %rem3A, %select_n3A : i32
      %select_n3A_53 = arith.select %and3A, %add3A_52, %rem3A : i32
      %dma_wait3A = arith.constant 0 : i32
      %dma_wait3A_54 = arith.constant 0 : i32
      %dma_wait3A_55 = tpu.memref_slice %arg9[%select_n3A_53, %dma_wait3A, %dma_wait3A_54] : memref<2x128x128xf32, #tpu.memory_space<vmem>> -> memref<1x128x128xf32, #tpu.memory_space<vmem>>
      %dma_wait3A_56 = tpu.memref_squeeze %dma_wait3A_55 : memref<1x128x128xf32, #tpu.memory_space<vmem>> -> memref<128x128xf32, #tpu.memory_space<vmem>>
      %dma_wait3A_57 = arith.constant 0 : i32
      %dma_wait3A_58 = tpu.memref_slice %arg7[%scan3A_40, %dma_wait3A_57] : memref<40x128xi32, #tpu.memory_space<vmem>> -> memref<1x128xi32, #tpu.memory_space<vmem>>
      %dma_wait3A_59 = tpu.memref_squeeze %dma_wait3A_58 : memref<1x128xi32, #tpu.memory_space<vmem>> -> memref<128xi32, #tpu.memory_space<vmem>>
      %dma_wait3A_60 = arith.constant 0 : i32
      %dma_wait3A_61 = arith.constant 0 : i32
      %dma_wait3A_62 = tpu.memref_slice %arg2[%dma_wait3A_60, %dma_wait3A_61] : memref<10000x128xf32, #tpu.memory_space<hbm>> -> memref<10000x128xf32, #tpu.memory_space<hbm>>
      tpu.wait_indirect_dma semaphore(%arg11 : memref<!tpu.dma_semaphore, #tpu.memory_space<semaphore_mem>>) src(%dma_wait3A_62 : memref<10000x128xf32, #tpu.memory_space<hbm>>) dst(%dma_wait3A_56 : memref<128x128xf32, #tpu.memory_space<vmem>>)
      %jit3A_63 = arith.constant 2 : i32
      %eq3A_64 = arith.constant 0 : i32
      %eq3A_65 = arith.cmpi eq, %jit3A_63, %eq3A_64 : i32
      %jit3A_66 = arith.constant 1 : i32
      %select_n3A_67 = arith.select %eq3A_65, %jit3A_66, %jit3A_63 : i32
      %rem3A_68 = arith.remsi %scan3A_40, %select_n3A_67 : i32
      %ne3A_69 = arith.constant 0 : i32
      %ne3A_70 = arith.cmpi ne, %rem3A_68, %ne3A_69 : i32
      %lt3A_71 = arith.constant 0 : i32
      %lt3A_72 = arith.cmpi slt, %rem3A_68, %lt3A_71 : i32
      %lt3A_73 = arith.constant 0 : i32
      %lt3A_74 = arith.cmpi slt, %select_n3A_67, %lt3A_73 : i32
      %ne3A_75 = arith.xori %lt3A_72, %lt3A_74 : i1
      %and3A_76 = arith.andi %ne3A_75, %ne3A_70 : i1
      %add3A_77 = arith.addi %rem3A_68, %select_n3A_67 : i32
      %select_n3A_78 = arith.select %and3A_76, %add3A_77, %rem3A_68 : i32
      %dma_start3A_79 = arith.constant 0 : i32
      %dma_start3A_80 = arith.constant 0 : i32
      %dma_start3A_81 = tpu.memref_slice %arg9[%select_n3A_78, %dma_start3A_79, %dma_start3A_80] : memref<2x128x128xf32, #tpu.memory_space<vmem>> -> memref<1x128x128xf32, #tpu.memory_space<vmem>>
      %dma_start3A_82 = tpu.memref_squeeze %dma_start3A_81 : memref<1x128x128xf32, #tpu.memory_space<vmem>> -> memref<128x128xf32, #tpu.memory_space<vmem>>
      %dma_start3A_83 = arith.constant 0 : i32
      %dma_start3A_84 = tpu.memref_slice %arg8[%scan3A_40, %dma_start3A_83] : memref<40x128xi32, #tpu.memory_space<vmem>> -> memref<1x128xi32, #tpu.memory_space<vmem>>
      %dma_start3A_85 = tpu.memref_squeeze %dma_start3A_84 : memref<1x128xi32, #tpu.memory_space<vmem>> -> memref<128xi32, #tpu.memory_space<vmem>>
      %dma_start3A_86 = arith.constant 0 : i32
      %dma_start3A_87 = arith.constant 0 : i32
      %dma_start3A_88 = tpu.memref_slice %arg10[%dma_start3A_86, %dma_start3A_87] : memref<10112x128xf32, #tpu.memory_space<vmem_shared>> -> memref<10112x128xf32, #tpu.memory_space<vmem_shared>>
      tpu.enqueue_indirect_dma source(%dma_start3A_82 : memref<128x128xf32, #tpu.memory_space<vmem>>) target(%dma_start3A_88 : memref<10112x128xf32, #tpu.memory_space<vmem_shared>>) offsets(%dma_start3A_85 : memref<128xi32, #tpu.memory_space<vmem>>) semaphore(%arg12 : memref<!tpu.dma_semaphore, #tpu.memory_space<semaphore_mem>>) {add = true}
      %dma_wait3A_89 = arith.constant 0 : i32
      %dma_wait3A_90 = arith.constant 0 : i32
      %dma_wait3A_91 = tpu.memref_slice %arg9[%select_n3A_78, %dma_wait3A_89, %dma_wait3A_90] : memref<2x128x128xf32, #tpu.memory_space<vmem>> -> memref<1x128x128xf32, #tpu.memory_space<vmem>>
      %dma_wait3A_92 = tpu.memref_squeeze %dma_wait3A_91 : memref<1x128x128xf32, #tpu.memory_space<vmem>> -> memref<128x128xf32, #tpu.memory_space<vmem>>
      %dma_wait3A_93 = arith.constant 0 : i32
      %dma_wait3A_94 = tpu.memref_slice %arg8[%scan3A_40, %dma_wait3A_93] : memref<40x128xi32, #tpu.memory_space<vmem>> -> memref<1x128xi32, #tpu.memory_space<vmem>>
      %dma_wait3A_95 = tpu.memref_squeeze %dma_wait3A_94 : memref<1x128xi32, #tpu.memory_space<vmem>> -> memref<128xi32, #tpu.memory_space<vmem>>
      %dma_wait3A_96 = arith.constant 0 : i32
      %dma_wait3A_97 = arith.constant 0 : i32
      %dma_wait3A_98 = tpu.memref_slice %arg10[%dma_wait3A_96, %dma_wait3A_97] : memref<10112x128xf32, #tpu.memory_space<vmem_shared>> -> memref<10112x128xf32, #tpu.memory_space<vmem_shared>>
      tpu.wait_indirect_dma semaphore(%arg12 : memref<!tpu.dma_semaphore, #tpu.memory_space<semaphore_mem>>) src(%dma_wait3A_92 : memref<128x128xf32, #tpu.memory_space<vmem>>) dst(%dma_wait3A_98 : memref<10112x128xf32, #tpu.memory_space<vmem_shared>>)
    }
    %scan3A_16 = arith.constant 40 : i32
    "tpu.region"() ({
      %run_scoped3A = tpu.sem_alloc : memref<!tpu.dma_semaphore, #tpu.memory_space<semaphore_mem>>
      %dma_start3A_40 = arith.constant 40 : i32
      %dma_start3A_41 = arith.constant 0 : i32
      %dma_start3A_42 = tpu.memref_slice %arg3[%arg0, %arg1, %dma_start3A_40, %dma_start3A_41] : memref<2x16x80x128xi32, #tpu.memory_space<hbm>> -> memref<1x1x40x128xi32, #tpu.memory_space<hbm>>
      %dma_start3A_43 = tpu.memref_squeeze %dma_start3A_42 : memref<1x1x40x128xi32, #tpu.memory_space<hbm>> -> memref<40x128xi32, #tpu.memory_space<hbm>>
      %dma_start3A_44 = arith.constant 40 : i32
      %dma_start3A_45 = arith.constant 0 : i32
      %dma_start3A_46 = tpu.memref_slice %arg3[%arg0, %arg1, %dma_start3A_44, %dma_start3A_45] : memref<2x16x80x128xi32, #tpu.memory_space<hbm>> -> memref<1x1x40x128xi32, #tpu.memory_space<hbm>>
      %dma_start3A_47 = tpu.memref_squeeze %dma_start3A_46 : memref<1x1x40x128xi32, #tpu.memory_space<hbm>> -> memref<40x128xi32, #tpu.memory_space<hbm>>
      tpu.enqueue_dma source(%dma_start3A_47 : memref<40x128xi32, #tpu.memory_space<hbm>>) target(%arg7 : memref<40x128xi32, #tpu.memory_space<vmem>>) target_semaphore(%run_scoped3A : memref<!tpu.dma_semaphore, #tpu.memory_space<semaphore_mem>>)
      %dma_wait3A = arith.constant 40 : i32
      %dma_wait3A_48 = arith.constant 0 : i32
      %dma_wait3A_49 = tpu.memref_slice %arg3[%arg0, %arg1, %dma_wait3A, %dma_wait3A_48] : memref<2x16x80x128xi32, #tpu.memory_space<hbm>> -> memref<1x1x40x128xi32, #tpu.memory_space<hbm>>
      %dma_wait3A_50 = tpu.memref_squeeze %dma_wait3A_49 : memref<1x1x40x128xi32, #tpu.memory_space<hbm>> -> memref<40x128xi32, #tpu.memory_space<hbm>>
      %dma_wait3A_51 = arith.constant 40 : i32
      %dma_wait3A_52 = arith.constant 0 : i32
      %dma_wait3A_53 = tpu.memref_slice %arg3[%arg0, %arg1, %dma_wait3A_51, %dma_wait3A_52] : memref<2x16x80x128xi32, #tpu.memory_space<hbm>> -> memref<1x1x40x128xi32, #tpu.memory_space<hbm>>
      %dma_wait3A_54 = tpu.memref_squeeze %dma_wait3A_53 : memref<1x1x40x128xi32, #tpu.memory_space<hbm>> -> memref<40x128xi32, #tpu.memory_space<hbm>>
      tpu.wait_dma2 semaphore(%run_scoped3A : memref<!tpu.dma_semaphore, #tpu.memory_space<semaphore_mem>>) src(%dma_wait3A_54 : memref<40x128xi32, #tpu.memory_space<hbm>>) dst(%arg7 : memref<40x128xi32, #tpu.memory_space<vmem>>)
      tpu.yield
    }) : () -> ()
    "tpu.region"() ({
      %run_scoped3A = tpu.sem_alloc : memref<!tpu.dma_semaphore, #tpu.memory_space<semaphore_mem>>
      %dma_start3A_40 = arith.constant 40 : i32
      %dma_start3A_41 = arith.constant 0 : i32
      %dma_start3A_42 = tpu.memref_slice %arg4[%arg0, %arg1, %dma_start3A_40, %dma_start3A_41] : memref<2x16x80x128xi32, #tpu.memory_space<hbm>> -> memref<1x1x40x128xi32, #tpu.memory_space<hbm>>
      %dma_start3A_43 = tpu.memref_squeeze %dma_start3A_42 : memref<1x1x40x128xi32, #tpu.memory_space<hbm>> -> memref<40x128xi32, #tpu.memory_space<hbm>>
      %dma_start3A_44 = arith.constant 40 : i32
      %dma_start3A_45 = arith.constant 0 : i32
      %dma_start3A_46 = tpu.memref_slice %arg4[%arg0, %arg1, %dma_start3A_44, %dma_start3A_45] : memref<2x16x80x128xi32, #tpu.memory_space<hbm>> -> memref<1x1x40x128xi32, #tpu.memory_space<hbm>>
      %dma_start3A_47 = tpu.memref_squeeze %dma_start3A_46 : memref<1x1x40x128xi32, #tpu.memory_space<hbm>> -> memref<40x128xi32, #tpu.memory_space<hbm>>
      tpu.enqueue_dma source(%dma_start3A_47 : memref<40x128xi32, #tpu.memory_space<hbm>>) target(%arg8 : memref<40x128xi32, #tpu.memory_space<vmem>>) target_semaphore(%run_scoped3A : memref<!tpu.dma_semaphore, #tpu.memory_space<semaphore_mem>>)
      %dma_wait3A = arith.constant 40 : i32
      %dma_wait3A_48 = arith.constant 0 : i32
      %dma_wait3A_49 = tpu.memref_slice %arg4[%arg0, %arg1, %dma_wait3A, %dma_wait3A_48] : memref<2x16x80x128xi32, #tpu.memory_space<hbm>> -> memref<1x1x40x128xi32, #tpu.memory_space<hbm>>
      %dma_wait3A_50 = tpu.memref_squeeze %dma_wait3A_49 : memref<1x1x40x128xi32, #tpu.memory_space<hbm>> -> memref<40x128xi32, #tpu.memory_space<hbm>>
      %dma_wait3A_51 = arith.constant 40 : i32
      %dma_wait3A_52 = arith.constant 0 : i32
      %dma_wait3A_53 = tpu.memref_slice %arg4[%arg0, %arg1, %dma_wait3A_51, %dma_wait3A_52] : memref<2x16x80x128xi32, #tpu.memory_space<hbm>> -> memref<1x1x40x128xi32, #tpu.memory_space<hbm>>
      %dma_wait3A_54 = tpu.memref_squeeze %dma_wait3A_53 : memref<1x1x40x128xi32, #tpu.memory_space<hbm>> -> memref<40x128xi32, #tpu.memory_space<hbm>>
      tpu.wait_dma2 semaphore(%run_scoped3A : memref<!tpu.dma_semaphore, #tpu.memory_space<semaphore_mem>>) src(%dma_wait3A_54 : memref<40x128xi32, #tpu.memory_space<hbm>>) dst(%arg8 : memref<40x128xi32, #tpu.memory_space<vmem>>)
      tpu.yield
    }) : () -> ()
    %dma_start3A_17 = arith.constant 0 : i32
    %dma_start3A_18 = arith.constant 0 : i32
    %dma_start3A_19 = arith.constant 0 : i32
    %dma_start3A_20 = arith.constant 0 : i32
    %dma_start3A_21 = tpu.memref_slice %arg9[%dma_start3A_18, %dma_start3A_19, %dma_start3A_20] : memref<2x128x128xf32, #tpu.memory_space<vmem>> -> memref<1x128x128xf32, #tpu.memory_space<vmem>>
    %dma_start3A_22 = tpu.memref_squeeze %dma_start3A_21 : memref<1x128x128xf32, #tpu.memory_space<vmem>> -> memref<128x128xf32, #tpu.memory_space<vmem>>
    %dma_start3A_23 = arith.constant 0 : i32
    %dma_start3A_24 = tpu.memref_slice %arg7[%dma_start3A_17, %dma_start3A_23] : memref<40x128xi32, #tpu.memory_space<vmem>> -> memref<1x128xi32, #tpu.memory_space<vmem>>
    %dma_start3A_25 = tpu.memref_squeeze %dma_start3A_24 : memref<1x128xi32, #tpu.memory_space<vmem>> -> memref<128xi32, #tpu.memory_space<vmem>>
    %dma_start3A_26 = arith.constant 0 : i32
    %dma_start3A_27 = arith.constant 0 : i32
    %dma_start3A_28 = tpu.memref_slice %arg2[%dma_start3A_26, %dma_start3A_27] : memref<10000x128xf32, #tpu.memory_space<hbm>> -> memref<10000x128xf32, #tpu.memory_space<hbm>>
    tpu.enqueue_indirect_dma source(%dma_start3A_28 : memref<10000x128xf32, #tpu.memory_space<hbm>>) target(%dma_start3A_22 : memref<128x128xf32, #tpu.memory_space<vmem>>) offsets(%dma_start3A_25 : memref<128xi32, #tpu.memory_space<vmem>>) semaphore(%arg11 : memref<!tpu.dma_semaphore, #tpu.memory_space<semaphore_mem>>)
    %scan3A_29 = arith.constant 0 : i32
    %scan3A_30 = arith.constant 0 : i32
    %scan3A_31 = arith.constant 40 : i32
    %scan3A_32 = arith.addi %scan3A_30, %scan3A_31 : i32
    %scan3A_33 = arith.constant 1 : i32
    scf.for %scan3A_40 = %scan3A_30 to %scan3A_32 step %scan3A_33  : i32 {
      %add3A = arith.constant 1 : i32
      %add3A_41 = arith.addi %scan3A_40, %add3A : i32
      %lt3A = arith.constant 40 : i32
      %lt3A_42 = arith.cmpi slt, %add3A_41, %lt3A : i32
      %convert_element_type3A = arith.extui %lt3A_42 : i1 to i32
      %cond3A = arith.constant 0 : i32
      %cond3A_43 = arith.cmpi ne, %convert_element_type3A, %cond3A : i32
      scf.if %cond3A_43 {
        %add3A_99 = arith.constant 1 : i32
        %add3A_100 = arith.addi %scan3A_40, %add3A_99 : i32
        %add3A_101 = arith.constant 1 : i32
        %add3A_102 = arith.addi %scan3A_40, %add3A_101 : i32
        %jit3A_103 = arith.constant 2 : i32
        %eq3A_104 = arith.constant 0 : i32
        %eq3A_105 = arith.cmpi eq, %jit3A_103, %eq3A_104 : i32
        %jit3A_106 = arith.constant 1 : i32
        %select_n3A_107 = arith.select %eq3A_105, %jit3A_106, %jit3A_103 : i32
        %rem3A_108 = arith.remsi %add3A_102, %select_n3A_107 : i32
        %ne3A_109 = arith.constant 0 : i32
        %ne3A_110 = arith.cmpi ne, %rem3A_108, %ne3A_109 : i32
        %lt3A_111 = arith.constant 0 : i32
        %lt3A_112 = arith.cmpi slt, %rem3A_108, %lt3A_111 : i32
        %lt3A_113 = arith.constant 0 : i32
        %lt3A_114 = arith.cmpi slt, %select_n3A_107, %lt3A_113 : i32
        %ne3A_115 = arith.xori %lt3A_112, %lt3A_114 : i1
        %and3A_116 = arith.andi %ne3A_115, %ne3A_110 : i1
        %add3A_117 = arith.addi %rem3A_108, %select_n3A_107 : i32
        %select_n3A_118 = arith.select %and3A_116, %add3A_117, %rem3A_108 : i32
        %dma_start3A_119 = arith.constant 0 : i32
        %dma_start3A_120 = arith.constant 0 : i32
        %dma_start3A_121 = tpu.memref_slice %arg9[%select_n3A_118, %dma_start3A_119, %dma_start3A_120] : memref<2x128x128xf32, #tpu.memory_space<vmem>> -> memref<1x128x128xf32, #tpu.memory_space<vmem>>
        %dma_start3A_122 = tpu.memref_squeeze %dma_start3A_121 : memref<1x128x128xf32, #tpu.memory_space<vmem>> -> memref<128x128xf32, #tpu.memory_space<vmem>>
        %dma_start3A_123 = arith.constant 0 : i32
        %dma_start3A_124 = tpu.memref_slice %arg7[%add3A_100, %dma_start3A_123] : memref<40x128xi32, #tpu.memory_space<vmem>> -> memref<1x128xi32, #tpu.memory_space<vmem>>
        %dma_start3A_125 = tpu.memref_squeeze %dma_start3A_124 : memref<1x128xi32, #tpu.memory_space<vmem>> -> memref<128xi32, #tpu.memory_space<vmem>>
        %dma_start3A_126 = arith.constant 0 : i32
        %dma_start3A_127 = arith.constant 0 : i32
        %dma_start3A_128 = tpu.memref_slice %arg2[%dma_start3A_126, %dma_start3A_127] : memref<10000x128xf32, #tpu.memory_space<hbm>> -> memref<10000x128xf32, #tpu.memory_space<hbm>>
        tpu.enqueue_indirect_dma source(%dma_start3A_128 : memref<10000x128xf32, #tpu.memory_space<hbm>>) target(%dma_start3A_122 : memref<128x128xf32, #tpu.memory_space<vmem>>) offsets(%dma_start3A_125 : memref<128xi32, #tpu.memory_space<vmem>>) semaphore(%arg11 : memref<!tpu.dma_semaphore, #tpu.memory_space<semaphore_mem>>)
      } else {
      }
      %jit3A = arith.constant 2 : i32
      %eq3A = arith.constant 0 : i32
      %eq3A_44 = arith.cmpi eq, %jit3A, %eq3A : i32
      %jit3A_45 = arith.constant 1 : i32
      %select_n3A = arith.select %eq3A_44, %jit3A_45, %jit3A : i32
      %rem3A = arith.remsi %scan3A_40, %select_n3A : i32
      %ne3A = arith.constant 0 : i32
      %ne3A_46 = arith.cmpi ne, %rem3A, %ne3A : i32
      %lt3A_47 = arith.constant 0 : i32
      %lt3A_48 = arith.cmpi slt, %rem3A, %lt3A_47 : i32
      %lt3A_49 = arith.constant 0 : i32
      %lt3A_50 = arith.cmpi slt, %select_n3A, %lt3A_49 : i32
      %ne3A_51 = arith.xori %lt3A_48, %lt3A_50 : i1
      %and3A = arith.andi %ne3A_51, %ne3A_46 : i1
      %add3A_52 = arith.addi %rem3A, %select_n3A : i32
      %select_n3A_53 = arith.select %and3A, %add3A_52, %rem3A : i32
      %dma_wait3A = arith.constant 0 : i32
      %dma_wait3A_54 = arith.constant 0 : i32
      %dma_wait3A_55 = tpu.memref_slice %arg9[%select_n3A_53, %dma_wait3A, %dma_wait3A_54] : memref<2x128x128xf32, #tpu.memory_space<vmem>> -> memref<1x128x128xf32, #tpu.memory_space<vmem>>
      %dma_wait3A_56 = tpu.memref_squeeze %dma_wait3A_55 : memref<1x128x128xf32, #tpu.memory_space<vmem>> -> memref<128x128xf32, #tpu.memory_space<vmem>>
      %dma_wait3A_57 = arith.constant 0 : i32
      %dma_wait3A_58 = tpu.memref_slice %arg7[%scan3A_40, %dma_wait3A_57] : memref<40x128xi32, #tpu.memory_space<vmem>> -> memref<1x128xi32, #tpu.memory_space<vmem>>
      %dma_wait3A_59 = tpu.memref_squeeze %dma_wait3A_58 : memref<1x128xi32, #tpu.memory_space<vmem>> -> memref<128xi32, #tpu.memory_space<vmem>>
      %dma_wait3A_60 = arith.constant 0 : i32
      %dma_wait3A_61 = arith.constant 0 : i32
      %dma_wait3A_62 = tpu.memref_slice %arg2[%dma_wait3A_60, %dma_wait3A_61] : memref<10000x128xf32, #tpu.memory_space<hbm>> -> memref<10000x128xf32, #tpu.memory_space<hbm>>
      tpu.wait_indirect_dma semaphore(%arg11 : memref<!tpu.dma_semaphore, #tpu.memory_space<semaphore_mem>>) src(%dma_wait3A_62 : memref<10000x128xf32, #tpu.memory_space<hbm>>) dst(%dma_wait3A_56 : memref<128x128xf32, #tpu.memory_space<vmem>>)
      %jit3A_63 = arith.constant 2 : i32
      %eq3A_64 = arith.constant 0 : i32
      %eq3A_65 = arith.cmpi eq, %jit3A_63, %eq3A_64 : i32
      %jit3A_66 = arith.constant 1 : i32
      %select_n3A_67 = arith.select %eq3A_65, %jit3A_66, %jit3A_63 : i32
      %rem3A_68 = arith.remsi %scan3A_40, %select_n3A_67 : i32
      %ne3A_69 = arith.constant 0 : i32
      %ne3A_70 = arith.cmpi ne, %rem3A_68, %ne3A_69 : i32
      %lt3A_71 = arith.constant 0 : i32
      %lt3A_72 = arith.cmpi slt, %rem3A_68, %lt3A_71 : i32
      %lt3A_73 = arith.constant 0 : i32
      %lt3A_74 = arith.cmpi slt, %select_n3A_67, %lt3A_73 : i32
      %ne3A_75 = arith.xori %lt3A_72, %lt3A_74 : i1
      %and3A_76 = arith.andi %ne3A_75, %ne3A_70 : i1
      %add3A_77 = arith.addi %rem3A_68, %select_n3A_67 : i32
      %select_n3A_78 = arith.select %and3A_76, %add3A_77, %rem3A_68 : i32
      %dma_start3A_79 = arith.constant 0 : i32
      %dma_start3A_80 = arith.constant 0 : i32
      %dma_start3A_81 = tpu.memref_slice %arg9[%select_n3A_78, %dma_start3A_79, %dma_start3A_80] : memref<2x128x128xf32, #tpu.memory_space<vmem>> -> memref<1x128x128xf32, #tpu.memory_space<vmem>>
      %dma_start3A_82 = tpu.memref_squeeze %dma_start3A_81 : memref<1x128x128xf32, #tpu.memory_space<vmem>> -> memref<128x128xf32, #tpu.memory_space<vmem>>
      %dma_start3A_83 = arith.constant 0 : i32
      %dma_start3A_84 = tpu.memref_slice %arg8[%scan3A_40, %dma_start3A_83] : memref<40x128xi32, #tpu.memory_space<vmem>> -> memref<1x128xi32, #tpu.memory_space<vmem>>
      %dma_start3A_85 = tpu.memref_squeeze %dma_start3A_84 : memref<1x128xi32, #tpu.memory_space<vmem>> -> memref<128xi32, #tpu.memory_space<vmem>>
      %dma_start3A_86 = arith.constant 0 : i32
      %dma_start3A_87 = arith.constant 0 : i32
      %dma_start3A_88 = tpu.memref_slice %arg10[%dma_start3A_86, %dma_start3A_87] : memref<10112x128xf32, #tpu.memory_space<vmem_shared>> -> memref<10112x128xf32, #tpu.memory_space<vmem_shared>>
      tpu.enqueue_indirect_dma source(%dma_start3A_82 : memref<128x128xf32, #tpu.memory_space<vmem>>) target(%dma_start3A_88 : memref<10112x128xf32, #tpu.memory_space<vmem_shared>>) offsets(%dma_start3A_85 : memref<128xi32, #tpu.memory_space<vmem>>) semaphore(%arg12 : memref<!tpu.dma_semaphore, #tpu.memory_space<semaphore_mem>>) {add = true}
      %dma_wait3A_89 = arith.constant 0 : i32
      %dma_wait3A_90 = arith.constant 0 : i32
      %dma_wait3A_91 = tpu.memref_slice %arg9[%select_n3A_78, %dma_wait3A_89, %dma_wait3A_90] : memref<2x128x128xf32, #tpu.memory_space<vmem>> -> memref<1x128x128xf32, #tpu.memory_space<vmem>>
      %dma_wait3A_92 = tpu.memref_squeeze %dma_wait3A_91 : memref<1x128x128xf32, #tpu.memory_space<vmem>> -> memref<128x128xf32, #tpu.memory_space<vmem>>
      %dma_wait3A_93 = arith.constant 0 : i32
      %dma_wait3A_94 = tpu.memref_slice %arg8[%scan3A_40, %dma_wait3A_93] : memref<40x128xi32, #tpu.memory_space<vmem>> -> memref<1x128xi32, #tpu.memory_space<vmem>>
      %dma_wait3A_95 = tpu.memref_squeeze %dma_wait3A_94 : memref<1x128xi32, #tpu.memory_space<vmem>> -> memref<128xi32, #tpu.memory_space<vmem>>
      %dma_wait3A_96 = arith.constant 0 : i32
      %dma_wait3A_97 = arith.constant 0 : i32
      %dma_wait3A_98 = tpu.memref_slice %arg10[%dma_wait3A_96, %dma_wait3A_97] : memref<10112x128xf32, #tpu.memory_space<vmem_shared>> -> memref<10112x128xf32, #tpu.memory_space<vmem_shared>>
      tpu.wait_indirect_dma semaphore(%arg12 : memref<!tpu.dma_semaphore, #tpu.memory_space<semaphore_mem>>) src(%dma_wait3A_92 : memref<128x128xf32, #tpu.memory_space<vmem>>) dst(%dma_wait3A_98 : memref<10112x128xf32, #tpu.memory_space<vmem_shared>>)
    }
    %scan3A_34 = arith.constant 40 : i32
    %barrier3A_35 = arith.constant 0 : index
    tpu.barrier barrier_id(%barrier3A_35)
    %mul3A_36 = arith.constant 632 : i32
    %mul3A_37 = arith.muli %arg1, %mul3A_36 : i32
    %mul3A_38 = arith.constant 632 : i32
    %mul3A_39 = arith.muli %arg1, %mul3A_38 : i32
    "tpu.region"() ({
      %run_scoped3A = tpu.sem_alloc : memref<!tpu.dma_semaphore, #tpu.memory_space<semaphore_mem>>
      %dma_start3A_40 = arith.constant 0 : i32
      %dma_start3A_41 = tpu.memref_slice %arg6[%arg0, %mul3A_39, %dma_start3A_40] : memref<2x10112x128xf32, #tpu.memory_space<hbm>> -> memref<1x632x128xf32, #tpu.memory_space<hbm>>
      %dma_start3A_42 = tpu.memref_squeeze %dma_start3A_41 : memref<1x632x128xf32, #tpu.memory_space<hbm>> -> memref<632x128xf32, #tpu.memory_space<hbm>>
      %dma_start3A_43 = arith.constant 0 : i32
      %dma_start3A_44 = tpu.memref_slice %arg10[%mul3A_37, %dma_start3A_43] : memref<10112x128xf32, #tpu.memory_space<vmem_shared>> -> memref<632x128xf32, #tpu.memory_space<vmem_shared>>
      tpu.enqueue_dma source(%dma_start3A_44 : memref<632x128xf32, #tpu.memory_space<vmem_shared>>) target(%dma_start3A_42 : memref<632x128xf32, #tpu.memory_space<hbm>>) target_semaphore(%run_scoped3A : memref<!tpu.dma_semaphore, #tpu.memory_space<semaphore_mem>>)
      %dma_wait3A = arith.constant 0 : i32
      %dma_wait3A_45 = tpu.memref_slice %arg6[%arg0, %mul3A_39, %dma_wait3A] : memref<2x10112x128xf32, #tpu.memory_space<hbm>> -> memref<1x632x128xf32, #tpu.memory_space<hbm>>
      %dma_wait3A_46 = tpu.memref_squeeze %dma_wait3A_45 : memref<1x632x128xf32, #tpu.memory_space<hbm>> -> memref<632x128xf32, #tpu.memory_space<hbm>>
      %dma_wait3A_47 = arith.constant 0 : i32
      %dma_wait3A_48 = tpu.memref_slice %arg10[%mul3A_37, %dma_wait3A_47] : memref<10112x128xf32, #tpu.memory_space<vmem_shared>> -> memref<632x128xf32, #tpu.memory_space<vmem_shared>>
      tpu.wait_dma2 semaphore(%run_scoped3A : memref<!tpu.dma_semaphore, #tpu.memory_space<semaphore_mem>>) src(%dma_wait3A_48 : memref<632x128xf32, #tpu.memory_space<vmem_shared>>) dst(%dma_wait3A_46 : memref<632x128xf32, #tpu.memory_space<hbm>>)
      tpu.yield
    }) : () -> ()
    return
  }
}

#map = affine_map<(d0, d1) -> (0, 0)>
#map1 = affine_map<(d0, d1) -> (0, 0, 0, 0)>
#map2 = affine_map<(d0, d1) -> (0, 0, 0)>
module attributes {stable_mosaic.version = 14 : i64} {
  func.func @sc_agg(%arg0: i32, %arg1: i32, %arg2: memref<10000x128xf32, #tpu.memory_space<hbm>>, %arg3: memref<2x16x80x128xi32, #tpu.memory_space<hbm>>, %arg4: memref<2x16x80x128xi32, #tpu.memory_space<hbm>>, %arg5: memref<632x128xf32, #tpu.memory_space<hbm>>, %arg6: memref<2x10112x128xf32, #tpu.memory_space<hbm>>, %arg7: memref<40x128xi32, #tpu.memory_space<vmem>>, %arg8: memref<40x128xi32, #tpu.memory_space<vmem>>, %arg9: memref<2x128x128xf32, #tpu.memory_space<vmem>>, %arg10: memref<10112x128xf32, #tpu.memory_space<vmem_shared>>, %arg11: memref<!tpu.dma_semaphore, #tpu.memory_space<semaphore_mem>>, %arg12: memref<!tpu.dma_semaphore, #tpu.memory_space<semaphore_mem>>) attributes {dimension_semantics = [#tpu.dimension_semantics<core_parallel>, #tpu.dimension_semantics<subcore_parallel>], iteration_bounds = array<i64: 2, 16>, scalar_prefetch = 0 : i64, scratch_operands = 6 : i64, tpu.core_type = #tpu.core_type<sc_vector_subcore>, window_params = [{transform_indices = #map}, {transform_indices = #map1}, {transform_indices = #map1}, {transform_indices = #map}, {transform_indices = #map2}]} {
    %mul3A = arith.constant 632 : i32
    %mul3A_0 = arith.muli %arg1, %mul3A : i32
    "tpu.region"() ({
      %run_scoped3A = tpu.sem_alloc : memref<!tpu.dma_semaphore, #tpu.memory_space<semaphore_mem>>
      %dma_start3A_40 = arith.constant 0 : i32
      %dma_start3A_41 = tpu.memref_slice %arg10[%mul3A_0, %dma_start3A_40] : memref<10112x128xf32, #tpu.memory_space<vmem_shared>> -> memref<632x128xf32, #tpu.memory_space<vmem_shared>>
      tpu.enqueue_dma source(%arg5 : memref<632x128xf32, #tpu.memory_space<hbm>>) target(%dma_start3A_41 : memref<632x128xf32, #tpu.memory_space<vmem_shared>>) target_semaphore(%run_scoped3A : memref<!tpu.dma_semaphore, #tpu.memory_space<semaphore_mem>>)
      %dma_wait3A = arith.constant 0 : i32
      %dma_wait3A_42 = tpu.memref_slice %arg10[%mul3A_0, %dma_wait3A] : memref<10112x128xf32, #tpu.memory_space<vmem_shared>> -> memref<632x128xf32, #tpu.memory_space<vmem_shared>>
      tpu.wait_dma2 semaphore(%run_scoped3A : memref<!tpu.dma_semaphore, #tpu.memory_space<semaphore_mem>>) src(%arg5 : memref<632x128xf32, #tpu.memory_space<hbm>>) dst(%dma_wait3A_42 : memref<632x128xf32, #tpu.memory_space<vmem_shared>>)
      tpu.yield
    }) : () -> ()
    %barrier3A = arith.constant 0 : index
    tpu.barrier barrier_id(%barrier3A)
    "tpu.region"() ({
      %run_scoped3A = tpu.sem_alloc : memref<!tpu.dma_semaphore, #tpu.memory_space<semaphore_mem>>
      %dma_start3A_40 = arith.constant 0 : i32
      %dma_start3A_41 = arith.constant 0 : i32
      %dma_start3A_42 = tpu.memref_slice %arg3[%arg0, %arg1, %dma_start3A_40, %dma_start3A_41] : memref<2x16x80x128xi32, #tpu.memory_space<hbm>> -> memref<1x1x40x128xi32, #tpu.memory_space<hbm>>
      %dma_start3A_43 = tpu.memref_squeeze %dma_start3A_42 : memref<1x1x40x128xi32, #tpu.memory_space<hbm>> -> memref<40x128xi32, #tpu.memory_space<hbm>>
      %dma_start3A_44 = arith.constant 0 : i32
      %dma_start3A_45 = arith.constant 0 : i32
      %dma_start3A_46 = tpu.memref_slice %arg3[%arg0, %arg1, %dma_start3A_44, %dma_start3A_45] : memref<2x16x80x128xi32, #tpu.memory_space<hbm>> -> memref<1x1x40x128xi32, #tpu.memory_space<hbm>>
      %dma_start3A_47 = tpu.memref_squeeze %dma_start3A_46 : memref<1x1x40x128xi32, #tpu.memory_space<hbm>> -> memref<40x128xi32, #tpu.memory_space<hbm>>
      tpu.enqueue_dma source(%dma_start3A_47 : memref<40x128xi32, #tpu.memory_space<hbm>>) target(%arg7 : memref<40x128xi32, #tpu.memory_space<vmem>>) target_semaphore(%run_scoped3A : memref<!tpu.dma_semaphore, #tpu.memory_space<semaphore_mem>>)
      %dma_wait3A = arith.constant 0 : i32
      %dma_wait3A_48 = arith.constant 0 : i32
      %dma_wait3A_49 = tpu.memref_slice %arg3[%arg0, %arg1, %dma_wait3A, %dma_wait3A_48] : memref<2x16x80x128xi32, #tpu.memory_space<hbm>> -> memref<1x1x40x128xi32, #tpu.memory_space<hbm>>
      %dma_wait3A_50 = tpu.memref_squeeze %dma_wait3A_49 : memref<1x1x40x128xi32, #tpu.memory_space<hbm>> -> memref<40x128xi32, #tpu.memory_space<hbm>>
      %dma_wait3A_51 = arith.constant 0 : i32
      %dma_wait3A_52 = arith.constant 0 : i32
      %dma_wait3A_53 = tpu.memref_slice %arg3[%arg0, %arg1, %dma_wait3A_51, %dma_wait3A_52] : memref<2x16x80x128xi32, #tpu.memory_space<hbm>> -> memref<1x1x40x128xi32, #tpu.memory_space<hbm>>
      %dma_wait3A_54 = tpu.memref_squeeze %dma_wait3A_53 : memref<1x1x40x128xi32, #tpu.memory_space<hbm>> -> memref<40x128xi32, #tpu.memory_space<hbm>>
      tpu.wait_dma2 semaphore(%run_scoped3A : memref<!tpu.dma_semaphore, #tpu.memory_space<semaphore_mem>>) src(%dma_wait3A_54 : memref<40x128xi32, #tpu.memory_space<hbm>>) dst(%arg7 : memref<40x128xi32, #tpu.memory_space<vmem>>)
      tpu.yield
    }) : () -> ()
    "tpu.region"() ({
      %run_scoped3A = tpu.sem_alloc : memref<!tpu.dma_semaphore, #tpu.memory_space<semaphore_mem>>
      %dma_start3A_40 = arith.constant 0 : i32
      %dma_start3A_41 = arith.constant 0 : i32
      %dma_start3A_42 = tpu.memref_slice %arg4[%arg0, %arg1, %dma_start3A_40, %dma_start3A_41] : memref<2x16x80x128xi32, #tpu.memory_space<hbm>> -> memref<1x1x40x128xi32, #tpu.memory_space<hbm>>
      %dma_start3A_43 = tpu.memref_squeeze %dma_start3A_42 : memref<1x1x40x128xi32, #tpu.memory_space<hbm>> -> memref<40x128xi32, #tpu.memory_space<hbm>>
      %dma_start3A_44 = arith.constant 0 : i32
      %dma_start3A_45 = arith.constant 0 : i32
      %dma_start3A_46 = tpu.memref_slice %arg4[%arg0, %arg1, %dma_start3A_44, %dma_start3A_45] : memref<2x16x80x128xi32, #tpu.memory_space<hbm>> -> memref<1x1x40x128xi32, #tpu.memory_space<hbm>>
      %dma_start3A_47 = tpu.memref_squeeze %dma_start3A_46 : memref<1x1x40x128xi32, #tpu.memory_space<hbm>> -> memref<40x128xi32, #tpu.memory_space<hbm>>
      tpu.enqueue_dma source(%dma_start3A_47 : memref<40x128xi32, #tpu.memory_space<hbm>>) target(%arg8 : memref<40x128xi32, #tpu.memory_space<vmem>>) target_semaphore(%run_scoped3A : memref<!tpu.dma_semaphore, #tpu.memory_space<semaphore_mem>>)
      %dma_wait3A = arith.constant 0 : i32
      %dma_wait3A_48 = arith.constant 0 : i32
      %dma_wait3A_49 = tpu.memref_slice %arg4[%arg0, %arg1, %dma_wait3A, %dma_wait3A_48] : memref<2x16x80x128xi32, #tpu.memory_space<hbm>> -> memref<1x1x40x128xi32, #tpu.memory_space<hbm>>
      %dma_wait3A_50 = tpu.memref_squeeze %dma_wait3A_49 : memref<1x1x40x128xi32, #tpu.memory_space<hbm>> -> memref<40x128xi32, #tpu.memory_space<hbm>>
      %dma_wait3A_51 = arith.constant 0 : i32
      %dma_wait3A_52 = arith.constant 0 : i32
      %dma_wait3A_53 = tpu.memref_slice %arg4[%arg0, %arg1, %dma_wait3A_51, %dma_wait3A_52] : memref<2x16x80x128xi32, #tpu.memory_space<hbm>> -> memref<1x1x40x128xi32, #tpu.memory_space<hbm>>
      %dma_wait3A_54 = tpu.memref_squeeze %dma_wait3A_53 : memref<1x1x40x128xi32, #tpu.memory_space<hbm>> -> memref<40x128xi32, #tpu.memory_space<hbm>>
      tpu.wait_dma2 semaphore(%run_scoped3A : memref<!tpu.dma_semaphore, #tpu.memory_space<semaphore_mem>>) src(%dma_wait3A_54 : memref<40x128xi32, #tpu.memory_space<hbm>>) dst(%arg8 : memref<40x128xi32, #tpu.memory_space<vmem>>)
      tpu.yield
    }) : () -> ()
    %dma_start3A = arith.constant 0 : i32
    %dma_start3A_1 = arith.constant 0 : i32
    %dma_start3A_2 = arith.constant 0 : i32
    %dma_start3A_3 = arith.constant 0 : i32
    %dma_start3A_4 = tpu.memref_slice %arg9[%dma_start3A_1, %dma_start3A_2, %dma_start3A_3] : memref<2x128x128xf32, #tpu.memory_space<vmem>> -> memref<1x128x128xf32, #tpu.memory_space<vmem>>
    %dma_start3A_5 = tpu.memref_squeeze %dma_start3A_4 : memref<1x128x128xf32, #tpu.memory_space<vmem>> -> memref<128x128xf32, #tpu.memory_space<vmem>>
    %dma_start3A_6 = arith.constant 0 : i32
    %dma_start3A_7 = tpu.memref_slice %arg7[%dma_start3A, %dma_start3A_6] : memref<40x128xi32, #tpu.memory_space<vmem>> -> memref<1x128xi32, #tpu.memory_space<vmem>>
    %dma_start3A_8 = tpu.memref_squeeze %dma_start3A_7 : memref<1x128xi32, #tpu.memory_space<vmem>> -> memref<128xi32, #tpu.memory_space<vmem>>
    %dma_start3A_9 = arith.constant 0 : i32
    %dma_start3A_10 = arith.constant 0 : i32
    %dma_start3A_11 = tpu.memref_slice %arg2[%dma_start3A_9, %dma_start3A_10] : memref<10000x128xf32, #tpu.memory_space<hbm>> -> memref<10000x128xf32, #tpu.memory_space<hbm>>
    tpu.enqueue_indirect_dma source(%dma_start3A_11 : memref<10000x128xf32, #tpu.memory_space<hbm>>) target(%dma_start3A_5 : memref<128x128xf32, #tpu.memory_space<vmem>>) offsets(%dma_start3A_8 : memref<128xi32, #tpu.memory_space<vmem>>) semaphore(%arg11 : memref<!tpu.dma_semaphore, #tpu.memory_space<semaphore_mem>>)
    %scan3A = arith.constant 0 : i32
    %scan3A_12 = arith.constant 0 : i32
    %scan3A_13 = arith.constant 40 : i32
    %scan3A_14 = arith.addi %scan3A_12, %scan3A_13 : i32
    %scan3A_15 = arith.constant 1 : i32
    scf.for %scan3A_40 = %scan3A_12 to %scan3A_14 step %scan3A_15  : i32 {
      %add3A = arith.constant 1 : i32
      %add3A_41 = arith.addi %scan3A_40, %add3A : i32
      %lt3A = arith.constant 40 : i32
      %lt3A_42 = arith.cmpi slt, %add3A_41, %lt3A : i32
      %convert_element_type3A = arith.extui %lt3A_42 : i1 to i32
      %cond3A = arith.constant 0 : i32
      %cond3A_43 = arith.cmpi ne, %convert_element_type3A, %cond3A : i32
      scf.if %cond3A_43 {
        %add3A_99 = arith.constant 1 : i32
        %add3A_100 = arith.addi %scan3A_40, %add3A_99 : i32
        %add3A_101 = arith.constant 1 : i32
        %add3A_102 = arith.addi %scan3A_40, %add3A_101 : i32
        %jit3A_103 = arith.constant 2 : i32
        %eq3A_104 = arith.constant 0 : i32
        %eq3A_105 = arith.cmpi eq, %jit3A_103, %eq3A_104 : i32
        %jit3A_106 = arith.constant 1 : i32
        %select_n3A_107 = arith.select %eq3A_105, %jit3A_106, %jit3A_103 : i32
        %rem3A_108 = arith.remsi %add3A_102, %select_n3A_107 : i32
        %ne3A_109 = arith.constant 0 : i32
        %ne3A_110 = arith.cmpi ne, %rem3A_108, %ne3A_109 : i32
        %lt3A_111 = arith.constant 0 : i32
        %lt3A_112 = arith.cmpi slt, %rem3A_108, %lt3A_111 : i32
        %lt3A_113 = arith.constant 0 : i32
        %lt3A_114 = arith.cmpi slt, %select_n3A_107, %lt3A_113 : i32
        %ne3A_115 = arith.xori %lt3A_112, %lt3A_114 : i1
        %and3A_116 = arith.andi %ne3A_115, %ne3A_110 : i1
        %add3A_117 = arith.addi %rem3A_108, %select_n3A_107 : i32
        %select_n3A_118 = arith.select %and3A_116, %add3A_117, %rem3A_108 : i32
        %dma_start3A_119 = arith.constant 0 : i32
        %dma_start3A_120 = arith.constant 0 : i32
        %dma_start3A_121 = tpu.memref_slice %arg9[%select_n3A_118, %dma_start3A_119, %dma_start3A_120] : memref<2x128x128xf32, #tpu.memory_space<vmem>> -> memref<1x128x128xf32, #tpu.memory_space<vmem>>
        %dma_start3A_122 = tpu.memref_squeeze %dma_start3A_121 : memref<1x128x128xf32, #tpu.memory_space<vmem>> -> memref<128x128xf32, #tpu.memory_space<vmem>>
        %dma_start3A_123 = arith.constant 0 : i32
        %dma_start3A_124 = tpu.memref_slice %arg7[%add3A_100, %dma_start3A_123] : memref<40x128xi32, #tpu.memory_space<vmem>> -> memref<1x128xi32, #tpu.memory_space<vmem>>
        %dma_start3A_125 = tpu.memref_squeeze %dma_start3A_124 : memref<1x128xi32, #tpu.memory_space<vmem>> -> memref<128xi32, #tpu.memory_space<vmem>>
        %dma_start3A_126 = arith.constant 0 : i32
        %dma_start3A_127 = arith.constant 0 : i32
        %dma_start3A_128 = tpu.memref_slice %arg2[%dma_start3A_126, %dma_start3A_127] : memref<10000x128xf32, #tpu.memory_space<hbm>> -> memref<10000x128xf32, #tpu.memory_space<hbm>>
        tpu.enqueue_indirect_dma source(%dma_start3A_128 : memref<10000x128xf32, #tpu.memory_space<hbm>>) target(%dma_start3A_122 : memref<128x128xf32, #tpu.memory_space<vmem>>) offsets(%dma_start3A_125 : memref<128xi32, #tpu.memory_space<vmem>>) semaphore(%arg11 : memref<!tpu.dma_semaphore, #tpu.memory_space<semaphore_mem>>)
      } else {
      }
      %jit3A = arith.constant 2 : i32
      %eq3A = arith.constant 0 : i32
      %eq3A_44 = arith.cmpi eq, %jit3A, %eq3A : i32
      %jit3A_45 = arith.constant 1 : i32
      %select_n3A = arith.select %eq3A_44, %jit3A_45, %jit3A : i32
      %rem3A = arith.remsi %scan3A_40, %select_n3A : i32
      %ne3A = arith.constant 0 : i32
      %ne3A_46 = arith.cmpi ne, %rem3A, %ne3A : i32
      %lt3A_47 = arith.constant 0 : i32
      %lt3A_48 = arith.cmpi slt, %rem3A, %lt3A_47 : i32
      %lt3A_49 = arith.constant 0 : i32
      %lt3A_50 = arith.cmpi slt, %select_n3A, %lt3A_49 : i32
      %ne3A_51 = arith.xori %lt3A_48, %lt3A_50 : i1
      %and3A = arith.andi %ne3A_51, %ne3A_46 : i1
      %add3A_52 = arith.addi %rem3A, %select_n3A : i32
      %select_n3A_53 = arith.select %and3A, %add3A_52, %rem3A : i32
      %dma_wait3A = arith.constant 0 : i32
      %dma_wait3A_54 = arith.constant 0 : i32
      %dma_wait3A_55 = tpu.memref_slice %arg9[%select_n3A_53, %dma_wait3A, %dma_wait3A_54] : memref<2x128x128xf32, #tpu.memory_space<vmem>> -> memref<1x128x128xf32, #tpu.memory_space<vmem>>
      %dma_wait3A_56 = tpu.memref_squeeze %dma_wait3A_55 : memref<1x128x128xf32, #tpu.memory_space<vmem>> -> memref<128x128xf32, #tpu.memory_space<vmem>>
      %dma_wait3A_57 = arith.constant 0 : i32
      %dma_wait3A_58 = tpu.memref_slice %arg7[%scan3A_40, %dma_wait3A_57] : memref<40x128xi32, #tpu.memory_space<vmem>> -> memref<1x128xi32, #tpu.memory_space<vmem>>
      %dma_wait3A_59 = tpu.memref_squeeze %dma_wait3A_58 : memref<1x128xi32, #tpu.memory_space<vmem>> -> memref<128xi32, #tpu.memory_space<vmem>>
      %dma_wait3A_60 = arith.constant 0 : i32
      %dma_wait3A_61 = arith.constant 0 : i32
      %dma_wait3A_62 = tpu.memref_slice %arg2[%dma_wait3A_60, %dma_wait3A_61] : memref<10000x128xf32, #tpu.memory_space<hbm>> -> memref<10000x128xf32, #tpu.memory_space<hbm>>
      tpu.wait_indirect_dma semaphore(%arg11 : memref<!tpu.dma_semaphore, #tpu.memory_space<semaphore_mem>>) src(%dma_wait3A_62 : memref<10000x128xf32, #tpu.memory_space<hbm>>) dst(%dma_wait3A_56 : memref<128x128xf32, #tpu.memory_space<vmem>>)
      %jit3A_63 = arith.constant 2 : i32
      %eq3A_64 = arith.constant 0 : i32
      %eq3A_65 = arith.cmpi eq, %jit3A_63, %eq3A_64 : i32
      %jit3A_66 = arith.constant 1 : i32
      %select_n3A_67 = arith.select %eq3A_65, %jit3A_66, %jit3A_63 : i32
      %rem3A_68 = arith.remsi %scan3A_40, %select_n3A_67 : i32
      %ne3A_69 = arith.constant 0 : i32
      %ne3A_70 = arith.cmpi ne, %rem3A_68, %ne3A_69 : i32
      %lt3A_71 = arith.constant 0 : i32
      %lt3A_72 = arith.cmpi slt, %rem3A_68, %lt3A_71 : i32
      %lt3A_73 = arith.constant 0 : i32
      %lt3A_74 = arith.cmpi slt, %select_n3A_67, %lt3A_73 : i32
      %ne3A_75 = arith.xori %lt3A_72, %lt3A_74 : i1
      %and3A_76 = arith.andi %ne3A_75, %ne3A_70 : i1
      %add3A_77 = arith.addi %rem3A_68, %select_n3A_67 : i32
      %select_n3A_78 = arith.select %and3A_76, %add3A_77, %rem3A_68 : i32
      %dma_start3A_79 = arith.constant 0 : i32
      %dma_start3A_80 = arith.constant 0 : i32
      %dma_start3A_81 = tpu.memref_slice %arg9[%select_n3A_78, %dma_start3A_79, %dma_start3A_80] : memref<2x128x128xf32, #tpu.memory_space<vmem>> -> memref<1x128x128xf32, #tpu.memory_space<vmem>>
      %dma_start3A_82 = tpu.memref_squeeze %dma_start3A_81 : memref<1x128x128xf32, #tpu.memory_space<vmem>> -> memref<128x128xf32, #tpu.memory_space<vmem>>
      %dma_start3A_83 = arith.constant 0 : i32
      %dma_start3A_84 = tpu.memref_slice %arg8[%scan3A_40, %dma_start3A_83] : memref<40x128xi32, #tpu.memory_space<vmem>> -> memref<1x128xi32, #tpu.memory_space<vmem>>
      %dma_start3A_85 = tpu.memref_squeeze %dma_start3A_84 : memref<1x128xi32, #tpu.memory_space<vmem>> -> memref<128xi32, #tpu.memory_space<vmem>>
      %dma_start3A_86 = arith.constant 0 : i32
      %dma_start3A_87 = arith.constant 0 : i32
      %dma_start3A_88 = tpu.memref_slice %arg10[%dma_start3A_86, %dma_start3A_87] : memref<10112x128xf32, #tpu.memory_space<vmem_shared>> -> memref<10112x128xf32, #tpu.memory_space<vmem_shared>>
      tpu.enqueue_indirect_dma source(%dma_start3A_82 : memref<128x128xf32, #tpu.memory_space<vmem>>) target(%dma_start3A_88 : memref<10112x128xf32, #tpu.memory_space<vmem_shared>>) offsets(%dma_start3A_85 : memref<128xi32, #tpu.memory_space<vmem>>) semaphore(%arg12 : memref<!tpu.dma_semaphore, #tpu.memory_space<semaphore_mem>>) {add = true}
      %dma_wait3A_89 = arith.constant 0 : i32
      %dma_wait3A_90 = arith.constant 0 : i32
      %dma_wait3A_91 = tpu.memref_slice %arg9[%select_n3A_78, %dma_wait3A_89, %dma_wait3A_90] : memref<2x128x128xf32, #tpu.memory_space<vmem>> -> memref<1x128x128xf32, #tpu.memory_space<vmem>>
      %dma_wait3A_92 = tpu.memref_squeeze %dma_wait3A_91 : memref<1x128x128xf32, #tpu.memory_space<vmem>> -> memref<128x128xf32, #tpu.memory_space<vmem>>
      %dma_wait3A_93 = arith.constant 0 : i32
      %dma_wait3A_94 = tpu.memref_slice %arg8[%scan3A_40, %dma_wait3A_93] : memref<40x128xi32, #tpu.memory_space<vmem>> -> memref<1x128xi32, #tpu.memory_space<vmem>>
      %dma_wait3A_95 = tpu.memref_squeeze %dma_wait3A_94 : memref<1x128xi32, #tpu.memory_space<vmem>> -> memref<128xi32, #tpu.memory_space<vmem>>
      %dma_wait3A_96 = arith.constant 0 : i32
      %dma_wait3A_97 = arith.constant 0 : i32
      %dma_wait3A_98 = tpu.memref_slice %arg10[%dma_wait3A_96, %dma_wait3A_97] : memref<10112x128xf32, #tpu.memory_space<vmem_shared>> -> memref<10112x128xf32, #tpu.memory_space<vmem_shared>>
      tpu.wait_indirect_dma semaphore(%arg12 : memref<!tpu.dma_semaphore, #tpu.memory_space<semaphore_mem>>) src(%dma_wait3A_92 : memref<128x128xf32, #tpu.memory_space<vmem>>) dst(%dma_wait3A_98 : memref<10112x128xf32, #tpu.memory_space<vmem_shared>>)
    }
    %scan3A_16 = arith.constant 40 : i32
    "tpu.region"() ({
      %run_scoped3A = tpu.sem_alloc : memref<!tpu.dma_semaphore, #tpu.memory_space<semaphore_mem>>
      %dma_start3A_40 = arith.constant 40 : i32
      %dma_start3A_41 = arith.constant 0 : i32
      %dma_start3A_42 = tpu.memref_slice %arg3[%arg0, %arg1, %dma_start3A_40, %dma_start3A_41] : memref<2x16x80x128xi32, #tpu.memory_space<hbm>> -> memref<1x1x40x128xi32, #tpu.memory_space<hbm>>
      %dma_start3A_43 = tpu.memref_squeeze %dma_start3A_42 : memref<1x1x40x128xi32, #tpu.memory_space<hbm>> -> memref<40x128xi32, #tpu.memory_space<hbm>>
      %dma_start3A_44 = arith.constant 40 : i32
      %dma_start3A_45 = arith.constant 0 : i32
      %dma_start3A_46 = tpu.memref_slice %arg3[%arg0, %arg1, %dma_start3A_44, %dma_start3A_45] : memref<2x16x80x128xi32, #tpu.memory_space<hbm>> -> memref<1x1x40x128xi32, #tpu.memory_space<hbm>>
      %dma_start3A_47 = tpu.memref_squeeze %dma_start3A_46 : memref<1x1x40x128xi32, #tpu.memory_space<hbm>> -> memref<40x128xi32, #tpu.memory_space<hbm>>
      tpu.enqueue_dma source(%dma_start3A_47 : memref<40x128xi32, #tpu.memory_space<hbm>>) target(%arg7 : memref<40x128xi32, #tpu.memory_space<vmem>>) target_semaphore(%run_scoped3A : memref<!tpu.dma_semaphore, #tpu.memory_space<semaphore_mem>>)
      %dma_wait3A = arith.constant 40 : i32
      %dma_wait3A_48 = arith.constant 0 : i32
      %dma_wait3A_49 = tpu.memref_slice %arg3[%arg0, %arg1, %dma_wait3A, %dma_wait3A_48] : memref<2x16x80x128xi32, #tpu.memory_space<hbm>> -> memref<1x1x40x128xi32, #tpu.memory_space<hbm>>
      %dma_wait3A_50 = tpu.memref_squeeze %dma_wait3A_49 : memref<1x1x40x128xi32, #tpu.memory_space<hbm>> -> memref<40x128xi32, #tpu.memory_space<hbm>>
      %dma_wait3A_51 = arith.constant 40 : i32
      %dma_wait3A_52 = arith.constant 0 : i32
      %dma_wait3A_53 = tpu.memref_slice %arg3[%arg0, %arg1, %dma_wait3A_51, %dma_wait3A_52] : memref<2x16x80x128xi32, #tpu.memory_space<hbm>> -> memref<1x1x40x128xi32, #tpu.memory_space<hbm>>
      %dma_wait3A_54 = tpu.memref_squeeze %dma_wait3A_53 : memref<1x1x40x128xi32, #tpu.memory_space<hbm>> -> memref<40x128xi32, #tpu.memory_space<hbm>>
      tpu.wait_dma2 semaphore(%run_scoped3A : memref<!tpu.dma_semaphore, #tpu.memory_space<semaphore_mem>>) src(%dma_wait3A_54 : memref<40x128xi32, #tpu.memory_space<hbm>>) dst(%arg7 : memref<40x128xi32, #tpu.memory_space<vmem>>)
      tpu.yield
    }) : () -> ()
    "tpu.region"() ({
      %run_scoped3A = tpu.sem_alloc : memref<!tpu.dma_semaphore, #tpu.memory_space<semaphore_mem>>
      %dma_start3A_40 = arith.constant 40 : i32
      %dma_start3A_41 = arith.constant 0 : i32
      %dma_start3A_42 = tpu.memref_slice %arg4[%arg0, %arg1, %dma_start3A_40, %dma_start3A_41] : memref<2x16x80x128xi32, #tpu.memory_space<hbm>> -> memref<1x1x40x128xi32, #tpu.memory_space<hbm>>
      %dma_start3A_43 = tpu.memref_squeeze %dma_start3A_42 : memref<1x1x40x128xi32, #tpu.memory_space<hbm>> -> memref<40x128xi32, #tpu.memory_space<hbm>>
      %dma_start3A_44 = arith.constant 40 : i32
      %dma_start3A_45 = arith.constant 0 : i32
      %dma_start3A_46 = tpu.memref_slice %arg4[%arg0, %arg1, %dma_start3A_44, %dma_start3A_45] : memref<2x16x80x128xi32, #tpu.memory_space<hbm>> -> memref<1x1x40x128xi32, #tpu.memory_space<hbm>>
      %dma_start3A_47 = tpu.memref_squeeze %dma_start3A_46 : memref<1x1x40x128xi32, #tpu.memory_space<hbm>> -> memref<40x128xi32, #tpu.memory_space<hbm>>
      tpu.enqueue_dma source(%dma_start3A_47 : memref<40x128xi32, #tpu.memory_space<hbm>>) target(%arg8 : memref<40x128xi32, #tpu.memory_space<vmem>>) target_semaphore(%run_scoped3A : memref<!tpu.dma_semaphore, #tpu.memory_space<semaphore_mem>>)
      %dma_wait3A = arith.constant 40 : i32
      %dma_wait3A_48 = arith.constant 0 : i32
      %dma_wait3A_49 = tpu.memref_slice %arg4[%arg0, %arg1, %dma_wait3A, %dma_wait3A_48] : memref<2x16x80x128xi32, #tpu.memory_space<hbm>> -> memref<1x1x40x128xi32, #tpu.memory_space<hbm>>
      %dma_wait3A_50 = tpu.memref_squeeze %dma_wait3A_49 : memref<1x1x40x128xi32, #tpu.memory_space<hbm>> -> memref<40x128xi32, #tpu.memory_space<hbm>>
      %dma_wait3A_51 = arith.constant 40 : i32
      %dma_wait3A_52 = arith.constant 0 : i32
      %dma_wait3A_53 = tpu.memref_slice %arg4[%arg0, %arg1, %dma_wait3A_51, %dma_wait3A_52] : memref<2x16x80x128xi32, #tpu.memory_space<hbm>> -> memref<1x1x40x128xi32, #tpu.memory_space<hbm>>
      %dma_wait3A_54 = tpu.memref_squeeze %dma_wait3A_53 : memref<1x1x40x128xi32, #tpu.memory_space<hbm>> -> memref<40x128xi32, #tpu.memory_space<hbm>>
      tpu.wait_dma2 semaphore(%run_scoped3A : memref<!tpu.dma_semaphore, #tpu.memory_space<semaphore_mem>>) src(%dma_wait3A_54 : memref<40x128xi32, #tpu.memory_space<hbm>>) dst(%arg8 : memref<40x128xi32, #tpu.memory_space<vmem>>)
      tpu.yield
    }) : () -> ()
    %dma_start3A_17 = arith.constant 0 : i32
    %dma_start3A_18 = arith.constant 0 : i32
    %dma_start3A_19 = arith.constant 0 : i32
    %dma_start3A_20 = arith.constant 0 : i32
    %dma_start3A_21 = tpu.memref_slice %arg9[%dma_start3A_18, %dma_start3A_19, %dma_start3A_20] : memref<2x128x128xf32, #tpu.memory_space<vmem>> -> memref<1x128x128xf32, #tpu.memory_space<vmem>>
    %dma_start3A_22 = tpu.memref_squeeze %dma_start3A_21 : memref<1x128x128xf32, #tpu.memory_space<vmem>> -> memref<128x128xf32, #tpu.memory_space<vmem>>
    %dma_start3A_23 = arith.constant 0 : i32
    %dma_start3A_24 = tpu.memref_slice %arg7[%dma_start3A_17, %dma_start3A_23] : memref<40x128xi32, #tpu.memory_space<vmem>> -> memref<1x128xi32, #tpu.memory_space<vmem>>
    %dma_start3A_25 = tpu.memref_squeeze %dma_start3A_24 : memref<1x128xi32, #tpu.memory_space<vmem>> -> memref<128xi32, #tpu.memory_space<vmem>>
    %dma_start3A_26 = arith.constant 0 : i32
    %dma_start3A_27 = arith.constant 0 : i32
    %dma_start3A_28 = tpu.memref_slice %arg2[%dma_start3A_26, %dma_start3A_27] : memref<10000x128xf32, #tpu.memory_space<hbm>> -> memref<10000x128xf32, #tpu.memory_space<hbm>>
    tpu.enqueue_indirect_dma source(%dma_start3A_28 : memref<10000x128xf32, #tpu.memory_space<hbm>>) target(%dma_start3A_22 : memref<128x128xf32, #tpu.memory_space<vmem>>) offsets(%dma_start3A_25 : memref<128xi32, #tpu.memory_space<vmem>>) semaphore(%arg11 : memref<!tpu.dma_semaphore, #tpu.memory_space<semaphore_mem>>)
    %scan3A_29 = arith.constant 0 : i32
    %scan3A_30 = arith.constant 0 : i32
    %scan3A_31 = arith.constant 40 : i32
    %scan3A_32 = arith.addi %scan3A_30, %scan3A_31 : i32
    %scan3A_33 = arith.constant 1 : i32
    scf.for %scan3A_40 = %scan3A_30 to %scan3A_32 step %scan3A_33  : i32 {
      %add3A = arith.constant 1 : i32
      %add3A_41 = arith.addi %scan3A_40, %add3A : i32
      %lt3A = arith.constant 40 : i32
      %lt3A_42 = arith.cmpi slt, %add3A_41, %lt3A : i32
      %convert_element_type3A = arith.extui %lt3A_42 : i1 to i32
      %cond3A = arith.constant 0 : i32
      %cond3A_43 = arith.cmpi ne, %convert_element_type3A, %cond3A : i32
      scf.if %cond3A_43 {
        %add3A_99 = arith.constant 1 : i32
        %add3A_100 = arith.addi %scan3A_40, %add3A_99 : i32
        %add3A_101 = arith.constant 1 : i32
        %add3A_102 = arith.addi %scan3A_40, %add3A_101 : i32
        %jit3A_103 = arith.constant 2 : i32
        %eq3A_104 = arith.constant 0 : i32
        %eq3A_105 = arith.cmpi eq, %jit3A_103, %eq3A_104 : i32
        %jit3A_106 = arith.constant 1 : i32
        %select_n3A_107 = arith.select %eq3A_105, %jit3A_106, %jit3A_103 : i32
        %rem3A_108 = arith.remsi %add3A_102, %select_n3A_107 : i32
        %ne3A_109 = arith.constant 0 : i32
        %ne3A_110 = arith.cmpi ne, %rem3A_108, %ne3A_109 : i32
        %lt3A_111 = arith.constant 0 : i32
        %lt3A_112 = arith.cmpi slt, %rem3A_108, %lt3A_111 : i32
        %lt3A_113 = arith.constant 0 : i32
        %lt3A_114 = arith.cmpi slt, %select_n3A_107, %lt3A_113 : i32
        %ne3A_115 = arith.xori %lt3A_112, %lt3A_114 : i1
        %and3A_116 = arith.andi %ne3A_115, %ne3A_110 : i1
        %add3A_117 = arith.addi %rem3A_108, %select_n3A_107 : i32
        %select_n3A_118 = arith.select %and3A_116, %add3A_117, %rem3A_108 : i32
        %dma_start3A_119 = arith.constant 0 : i32
        %dma_start3A_120 = arith.constant 0 : i32
        %dma_start3A_121 = tpu.memref_slice %arg9[%select_n3A_118, %dma_start3A_119, %dma_start3A_120] : memref<2x128x128xf32, #tpu.memory_space<vmem>> -> memref<1x128x128xf32, #tpu.memory_space<vmem>>
        %dma_start3A_122 = tpu.memref_squeeze %dma_start3A_121 : memref<1x128x128xf32, #tpu.memory_space<vmem>> -> memref<128x128xf32, #tpu.memory_space<vmem>>
        %dma_start3A_123 = arith.constant 0 : i32
        %dma_start3A_124 = tpu.memref_slice %arg7[%add3A_100, %dma_start3A_123] : memref<40x128xi32, #tpu.memory_space<vmem>> -> memref<1x128xi32, #tpu.memory_space<vmem>>
        %dma_start3A_125 = tpu.memref_squeeze %dma_start3A_124 : memref<1x128xi32, #tpu.memory_space<vmem>> -> memref<128xi32, #tpu.memory_space<vmem>>
        %dma_start3A_126 = arith.constant 0 : i32
        %dma_start3A_127 = arith.constant 0 : i32
        %dma_start3A_128 = tpu.memref_slice %arg2[%dma_start3A_126, %dma_start3A_127] : memref<10000x128xf32, #tpu.memory_space<hbm>> -> memref<10000x128xf32, #tpu.memory_space<hbm>>
        tpu.enqueue_indirect_dma source(%dma_start3A_128 : memref<10000x128xf32, #tpu.memory_space<hbm>>) target(%dma_start3A_122 : memref<128x128xf32, #tpu.memory_space<vmem>>) offsets(%dma_start3A_125 : memref<128xi32, #tpu.memory_space<vmem>>) semaphore(%arg11 : memref<!tpu.dma_semaphore, #tpu.memory_space<semaphore_mem>>)
      } else {
      }
      %jit3A = arith.constant 2 : i32
      %eq3A = arith.constant 0 : i32
      %eq3A_44 = arith.cmpi eq, %jit3A, %eq3A : i32
      %jit3A_45 = arith.constant 1 : i32
      %select_n3A = arith.select %eq3A_44, %jit3A_45, %jit3A : i32
      %rem3A = arith.remsi %scan3A_40, %select_n3A : i32
      %ne3A = arith.constant 0 : i32
      %ne3A_46 = arith.cmpi ne, %rem3A, %ne3A : i32
      %lt3A_47 = arith.constant 0 : i32
      %lt3A_48 = arith.cmpi slt, %rem3A, %lt3A_47 : i32
      %lt3A_49 = arith.constant 0 : i32
      %lt3A_50 = arith.cmpi slt, %select_n3A, %lt3A_49 : i32
      %ne3A_51 = arith.xori %lt3A_48, %lt3A_50 : i1
      %and3A = arith.andi %ne3A_51, %ne3A_46 : i1
      %add3A_52 = arith.addi %rem3A, %select_n3A : i32
      %select_n3A_53 = arith.select %and3A, %add3A_52, %rem3A : i32
      %dma_wait3A = arith.constant 0 : i32
      %dma_wait3A_54 = arith.constant 0 : i32
      %dma_wait3A_55 = tpu.memref_slice %arg9[%select_n3A_53, %dma_wait3A, %dma_wait3A_54] : memref<2x128x128xf32, #tpu.memory_space<vmem>> -> memref<1x128x128xf32, #tpu.memory_space<vmem>>
      %dma_wait3A_56 = tpu.memref_squeeze %dma_wait3A_55 : memref<1x128x128xf32, #tpu.memory_space<vmem>> -> memref<128x128xf32, #tpu.memory_space<vmem>>
      %dma_wait3A_57 = arith.constant 0 : i32
      %dma_wait3A_58 = tpu.memref_slice %arg7[%scan3A_40, %dma_wait3A_57] : memref<40x128xi32, #tpu.memory_space<vmem>> -> memref<1x128xi32, #tpu.memory_space<vmem>>
      %dma_wait3A_59 = tpu.memref_squeeze %dma_wait3A_58 : memref<1x128xi32, #tpu.memory_space<vmem>> -> memref<128xi32, #tpu.memory_space<vmem>>
      %dma_wait3A_60 = arith.constant 0 : i32
      %dma_wait3A_61 = arith.constant 0 : i32
      %dma_wait3A_62 = tpu.memref_slice %arg2[%dma_wait3A_60, %dma_wait3A_61] : memref<10000x128xf32, #tpu.memory_space<hbm>> -> memref<10000x128xf32, #tpu.memory_space<hbm>>
      tpu.wait_indirect_dma semaphore(%arg11 : memref<!tpu.dma_semaphore, #tpu.memory_space<semaphore_mem>>) src(%dma_wait3A_62 : memref<10000x128xf32, #tpu.memory_space<hbm>>) dst(%dma_wait3A_56 : memref<128x128xf32, #tpu.memory_space<vmem>>)
      %jit3A_63 = arith.constant 2 : i32
      %eq3A_64 = arith.constant 0 : i32
      %eq3A_65 = arith.cmpi eq, %jit3A_63, %eq3A_64 : i32
      %jit3A_66 = arith.constant 1 : i32
      %select_n3A_67 = arith.select %eq3A_65, %jit3A_66, %jit3A_63 : i32
      %rem3A_68 = arith.remsi %scan3A_40, %select_n3A_67 : i32
      %ne3A_69 = arith.constant 0 : i32
      %ne3A_70 = arith.cmpi ne, %rem3A_68, %ne3A_69 : i32
      %lt3A_71 = arith.constant 0 : i32
      %lt3A_72 = arith.cmpi slt, %rem3A_68, %lt3A_71 : i32
      %lt3A_73 = arith.constant 0 : i32
      %lt3A_74 = arith.cmpi slt, %select_n3A_67, %lt3A_73 : i32
      %ne3A_75 = arith.xori %lt3A_72, %lt3A_74 : i1
      %and3A_76 = arith.andi %ne3A_75, %ne3A_70 : i1
      %add3A_77 = arith.addi %rem3A_68, %select_n3A_67 : i32
      %select_n3A_78 = arith.select %and3A_76, %add3A_77, %rem3A_68 : i32
      %dma_start3A_79 = arith.constant 0 : i32
      %dma_start3A_80 = arith.constant 0 : i32
      %dma_start3A_81 = tpu.memref_slice %arg9[%select_n3A_78, %dma_start3A_79, %dma_start3A_80] : memref<2x128x128xf32, #tpu.memory_space<vmem>> -> memref<1x128x128xf32, #tpu.memory_space<vmem>>
      %dma_start3A_82 = tpu.memref_squeeze %dma_start3A_81 : memref<1x128x128xf32, #tpu.memory_space<vmem>> -> memref<128x128xf32, #tpu.memory_space<vmem>>
      %dma_start3A_83 = arith.constant 0 : i32
      %dma_start3A_84 = tpu.memref_slice %arg8[%scan3A_40, %dma_start3A_83] : memref<40x128xi32, #tpu.memory_space<vmem>> -> memref<1x128xi32, #tpu.memory_space<vmem>>
      %dma_start3A_85 = tpu.memref_squeeze %dma_start3A_84 : memref<1x128xi32, #tpu.memory_space<vmem>> -> memref<128xi32, #tpu.memory_space<vmem>>
      %dma_start3A_86 = arith.constant 0 : i32
      %dma_start3A_87 = arith.constant 0 : i32
      %dma_start3A_88 = tpu.memref_slice %arg10[%dma_start3A_86, %dma_start3A_87] : memref<10112x128xf32, #tpu.memory_space<vmem_shared>> -> memref<10112x128xf32, #tpu.memory_space<vmem_shared>>
      tpu.enqueue_indirect_dma source(%dma_start3A_82 : memref<128x128xf32, #tpu.memory_space<vmem>>) target(%dma_start3A_88 : memref<10112x128xf32, #tpu.memory_space<vmem_shared>>) offsets(%dma_start3A_85 : memref<128xi32, #tpu.memory_space<vmem>>) semaphore(%arg12 : memref<!tpu.dma_semaphore, #tpu.memory_space<semaphore_mem>>) {add = true}
      %dma_wait3A_89 = arith.constant 0 : i32
      %dma_wait3A_90 = arith.constant 0 : i32
      %dma_wait3A_91 = tpu.memref_slice %arg9[%select_n3A_78, %dma_wait3A_89, %dma_wait3A_90] : memref<2x128x128xf32, #tpu.memory_space<vmem>> -> memref<1x128x128xf32, #tpu.memory_space<vmem>>
      %dma_wait3A_92 = tpu.memref_squeeze %dma_wait3A_91 : memref<1x128x128xf32, #tpu.memory_space<vmem>> -> memref<128x128xf32, #tpu.memory_space<vmem>>
      %dma_wait3A_93 = arith.constant 0 : i32
      %dma_wait3A_94 = tpu.memref_slice %arg8[%scan3A_40, %dma_wait3A_93] : memref<40x128xi32, #tpu.memory_space<vmem>> -> memref<1x128xi32, #tpu.memory_space<vmem>>
      %dma_wait3A_95 = tpu.memref_squeeze %dma_wait3A_94 : memref<1x128xi32, #tpu.memory_space<vmem>> -> memref<128xi32, #tpu.memory_space<vmem>>
      %dma_wait3A_96 = arith.constant 0 : i32
      %dma_wait3A_97 = arith.constant 0 : i32
      %dma_wait3A_98 = tpu.memref_slice %arg10[%dma_wait3A_96, %dma_wait3A_97] : memref<10112x128xf32, #tpu.memory_space<vmem_shared>> -> memref<10112x128xf32, #tpu.memory_space<vmem_shared>>
      tpu.wait_indirect_dma semaphore(%arg12 : memref<!tpu.dma_semaphore, #tpu.memory_space<semaphore_mem>>) src(%dma_wait3A_92 : memref<128x128xf32, #tpu.memory_space<vmem>>) dst(%dma_wait3A_98 : memref<10112x128xf32, #tpu.memory_space<vmem_shared>>)
    }
    %scan3A_34 = arith.constant 40 : i32
    %barrier3A_35 = arith.constant 0 : index
    tpu.barrier barrier_id(%barrier3A_35)
    %mul3A_36 = arith.constant 632 : i32
    %mul3A_37 = arith.muli %arg1, %mul3A_36 : i32
    %mul3A_38 = arith.constant 632 : i32
    %mul3A_39 = arith.muli %arg1, %mul3A_38 : i32
    "tpu.region"() ({
      %run_scoped3A = tpu.sem_alloc : memref<!tpu.dma_semaphore, #tpu.memory_space<semaphore_mem>>
      %dma_start3A_40 = arith.constant 0 : i32
      %dma_start3A_41 = tpu.memref_slice %arg6[%arg0, %mul3A_39, %dma_start3A_40] : memref<2x10112x128xf32, #tpu.memory_space<hbm>> -> memref<1x632x128xf32, #tpu.memory_space<hbm>>
      %dma_start3A_42 = tpu.memref_squeeze %dma_start3A_41 : memref<1x632x128xf32, #tpu.memory_space<hbm>> -> memref<632x128xf32, #tpu.memory_space<hbm>>
      %dma_start3A_43 = arith.constant 0 : i32
      %dma_start3A_44 = tpu.memref_slice %arg10[%mul3A_37, %dma_start3A_43] : memref<10112x128xf32, #tpu.memory_space<vmem_shared>> -> memref<632x128xf32, #tpu.memory_space<vmem_shared>>
      tpu.enqueue_dma source(%dma_start3A_44 : memref<632x128xf32, #tpu.memory_space<vmem_shared>>) target(%dma_start3A_42 : memref<632x128xf32, #tpu.memory_space<hbm>>) target_semaphore(%run_scoped3A : memref<!tpu.dma_semaphore, #tpu.memory_space<semaphore_mem>>)
      %dma_wait3A = arith.constant 0 : i32
      %dma_wait3A_45 = tpu.memref_slice %arg6[%arg0, %mul3A_39, %dma_wait3A] : memref<2x10112x128xf32, #tpu.memory_space<hbm>> -> memref<1x632x128xf32, #tpu.memory_space<hbm>>
      %dma_wait3A_46 = tpu.memref_squeeze %dma_wait3A_45 : memref<1x632x128xf32, #tpu.memory_space<hbm>> -> memref<632x128xf32, #tpu.memory_space<hbm>>
      %dma_wait3A_47 = arith.constant 0 : i32
      %dma_wait3A_48 = tpu.memref_slice %arg10[%mul3A_37, %dma_wait3A_47] : memref<10112x128xf32, #tpu.memory_space<vmem_shared>> -> memref<632x128xf32, #tpu.memory_space<vmem_shared>>
      tpu.wait_dma2 semaphore(%run_scoped3A : memref<!tpu.dma_semaphore, #tpu.memory_space<semaphore_mem>>) src(%dma_wait3A_48 : memref<632x128xf32, #tpu.memory_space<vmem_shared>>) dst(%dma_wait3A_46 : memref<632x128xf32, #tpu.memory_space<hbm>>)
      tpu.yield
    }) : () -> ()
    return
  }
}

#map = affine_map<(d0, d1) -> (0, 0)>
#map1 = affine_map<(d0, d1) -> (0, 0, 0, 0)>
#map2 = affine_map<(d0, d1) -> (0, 0, 0)>
module attributes {stable_mosaic.version = 14 : i64} {
  func.func @sc_agg(%arg0: i32, %arg1: i32, %arg2: memref<10000x128xf32, #tpu.memory_space<hbm>>, %arg3: memref<2x16x80x128xi32, #tpu.memory_space<hbm>>, %arg4: memref<2x16x80x128xi32, #tpu.memory_space<hbm>>, %arg5: memref<632x128xf32, #tpu.memory_space<hbm>>, %arg6: memref<2x10112x128xf32, #tpu.memory_space<hbm>>, %arg7: memref<40x128xi32, #tpu.memory_space<vmem>>, %arg8: memref<40x128xi32, #tpu.memory_space<vmem>>, %arg9: memref<2x128x128xf32, #tpu.memory_space<vmem>>, %arg10: memref<10112x128xf32, #tpu.memory_space<vmem_shared>>, %arg11: memref<!tpu.dma_semaphore, #tpu.memory_space<semaphore_mem>>, %arg12: memref<!tpu.dma_semaphore, #tpu.memory_space<semaphore_mem>>) attributes {dimension_semantics = [#tpu.dimension_semantics<core_parallel>, #tpu.dimension_semantics<subcore_parallel>], iteration_bounds = array<i64: 2, 16>, scalar_prefetch = 0 : i64, scratch_operands = 6 : i64, tpu.core_type = #tpu.core_type<sc_vector_subcore>, window_params = [{transform_indices = #map}, {transform_indices = #map1}, {transform_indices = #map1}, {transform_indices = #map}, {transform_indices = #map2}]} {
    %mul3A = arith.constant 632 : i32
    %mul3A_0 = arith.muli %arg1, %mul3A : i32
    "tpu.region"() ({
      %run_scoped3A = tpu.sem_alloc : memref<!tpu.dma_semaphore, #tpu.memory_space<semaphore_mem>>
      %dma_start3A_40 = arith.constant 0 : i32
      %dma_start3A_41 = tpu.memref_slice %arg10[%mul3A_0, %dma_start3A_40] : memref<10112x128xf32, #tpu.memory_space<vmem_shared>> -> memref<632x128xf32, #tpu.memory_space<vmem_shared>>
      tpu.enqueue_dma source(%arg5 : memref<632x128xf32, #tpu.memory_space<hbm>>) target(%dma_start3A_41 : memref<632x128xf32, #tpu.memory_space<vmem_shared>>) target_semaphore(%run_scoped3A : memref<!tpu.dma_semaphore, #tpu.memory_space<semaphore_mem>>)
      %dma_wait3A = arith.constant 0 : i32
      %dma_wait3A_42 = tpu.memref_slice %arg10[%mul3A_0, %dma_wait3A] : memref<10112x128xf32, #tpu.memory_space<vmem_shared>> -> memref<632x128xf32, #tpu.memory_space<vmem_shared>>
      tpu.wait_dma2 semaphore(%run_scoped3A : memref<!tpu.dma_semaphore, #tpu.memory_space<semaphore_mem>>) src(%arg5 : memref<632x128xf32, #tpu.memory_space<hbm>>) dst(%dma_wait3A_42 : memref<632x128xf32, #tpu.memory_space<vmem_shared>>)
      tpu.yield
    }) : () -> ()
    %barrier3A = arith.constant 0 : index
    tpu.barrier barrier_id(%barrier3A)
    "tpu.region"() ({
      %run_scoped3A = tpu.sem_alloc : memref<!tpu.dma_semaphore, #tpu.memory_space<semaphore_mem>>
      %dma_start3A_40 = arith.constant 0 : i32
      %dma_start3A_41 = arith.constant 0 : i32
      %dma_start3A_42 = tpu.memref_slice %arg3[%arg0, %arg1, %dma_start3A_40, %dma_start3A_41] : memref<2x16x80x128xi32, #tpu.memory_space<hbm>> -> memref<1x1x40x128xi32, #tpu.memory_space<hbm>>
      %dma_start3A_43 = tpu.memref_squeeze %dma_start3A_42 : memref<1x1x40x128xi32, #tpu.memory_space<hbm>> -> memref<40x128xi32, #tpu.memory_space<hbm>>
      %dma_start3A_44 = arith.constant 0 : i32
      %dma_start3A_45 = arith.constant 0 : i32
      %dma_start3A_46 = tpu.memref_slice %arg3[%arg0, %arg1, %dma_start3A_44, %dma_start3A_45] : memref<2x16x80x128xi32, #tpu.memory_space<hbm>> -> memref<1x1x40x128xi32, #tpu.memory_space<hbm>>
      %dma_start3A_47 = tpu.memref_squeeze %dma_start3A_46 : memref<1x1x40x128xi32, #tpu.memory_space<hbm>> -> memref<40x128xi32, #tpu.memory_space<hbm>>
      tpu.enqueue_dma source(%dma_start3A_47 : memref<40x128xi32, #tpu.memory_space<hbm>>) target(%arg7 : memref<40x128xi32, #tpu.memory_space<vmem>>) target_semaphore(%run_scoped3A : memref<!tpu.dma_semaphore, #tpu.memory_space<semaphore_mem>>)
      %dma_wait3A = arith.constant 0 : i32
      %dma_wait3A_48 = arith.constant 0 : i32
      %dma_wait3A_49 = tpu.memref_slice %arg3[%arg0, %arg1, %dma_wait3A, %dma_wait3A_48] : memref<2x16x80x128xi32, #tpu.memory_space<hbm>> -> memref<1x1x40x128xi32, #tpu.memory_space<hbm>>
      %dma_wait3A_50 = tpu.memref_squeeze %dma_wait3A_49 : memref<1x1x40x128xi32, #tpu.memory_space<hbm>> -> memref<40x128xi32, #tpu.memory_space<hbm>>
      %dma_wait3A_51 = arith.constant 0 : i32
      %dma_wait3A_52 = arith.constant 0 : i32
      %dma_wait3A_53 = tpu.memref_slice %arg3[%arg0, %arg1, %dma_wait3A_51, %dma_wait3A_52] : memref<2x16x80x128xi32, #tpu.memory_space<hbm>> -> memref<1x1x40x128xi32, #tpu.memory_space<hbm>>
      %dma_wait3A_54 = tpu.memref_squeeze %dma_wait3A_53 : memref<1x1x40x128xi32, #tpu.memory_space<hbm>> -> memref<40x128xi32, #tpu.memory_space<hbm>>
      tpu.wait_dma2 semaphore(%run_scoped3A : memref<!tpu.dma_semaphore, #tpu.memory_space<semaphore_mem>>) src(%dma_wait3A_54 : memref<40x128xi32, #tpu.memory_space<hbm>>) dst(%arg7 : memref<40x128xi32, #tpu.memory_space<vmem>>)
      tpu.yield
    }) : () -> ()
    "tpu.region"() ({
      %run_scoped3A = tpu.sem_alloc : memref<!tpu.dma_semaphore, #tpu.memory_space<semaphore_mem>>
      %dma_start3A_40 = arith.constant 0 : i32
      %dma_start3A_41 = arith.constant 0 : i32
      %dma_start3A_42 = tpu.memref_slice %arg4[%arg0, %arg1, %dma_start3A_40, %dma_start3A_41] : memref<2x16x80x128xi32, #tpu.memory_space<hbm>> -> memref<1x1x40x128xi32, #tpu.memory_space<hbm>>
      %dma_start3A_43 = tpu.memref_squeeze %dma_start3A_42 : memref<1x1x40x128xi32, #tpu.memory_space<hbm>> -> memref<40x128xi32, #tpu.memory_space<hbm>>
      %dma_start3A_44 = arith.constant 0 : i32
      %dma_start3A_45 = arith.constant 0 : i32
      %dma_start3A_46 = tpu.memref_slice %arg4[%arg0, %arg1, %dma_start3A_44, %dma_start3A_45] : memref<2x16x80x128xi32, #tpu.memory_space<hbm>> -> memref<1x1x40x128xi32, #tpu.memory_space<hbm>>
      %dma_start3A_47 = tpu.memref_squeeze %dma_start3A_46 : memref<1x1x40x128xi32, #tpu.memory_space<hbm>> -> memref<40x128xi32, #tpu.memory_space<hbm>>
      tpu.enqueue_dma source(%dma_start3A_47 : memref<40x128xi32, #tpu.memory_space<hbm>>) target(%arg8 : memref<40x128xi32, #tpu.memory_space<vmem>>) target_semaphore(%run_scoped3A : memref<!tpu.dma_semaphore, #tpu.memory_space<semaphore_mem>>)
      %dma_wait3A = arith.constant 0 : i32
      %dma_wait3A_48 = arith.constant 0 : i32
      %dma_wait3A_49 = tpu.memref_slice %arg4[%arg0, %arg1, %dma_wait3A, %dma_wait3A_48] : memref<2x16x80x128xi32, #tpu.memory_space<hbm>> -> memref<1x1x40x128xi32, #tpu.memory_space<hbm>>
      %dma_wait3A_50 = tpu.memref_squeeze %dma_wait3A_49 : memref<1x1x40x128xi32, #tpu.memory_space<hbm>> -> memref<40x128xi32, #tpu.memory_space<hbm>>
      %dma_wait3A_51 = arith.constant 0 : i32
      %dma_wait3A_52 = arith.constant 0 : i32
      %dma_wait3A_53 = tpu.memref_slice %arg4[%arg0, %arg1, %dma_wait3A_51, %dma_wait3A_52] : memref<2x16x80x128xi32, #tpu.memory_space<hbm>> -> memref<1x1x40x128xi32, #tpu.memory_space<hbm>>
      %dma_wait3A_54 = tpu.memref_squeeze %dma_wait3A_53 : memref<1x1x40x128xi32, #tpu.memory_space<hbm>> -> memref<40x128xi32, #tpu.memory_space<hbm>>
      tpu.wait_dma2 semaphore(%run_scoped3A : memref<!tpu.dma_semaphore, #tpu.memory_space<semaphore_mem>>) src(%dma_wait3A_54 : memref<40x128xi32, #tpu.memory_space<hbm>>) dst(%arg8 : memref<40x128xi32, #tpu.memory_space<vmem>>)
      tpu.yield
    }) : () -> ()
    %dma_start3A = arith.constant 0 : i32
    %dma_start3A_1 = arith.constant 0 : i32
    %dma_start3A_2 = arith.constant 0 : i32
    %dma_start3A_3 = arith.constant 0 : i32
    %dma_start3A_4 = tpu.memref_slice %arg9[%dma_start3A_1, %dma_start3A_2, %dma_start3A_3] : memref<2x128x128xf32, #tpu.memory_space<vmem>> -> memref<1x128x128xf32, #tpu.memory_space<vmem>>
    %dma_start3A_5 = tpu.memref_squeeze %dma_start3A_4 : memref<1x128x128xf32, #tpu.memory_space<vmem>> -> memref<128x128xf32, #tpu.memory_space<vmem>>
    %dma_start3A_6 = arith.constant 0 : i32
    %dma_start3A_7 = tpu.memref_slice %arg7[%dma_start3A, %dma_start3A_6] : memref<40x128xi32, #tpu.memory_space<vmem>> -> memref<1x128xi32, #tpu.memory_space<vmem>>
    %dma_start3A_8 = tpu.memref_squeeze %dma_start3A_7 : memref<1x128xi32, #tpu.memory_space<vmem>> -> memref<128xi32, #tpu.memory_space<vmem>>
    %dma_start3A_9 = arith.constant 0 : i32
    %dma_start3A_10 = arith.constant 0 : i32
    %dma_start3A_11 = tpu.memref_slice %arg2[%dma_start3A_9, %dma_start3A_10] : memref<10000x128xf32, #tpu.memory_space<hbm>> -> memref<10000x128xf32, #tpu.memory_space<hbm>>
    tpu.enqueue_indirect_dma source(%dma_start3A_11 : memref<10000x128xf32, #tpu.memory_space<hbm>>) target(%dma_start3A_5 : memref<128x128xf32, #tpu.memory_space<vmem>>) offsets(%dma_start3A_8 : memref<128xi32, #tpu.memory_space<vmem>>) semaphore(%arg11 : memref<!tpu.dma_semaphore, #tpu.memory_space<semaphore_mem>>)
    %scan3A = arith.constant 0 : i32
    %scan3A_12 = arith.constant 0 : i32
    %scan3A_13 = arith.constant 40 : i32
    %scan3A_14 = arith.addi %scan3A_12, %scan3A_13 : i32
    %scan3A_15 = arith.constant 1 : i32
    scf.for %scan3A_40 = %scan3A_12 to %scan3A_14 step %scan3A_15  : i32 {
      %add3A = arith.constant 1 : i32
      %add3A_41 = arith.addi %scan3A_40, %add3A : i32
      %lt3A = arith.constant 40 : i32
      %lt3A_42 = arith.cmpi slt, %add3A_41, %lt3A : i32
      %convert_element_type3A = arith.extui %lt3A_42 : i1 to i32
      %cond3A = arith.constant 0 : i32
      %cond3A_43 = arith.cmpi ne, %convert_element_type3A, %cond3A : i32
      scf.if %cond3A_43 {
        %add3A_99 = arith.constant 1 : i32
        %add3A_100 = arith.addi %scan3A_40, %add3A_99 : i32
        %add3A_101 = arith.constant 1 : i32
        %add3A_102 = arith.addi %scan3A_40, %add3A_101 : i32
        %jit3A_103 = arith.constant 2 : i32
        %eq3A_104 = arith.constant 0 : i32
        %eq3A_105 = arith.cmpi eq, %jit3A_103, %eq3A_104 : i32
        %jit3A_106 = arith.constant 1 : i32
        %select_n3A_107 = arith.select %eq3A_105, %jit3A_106, %jit3A_103 : i32
        %rem3A_108 = arith.remsi %add3A_102, %select_n3A_107 : i32
        %ne3A_109 = arith.constant 0 : i32
        %ne3A_110 = arith.cmpi ne, %rem3A_108, %ne3A_109 : i32
        %lt3A_111 = arith.constant 0 : i32
        %lt3A_112 = arith.cmpi slt, %rem3A_108, %lt3A_111 : i32
        %lt3A_113 = arith.constant 0 : i32
        %lt3A_114 = arith.cmpi slt, %select_n3A_107, %lt3A_113 : i32
        %ne3A_115 = arith.xori %lt3A_112, %lt3A_114 : i1
        %and3A_116 = arith.andi %ne3A_115, %ne3A_110 : i1
        %add3A_117 = arith.addi %rem3A_108, %select_n3A_107 : i32
        %select_n3A_118 = arith.select %and3A_116, %add3A_117, %rem3A_108 : i32
        %dma_start3A_119 = arith.constant 0 : i32
        %dma_start3A_120 = arith.constant 0 : i32
        %dma_start3A_121 = tpu.memref_slice %arg9[%select_n3A_118, %dma_start3A_119, %dma_start3A_120] : memref<2x128x128xf32, #tpu.memory_space<vmem>> -> memref<1x128x128xf32, #tpu.memory_space<vmem>>
        %dma_start3A_122 = tpu.memref_squeeze %dma_start3A_121 : memref<1x128x128xf32, #tpu.memory_space<vmem>> -> memref<128x128xf32, #tpu.memory_space<vmem>>
        %dma_start3A_123 = arith.constant 0 : i32
        %dma_start3A_124 = tpu.memref_slice %arg7[%add3A_100, %dma_start3A_123] : memref<40x128xi32, #tpu.memory_space<vmem>> -> memref<1x128xi32, #tpu.memory_space<vmem>>
        %dma_start3A_125 = tpu.memref_squeeze %dma_start3A_124 : memref<1x128xi32, #tpu.memory_space<vmem>> -> memref<128xi32, #tpu.memory_space<vmem>>
        %dma_start3A_126 = arith.constant 0 : i32
        %dma_start3A_127 = arith.constant 0 : i32
        %dma_start3A_128 = tpu.memref_slice %arg2[%dma_start3A_126, %dma_start3A_127] : memref<10000x128xf32, #tpu.memory_space<hbm>> -> memref<10000x128xf32, #tpu.memory_space<hbm>>
        tpu.enqueue_indirect_dma source(%dma_start3A_128 : memref<10000x128xf32, #tpu.memory_space<hbm>>) target(%dma_start3A_122 : memref<128x128xf32, #tpu.memory_space<vmem>>) offsets(%dma_start3A_125 : memref<128xi32, #tpu.memory_space<vmem>>) semaphore(%arg11 : memref<!tpu.dma_semaphore, #tpu.memory_space<semaphore_mem>>)
      } else {
      }
      %jit3A = arith.constant 2 : i32
      %eq3A = arith.constant 0 : i32
      %eq3A_44 = arith.cmpi eq, %jit3A, %eq3A : i32
      %jit3A_45 = arith.constant 1 : i32
      %select_n3A = arith.select %eq3A_44, %jit3A_45, %jit3A : i32
      %rem3A = arith.remsi %scan3A_40, %select_n3A : i32
      %ne3A = arith.constant 0 : i32
      %ne3A_46 = arith.cmpi ne, %rem3A, %ne3A : i32
      %lt3A_47 = arith.constant 0 : i32
      %lt3A_48 = arith.cmpi slt, %rem3A, %lt3A_47 : i32
      %lt3A_49 = arith.constant 0 : i32
      %lt3A_50 = arith.cmpi slt, %select_n3A, %lt3A_49 : i32
      %ne3A_51 = arith.xori %lt3A_48, %lt3A_50 : i1
      %and3A = arith.andi %ne3A_51, %ne3A_46 : i1
      %add3A_52 = arith.addi %rem3A, %select_n3A : i32
      %select_n3A_53 = arith.select %and3A, %add3A_52, %rem3A : i32
      %dma_wait3A = arith.constant 0 : i32
      %dma_wait3A_54 = arith.constant 0 : i32
      %dma_wait3A_55 = tpu.memref_slice %arg9[%select_n3A_53, %dma_wait3A, %dma_wait3A_54] : memref<2x128x128xf32, #tpu.memory_space<vmem>> -> memref<1x128x128xf32, #tpu.memory_space<vmem>>
      %dma_wait3A_56 = tpu.memref_squeeze %dma_wait3A_55 : memref<1x128x128xf32, #tpu.memory_space<vmem>> -> memref<128x128xf32, #tpu.memory_space<vmem>>
      %dma_wait3A_57 = arith.constant 0 : i32
      %dma_wait3A_58 = tpu.memref_slice %arg7[%scan3A_40, %dma_wait3A_57] : memref<40x128xi32, #tpu.memory_space<vmem>> -> memref<1x128xi32, #tpu.memory_space<vmem>>
      %dma_wait3A_59 = tpu.memref_squeeze %dma_wait3A_58 : memref<1x128xi32, #tpu.memory_space<vmem>> -> memref<128xi32, #tpu.memory_space<vmem>>
      %dma_wait3A_60 = arith.constant 0 : i32
      %dma_wait3A_61 = arith.constant 0 : i32
      %dma_wait3A_62 = tpu.memref_slice %arg2[%dma_wait3A_60, %dma_wait3A_61] : memref<10000x128xf32, #tpu.memory_space<hbm>> -> memref<10000x128xf32, #tpu.memory_space<hbm>>
      tpu.wait_indirect_dma semaphore(%arg11 : memref<!tpu.dma_semaphore, #tpu.memory_space<semaphore_mem>>) src(%dma_wait3A_62 : memref<10000x128xf32, #tpu.memory_space<hbm>>) dst(%dma_wait3A_56 : memref<128x128xf32, #tpu.memory_space<vmem>>)
      %jit3A_63 = arith.constant 2 : i32
      %eq3A_64 = arith.constant 0 : i32
      %eq3A_65 = arith.cmpi eq, %jit3A_63, %eq3A_64 : i32
      %jit3A_66 = arith.constant 1 : i32
      %select_n3A_67 = arith.select %eq3A_65, %jit3A_66, %jit3A_63 : i32
      %rem3A_68 = arith.remsi %scan3A_40, %select_n3A_67 : i32
      %ne3A_69 = arith.constant 0 : i32
      %ne3A_70 = arith.cmpi ne, %rem3A_68, %ne3A_69 : i32
      %lt3A_71 = arith.constant 0 : i32
      %lt3A_72 = arith.cmpi slt, %rem3A_68, %lt3A_71 : i32
      %lt3A_73 = arith.constant 0 : i32
      %lt3A_74 = arith.cmpi slt, %select_n3A_67, %lt3A_73 : i32
      %ne3A_75 = arith.xori %lt3A_72, %lt3A_74 : i1
      %and3A_76 = arith.andi %ne3A_75, %ne3A_70 : i1
      %add3A_77 = arith.addi %rem3A_68, %select_n3A_67 : i32
      %select_n3A_78 = arith.select %and3A_76, %add3A_77, %rem3A_68 : i32
      %dma_start3A_79 = arith.constant 0 : i32
      %dma_start3A_80 = arith.constant 0 : i32
      %dma_start3A_81 = tpu.memref_slice %arg9[%select_n3A_78, %dma_start3A_79, %dma_start3A_80] : memref<2x128x128xf32, #tpu.memory_space<vmem>> -> memref<1x128x128xf32, #tpu.memory_space<vmem>>
      %dma_start3A_82 = tpu.memref_squeeze %dma_start3A_81 : memref<1x128x128xf32, #tpu.memory_space<vmem>> -> memref<128x128xf32, #tpu.memory_space<vmem>>
      %dma_start3A_83 = arith.constant 0 : i32
      %dma_start3A_84 = tpu.memref_slice %arg8[%scan3A_40, %dma_start3A_83] : memref<40x128xi32, #tpu.memory_space<vmem>> -> memref<1x128xi32, #tpu.memory_space<vmem>>
      %dma_start3A_85 = tpu.memref_squeeze %dma_start3A_84 : memref<1x128xi32, #tpu.memory_space<vmem>> -> memref<128xi32, #tpu.memory_space<vmem>>
      %dma_start3A_86 = arith.constant 0 : i32
      %dma_start3A_87 = arith.constant 0 : i32
      %dma_start3A_88 = tpu.memref_slice %arg10[%dma_start3A_86, %dma_start3A_87] : memref<10112x128xf32, #tpu.memory_space<vmem_shared>> -> memref<10112x128xf32, #tpu.memory_space<vmem_shared>>
      tpu.enqueue_indirect_dma source(%dma_start3A_82 : memref<128x128xf32, #tpu.memory_space<vmem>>) target(%dma_start3A_88 : memref<10112x128xf32, #tpu.memory_space<vmem_shared>>) offsets(%dma_start3A_85 : memref<128xi32, #tpu.memory_space<vmem>>) semaphore(%arg12 : memref<!tpu.dma_semaphore, #tpu.memory_space<semaphore_mem>>) {add = true}
      %dma_wait3A_89 = arith.constant 0 : i32
      %dma_wait3A_90 = arith.constant 0 : i32
      %dma_wait3A_91 = tpu.memref_slice %arg9[%select_n3A_78, %dma_wait3A_89, %dma_wait3A_90] : memref<2x128x128xf32, #tpu.memory_space<vmem>> -> memref<1x128x128xf32, #tpu.memory_space<vmem>>
      %dma_wait3A_92 = tpu.memref_squeeze %dma_wait3A_91 : memref<1x128x128xf32, #tpu.memory_space<vmem>> -> memref<128x128xf32, #tpu.memory_space<vmem>>
      %dma_wait3A_93 = arith.constant 0 : i32
      %dma_wait3A_94 = tpu.memref_slice %arg8[%scan3A_40, %dma_wait3A_93] : memref<40x128xi32, #tpu.memory_space<vmem>> -> memref<1x128xi32, #tpu.memory_space<vmem>>
      %dma_wait3A_95 = tpu.memref_squeeze %dma_wait3A_94 : memref<1x128xi32, #tpu.memory_space<vmem>> -> memref<128xi32, #tpu.memory_space<vmem>>
      %dma_wait3A_96 = arith.constant 0 : i32
      %dma_wait3A_97 = arith.constant 0 : i32
      %dma_wait3A_98 = tpu.memref_slice %arg10[%dma_wait3A_96, %dma_wait3A_97] : memref<10112x128xf32, #tpu.memory_space<vmem_shared>> -> memref<10112x128xf32, #tpu.memory_space<vmem_shared>>
      tpu.wait_indirect_dma semaphore(%arg12 : memref<!tpu.dma_semaphore, #tpu.memory_space<semaphore_mem>>) src(%dma_wait3A_92 : memref<128x128xf32, #tpu.memory_space<vmem>>) dst(%dma_wait3A_98 : memref<10112x128xf32, #tpu.memory_space<vmem_shared>>)
    }
    %scan3A_16 = arith.constant 40 : i32
    "tpu.region"() ({
      %run_scoped3A = tpu.sem_alloc : memref<!tpu.dma_semaphore, #tpu.memory_space<semaphore_mem>>
      %dma_start3A_40 = arith.constant 40 : i32
      %dma_start3A_41 = arith.constant 0 : i32
      %dma_start3A_42 = tpu.memref_slice %arg3[%arg0, %arg1, %dma_start3A_40, %dma_start3A_41] : memref<2x16x80x128xi32, #tpu.memory_space<hbm>> -> memref<1x1x40x128xi32, #tpu.memory_space<hbm>>
      %dma_start3A_43 = tpu.memref_squeeze %dma_start3A_42 : memref<1x1x40x128xi32, #tpu.memory_space<hbm>> -> memref<40x128xi32, #tpu.memory_space<hbm>>
      %dma_start3A_44 = arith.constant 40 : i32
      %dma_start3A_45 = arith.constant 0 : i32
      %dma_start3A_46 = tpu.memref_slice %arg3[%arg0, %arg1, %dma_start3A_44, %dma_start3A_45] : memref<2x16x80x128xi32, #tpu.memory_space<hbm>> -> memref<1x1x40x128xi32, #tpu.memory_space<hbm>>
      %dma_start3A_47 = tpu.memref_squeeze %dma_start3A_46 : memref<1x1x40x128xi32, #tpu.memory_space<hbm>> -> memref<40x128xi32, #tpu.memory_space<hbm>>
      tpu.enqueue_dma source(%dma_start3A_47 : memref<40x128xi32, #tpu.memory_space<hbm>>) target(%arg7 : memref<40x128xi32, #tpu.memory_space<vmem>>) target_semaphore(%run_scoped3A : memref<!tpu.dma_semaphore, #tpu.memory_space<semaphore_mem>>)
      %dma_wait3A = arith.constant 40 : i32
      %dma_wait3A_48 = arith.constant 0 : i32
      %dma_wait3A_49 = tpu.memref_slice %arg3[%arg0, %arg1, %dma_wait3A, %dma_wait3A_48] : memref<2x16x80x128xi32, #tpu.memory_space<hbm>> -> memref<1x1x40x128xi32, #tpu.memory_space<hbm>>
      %dma_wait3A_50 = tpu.memref_squeeze %dma_wait3A_49 : memref<1x1x40x128xi32, #tpu.memory_space<hbm>> -> memref<40x128xi32, #tpu.memory_space<hbm>>
      %dma_wait3A_51 = arith.constant 40 : i32
      %dma_wait3A_52 = arith.constant 0 : i32
      %dma_wait3A_53 = tpu.memref_slice %arg3[%arg0, %arg1, %dma_wait3A_51, %dma_wait3A_52] : memref<2x16x80x128xi32, #tpu.memory_space<hbm>> -> memref<1x1x40x128xi32, #tpu.memory_space<hbm>>
      %dma_wait3A_54 = tpu.memref_squeeze %dma_wait3A_53 : memref<1x1x40x128xi32, #tpu.memory_space<hbm>> -> memref<40x128xi32, #tpu.memory_space<hbm>>
      tpu.wait_dma2 semaphore(%run_scoped3A : memref<!tpu.dma_semaphore, #tpu.memory_space<semaphore_mem>>) src(%dma_wait3A_54 : memref<40x128xi32, #tpu.memory_space<hbm>>) dst(%arg7 : memref<40x128xi32, #tpu.memory_space<vmem>>)
      tpu.yield
    }) : () -> ()
    "tpu.region"() ({
      %run_scoped3A = tpu.sem_alloc : memref<!tpu.dma_semaphore, #tpu.memory_space<semaphore_mem>>
      %dma_start3A_40 = arith.constant 40 : i32
      %dma_start3A_41 = arith.constant 0 : i32
      %dma_start3A_42 = tpu.memref_slice %arg4[%arg0, %arg1, %dma_start3A_40, %dma_start3A_41] : memref<2x16x80x128xi32, #tpu.memory_space<hbm>> -> memref<1x1x40x128xi32, #tpu.memory_space<hbm>>
      %dma_start3A_43 = tpu.memref_squeeze %dma_start3A_42 : memref<1x1x40x128xi32, #tpu.memory_space<hbm>> -> memref<40x128xi32, #tpu.memory_space<hbm>>
      %dma_start3A_44 = arith.constant 40 : i32
      %dma_start3A_45 = arith.constant 0 : i32
      %dma_start3A_46 = tpu.memref_slice %arg4[%arg0, %arg1, %dma_start3A_44, %dma_start3A_45] : memref<2x16x80x128xi32, #tpu.memory_space<hbm>> -> memref<1x1x40x128xi32, #tpu.memory_space<hbm>>
      %dma_start3A_47 = tpu.memref_squeeze %dma_start3A_46 : memref<1x1x40x128xi32, #tpu.memory_space<hbm>> -> memref<40x128xi32, #tpu.memory_space<hbm>>
      tpu.enqueue_dma source(%dma_start3A_47 : memref<40x128xi32, #tpu.memory_space<hbm>>) target(%arg8 : memref<40x128xi32, #tpu.memory_space<vmem>>) target_semaphore(%run_scoped3A : memref<!tpu.dma_semaphore, #tpu.memory_space<semaphore_mem>>)
      %dma_wait3A = arith.constant 40 : i32
      %dma_wait3A_48 = arith.constant 0 : i32
      %dma_wait3A_49 = tpu.memref_slice %arg4[%arg0, %arg1, %dma_wait3A, %dma_wait3A_48] : memref<2x16x80x128xi32, #tpu.memory_space<hbm>> -> memref<1x1x40x128xi32, #tpu.memory_space<hbm>>
      %dma_wait3A_50 = tpu.memref_squeeze %dma_wait3A_49 : memref<1x1x40x128xi32, #tpu.memory_space<hbm>> -> memref<40x128xi32, #tpu.memory_space<hbm>>
      %dma_wait3A_51 = arith.constant 40 : i32
      %dma_wait3A_52 = arith.constant 0 : i32
      %dma_wait3A_53 = tpu.memref_slice %arg4[%arg0, %arg1, %dma_wait3A_51, %dma_wait3A_52] : memref<2x16x80x128xi32, #tpu.memory_space<hbm>> -> memref<1x1x40x128xi32, #tpu.memory_space<hbm>>
      %dma_wait3A_54 = tpu.memref_squeeze %dma_wait3A_53 : memref<1x1x40x128xi32, #tpu.memory_space<hbm>> -> memref<40x128xi32, #tpu.memory_space<hbm>>
      tpu.wait_dma2 semaphore(%run_scoped3A : memref<!tpu.dma_semaphore, #tpu.memory_space<semaphore_mem>>) src(%dma_wait3A_54 : memref<40x128xi32, #tpu.memory_space<hbm>>) dst(%arg8 : memref<40x128xi32, #tpu.memory_space<vmem>>)
      tpu.yield
    }) : () -> ()
    %dma_start3A_17 = arith.constant 0 : i32
    %dma_start3A_18 = arith.constant 0 : i32
    %dma_start3A_19 = arith.constant 0 : i32
    %dma_start3A_20 = arith.constant 0 : i32
    %dma_start3A_21 = tpu.memref_slice %arg9[%dma_start3A_18, %dma_start3A_19, %dma_start3A_20] : memref<2x128x128xf32, #tpu.memory_space<vmem>> -> memref<1x128x128xf32, #tpu.memory_space<vmem>>
    %dma_start3A_22 = tpu.memref_squeeze %dma_start3A_21 : memref<1x128x128xf32, #tpu.memory_space<vmem>> -> memref<128x128xf32, #tpu.memory_space<vmem>>
    %dma_start3A_23 = arith.constant 0 : i32
    %dma_start3A_24 = tpu.memref_slice %arg7[%dma_start3A_17, %dma_start3A_23] : memref<40x128xi32, #tpu.memory_space<vmem>> -> memref<1x128xi32, #tpu.memory_space<vmem>>
    %dma_start3A_25 = tpu.memref_squeeze %dma_start3A_24 : memref<1x128xi32, #tpu.memory_space<vmem>> -> memref<128xi32, #tpu.memory_space<vmem>>
    %dma_start3A_26 = arith.constant 0 : i32
    %dma_start3A_27 = arith.constant 0 : i32
    %dma_start3A_28 = tpu.memref_slice %arg2[%dma_start3A_26, %dma_start3A_27] : memref<10000x128xf32, #tpu.memory_space<hbm>> -> memref<10000x128xf32, #tpu.memory_space<hbm>>
    tpu.enqueue_indirect_dma source(%dma_start3A_28 : memref<10000x128xf32, #tpu.memory_space<hbm>>) target(%dma_start3A_22 : memref<128x128xf32, #tpu.memory_space<vmem>>) offsets(%dma_start3A_25 : memref<128xi32, #tpu.memory_space<vmem>>) semaphore(%arg11 : memref<!tpu.dma_semaphore, #tpu.memory_space<semaphore_mem>>)
    %scan3A_29 = arith.constant 0 : i32
    %scan3A_30 = arith.constant 0 : i32
    %scan3A_31 = arith.constant 40 : i32
    %scan3A_32 = arith.addi %scan3A_30, %scan3A_31 : i32
    %scan3A_33 = arith.constant 1 : i32
    scf.for %scan3A_40 = %scan3A_30 to %scan3A_32 step %scan3A_33  : i32 {
      %add3A = arith.constant 1 : i32
      %add3A_41 = arith.addi %scan3A_40, %add3A : i32
      %lt3A = arith.constant 40 : i32
      %lt3A_42 = arith.cmpi slt, %add3A_41, %lt3A : i32
      %convert_element_type3A = arith.extui %lt3A_42 : i1 to i32
      %cond3A = arith.constant 0 : i32
      %cond3A_43 = arith.cmpi ne, %convert_element_type3A, %cond3A : i32
      scf.if %cond3A_43 {
        %add3A_99 = arith.constant 1 : i32
        %add3A_100 = arith.addi %scan3A_40, %add3A_99 : i32
        %add3A_101 = arith.constant 1 : i32
        %add3A_102 = arith.addi %scan3A_40, %add3A_101 : i32
        %jit3A_103 = arith.constant 2 : i32
        %eq3A_104 = arith.constant 0 : i32
        %eq3A_105 = arith.cmpi eq, %jit3A_103, %eq3A_104 : i32
        %jit3A_106 = arith.constant 1 : i32
        %select_n3A_107 = arith.select %eq3A_105, %jit3A_106, %jit3A_103 : i32
        %rem3A_108 = arith.remsi %add3A_102, %select_n3A_107 : i32
        %ne3A_109 = arith.constant 0 : i32
        %ne3A_110 = arith.cmpi ne, %rem3A_108, %ne3A_109 : i32
        %lt3A_111 = arith.constant 0 : i32
        %lt3A_112 = arith.cmpi slt, %rem3A_108, %lt3A_111 : i32
        %lt3A_113 = arith.constant 0 : i32
        %lt3A_114 = arith.cmpi slt, %select_n3A_107, %lt3A_113 : i32
        %ne3A_115 = arith.xori %lt3A_112, %lt3A_114 : i1
        %and3A_116 = arith.andi %ne3A_115, %ne3A_110 : i1
        %add3A_117 = arith.addi %rem3A_108, %select_n3A_107 : i32
        %select_n3A_118 = arith.select %and3A_116, %add3A_117, %rem3A_108 : i32
        %dma_start3A_119 = arith.constant 0 : i32
        %dma_start3A_120 = arith.constant 0 : i32
        %dma_start3A_121 = tpu.memref_slice %arg9[%select_n3A_118, %dma_start3A_119, %dma_start3A_120] : memref<2x128x128xf32, #tpu.memory_space<vmem>> -> memref<1x128x128xf32, #tpu.memory_space<vmem>>
        %dma_start3A_122 = tpu.memref_squeeze %dma_start3A_121 : memref<1x128x128xf32, #tpu.memory_space<vmem>> -> memref<128x128xf32, #tpu.memory_space<vmem>>
        %dma_start3A_123 = arith.constant 0 : i32
        %dma_start3A_124 = tpu.memref_slice %arg7[%add3A_100, %dma_start3A_123] : memref<40x128xi32, #tpu.memory_space<vmem>> -> memref<1x128xi32, #tpu.memory_space<vmem>>
        %dma_start3A_125 = tpu.memref_squeeze %dma_start3A_124 : memref<1x128xi32, #tpu.memory_space<vmem>> -> memref<128xi32, #tpu.memory_space<vmem>>
        %dma_start3A_126 = arith.constant 0 : i32
        %dma_start3A_127 = arith.constant 0 : i32
        %dma_start3A_128 = tpu.memref_slice %arg2[%dma_start3A_126, %dma_start3A_127] : memref<10000x128xf32, #tpu.memory_space<hbm>> -> memref<10000x128xf32, #tpu.memory_space<hbm>>
        tpu.enqueue_indirect_dma source(%dma_start3A_128 : memref<10000x128xf32, #tpu.memory_space<hbm>>) target(%dma_start3A_122 : memref<128x128xf32, #tpu.memory_space<vmem>>) offsets(%dma_start3A_125 : memref<128xi32, #tpu.memory_space<vmem>>) semaphore(%arg11 : memref<!tpu.dma_semaphore, #tpu.memory_space<semaphore_mem>>)
      } else {
      }
      %jit3A = arith.constant 2 : i32
      %eq3A = arith.constant 0 : i32
      %eq3A_44 = arith.cmpi eq, %jit3A, %eq3A : i32
      %jit3A_45 = arith.constant 1 : i32
      %select_n3A = arith.select %eq3A_44, %jit3A_45, %jit3A : i32
      %rem3A = arith.remsi %scan3A_40, %select_n3A : i32
      %ne3A = arith.constant 0 : i32
      %ne3A_46 = arith.cmpi ne, %rem3A, %ne3A : i32
      %lt3A_47 = arith.constant 0 : i32
      %lt3A_48 = arith.cmpi slt, %rem3A, %lt3A_47 : i32
      %lt3A_49 = arith.constant 0 : i32
      %lt3A_50 = arith.cmpi slt, %select_n3A, %lt3A_49 : i32
      %ne3A_51 = arith.xori %lt3A_48, %lt3A_50 : i1
      %and3A = arith.andi %ne3A_51, %ne3A_46 : i1
      %add3A_52 = arith.addi %rem3A, %select_n3A : i32
      %select_n3A_53 = arith.select %and3A, %add3A_52, %rem3A : i32
      %dma_wait3A = arith.constant 0 : i32
      %dma_wait3A_54 = arith.constant 0 : i32
      %dma_wait3A_55 = tpu.memref_slice %arg9[%select_n3A_53, %dma_wait3A, %dma_wait3A_54] : memref<2x128x128xf32, #tpu.memory_space<vmem>> -> memref<1x128x128xf32, #tpu.memory_space<vmem>>
      %dma_wait3A_56 = tpu.memref_squeeze %dma_wait3A_55 : memref<1x128x128xf32, #tpu.memory_space<vmem>> -> memref<128x128xf32, #tpu.memory_space<vmem>>
      %dma_wait3A_57 = arith.constant 0 : i32
      %dma_wait3A_58 = tpu.memref_slice %arg7[%scan3A_40, %dma_wait3A_57] : memref<40x128xi32, #tpu.memory_space<vmem>> -> memref<1x128xi32, #tpu.memory_space<vmem>>
      %dma_wait3A_59 = tpu.memref_squeeze %dma_wait3A_58 : memref<1x128xi32, #tpu.memory_space<vmem>> -> memref<128xi32, #tpu.memory_space<vmem>>
      %dma_wait3A_60 = arith.constant 0 : i32
      %dma_wait3A_61 = arith.constant 0 : i32
      %dma_wait3A_62 = tpu.memref_slice %arg2[%dma_wait3A_60, %dma_wait3A_61] : memref<10000x128xf32, #tpu.memory_space<hbm>> -> memref<10000x128xf32, #tpu.memory_space<hbm>>
      tpu.wait_indirect_dma semaphore(%arg11 : memref<!tpu.dma_semaphore, #tpu.memory_space<semaphore_mem>>) src(%dma_wait3A_62 : memref<10000x128xf32, #tpu.memory_space<hbm>>) dst(%dma_wait3A_56 : memref<128x128xf32, #tpu.memory_space<vmem>>)
      %jit3A_63 = arith.constant 2 : i32
      %eq3A_64 = arith.constant 0 : i32
      %eq3A_65 = arith.cmpi eq, %jit3A_63, %eq3A_64 : i32
      %jit3A_66 = arith.constant 1 : i32
      %select_n3A_67 = arith.select %eq3A_65, %jit3A_66, %jit3A_63 : i32
      %rem3A_68 = arith.remsi %scan3A_40, %select_n3A_67 : i32
      %ne3A_69 = arith.constant 0 : i32
      %ne3A_70 = arith.cmpi ne, %rem3A_68, %ne3A_69 : i32
      %lt3A_71 = arith.constant 0 : i32
      %lt3A_72 = arith.cmpi slt, %rem3A_68, %lt3A_71 : i32
      %lt3A_73 = arith.constant 0 : i32
      %lt3A_74 = arith.cmpi slt, %select_n3A_67, %lt3A_73 : i32
      %ne3A_75 = arith.xori %lt3A_72, %lt3A_74 : i1
      %and3A_76 = arith.andi %ne3A_75, %ne3A_70 : i1
      %add3A_77 = arith.addi %rem3A_68, %select_n3A_67 : i32
      %select_n3A_78 = arith.select %and3A_76, %add3A_77, %rem3A_68 : i32
      %dma_start3A_79 = arith.constant 0 : i32
      %dma_start3A_80 = arith.constant 0 : i32
      %dma_start3A_81 = tpu.memref_slice %arg9[%select_n3A_78, %dma_start3A_79, %dma_start3A_80] : memref<2x128x128xf32, #tpu.memory_space<vmem>> -> memref<1x128x128xf32, #tpu.memory_space<vmem>>
      %dma_start3A_82 = tpu.memref_squeeze %dma_start3A_81 : memref<1x128x128xf32, #tpu.memory_space<vmem>> -> memref<128x128xf32, #tpu.memory_space<vmem>>
      %dma_start3A_83 = arith.constant 0 : i32
      %dma_start3A_84 = tpu.memref_slice %arg8[%scan3A_40, %dma_start3A_83] : memref<40x128xi32, #tpu.memory_space<vmem>> -> memref<1x128xi32, #tpu.memory_space<vmem>>
      %dma_start3A_85 = tpu.memref_squeeze %dma_start3A_84 : memref<1x128xi32, #tpu.memory_space<vmem>> -> memref<128xi32, #tpu.memory_space<vmem>>
      %dma_start3A_86 = arith.constant 0 : i32
      %dma_start3A_87 = arith.constant 0 : i32
      %dma_start3A_88 = tpu.memref_slice %arg10[%dma_start3A_86, %dma_start3A_87] : memref<10112x128xf32, #tpu.memory_space<vmem_shared>> -> memref<10112x128xf32, #tpu.memory_space<vmem_shared>>
      tpu.enqueue_indirect_dma source(%dma_start3A_82 : memref<128x128xf32, #tpu.memory_space<vmem>>) target(%dma_start3A_88 : memref<10112x128xf32, #tpu.memory_space<vmem_shared>>) offsets(%dma_start3A_85 : memref<128xi32, #tpu.memory_space<vmem>>) semaphore(%arg12 : memref<!tpu.dma_semaphore, #tpu.memory_space<semaphore_mem>>) {add = true}
      %dma_wait3A_89 = arith.constant 0 : i32
      %dma_wait3A_90 = arith.constant 0 : i32
      %dma_wait3A_91 = tpu.memref_slice %arg9[%select_n3A_78, %dma_wait3A_89, %dma_wait3A_90] : memref<2x128x128xf32, #tpu.memory_space<vmem>> -> memref<1x128x128xf32, #tpu.memory_space<vmem>>
      %dma_wait3A_92 = tpu.memref_squeeze %dma_wait3A_91 : memref<1x128x128xf32, #tpu.memory_space<vmem>> -> memref<128x128xf32, #tpu.memory_space<vmem>>
      %dma_wait3A_93 = arith.constant 0 : i32
      %dma_wait3A_94 = tpu.memref_slice %arg8[%scan3A_40, %dma_wait3A_93] : memref<40x128xi32, #tpu.memory_space<vmem>> -> memref<1x128xi32, #tpu.memory_space<vmem>>
      %dma_wait3A_95 = tpu.memref_squeeze %dma_wait3A_94 : memref<1x128xi32, #tpu.memory_space<vmem>> -> memref<128xi32, #tpu.memory_space<vmem>>
      %dma_wait3A_96 = arith.constant 0 : i32
      %dma_wait3A_97 = arith.constant 0 : i32
      %dma_wait3A_98 = tpu.memref_slice %arg10[%dma_wait3A_96, %dma_wait3A_97] : memref<10112x128xf32, #tpu.memory_space<vmem_shared>> -> memref<10112x128xf32, #tpu.memory_space<vmem_shared>>
      tpu.wait_indirect_dma semaphore(%arg12 : memref<!tpu.dma_semaphore, #tpu.memory_space<semaphore_mem>>) src(%dma_wait3A_92 : memref<128x128xf32, #tpu.memory_space<vmem>>) dst(%dma_wait3A_98 : memref<10112x128xf32, #tpu.memory_space<vmem_shared>>)
    }
    %scan3A_34 = arith.constant 40 : i32
    %barrier3A_35 = arith.constant 0 : index
    tpu.barrier barrier_id(%barrier3A_35)
    %mul3A_36 = arith.constant 632 : i32
    %mul3A_37 = arith.muli %arg1, %mul3A_36 : i32
    %mul3A_38 = arith.constant 632 : i32
    %mul3A_39 = arith.muli %arg1, %mul3A_38 : i32
    "tpu.region"() ({
      %run_scoped3A = tpu.sem_alloc : memref<!tpu.dma_semaphore, #tpu.memory_space<semaphore_mem>>
      %dma_start3A_40 = arith.constant 0 : i32
      %dma_start3A_41 = tpu.memref_slice %arg6[%arg0, %mul3A_39, %dma_start3A_40] : memref<2x10112x128xf32, #tpu.memory_space<hbm>> -> memref<1x632x128xf32, #tpu.memory_space<hbm>>
      %dma_start3A_42 = tpu.memref_squeeze %dma_start3A_41 : memref<1x632x128xf32, #tpu.memory_space<hbm>> -> memref<632x128xf32, #tpu.memory_space<hbm>>
      %dma_start3A_43 = arith.constant 0 : i32
      %dma_start3A_44 = tpu.memref_slice %arg10[%mul3A_37, %dma_start3A_43] : memref<10112x128xf32, #tpu.memory_space<vmem_shared>> -> memref<632x128xf32, #tpu.memory_space<vmem_shared>>
      tpu.enqueue_dma source(%dma_start3A_44 : memref<632x128xf32, #tpu.memory_space<vmem_shared>>) target(%dma_start3A_42 : memref<632x128xf32, #tpu.memory_space<hbm>>) target_semaphore(%run_scoped3A : memref<!tpu.dma_semaphore, #tpu.memory_space<semaphore_mem>>)
      %dma_wait3A = arith.constant 0 : i32
      %dma_wait3A_45 = tpu.memref_slice %arg6[%arg0, %mul3A_39, %dma_wait3A] : memref<2x10112x128xf32, #tpu.memory_space<hbm>> -> memref<1x632x128xf32, #tpu.memory_space<hbm>>
      %dma_wait3A_46 = tpu.memref_squeeze %dma_wait3A_45 : memref<1x632x128xf32, #tpu.memory_space<hbm>> -> memref<632x128xf32, #tpu.memory_space<hbm>>
      %dma_wait3A_47 = arith.constant 0 : i32
      %dma_wait3A_48 = tpu.memref_slice %arg10[%mul3A_37, %dma_wait3A_47] : memref<10112x128xf32, #tpu.memory_space<vmem_shared>> -> memref<632x128xf32, #tpu.memory_space<vmem_shared>>
      tpu.wait_dma2 semaphore(%run_scoped3A : memref<!tpu.dma_semaphore, #tpu.memory_space<semaphore_mem>>) src(%dma_wait3A_48 : memref<632x128xf32, #tpu.memory_space<vmem_shared>>) dst(%dma_wait3A_46 : memref<632x128xf32, #tpu.memory_space<hbm>>)
      tpu.yield
    }) : () -> ()
    return
  }
}

#map = affine_map<(d0, d1) -> (0, 0)>
#map1 = affine_map<(d0, d1) -> (0, 0, 0, 0)>
#map2 = affine_map<(d0, d1) -> (0, 0, 0)>
module attributes {stable_mosaic.version = 14 : i64} {
  func.func @sc_agg(%arg0: i32, %arg1: i32, %arg2: memref<10000x128xf32, #tpu.memory_space<hbm>>, %arg3: memref<2x16x80x128xi32, #tpu.memory_space<hbm>>, %arg4: memref<2x16x80x128xi32, #tpu.memory_space<hbm>>, %arg5: memref<632x128xf32, #tpu.memory_space<hbm>>, %arg6: memref<2x10112x128xf32, #tpu.memory_space<hbm>>, %arg7: memref<40x128xi32, #tpu.memory_space<vmem>>, %arg8: memref<40x128xi32, #tpu.memory_space<vmem>>, %arg9: memref<2x128x128xf32, #tpu.memory_space<vmem>>, %arg10: memref<10112x128xf32, #tpu.memory_space<vmem_shared>>, %arg11: memref<!tpu.dma_semaphore, #tpu.memory_space<semaphore_mem>>, %arg12: memref<!tpu.dma_semaphore, #tpu.memory_space<semaphore_mem>>) attributes {dimension_semantics = [#tpu.dimension_semantics<core_parallel>, #tpu.dimension_semantics<subcore_parallel>], iteration_bounds = array<i64: 2, 16>, scalar_prefetch = 0 : i64, scratch_operands = 6 : i64, tpu.core_type = #tpu.core_type<sc_vector_subcore>, window_params = [{transform_indices = #map}, {transform_indices = #map1}, {transform_indices = #map1}, {transform_indices = #map}, {transform_indices = #map2}]} {
    %mul3A = arith.constant 632 : i32
    %mul3A_0 = arith.muli %arg1, %mul3A : i32
    "tpu.region"() ({
      %run_scoped3A = tpu.sem_alloc : memref<!tpu.dma_semaphore, #tpu.memory_space<semaphore_mem>>
      %dma_start3A_40 = arith.constant 0 : i32
      %dma_start3A_41 = tpu.memref_slice %arg10[%mul3A_0, %dma_start3A_40] : memref<10112x128xf32, #tpu.memory_space<vmem_shared>> -> memref<632x128xf32, #tpu.memory_space<vmem_shared>>
      tpu.enqueue_dma source(%arg5 : memref<632x128xf32, #tpu.memory_space<hbm>>) target(%dma_start3A_41 : memref<632x128xf32, #tpu.memory_space<vmem_shared>>) target_semaphore(%run_scoped3A : memref<!tpu.dma_semaphore, #tpu.memory_space<semaphore_mem>>)
      %dma_wait3A = arith.constant 0 : i32
      %dma_wait3A_42 = tpu.memref_slice %arg10[%mul3A_0, %dma_wait3A] : memref<10112x128xf32, #tpu.memory_space<vmem_shared>> -> memref<632x128xf32, #tpu.memory_space<vmem_shared>>
      tpu.wait_dma2 semaphore(%run_scoped3A : memref<!tpu.dma_semaphore, #tpu.memory_space<semaphore_mem>>) src(%arg5 : memref<632x128xf32, #tpu.memory_space<hbm>>) dst(%dma_wait3A_42 : memref<632x128xf32, #tpu.memory_space<vmem_shared>>)
      tpu.yield
    }) : () -> ()
    %barrier3A = arith.constant 0 : index
    tpu.barrier barrier_id(%barrier3A)
    "tpu.region"() ({
      %run_scoped3A = tpu.sem_alloc : memref<!tpu.dma_semaphore, #tpu.memory_space<semaphore_mem>>
      %dma_start3A_40 = arith.constant 0 : i32
      %dma_start3A_41 = arith.constant 0 : i32
      %dma_start3A_42 = tpu.memref_slice %arg3[%arg0, %arg1, %dma_start3A_40, %dma_start3A_41] : memref<2x16x80x128xi32, #tpu.memory_space<hbm>> -> memref<1x1x40x128xi32, #tpu.memory_space<hbm>>
      %dma_start3A_43 = tpu.memref_squeeze %dma_start3A_42 : memref<1x1x40x128xi32, #tpu.memory_space<hbm>> -> memref<40x128xi32, #tpu.memory_space<hbm>>
      %dma_start3A_44 = arith.constant 0 : i32
      %dma_start3A_45 = arith.constant 0 : i32
      %dma_start3A_46 = tpu.memref_slice %arg3[%arg0, %arg1, %dma_start3A_44, %dma_start3A_45] : memref<2x16x80x128xi32, #tpu.memory_space<hbm>> -> memref<1x1x40x128xi32, #tpu.memory_space<hbm>>
      %dma_start3A_47 = tpu.memref_squeeze %dma_start3A_46 : memref<1x1x40x128xi32, #tpu.memory_space<hbm>> -> memref<40x128xi32, #tpu.memory_space<hbm>>
      tpu.enqueue_dma source(%dma_start3A_47 : memref<40x128xi32, #tpu.memory_space<hbm>>) target(%arg7 : memref<40x128xi32, #tpu.memory_space<vmem>>) target_semaphore(%run_scoped3A : memref<!tpu.dma_semaphore, #tpu.memory_space<semaphore_mem>>)
      %dma_wait3A = arith.constant 0 : i32
      %dma_wait3A_48 = arith.constant 0 : i32
      %dma_wait3A_49 = tpu.memref_slice %arg3[%arg0, %arg1, %dma_wait3A, %dma_wait3A_48] : memref<2x16x80x128xi32, #tpu.memory_space<hbm>> -> memref<1x1x40x128xi32, #tpu.memory_space<hbm>>
      %dma_wait3A_50 = tpu.memref_squeeze %dma_wait3A_49 : memref<1x1x40x128xi32, #tpu.memory_space<hbm>> -> memref<40x128xi32, #tpu.memory_space<hbm>>
      %dma_wait3A_51 = arith.constant 0 : i32
      %dma_wait3A_52 = arith.constant 0 : i32
      %dma_wait3A_53 = tpu.memref_slice %arg3[%arg0, %arg1, %dma_wait3A_51, %dma_wait3A_52] : memref<2x16x80x128xi32, #tpu.memory_space<hbm>> -> memref<1x1x40x128xi32, #tpu.memory_space<hbm>>
      %dma_wait3A_54 = tpu.memref_squeeze %dma_wait3A_53 : memref<1x1x40x128xi32, #tpu.memory_space<hbm>> -> memref<40x128xi32, #tpu.memory_space<hbm>>
      tpu.wait_dma2 semaphore(%run_scoped3A : memref<!tpu.dma_semaphore, #tpu.memory_space<semaphore_mem>>) src(%dma_wait3A_54 : memref<40x128xi32, #tpu.memory_space<hbm>>) dst(%arg7 : memref<40x128xi32, #tpu.memory_space<vmem>>)
      tpu.yield
    }) : () -> ()
    "tpu.region"() ({
      %run_scoped3A = tpu.sem_alloc : memref<!tpu.dma_semaphore, #tpu.memory_space<semaphore_mem>>
      %dma_start3A_40 = arith.constant 0 : i32
      %dma_start3A_41 = arith.constant 0 : i32
      %dma_start3A_42 = tpu.memref_slice %arg4[%arg0, %arg1, %dma_start3A_40, %dma_start3A_41] : memref<2x16x80x128xi32, #tpu.memory_space<hbm>> -> memref<1x1x40x128xi32, #tpu.memory_space<hbm>>
      %dma_start3A_43 = tpu.memref_squeeze %dma_start3A_42 : memref<1x1x40x128xi32, #tpu.memory_space<hbm>> -> memref<40x128xi32, #tpu.memory_space<hbm>>
      %dma_start3A_44 = arith.constant 0 : i32
      %dma_start3A_45 = arith.constant 0 : i32
      %dma_start3A_46 = tpu.memref_slice %arg4[%arg0, %arg1, %dma_start3A_44, %dma_start3A_45] : memref<2x16x80x128xi32, #tpu.memory_space<hbm>> -> memref<1x1x40x128xi32, #tpu.memory_space<hbm>>
      %dma_start3A_47 = tpu.memref_squeeze %dma_start3A_46 : memref<1x1x40x128xi32, #tpu.memory_space<hbm>> -> memref<40x128xi32, #tpu.memory_space<hbm>>
      tpu.enqueue_dma source(%dma_start3A_47 : memref<40x128xi32, #tpu.memory_space<hbm>>) target(%arg8 : memref<40x128xi32, #tpu.memory_space<vmem>>) target_semaphore(%run_scoped3A : memref<!tpu.dma_semaphore, #tpu.memory_space<semaphore_mem>>)
      %dma_wait3A = arith.constant 0 : i32
      %dma_wait3A_48 = arith.constant 0 : i32
      %dma_wait3A_49 = tpu.memref_slice %arg4[%arg0, %arg1, %dma_wait3A, %dma_wait3A_48] : memref<2x16x80x128xi32, #tpu.memory_space<hbm>> -> memref<1x1x40x128xi32, #tpu.memory_space<hbm>>
      %dma_wait3A_50 = tpu.memref_squeeze %dma_wait3A_49 : memref<1x1x40x128xi32, #tpu.memory_space<hbm>> -> memref<40x128xi32, #tpu.memory_space<hbm>>
      %dma_wait3A_51 = arith.constant 0 : i32
      %dma_wait3A_52 = arith.constant 0 : i32
      %dma_wait3A_53 = tpu.memref_slice %arg4[%arg0, %arg1, %dma_wait3A_51, %dma_wait3A_52] : memref<2x16x80x128xi32, #tpu.memory_space<hbm>> -> memref<1x1x40x128xi32, #tpu.memory_space<hbm>>
      %dma_wait3A_54 = tpu.memref_squeeze %dma_wait3A_53 : memref<1x1x40x128xi32, #tpu.memory_space<hbm>> -> memref<40x128xi32, #tpu.memory_space<hbm>>
      tpu.wait_dma2 semaphore(%run_scoped3A : memref<!tpu.dma_semaphore, #tpu.memory_space<semaphore_mem>>) src(%dma_wait3A_54 : memref<40x128xi32, #tpu.memory_space<hbm>>) dst(%arg8 : memref<40x128xi32, #tpu.memory_space<vmem>>)
      tpu.yield
    }) : () -> ()
    %dma_start3A = arith.constant 0 : i32
    %dma_start3A_1 = arith.constant 0 : i32
    %dma_start3A_2 = arith.constant 0 : i32
    %dma_start3A_3 = arith.constant 0 : i32
    %dma_start3A_4 = tpu.memref_slice %arg9[%dma_start3A_1, %dma_start3A_2, %dma_start3A_3] : memref<2x128x128xf32, #tpu.memory_space<vmem>> -> memref<1x128x128xf32, #tpu.memory_space<vmem>>
    %dma_start3A_5 = tpu.memref_squeeze %dma_start3A_4 : memref<1x128x128xf32, #tpu.memory_space<vmem>> -> memref<128x128xf32, #tpu.memory_space<vmem>>
    %dma_start3A_6 = arith.constant 0 : i32
    %dma_start3A_7 = tpu.memref_slice %arg7[%dma_start3A, %dma_start3A_6] : memref<40x128xi32, #tpu.memory_space<vmem>> -> memref<1x128xi32, #tpu.memory_space<vmem>>
    %dma_start3A_8 = tpu.memref_squeeze %dma_start3A_7 : memref<1x128xi32, #tpu.memory_space<vmem>> -> memref<128xi32, #tpu.memory_space<vmem>>
    %dma_start3A_9 = arith.constant 0 : i32
    %dma_start3A_10 = arith.constant 0 : i32
    %dma_start3A_11 = tpu.memref_slice %arg2[%dma_start3A_9, %dma_start3A_10] : memref<10000x128xf32, #tpu.memory_space<hbm>> -> memref<10000x128xf32, #tpu.memory_space<hbm>>
    tpu.enqueue_indirect_dma source(%dma_start3A_11 : memref<10000x128xf32, #tpu.memory_space<hbm>>) target(%dma_start3A_5 : memref<128x128xf32, #tpu.memory_space<vmem>>) offsets(%dma_start3A_8 : memref<128xi32, #tpu.memory_space<vmem>>) semaphore(%arg11 : memref<!tpu.dma_semaphore, #tpu.memory_space<semaphore_mem>>)
    %scan3A = arith.constant 0 : i32
    %scan3A_12 = arith.constant 0 : i32
    %scan3A_13 = arith.constant 40 : i32
    %scan3A_14 = arith.addi %scan3A_12, %scan3A_13 : i32
    %scan3A_15 = arith.constant 1 : i32
    scf.for %scan3A_40 = %scan3A_12 to %scan3A_14 step %scan3A_15  : i32 {
      %add3A = arith.constant 1 : i32
      %add3A_41 = arith.addi %scan3A_40, %add3A : i32
      %lt3A = arith.constant 40 : i32
      %lt3A_42 = arith.cmpi slt, %add3A_41, %lt3A : i32
      %convert_element_type3A = arith.extui %lt3A_42 : i1 to i32
      %cond3A = arith.constant 0 : i32
      %cond3A_43 = arith.cmpi ne, %convert_element_type3A, %cond3A : i32
      scf.if %cond3A_43 {
        %add3A_99 = arith.constant 1 : i32
        %add3A_100 = arith.addi %scan3A_40, %add3A_99 : i32
        %add3A_101 = arith.constant 1 : i32
        %add3A_102 = arith.addi %scan3A_40, %add3A_101 : i32
        %jit3A_103 = arith.constant 2 : i32
        %eq3A_104 = arith.constant 0 : i32
        %eq3A_105 = arith.cmpi eq, %jit3A_103, %eq3A_104 : i32
        %jit3A_106 = arith.constant 1 : i32
        %select_n3A_107 = arith.select %eq3A_105, %jit3A_106, %jit3A_103 : i32
        %rem3A_108 = arith.remsi %add3A_102, %select_n3A_107 : i32
        %ne3A_109 = arith.constant 0 : i32
        %ne3A_110 = arith.cmpi ne, %rem3A_108, %ne3A_109 : i32
        %lt3A_111 = arith.constant 0 : i32
        %lt3A_112 = arith.cmpi slt, %rem3A_108, %lt3A_111 : i32
        %lt3A_113 = arith.constant 0 : i32
        %lt3A_114 = arith.cmpi slt, %select_n3A_107, %lt3A_113 : i32
        %ne3A_115 = arith.xori %lt3A_112, %lt3A_114 : i1
        %and3A_116 = arith.andi %ne3A_115, %ne3A_110 : i1
        %add3A_117 = arith.addi %rem3A_108, %select_n3A_107 : i32
        %select_n3A_118 = arith.select %and3A_116, %add3A_117, %rem3A_108 : i32
        %dma_start3A_119 = arith.constant 0 : i32
        %dma_start3A_120 = arith.constant 0 : i32
        %dma_start3A_121 = tpu.memref_slice %arg9[%select_n3A_118, %dma_start3A_119, %dma_start3A_120] : memref<2x128x128xf32, #tpu.memory_space<vmem>> -> memref<1x128x128xf32, #tpu.memory_space<vmem>>
        %dma_start3A_122 = tpu.memref_squeeze %dma_start3A_121 : memref<1x128x128xf32, #tpu.memory_space<vmem>> -> memref<128x128xf32, #tpu.memory_space<vmem>>
        %dma_start3A_123 = arith.constant 0 : i32
        %dma_start3A_124 = tpu.memref_slice %arg7[%add3A_100, %dma_start3A_123] : memref<40x128xi32, #tpu.memory_space<vmem>> -> memref<1x128xi32, #tpu.memory_space<vmem>>
        %dma_start3A_125 = tpu.memref_squeeze %dma_start3A_124 : memref<1x128xi32, #tpu.memory_space<vmem>> -> memref<128xi32, #tpu.memory_space<vmem>>
        %dma_start3A_126 = arith.constant 0 : i32
        %dma_start3A_127 = arith.constant 0 : i32
        %dma_start3A_128 = tpu.memref_slice %arg2[%dma_start3A_126, %dma_start3A_127] : memref<10000x128xf32, #tpu.memory_space<hbm>> -> memref<10000x128xf32, #tpu.memory_space<hbm>>
        tpu.enqueue_indirect_dma source(%dma_start3A_128 : memref<10000x128xf32, #tpu.memory_space<hbm>>) target(%dma_start3A_122 : memref<128x128xf32, #tpu.memory_space<vmem>>) offsets(%dma_start3A_125 : memref<128xi32, #tpu.memory_space<vmem>>) semaphore(%arg11 : memref<!tpu.dma_semaphore, #tpu.memory_space<semaphore_mem>>)
      } else {
      }
      %jit3A = arith.constant 2 : i32
      %eq3A = arith.constant 0 : i32
      %eq3A_44 = arith.cmpi eq, %jit3A, %eq3A : i32
      %jit3A_45 = arith.constant 1 : i32
      %select_n3A = arith.select %eq3A_44, %jit3A_45, %jit3A : i32
      %rem3A = arith.remsi %scan3A_40, %select_n3A : i32
      %ne3A = arith.constant 0 : i32
      %ne3A_46 = arith.cmpi ne, %rem3A, %ne3A : i32
      %lt3A_47 = arith.constant 0 : i32
      %lt3A_48 = arith.cmpi slt, %rem3A, %lt3A_47 : i32
      %lt3A_49 = arith.constant 0 : i32
      %lt3A_50 = arith.cmpi slt, %select_n3A, %lt3A_49 : i32
      %ne3A_51 = arith.xori %lt3A_48, %lt3A_50 : i1
      %and3A = arith.andi %ne3A_51, %ne3A_46 : i1
      %add3A_52 = arith.addi %rem3A, %select_n3A : i32
      %select_n3A_53 = arith.select %and3A, %add3A_52, %rem3A : i32
      %dma_wait3A = arith.constant 0 : i32
      %dma_wait3A_54 = arith.constant 0 : i32
      %dma_wait3A_55 = tpu.memref_slice %arg9[%select_n3A_53, %dma_wait3A, %dma_wait3A_54] : memref<2x128x128xf32, #tpu.memory_space<vmem>> -> memref<1x128x128xf32, #tpu.memory_space<vmem>>
      %dma_wait3A_56 = tpu.memref_squeeze %dma_wait3A_55 : memref<1x128x128xf32, #tpu.memory_space<vmem>> -> memref<128x128xf32, #tpu.memory_space<vmem>>
      %dma_wait3A_57 = arith.constant 0 : i32
      %dma_wait3A_58 = tpu.memref_slice %arg7[%scan3A_40, %dma_wait3A_57] : memref<40x128xi32, #tpu.memory_space<vmem>> -> memref<1x128xi32, #tpu.memory_space<vmem>>
      %dma_wait3A_59 = tpu.memref_squeeze %dma_wait3A_58 : memref<1x128xi32, #tpu.memory_space<vmem>> -> memref<128xi32, #tpu.memory_space<vmem>>
      %dma_wait3A_60 = arith.constant 0 : i32
      %dma_wait3A_61 = arith.constant 0 : i32
      %dma_wait3A_62 = tpu.memref_slice %arg2[%dma_wait3A_60, %dma_wait3A_61] : memref<10000x128xf32, #tpu.memory_space<hbm>> -> memref<10000x128xf32, #tpu.memory_space<hbm>>
      tpu.wait_indirect_dma semaphore(%arg11 : memref<!tpu.dma_semaphore, #tpu.memory_space<semaphore_mem>>) src(%dma_wait3A_62 : memref<10000x128xf32, #tpu.memory_space<hbm>>) dst(%dma_wait3A_56 : memref<128x128xf32, #tpu.memory_space<vmem>>)
      %jit3A_63 = arith.constant 2 : i32
      %eq3A_64 = arith.constant 0 : i32
      %eq3A_65 = arith.cmpi eq, %jit3A_63, %eq3A_64 : i32
      %jit3A_66 = arith.constant 1 : i32
      %select_n3A_67 = arith.select %eq3A_65, %jit3A_66, %jit3A_63 : i32
      %rem3A_68 = arith.remsi %scan3A_40, %select_n3A_67 : i32
      %ne3A_69 = arith.constant 0 : i32
      %ne3A_70 = arith.cmpi ne, %rem3A_68, %ne3A_69 : i32
      %lt3A_71 = arith.constant 0 : i32
      %lt3A_72 = arith.cmpi slt, %rem3A_68, %lt3A_71 : i32
      %lt3A_73 = arith.constant 0 : i32
      %lt3A_74 = arith.cmpi slt, %select_n3A_67, %lt3A_73 : i32
      %ne3A_75 = arith.xori %lt3A_72, %lt3A_74 : i1
      %and3A_76 = arith.andi %ne3A_75, %ne3A_70 : i1
      %add3A_77 = arith.addi %rem3A_68, %select_n3A_67 : i32
      %select_n3A_78 = arith.select %and3A_76, %add3A_77, %rem3A_68 : i32
      %dma_start3A_79 = arith.constant 0 : i32
      %dma_start3A_80 = arith.constant 0 : i32
      %dma_start3A_81 = tpu.memref_slice %arg9[%select_n3A_78, %dma_start3A_79, %dma_start3A_80] : memref<2x128x128xf32, #tpu.memory_space<vmem>> -> memref<1x128x128xf32, #tpu.memory_space<vmem>>
      %dma_start3A_82 = tpu.memref_squeeze %dma_start3A_81 : memref<1x128x128xf32, #tpu.memory_space<vmem>> -> memref<128x128xf32, #tpu.memory_space<vmem>>
      %dma_start3A_83 = arith.constant 0 : i32
      %dma_start3A_84 = tpu.memref_slice %arg8[%scan3A_40, %dma_start3A_83] : memref<40x128xi32, #tpu.memory_space<vmem>> -> memref<1x128xi32, #tpu.memory_space<vmem>>
      %dma_start3A_85 = tpu.memref_squeeze %dma_start3A_84 : memref<1x128xi32, #tpu.memory_space<vmem>> -> memref<128xi32, #tpu.memory_space<vmem>>
      %dma_start3A_86 = arith.constant 0 : i32
      %dma_start3A_87 = arith.constant 0 : i32
      %dma_start3A_88 = tpu.memref_slice %arg10[%dma_start3A_86, %dma_start3A_87] : memref<10112x128xf32, #tpu.memory_space<vmem_shared>> -> memref<10112x128xf32, #tpu.memory_space<vmem_shared>>
      tpu.enqueue_indirect_dma source(%dma_start3A_82 : memref<128x128xf32, #tpu.memory_space<vmem>>) target(%dma_start3A_88 : memref<10112x128xf32, #tpu.memory_space<vmem_shared>>) offsets(%dma_start3A_85 : memref<128xi32, #tpu.memory_space<vmem>>) semaphore(%arg12 : memref<!tpu.dma_semaphore, #tpu.memory_space<semaphore_mem>>) {add = true}
      %dma_wait3A_89 = arith.constant 0 : i32
      %dma_wait3A_90 = arith.constant 0 : i32
      %dma_wait3A_91 = tpu.memref_slice %arg9[%select_n3A_78, %dma_wait3A_89, %dma_wait3A_90] : memref<2x128x128xf32, #tpu.memory_space<vmem>> -> memref<1x128x128xf32, #tpu.memory_space<vmem>>
      %dma_wait3A_92 = tpu.memref_squeeze %dma_wait3A_91 : memref<1x128x128xf32, #tpu.memory_space<vmem>> -> memref<128x128xf32, #tpu.memory_space<vmem>>
      %dma_wait3A_93 = arith.constant 0 : i32
      %dma_wait3A_94 = tpu.memref_slice %arg8[%scan3A_40, %dma_wait3A_93] : memref<40x128xi32, #tpu.memory_space<vmem>> -> memref<1x128xi32, #tpu.memory_space<vmem>>
      %dma_wait3A_95 = tpu.memref_squeeze %dma_wait3A_94 : memref<1x128xi32, #tpu.memory_space<vmem>> -> memref<128xi32, #tpu.memory_space<vmem>>
      %dma_wait3A_96 = arith.constant 0 : i32
      %dma_wait3A_97 = arith.constant 0 : i32
      %dma_wait3A_98 = tpu.memref_slice %arg10[%dma_wait3A_96, %dma_wait3A_97] : memref<10112x128xf32, #tpu.memory_space<vmem_shared>> -> memref<10112x128xf32, #tpu.memory_space<vmem_shared>>
      tpu.wait_indirect_dma semaphore(%arg12 : memref<!tpu.dma_semaphore, #tpu.memory_space<semaphore_mem>>) src(%dma_wait3A_92 : memref<128x128xf32, #tpu.memory_space<vmem>>) dst(%dma_wait3A_98 : memref<10112x128xf32, #tpu.memory_space<vmem_shared>>)
    }
    %scan3A_16 = arith.constant 40 : i32
    "tpu.region"() ({
      %run_scoped3A = tpu.sem_alloc : memref<!tpu.dma_semaphore, #tpu.memory_space<semaphore_mem>>
      %dma_start3A_40 = arith.constant 40 : i32
      %dma_start3A_41 = arith.constant 0 : i32
      %dma_start3A_42 = tpu.memref_slice %arg3[%arg0, %arg1, %dma_start3A_40, %dma_start3A_41] : memref<2x16x80x128xi32, #tpu.memory_space<hbm>> -> memref<1x1x40x128xi32, #tpu.memory_space<hbm>>
      %dma_start3A_43 = tpu.memref_squeeze %dma_start3A_42 : memref<1x1x40x128xi32, #tpu.memory_space<hbm>> -> memref<40x128xi32, #tpu.memory_space<hbm>>
      %dma_start3A_44 = arith.constant 40 : i32
      %dma_start3A_45 = arith.constant 0 : i32
      %dma_start3A_46 = tpu.memref_slice %arg3[%arg0, %arg1, %dma_start3A_44, %dma_start3A_45] : memref<2x16x80x128xi32, #tpu.memory_space<hbm>> -> memref<1x1x40x128xi32, #tpu.memory_space<hbm>>
      %dma_start3A_47 = tpu.memref_squeeze %dma_start3A_46 : memref<1x1x40x128xi32, #tpu.memory_space<hbm>> -> memref<40x128xi32, #tpu.memory_space<hbm>>
      tpu.enqueue_dma source(%dma_start3A_47 : memref<40x128xi32, #tpu.memory_space<hbm>>) target(%arg7 : memref<40x128xi32, #tpu.memory_space<vmem>>) target_semaphore(%run_scoped3A : memref<!tpu.dma_semaphore, #tpu.memory_space<semaphore_mem>>)
      %dma_wait3A = arith.constant 40 : i32
      %dma_wait3A_48 = arith.constant 0 : i32
      %dma_wait3A_49 = tpu.memref_slice %arg3[%arg0, %arg1, %dma_wait3A, %dma_wait3A_48] : memref<2x16x80x128xi32, #tpu.memory_space<hbm>> -> memref<1x1x40x128xi32, #tpu.memory_space<hbm>>
      %dma_wait3A_50 = tpu.memref_squeeze %dma_wait3A_49 : memref<1x1x40x128xi32, #tpu.memory_space<hbm>> -> memref<40x128xi32, #tpu.memory_space<hbm>>
      %dma_wait3A_51 = arith.constant 40 : i32
      %dma_wait3A_52 = arith.constant 0 : i32
      %dma_wait3A_53 = tpu.memref_slice %arg3[%arg0, %arg1, %dma_wait3A_51, %dma_wait3A_52] : memref<2x16x80x128xi32, #tpu.memory_space<hbm>> -> memref<1x1x40x128xi32, #tpu.memory_space<hbm>>
      %dma_wait3A_54 = tpu.memref_squeeze %dma_wait3A_53 : memref<1x1x40x128xi32, #tpu.memory_space<hbm>> -> memref<40x128xi32, #tpu.memory_space<hbm>>
      tpu.wait_dma2 semaphore(%run_scoped3A : memref<!tpu.dma_semaphore, #tpu.memory_space<semaphore_mem>>) src(%dma_wait3A_54 : memref<40x128xi32, #tpu.memory_space<hbm>>) dst(%arg7 : memref<40x128xi32, #tpu.memory_space<vmem>>)
      tpu.yield
    }) : () -> ()
    "tpu.region"() ({
      %run_scoped3A = tpu.sem_alloc : memref<!tpu.dma_semaphore, #tpu.memory_space<semaphore_mem>>
      %dma_start3A_40 = arith.constant 40 : i32
      %dma_start3A_41 = arith.constant 0 : i32
      %dma_start3A_42 = tpu.memref_slice %arg4[%arg0, %arg1, %dma_start3A_40, %dma_start3A_41] : memref<2x16x80x128xi32, #tpu.memory_space<hbm>> -> memref<1x1x40x128xi32, #tpu.memory_space<hbm>>
      %dma_start3A_43 = tpu.memref_squeeze %dma_start3A_42 : memref<1x1x40x128xi32, #tpu.memory_space<hbm>> -> memref<40x128xi32, #tpu.memory_space<hbm>>
      %dma_start3A_44 = arith.constant 40 : i32
      %dma_start3A_45 = arith.constant 0 : i32
      %dma_start3A_46 = tpu.memref_slice %arg4[%arg0, %arg1, %dma_start3A_44, %dma_start3A_45] : memref<2x16x80x128xi32, #tpu.memory_space<hbm>> -> memref<1x1x40x128xi32, #tpu.memory_space<hbm>>
      %dma_start3A_47 = tpu.memref_squeeze %dma_start3A_46 : memref<1x1x40x128xi32, #tpu.memory_space<hbm>> -> memref<40x128xi32, #tpu.memory_space<hbm>>
      tpu.enqueue_dma source(%dma_start3A_47 : memref<40x128xi32, #tpu.memory_space<hbm>>) target(%arg8 : memref<40x128xi32, #tpu.memory_space<vmem>>) target_semaphore(%run_scoped3A : memref<!tpu.dma_semaphore, #tpu.memory_space<semaphore_mem>>)
      %dma_wait3A = arith.constant 40 : i32
      %dma_wait3A_48 = arith.constant 0 : i32
      %dma_wait3A_49 = tpu.memref_slice %arg4[%arg0, %arg1, %dma_wait3A, %dma_wait3A_48] : memref<2x16x80x128xi32, #tpu.memory_space<hbm>> -> memref<1x1x40x128xi32, #tpu.memory_space<hbm>>
      %dma_wait3A_50 = tpu.memref_squeeze %dma_wait3A_49 : memref<1x1x40x128xi32, #tpu.memory_space<hbm>> -> memref<40x128xi32, #tpu.memory_space<hbm>>
      %dma_wait3A_51 = arith.constant 40 : i32
      %dma_wait3A_52 = arith.constant 0 : i32
      %dma_wait3A_53 = tpu.memref_slice %arg4[%arg0, %arg1, %dma_wait3A_51, %dma_wait3A_52] : memref<2x16x80x128xi32, #tpu.memory_space<hbm>> -> memref<1x1x40x128xi32, #tpu.memory_space<hbm>>
      %dma_wait3A_54 = tpu.memref_squeeze %dma_wait3A_53 : memref<1x1x40x128xi32, #tpu.memory_space<hbm>> -> memref<40x128xi32, #tpu.memory_space<hbm>>
      tpu.wait_dma2 semaphore(%run_scoped3A : memref<!tpu.dma_semaphore, #tpu.memory_space<semaphore_mem>>) src(%dma_wait3A_54 : memref<40x128xi32, #tpu.memory_space<hbm>>) dst(%arg8 : memref<40x128xi32, #tpu.memory_space<vmem>>)
      tpu.yield
    }) : () -> ()
    %dma_start3A_17 = arith.constant 0 : i32
    %dma_start3A_18 = arith.constant 0 : i32
    %dma_start3A_19 = arith.constant 0 : i32
    %dma_start3A_20 = arith.constant 0 : i32
    %dma_start3A_21 = tpu.memref_slice %arg9[%dma_start3A_18, %dma_start3A_19, %dma_start3A_20] : memref<2x128x128xf32, #tpu.memory_space<vmem>> -> memref<1x128x128xf32, #tpu.memory_space<vmem>>
    %dma_start3A_22 = tpu.memref_squeeze %dma_start3A_21 : memref<1x128x128xf32, #tpu.memory_space<vmem>> -> memref<128x128xf32, #tpu.memory_space<vmem>>
    %dma_start3A_23 = arith.constant 0 : i32
    %dma_start3A_24 = tpu.memref_slice %arg7[%dma_start3A_17, %dma_start3A_23] : memref<40x128xi32, #tpu.memory_space<vmem>> -> memref<1x128xi32, #tpu.memory_space<vmem>>
    %dma_start3A_25 = tpu.memref_squeeze %dma_start3A_24 : memref<1x128xi32, #tpu.memory_space<vmem>> -> memref<128xi32, #tpu.memory_space<vmem>>
    %dma_start3A_26 = arith.constant 0 : i32
    %dma_start3A_27 = arith.constant 0 : i32
    %dma_start3A_28 = tpu.memref_slice %arg2[%dma_start3A_26, %dma_start3A_27] : memref<10000x128xf32, #tpu.memory_space<hbm>> -> memref<10000x128xf32, #tpu.memory_space<hbm>>
    tpu.enqueue_indirect_dma source(%dma_start3A_28 : memref<10000x128xf32, #tpu.memory_space<hbm>>) target(%dma_start3A_22 : memref<128x128xf32, #tpu.memory_space<vmem>>) offsets(%dma_start3A_25 : memref<128xi32, #tpu.memory_space<vmem>>) semaphore(%arg11 : memref<!tpu.dma_semaphore, #tpu.memory_space<semaphore_mem>>)
    %scan3A_29 = arith.constant 0 : i32
    %scan3A_30 = arith.constant 0 : i32
    %scan3A_31 = arith.constant 40 : i32
    %scan3A_32 = arith.addi %scan3A_30, %scan3A_31 : i32
    %scan3A_33 = arith.constant 1 : i32
    scf.for %scan3A_40 = %scan3A_30 to %scan3A_32 step %scan3A_33  : i32 {
      %add3A = arith.constant 1 : i32
      %add3A_41 = arith.addi %scan3A_40, %add3A : i32
      %lt3A = arith.constant 40 : i32
      %lt3A_42 = arith.cmpi slt, %add3A_41, %lt3A : i32
      %convert_element_type3A = arith.extui %lt3A_42 : i1 to i32
      %cond3A = arith.constant 0 : i32
      %cond3A_43 = arith.cmpi ne, %convert_element_type3A, %cond3A : i32
      scf.if %cond3A_43 {
        %add3A_99 = arith.constant 1 : i32
        %add3A_100 = arith.addi %scan3A_40, %add3A_99 : i32
        %add3A_101 = arith.constant 1 : i32
        %add3A_102 = arith.addi %scan3A_40, %add3A_101 : i32
        %jit3A_103 = arith.constant 2 : i32
        %eq3A_104 = arith.constant 0 : i32
        %eq3A_105 = arith.cmpi eq, %jit3A_103, %eq3A_104 : i32
        %jit3A_106 = arith.constant 1 : i32
        %select_n3A_107 = arith.select %eq3A_105, %jit3A_106, %jit3A_103 : i32
        %rem3A_108 = arith.remsi %add3A_102, %select_n3A_107 : i32
        %ne3A_109 = arith.constant 0 : i32
        %ne3A_110 = arith.cmpi ne, %rem3A_108, %ne3A_109 : i32
        %lt3A_111 = arith.constant 0 : i32
        %lt3A_112 = arith.cmpi slt, %rem3A_108, %lt3A_111 : i32
        %lt3A_113 = arith.constant 0 : i32
        %lt3A_114 = arith.cmpi slt, %select_n3A_107, %lt3A_113 : i32
        %ne3A_115 = arith.xori %lt3A_112, %lt3A_114 : i1
        %and3A_116 = arith.andi %ne3A_115, %ne3A_110 : i1
        %add3A_117 = arith.addi %rem3A_108, %select_n3A_107 : i32
        %select_n3A_118 = arith.select %and3A_116, %add3A_117, %rem3A_108 : i32
        %dma_start3A_119 = arith.constant 0 : i32
        %dma_start3A_120 = arith.constant 0 : i32
        %dma_start3A_121 = tpu.memref_slice %arg9[%select_n3A_118, %dma_start3A_119, %dma_start3A_120] : memref<2x128x128xf32, #tpu.memory_space<vmem>> -> memref<1x128x128xf32, #tpu.memory_space<vmem>>
        %dma_start3A_122 = tpu.memref_squeeze %dma_start3A_121 : memref<1x128x128xf32, #tpu.memory_space<vmem>> -> memref<128x128xf32, #tpu.memory_space<vmem>>
        %dma_start3A_123 = arith.constant 0 : i32
        %dma_start3A_124 = tpu.memref_slice %arg7[%add3A_100, %dma_start3A_123] : memref<40x128xi32, #tpu.memory_space<vmem>> -> memref<1x128xi32, #tpu.memory_space<vmem>>
        %dma_start3A_125 = tpu.memref_squeeze %dma_start3A_124 : memref<1x128xi32, #tpu.memory_space<vmem>> -> memref<128xi32, #tpu.memory_space<vmem>>
        %dma_start3A_126 = arith.constant 0 : i32
        %dma_start3A_127 = arith.constant 0 : i32
        %dma_start3A_128 = tpu.memref_slice %arg2[%dma_start3A_126, %dma_start3A_127] : memref<10000x128xf32, #tpu.memory_space<hbm>> -> memref<10000x128xf32, #tpu.memory_space<hbm>>
        tpu.enqueue_indirect_dma source(%dma_start3A_128 : memref<10000x128xf32, #tpu.memory_space<hbm>>) target(%dma_start3A_122 : memref<128x128xf32, #tpu.memory_space<vmem>>) offsets(%dma_start3A_125 : memref<128xi32, #tpu.memory_space<vmem>>) semaphore(%arg11 : memref<!tpu.dma_semaphore, #tpu.memory_space<semaphore_mem>>)
      } else {
      }
      %jit3A = arith.constant 2 : i32
      %eq3A = arith.constant 0 : i32
      %eq3A_44 = arith.cmpi eq, %jit3A, %eq3A : i32
      %jit3A_45 = arith.constant 1 : i32
      %select_n3A = arith.select %eq3A_44, %jit3A_45, %jit3A : i32
      %rem3A = arith.remsi %scan3A_40, %select_n3A : i32
      %ne3A = arith.constant 0 : i32
      %ne3A_46 = arith.cmpi ne, %rem3A, %ne3A : i32
      %lt3A_47 = arith.constant 0 : i32
      %lt3A_48 = arith.cmpi slt, %rem3A, %lt3A_47 : i32
      %lt3A_49 = arith.constant 0 : i32
      %lt3A_50 = arith.cmpi slt, %select_n3A, %lt3A_49 : i32
      %ne3A_51 = arith.xori %lt3A_48, %lt3A_50 : i1
      %and3A = arith.andi %ne3A_51, %ne3A_46 : i1
      %add3A_52 = arith.addi %rem3A, %select_n3A : i32
      %select_n3A_53 = arith.select %and3A, %add3A_52, %rem3A : i32
      %dma_wait3A = arith.constant 0 : i32
      %dma_wait3A_54 = arith.constant 0 : i32
      %dma_wait3A_55 = tpu.memref_slice %arg9[%select_n3A_53, %dma_wait3A, %dma_wait3A_54] : memref<2x128x128xf32, #tpu.memory_space<vmem>> -> memref<1x128x128xf32, #tpu.memory_space<vmem>>
      %dma_wait3A_56 = tpu.memref_squeeze %dma_wait3A_55 : memref<1x128x128xf32, #tpu.memory_space<vmem>> -> memref<128x128xf32, #tpu.memory_space<vmem>>
      %dma_wait3A_57 = arith.constant 0 : i32
      %dma_wait3A_58 = tpu.memref_slice %arg7[%scan3A_40, %dma_wait3A_57] : memref<40x128xi32, #tpu.memory_space<vmem>> -> memref<1x128xi32, #tpu.memory_space<vmem>>
      %dma_wait3A_59 = tpu.memref_squeeze %dma_wait3A_58 : memref<1x128xi32, #tpu.memory_space<vmem>> -> memref<128xi32, #tpu.memory_space<vmem>>
      %dma_wait3A_60 = arith.constant 0 : i32
      %dma_wait3A_61 = arith.constant 0 : i32
      %dma_wait3A_62 = tpu.memref_slice %arg2[%dma_wait3A_60, %dma_wait3A_61] : memref<10000x128xf32, #tpu.memory_space<hbm>> -> memref<10000x128xf32, #tpu.memory_space<hbm>>
      tpu.wait_indirect_dma semaphore(%arg11 : memref<!tpu.dma_semaphore, #tpu.memory_space<semaphore_mem>>) src(%dma_wait3A_62 : memref<10000x128xf32, #tpu.memory_space<hbm>>) dst(%dma_wait3A_56 : memref<128x128xf32, #tpu.memory_space<vmem>>)
      %jit3A_63 = arith.constant 2 : i32
      %eq3A_64 = arith.constant 0 : i32
      %eq3A_65 = arith.cmpi eq, %jit3A_63, %eq3A_64 : i32
      %jit3A_66 = arith.constant 1 : i32
      %select_n3A_67 = arith.select %eq3A_65, %jit3A_66, %jit3A_63 : i32
      %rem3A_68 = arith.remsi %scan3A_40, %select_n3A_67 : i32
      %ne3A_69 = arith.constant 0 : i32
      %ne3A_70 = arith.cmpi ne, %rem3A_68, %ne3A_69 : i32
      %lt3A_71 = arith.constant 0 : i32
      %lt3A_72 = arith.cmpi slt, %rem3A_68, %lt3A_71 : i32
      %lt3A_73 = arith.constant 0 : i32
      %lt3A_74 = arith.cmpi slt, %select_n3A_67, %lt3A_73 : i32
      %ne3A_75 = arith.xori %lt3A_72, %lt3A_74 : i1
      %and3A_76 = arith.andi %ne3A_75, %ne3A_70 : i1
      %add3A_77 = arith.addi %rem3A_68, %select_n3A_67 : i32
      %select_n3A_78 = arith.select %and3A_76, %add3A_77, %rem3A_68 : i32
      %dma_start3A_79 = arith.constant 0 : i32
      %dma_start3A_80 = arith.constant 0 : i32
      %dma_start3A_81 = tpu.memref_slice %arg9[%select_n3A_78, %dma_start3A_79, %dma_start3A_80] : memref<2x128x128xf32, #tpu.memory_space<vmem>> -> memref<1x128x128xf32, #tpu.memory_space<vmem>>
      %dma_start3A_82 = tpu.memref_squeeze %dma_start3A_81 : memref<1x128x128xf32, #tpu.memory_space<vmem>> -> memref<128x128xf32, #tpu.memory_space<vmem>>
      %dma_start3A_83 = arith.constant 0 : i32
      %dma_start3A_84 = tpu.memref_slice %arg8[%scan3A_40, %dma_start3A_83] : memref<40x128xi32, #tpu.memory_space<vmem>> -> memref<1x128xi32, #tpu.memory_space<vmem>>
      %dma_start3A_85 = tpu.memref_squeeze %dma_start3A_84 : memref<1x128xi32, #tpu.memory_space<vmem>> -> memref<128xi32, #tpu.memory_space<vmem>>
      %dma_start3A_86 = arith.constant 0 : i32
      %dma_start3A_87 = arith.constant 0 : i32
      %dma_start3A_88 = tpu.memref_slice %arg10[%dma_start3A_86, %dma_start3A_87] : memref<10112x128xf32, #tpu.memory_space<vmem_shared>> -> memref<10112x128xf32, #tpu.memory_space<vmem_shared>>
      tpu.enqueue_indirect_dma source(%dma_start3A_82 : memref<128x128xf32, #tpu.memory_space<vmem>>) target(%dma_start3A_88 : memref<10112x128xf32, #tpu.memory_space<vmem_shared>>) offsets(%dma_start3A_85 : memref<128xi32, #tpu.memory_space<vmem>>) semaphore(%arg12 : memref<!tpu.dma_semaphore, #tpu.memory_space<semaphore_mem>>) {add = true}
      %dma_wait3A_89 = arith.constant 0 : i32
      %dma_wait3A_90 = arith.constant 0 : i32
      %dma_wait3A_91 = tpu.memref_slice %arg9[%select_n3A_78, %dma_wait3A_89, %dma_wait3A_90] : memref<2x128x128xf32, #tpu.memory_space<vmem>> -> memref<1x128x128xf32, #tpu.memory_space<vmem>>
      %dma_wait3A_92 = tpu.memref_squeeze %dma_wait3A_91 : memref<1x128x128xf32, #tpu.memory_space<vmem>> -> memref<128x128xf32, #tpu.memory_space<vmem>>
      %dma_wait3A_93 = arith.constant 0 : i32
      %dma_wait3A_94 = tpu.memref_slice %arg8[%scan3A_40, %dma_wait3A_93] : memref<40x128xi32, #tpu.memory_space<vmem>> -> memref<1x128xi32, #tpu.memory_space<vmem>>
      %dma_wait3A_95 = tpu.memref_squeeze %dma_wait3A_94 : memref<1x128xi32, #tpu.memory_space<vmem>> -> memref<128xi32, #tpu.memory_space<vmem>>
      %dma_wait3A_96 = arith.constant 0 : i32
      %dma_wait3A_97 = arith.constant 0 : i32
      %dma_wait3A_98 = tpu.memref_slice %arg10[%dma_wait3A_96, %dma_wait3A_97] : memref<10112x128xf32, #tpu.memory_space<vmem_shared>> -> memref<10112x128xf32, #tpu.memory_space<vmem_shared>>
      tpu.wait_indirect_dma semaphore(%arg12 : memref<!tpu.dma_semaphore, #tpu.memory_space<semaphore_mem>>) src(%dma_wait3A_92 : memref<128x128xf32, #tpu.memory_space<vmem>>) dst(%dma_wait3A_98 : memref<10112x128xf32, #tpu.memory_space<vmem_shared>>)
    }
    %scan3A_34 = arith.constant 40 : i32
    %barrier3A_35 = arith.constant 0 : index
    tpu.barrier barrier_id(%barrier3A_35)
    %mul3A_36 = arith.constant 632 : i32
    %mul3A_37 = arith.muli %arg1, %mul3A_36 : i32
    %mul3A_38 = arith.constant 632 : i32
    %mul3A_39 = arith.muli %arg1, %mul3A_38 : i32
    "tpu.region"() ({
      %run_scoped3A = tpu.sem_alloc : memref<!tpu.dma_semaphore, #tpu.memory_space<semaphore_mem>>
      %dma_start3A_40 = arith.constant 0 : i32
      %dma_start3A_41 = tpu.memref_slice %arg6[%arg0, %mul3A_39, %dma_start3A_40] : memref<2x10112x128xf32, #tpu.memory_space<hbm>> -> memref<1x632x128xf32, #tpu.memory_space<hbm>>
      %dma_start3A_42 = tpu.memref_squeeze %dma_start3A_41 : memref<1x632x128xf32, #tpu.memory_space<hbm>> -> memref<632x128xf32, #tpu.memory_space<hbm>>
      %dma_start3A_43 = arith.constant 0 : i32
      %dma_start3A_44 = tpu.memref_slice %arg10[%mul3A_37, %dma_start3A_43] : memref<10112x128xf32, #tpu.memory_space<vmem_shared>> -> memref<632x128xf32, #tpu.memory_space<vmem_shared>>
      tpu.enqueue_dma source(%dma_start3A_44 : memref<632x128xf32, #tpu.memory_space<vmem_shared>>) target(%dma_start3A_42 : memref<632x128xf32, #tpu.memory_space<hbm>>) target_semaphore(%run_scoped3A : memref<!tpu.dma_semaphore, #tpu.memory_space<semaphore_mem>>)
      %dma_wait3A = arith.constant 0 : i32
      %dma_wait3A_45 = tpu.memref_slice %arg6[%arg0, %mul3A_39, %dma_wait3A] : memref<2x10112x128xf32, #tpu.memory_space<hbm>> -> memref<1x632x128xf32, #tpu.memory_space<hbm>>
      %dma_wait3A_46 = tpu.memref_squeeze %dma_wait3A_45 : memref<1x632x128xf32, #tpu.memory_space<hbm>> -> memref<632x128xf32, #tpu.memory_space<hbm>>
      %dma_wait3A_47 = arith.constant 0 : i32
      %dma_wait3A_48 = tpu.memref_slice %arg10[%mul3A_37, %dma_wait3A_47] : memref<10112x128xf32, #tpu.memory_space<vmem_shared>> -> memref<632x128xf32, #tpu.memory_space<vmem_shared>>
      tpu.wait_dma2 semaphore(%run_scoped3A : memref<!tpu.dma_semaphore, #tpu.memory_space<semaphore_mem>>) src(%dma_wait3A_48 : memref<632x128xf32, #tpu.memory_space<vmem_shared>>) dst(%dma_wait3A_46 : memref<632x128xf32, #tpu.memory_space<hbm>>)
      tpu.yield
    }) : () -> ()
    return
  }
}

#map = affine_map<(d0, d1) -> (0, 0)>
#map1 = affine_map<(d0, d1) -> (0, 0, 0, 0)>
#map2 = affine_map<(d0, d1) -> (0, 0, 0)>
module attributes {stable_mosaic.version = 14 : i64} {
  func.func @sc_agg(%arg0: i32, %arg1: i32, %arg2: memref<10000x128xf32, #tpu.memory_space<hbm>>, %arg3: memref<2x16x80x128xi32, #tpu.memory_space<hbm>>, %arg4: memref<2x16x80x128xi32, #tpu.memory_space<hbm>>, %arg5: memref<632x128xf32, #tpu.memory_space<hbm>>, %arg6: memref<2x10112x128xf32, #tpu.memory_space<hbm>>, %arg7: memref<40x128xi32, #tpu.memory_space<vmem>>, %arg8: memref<40x128xi32, #tpu.memory_space<vmem>>, %arg9: memref<2x128x128xf32, #tpu.memory_space<vmem>>, %arg10: memref<10112x128xf32, #tpu.memory_space<vmem_shared>>, %arg11: memref<!tpu.dma_semaphore, #tpu.memory_space<semaphore_mem>>, %arg12: memref<!tpu.dma_semaphore, #tpu.memory_space<semaphore_mem>>) attributes {dimension_semantics = [#tpu.dimension_semantics<core_parallel>, #tpu.dimension_semantics<subcore_parallel>], iteration_bounds = array<i64: 2, 16>, scalar_prefetch = 0 : i64, scratch_operands = 6 : i64, tpu.core_type = #tpu.core_type<sc_vector_subcore>, window_params = [{transform_indices = #map}, {transform_indices = #map1}, {transform_indices = #map1}, {transform_indices = #map}, {transform_indices = #map2}]} {
    %mul3A = arith.constant 632 : i32
    %mul3A_0 = arith.muli %arg1, %mul3A : i32
    "tpu.region"() ({
      %run_scoped3A = tpu.sem_alloc : memref<!tpu.dma_semaphore, #tpu.memory_space<semaphore_mem>>
      %dma_start3A_40 = arith.constant 0 : i32
      %dma_start3A_41 = tpu.memref_slice %arg10[%mul3A_0, %dma_start3A_40] : memref<10112x128xf32, #tpu.memory_space<vmem_shared>> -> memref<632x128xf32, #tpu.memory_space<vmem_shared>>
      tpu.enqueue_dma source(%arg5 : memref<632x128xf32, #tpu.memory_space<hbm>>) target(%dma_start3A_41 : memref<632x128xf32, #tpu.memory_space<vmem_shared>>) target_semaphore(%run_scoped3A : memref<!tpu.dma_semaphore, #tpu.memory_space<semaphore_mem>>)
      %dma_wait3A = arith.constant 0 : i32
      %dma_wait3A_42 = tpu.memref_slice %arg10[%mul3A_0, %dma_wait3A] : memref<10112x128xf32, #tpu.memory_space<vmem_shared>> -> memref<632x128xf32, #tpu.memory_space<vmem_shared>>
      tpu.wait_dma2 semaphore(%run_scoped3A : memref<!tpu.dma_semaphore, #tpu.memory_space<semaphore_mem>>) src(%arg5 : memref<632x128xf32, #tpu.memory_space<hbm>>) dst(%dma_wait3A_42 : memref<632x128xf32, #tpu.memory_space<vmem_shared>>)
      tpu.yield
    }) : () -> ()
    %barrier3A = arith.constant 0 : index
    tpu.barrier barrier_id(%barrier3A)
    "tpu.region"() ({
      %run_scoped3A = tpu.sem_alloc : memref<!tpu.dma_semaphore, #tpu.memory_space<semaphore_mem>>
      %dma_start3A_40 = arith.constant 0 : i32
      %dma_start3A_41 = arith.constant 0 : i32
      %dma_start3A_42 = tpu.memref_slice %arg3[%arg0, %arg1, %dma_start3A_40, %dma_start3A_41] : memref<2x16x80x128xi32, #tpu.memory_space<hbm>> -> memref<1x1x40x128xi32, #tpu.memory_space<hbm>>
      %dma_start3A_43 = tpu.memref_squeeze %dma_start3A_42 : memref<1x1x40x128xi32, #tpu.memory_space<hbm>> -> memref<40x128xi32, #tpu.memory_space<hbm>>
      %dma_start3A_44 = arith.constant 0 : i32
      %dma_start3A_45 = arith.constant 0 : i32
      %dma_start3A_46 = tpu.memref_slice %arg3[%arg0, %arg1, %dma_start3A_44, %dma_start3A_45] : memref<2x16x80x128xi32, #tpu.memory_space<hbm>> -> memref<1x1x40x128xi32, #tpu.memory_space<hbm>>
      %dma_start3A_47 = tpu.memref_squeeze %dma_start3A_46 : memref<1x1x40x128xi32, #tpu.memory_space<hbm>> -> memref<40x128xi32, #tpu.memory_space<hbm>>
      tpu.enqueue_dma source(%dma_start3A_47 : memref<40x128xi32, #tpu.memory_space<hbm>>) target(%arg7 : memref<40x128xi32, #tpu.memory_space<vmem>>) target_semaphore(%run_scoped3A : memref<!tpu.dma_semaphore, #tpu.memory_space<semaphore_mem>>)
      %dma_wait3A = arith.constant 0 : i32
      %dma_wait3A_48 = arith.constant 0 : i32
      %dma_wait3A_49 = tpu.memref_slice %arg3[%arg0, %arg1, %dma_wait3A, %dma_wait3A_48] : memref<2x16x80x128xi32, #tpu.memory_space<hbm>> -> memref<1x1x40x128xi32, #tpu.memory_space<hbm>>
      %dma_wait3A_50 = tpu.memref_squeeze %dma_wait3A_49 : memref<1x1x40x128xi32, #tpu.memory_space<hbm>> -> memref<40x128xi32, #tpu.memory_space<hbm>>
      %dma_wait3A_51 = arith.constant 0 : i32
      %dma_wait3A_52 = arith.constant 0 : i32
      %dma_wait3A_53 = tpu.memref_slice %arg3[%arg0, %arg1, %dma_wait3A_51, %dma_wait3A_52] : memref<2x16x80x128xi32, #tpu.memory_space<hbm>> -> memref<1x1x40x128xi32, #tpu.memory_space<hbm>>
      %dma_wait3A_54 = tpu.memref_squeeze %dma_wait3A_53 : memref<1x1x40x128xi32, #tpu.memory_space<hbm>> -> memref<40x128xi32, #tpu.memory_space<hbm>>
      tpu.wait_dma2 semaphore(%run_scoped3A : memref<!tpu.dma_semaphore, #tpu.memory_space<semaphore_mem>>) src(%dma_wait3A_54 : memref<40x128xi32, #tpu.memory_space<hbm>>) dst(%arg7 : memref<40x128xi32, #tpu.memory_space<vmem>>)
      tpu.yield
    }) : () -> ()
    "tpu.region"() ({
      %run_scoped3A = tpu.sem_alloc : memref<!tpu.dma_semaphore, #tpu.memory_space<semaphore_mem>>
      %dma_start3A_40 = arith.constant 0 : i32
      %dma_start3A_41 = arith.constant 0 : i32
      %dma_start3A_42 = tpu.memref_slice %arg4[%arg0, %arg1, %dma_start3A_40, %dma_start3A_41] : memref<2x16x80x128xi32, #tpu.memory_space<hbm>> -> memref<1x1x40x128xi32, #tpu.memory_space<hbm>>
      %dma_start3A_43 = tpu.memref_squeeze %dma_start3A_42 : memref<1x1x40x128xi32, #tpu.memory_space<hbm>> -> memref<40x128xi32, #tpu.memory_space<hbm>>
      %dma_start3A_44 = arith.constant 0 : i32
      %dma_start3A_45 = arith.constant 0 : i32
      %dma_start3A_46 = tpu.memref_slice %arg4[%arg0, %arg1, %dma_start3A_44, %dma_start3A_45] : memref<2x16x80x128xi32, #tpu.memory_space<hbm>> -> memref<1x1x40x128xi32, #tpu.memory_space<hbm>>
      %dma_start3A_47 = tpu.memref_squeeze %dma_start3A_46 : memref<1x1x40x128xi32, #tpu.memory_space<hbm>> -> memref<40x128xi32, #tpu.memory_space<hbm>>
      tpu.enqueue_dma source(%dma_start3A_47 : memref<40x128xi32, #tpu.memory_space<hbm>>) target(%arg8 : memref<40x128xi32, #tpu.memory_space<vmem>>) target_semaphore(%run_scoped3A : memref<!tpu.dma_semaphore, #tpu.memory_space<semaphore_mem>>)
      %dma_wait3A = arith.constant 0 : i32
      %dma_wait3A_48 = arith.constant 0 : i32
      %dma_wait3A_49 = tpu.memref_slice %arg4[%arg0, %arg1, %dma_wait3A, %dma_wait3A_48] : memref<2x16x80x128xi32, #tpu.memory_space<hbm>> -> memref<1x1x40x128xi32, #tpu.memory_space<hbm>>
      %dma_wait3A_50 = tpu.memref_squeeze %dma_wait3A_49 : memref<1x1x40x128xi32, #tpu.memory_space<hbm>> -> memref<40x128xi32, #tpu.memory_space<hbm>>
      %dma_wait3A_51 = arith.constant 0 : i32
      %dma_wait3A_52 = arith.constant 0 : i32
      %dma_wait3A_53 = tpu.memref_slice %arg4[%arg0, %arg1, %dma_wait3A_51, %dma_wait3A_52] : memref<2x16x80x128xi32, #tpu.memory_space<hbm>> -> memref<1x1x40x128xi32, #tpu.memory_space<hbm>>
      %dma_wait3A_54 = tpu.memref_squeeze %dma_wait3A_53 : memref<1x1x40x128xi32, #tpu.memory_space<hbm>> -> memref<40x128xi32, #tpu.memory_space<hbm>>
      tpu.wait_dma2 semaphore(%run_scoped3A : memref<!tpu.dma_semaphore, #tpu.memory_space<semaphore_mem>>) src(%dma_wait3A_54 : memref<40x128xi32, #tpu.memory_space<hbm>>) dst(%arg8 : memref<40x128xi32, #tpu.memory_space<vmem>>)
      tpu.yield
    }) : () -> ()
    %dma_start3A = arith.constant 0 : i32
    %dma_start3A_1 = arith.constant 0 : i32
    %dma_start3A_2 = arith.constant 0 : i32
    %dma_start3A_3 = arith.constant 0 : i32
    %dma_start3A_4 = tpu.memref_slice %arg9[%dma_start3A_1, %dma_start3A_2, %dma_start3A_3] : memref<2x128x128xf32, #tpu.memory_space<vmem>> -> memref<1x128x128xf32, #tpu.memory_space<vmem>>
    %dma_start3A_5 = tpu.memref_squeeze %dma_start3A_4 : memref<1x128x128xf32, #tpu.memory_space<vmem>> -> memref<128x128xf32, #tpu.memory_space<vmem>>
    %dma_start3A_6 = arith.constant 0 : i32
    %dma_start3A_7 = tpu.memref_slice %arg7[%dma_start3A, %dma_start3A_6] : memref<40x128xi32, #tpu.memory_space<vmem>> -> memref<1x128xi32, #tpu.memory_space<vmem>>
    %dma_start3A_8 = tpu.memref_squeeze %dma_start3A_7 : memref<1x128xi32, #tpu.memory_space<vmem>> -> memref<128xi32, #tpu.memory_space<vmem>>
    %dma_start3A_9 = arith.constant 0 : i32
    %dma_start3A_10 = arith.constant 0 : i32
    %dma_start3A_11 = tpu.memref_slice %arg2[%dma_start3A_9, %dma_start3A_10] : memref<10000x128xf32, #tpu.memory_space<hbm>> -> memref<10000x128xf32, #tpu.memory_space<hbm>>
    tpu.enqueue_indirect_dma source(%dma_start3A_11 : memref<10000x128xf32, #tpu.memory_space<hbm>>) target(%dma_start3A_5 : memref<128x128xf32, #tpu.memory_space<vmem>>) offsets(%dma_start3A_8 : memref<128xi32, #tpu.memory_space<vmem>>) semaphore(%arg11 : memref<!tpu.dma_semaphore, #tpu.memory_space<semaphore_mem>>)
    %scan3A = arith.constant 0 : i32
    %scan3A_12 = arith.constant 0 : i32
    %scan3A_13 = arith.constant 40 : i32
    %scan3A_14 = arith.addi %scan3A_12, %scan3A_13 : i32
    %scan3A_15 = arith.constant 1 : i32
    scf.for %scan3A_40 = %scan3A_12 to %scan3A_14 step %scan3A_15  : i32 {
      %add3A = arith.constant 1 : i32
      %add3A_41 = arith.addi %scan3A_40, %add3A : i32
      %lt3A = arith.constant 40 : i32
      %lt3A_42 = arith.cmpi slt, %add3A_41, %lt3A : i32
      %convert_element_type3A = arith.extui %lt3A_42 : i1 to i32
      %cond3A = arith.constant 0 : i32
      %cond3A_43 = arith.cmpi ne, %convert_element_type3A, %cond3A : i32
      scf.if %cond3A_43 {
        %add3A_99 = arith.constant 1 : i32
        %add3A_100 = arith.addi %scan3A_40, %add3A_99 : i32
        %add3A_101 = arith.constant 1 : i32
        %add3A_102 = arith.addi %scan3A_40, %add3A_101 : i32
        %jit3A_103 = arith.constant 2 : i32
        %eq3A_104 = arith.constant 0 : i32
        %eq3A_105 = arith.cmpi eq, %jit3A_103, %eq3A_104 : i32
        %jit3A_106 = arith.constant 1 : i32
        %select_n3A_107 = arith.select %eq3A_105, %jit3A_106, %jit3A_103 : i32
        %rem3A_108 = arith.remsi %add3A_102, %select_n3A_107 : i32
        %ne3A_109 = arith.constant 0 : i32
        %ne3A_110 = arith.cmpi ne, %rem3A_108, %ne3A_109 : i32
        %lt3A_111 = arith.constant 0 : i32
        %lt3A_112 = arith.cmpi slt, %rem3A_108, %lt3A_111 : i32
        %lt3A_113 = arith.constant 0 : i32
        %lt3A_114 = arith.cmpi slt, %select_n3A_107, %lt3A_113 : i32
        %ne3A_115 = arith.xori %lt3A_112, %lt3A_114 : i1
        %and3A_116 = arith.andi %ne3A_115, %ne3A_110 : i1
        %add3A_117 = arith.addi %rem3A_108, %select_n3A_107 : i32
        %select_n3A_118 = arith.select %and3A_116, %add3A_117, %rem3A_108 : i32
        %dma_start3A_119 = arith.constant 0 : i32
        %dma_start3A_120 = arith.constant 0 : i32
        %dma_start3A_121 = tpu.memref_slice %arg9[%select_n3A_118, %dma_start3A_119, %dma_start3A_120] : memref<2x128x128xf32, #tpu.memory_space<vmem>> -> memref<1x128x128xf32, #tpu.memory_space<vmem>>
        %dma_start3A_122 = tpu.memref_squeeze %dma_start3A_121 : memref<1x128x128xf32, #tpu.memory_space<vmem>> -> memref<128x128xf32, #tpu.memory_space<vmem>>
        %dma_start3A_123 = arith.constant 0 : i32
        %dma_start3A_124 = tpu.memref_slice %arg7[%add3A_100, %dma_start3A_123] : memref<40x128xi32, #tpu.memory_space<vmem>> -> memref<1x128xi32, #tpu.memory_space<vmem>>
        %dma_start3A_125 = tpu.memref_squeeze %dma_start3A_124 : memref<1x128xi32, #tpu.memory_space<vmem>> -> memref<128xi32, #tpu.memory_space<vmem>>
        %dma_start3A_126 = arith.constant 0 : i32
        %dma_start3A_127 = arith.constant 0 : i32
        %dma_start3A_128 = tpu.memref_slice %arg2[%dma_start3A_126, %dma_start3A_127] : memref<10000x128xf32, #tpu.memory_space<hbm>> -> memref<10000x128xf32, #tpu.memory_space<hbm>>
        tpu.enqueue_indirect_dma source(%dma_start3A_128 : memref<10000x128xf32, #tpu.memory_space<hbm>>) target(%dma_start3A_122 : memref<128x128xf32, #tpu.memory_space<vmem>>) offsets(%dma_start3A_125 : memref<128xi32, #tpu.memory_space<vmem>>) semaphore(%arg11 : memref<!tpu.dma_semaphore, #tpu.memory_space<semaphore_mem>>)
      } else {
      }
      %jit3A = arith.constant 2 : i32
      %eq3A = arith.constant 0 : i32
      %eq3A_44 = arith.cmpi eq, %jit3A, %eq3A : i32
      %jit3A_45 = arith.constant 1 : i32
      %select_n3A = arith.select %eq3A_44, %jit3A_45, %jit3A : i32
      %rem3A = arith.remsi %scan3A_40, %select_n3A : i32
      %ne3A = arith.constant 0 : i32
      %ne3A_46 = arith.cmpi ne, %rem3A, %ne3A : i32
      %lt3A_47 = arith.constant 0 : i32
      %lt3A_48 = arith.cmpi slt, %rem3A, %lt3A_47 : i32
      %lt3A_49 = arith.constant 0 : i32
      %lt3A_50 = arith.cmpi slt, %select_n3A, %lt3A_49 : i32
      %ne3A_51 = arith.xori %lt3A_48, %lt3A_50 : i1
      %and3A = arith.andi %ne3A_51, %ne3A_46 : i1
      %add3A_52 = arith.addi %rem3A, %select_n3A : i32
      %select_n3A_53 = arith.select %and3A, %add3A_52, %rem3A : i32
      %dma_wait3A = arith.constant 0 : i32
      %dma_wait3A_54 = arith.constant 0 : i32
      %dma_wait3A_55 = tpu.memref_slice %arg9[%select_n3A_53, %dma_wait3A, %dma_wait3A_54] : memref<2x128x128xf32, #tpu.memory_space<vmem>> -> memref<1x128x128xf32, #tpu.memory_space<vmem>>
      %dma_wait3A_56 = tpu.memref_squeeze %dma_wait3A_55 : memref<1x128x128xf32, #tpu.memory_space<vmem>> -> memref<128x128xf32, #tpu.memory_space<vmem>>
      %dma_wait3A_57 = arith.constant 0 : i32
      %dma_wait3A_58 = tpu.memref_slice %arg7[%scan3A_40, %dma_wait3A_57] : memref<40x128xi32, #tpu.memory_space<vmem>> -> memref<1x128xi32, #tpu.memory_space<vmem>>
      %dma_wait3A_59 = tpu.memref_squeeze %dma_wait3A_58 : memref<1x128xi32, #tpu.memory_space<vmem>> -> memref<128xi32, #tpu.memory_space<vmem>>
      %dma_wait3A_60 = arith.constant 0 : i32
      %dma_wait3A_61 = arith.constant 0 : i32
      %dma_wait3A_62 = tpu.memref_slice %arg2[%dma_wait3A_60, %dma_wait3A_61] : memref<10000x128xf32, #tpu.memory_space<hbm>> -> memref<10000x128xf32, #tpu.memory_space<hbm>>
      tpu.wait_indirect_dma semaphore(%arg11 : memref<!tpu.dma_semaphore, #tpu.memory_space<semaphore_mem>>) src(%dma_wait3A_62 : memref<10000x128xf32, #tpu.memory_space<hbm>>) dst(%dma_wait3A_56 : memref<128x128xf32, #tpu.memory_space<vmem>>)
      %jit3A_63 = arith.constant 2 : i32
      %eq3A_64 = arith.constant 0 : i32
      %eq3A_65 = arith.cmpi eq, %jit3A_63, %eq3A_64 : i32
      %jit3A_66 = arith.constant 1 : i32
      %select_n3A_67 = arith.select %eq3A_65, %jit3A_66, %jit3A_63 : i32
      %rem3A_68 = arith.remsi %scan3A_40, %select_n3A_67 : i32
      %ne3A_69 = arith.constant 0 : i32
      %ne3A_70 = arith.cmpi ne, %rem3A_68, %ne3A_69 : i32
      %lt3A_71 = arith.constant 0 : i32
      %lt3A_72 = arith.cmpi slt, %rem3A_68, %lt3A_71 : i32
      %lt3A_73 = arith.constant 0 : i32
      %lt3A_74 = arith.cmpi slt, %select_n3A_67, %lt3A_73 : i32
      %ne3A_75 = arith.xori %lt3A_72, %lt3A_74 : i1
      %and3A_76 = arith.andi %ne3A_75, %ne3A_70 : i1
      %add3A_77 = arith.addi %rem3A_68, %select_n3A_67 : i32
      %select_n3A_78 = arith.select %and3A_76, %add3A_77, %rem3A_68 : i32
      %dma_start3A_79 = arith.constant 0 : i32
      %dma_start3A_80 = arith.constant 0 : i32
      %dma_start3A_81 = tpu.memref_slice %arg9[%select_n3A_78, %dma_start3A_79, %dma_start3A_80] : memref<2x128x128xf32, #tpu.memory_space<vmem>> -> memref<1x128x128xf32, #tpu.memory_space<vmem>>
      %dma_start3A_82 = tpu.memref_squeeze %dma_start3A_81 : memref<1x128x128xf32, #tpu.memory_space<vmem>> -> memref<128x128xf32, #tpu.memory_space<vmem>>
      %dma_start3A_83 = arith.constant 0 : i32
      %dma_start3A_84 = tpu.memref_slice %arg8[%scan3A_40, %dma_start3A_83] : memref<40x128xi32, #tpu.memory_space<vmem>> -> memref<1x128xi32, #tpu.memory_space<vmem>>
      %dma_start3A_85 = tpu.memref_squeeze %dma_start3A_84 : memref<1x128xi32, #tpu.memory_space<vmem>> -> memref<128xi32, #tpu.memory_space<vmem>>
      %dma_start3A_86 = arith.constant 0 : i32
      %dma_start3A_87 = arith.constant 0 : i32
      %dma_start3A_88 = tpu.memref_slice %arg10[%dma_start3A_86, %dma_start3A_87] : memref<10112x128xf32, #tpu.memory_space<vmem_shared>> -> memref<10112x128xf32, #tpu.memory_space<vmem_shared>>
      tpu.enqueue_indirect_dma source(%dma_start3A_82 : memref<128x128xf32, #tpu.memory_space<vmem>>) target(%dma_start3A_88 : memref<10112x128xf32, #tpu.memory_space<vmem_shared>>) offsets(%dma_start3A_85 : memref<128xi32, #tpu.memory_space<vmem>>) semaphore(%arg12 : memref<!tpu.dma_semaphore, #tpu.memory_space<semaphore_mem>>) {add = true}
      %dma_wait3A_89 = arith.constant 0 : i32
      %dma_wait3A_90 = arith.constant 0 : i32
      %dma_wait3A_91 = tpu.memref_slice %arg9[%select_n3A_78, %dma_wait3A_89, %dma_wait3A_90] : memref<2x128x128xf32, #tpu.memory_space<vmem>> -> memref<1x128x128xf32, #tpu.memory_space<vmem>>
      %dma_wait3A_92 = tpu.memref_squeeze %dma_wait3A_91 : memref<1x128x128xf32, #tpu.memory_space<vmem>> -> memref<128x128xf32, #tpu.memory_space<vmem>>
      %dma_wait3A_93 = arith.constant 0 : i32
      %dma_wait3A_94 = tpu.memref_slice %arg8[%scan3A_40, %dma_wait3A_93] : memref<40x128xi32, #tpu.memory_space<vmem>> -> memref<1x128xi32, #tpu.memory_space<vmem>>
      %dma_wait3A_95 = tpu.memref_squeeze %dma_wait3A_94 : memref<1x128xi32, #tpu.memory_space<vmem>> -> memref<128xi32, #tpu.memory_space<vmem>>
      %dma_wait3A_96 = arith.constant 0 : i32
      %dma_wait3A_97 = arith.constant 0 : i32
      %dma_wait3A_98 = tpu.memref_slice %arg10[%dma_wait3A_96, %dma_wait3A_97] : memref<10112x128xf32, #tpu.memory_space<vmem_shared>> -> memref<10112x128xf32, #tpu.memory_space<vmem_shared>>
      tpu.wait_indirect_dma semaphore(%arg12 : memref<!tpu.dma_semaphore, #tpu.memory_space<semaphore_mem>>) src(%dma_wait3A_92 : memref<128x128xf32, #tpu.memory_space<vmem>>) dst(%dma_wait3A_98 : memref<10112x128xf32, #tpu.memory_space<vmem_shared>>)
    }
    %scan3A_16 = arith.constant 40 : i32
    "tpu.region"() ({
      %run_scoped3A = tpu.sem_alloc : memref<!tpu.dma_semaphore, #tpu.memory_space<semaphore_mem>>
      %dma_start3A_40 = arith.constant 40 : i32
      %dma_start3A_41 = arith.constant 0 : i32
      %dma_start3A_42 = tpu.memref_slice %arg3[%arg0, %arg1, %dma_start3A_40, %dma_start3A_41] : memref<2x16x80x128xi32, #tpu.memory_space<hbm>> -> memref<1x1x40x128xi32, #tpu.memory_space<hbm>>
      %dma_start3A_43 = tpu.memref_squeeze %dma_start3A_42 : memref<1x1x40x128xi32, #tpu.memory_space<hbm>> -> memref<40x128xi32, #tpu.memory_space<hbm>>
      %dma_start3A_44 = arith.constant 40 : i32
      %dma_start3A_45 = arith.constant 0 : i32
      %dma_start3A_46 = tpu.memref_slice %arg3[%arg0, %arg1, %dma_start3A_44, %dma_start3A_45] : memref<2x16x80x128xi32, #tpu.memory_space<hbm>> -> memref<1x1x40x128xi32, #tpu.memory_space<hbm>>
      %dma_start3A_47 = tpu.memref_squeeze %dma_start3A_46 : memref<1x1x40x128xi32, #tpu.memory_space<hbm>> -> memref<40x128xi32, #tpu.memory_space<hbm>>
      tpu.enqueue_dma source(%dma_start3A_47 : memref<40x128xi32, #tpu.memory_space<hbm>>) target(%arg7 : memref<40x128xi32, #tpu.memory_space<vmem>>) target_semaphore(%run_scoped3A : memref<!tpu.dma_semaphore, #tpu.memory_space<semaphore_mem>>)
      %dma_wait3A = arith.constant 40 : i32
      %dma_wait3A_48 = arith.constant 0 : i32
      %dma_wait3A_49 = tpu.memref_slice %arg3[%arg0, %arg1, %dma_wait3A, %dma_wait3A_48] : memref<2x16x80x128xi32, #tpu.memory_space<hbm>> -> memref<1x1x40x128xi32, #tpu.memory_space<hbm>>
      %dma_wait3A_50 = tpu.memref_squeeze %dma_wait3A_49 : memref<1x1x40x128xi32, #tpu.memory_space<hbm>> -> memref<40x128xi32, #tpu.memory_space<hbm>>
      %dma_wait3A_51 = arith.constant 40 : i32
      %dma_wait3A_52 = arith.constant 0 : i32
      %dma_wait3A_53 = tpu.memref_slice %arg3[%arg0, %arg1, %dma_wait3A_51, %dma_wait3A_52] : memref<2x16x80x128xi32, #tpu.memory_space<hbm>> -> memref<1x1x40x128xi32, #tpu.memory_space<hbm>>
      %dma_wait3A_54 = tpu.memref_squeeze %dma_wait3A_53 : memref<1x1x40x128xi32, #tpu.memory_space<hbm>> -> memref<40x128xi32, #tpu.memory_space<hbm>>
      tpu.wait_dma2 semaphore(%run_scoped3A : memref<!tpu.dma_semaphore, #tpu.memory_space<semaphore_mem>>) src(%dma_wait3A_54 : memref<40x128xi32, #tpu.memory_space<hbm>>) dst(%arg7 : memref<40x128xi32, #tpu.memory_space<vmem>>)
      tpu.yield
    }) : () -> ()
    "tpu.region"() ({
      %run_scoped3A = tpu.sem_alloc : memref<!tpu.dma_semaphore, #tpu.memory_space<semaphore_mem>>
      %dma_start3A_40 = arith.constant 40 : i32
      %dma_start3A_41 = arith.constant 0 : i32
      %dma_start3A_42 = tpu.memref_slice %arg4[%arg0, %arg1, %dma_start3A_40, %dma_start3A_41] : memref<2x16x80x128xi32, #tpu.memory_space<hbm>> -> memref<1x1x40x128xi32, #tpu.memory_space<hbm>>
      %dma_start3A_43 = tpu.memref_squeeze %dma_start3A_42 : memref<1x1x40x128xi32, #tpu.memory_space<hbm>> -> memref<40x128xi32, #tpu.memory_space<hbm>>
      %dma_start3A_44 = arith.constant 40 : i32
      %dma_start3A_45 = arith.constant 0 : i32
      %dma_start3A_46 = tpu.memref_slice %arg4[%arg0, %arg1, %dma_start3A_44, %dma_start3A_45] : memref<2x16x80x128xi32, #tpu.memory_space<hbm>> -> memref<1x1x40x128xi32, #tpu.memory_space<hbm>>
      %dma_start3A_47 = tpu.memref_squeeze %dma_start3A_46 : memref<1x1x40x128xi32, #tpu.memory_space<hbm>> -> memref<40x128xi32, #tpu.memory_space<hbm>>
      tpu.enqueue_dma source(%dma_start3A_47 : memref<40x128xi32, #tpu.memory_space<hbm>>) target(%arg8 : memref<40x128xi32, #tpu.memory_space<vmem>>) target_semaphore(%run_scoped3A : memref<!tpu.dma_semaphore, #tpu.memory_space<semaphore_mem>>)
      %dma_wait3A = arith.constant 40 : i32
      %dma_wait3A_48 = arith.constant 0 : i32
      %dma_wait3A_49 = tpu.memref_slice %arg4[%arg0, %arg1, %dma_wait3A, %dma_wait3A_48] : memref<2x16x80x128xi32, #tpu.memory_space<hbm>> -> memref<1x1x40x128xi32, #tpu.memory_space<hbm>>
      %dma_wait3A_50 = tpu.memref_squeeze %dma_wait3A_49 : memref<1x1x40x128xi32, #tpu.memory_space<hbm>> -> memref<40x128xi32, #tpu.memory_space<hbm>>
      %dma_wait3A_51 = arith.constant 40 : i32
      %dma_wait3A_52 = arith.constant 0 : i32
      %dma_wait3A_53 = tpu.memref_slice %arg4[%arg0, %arg1, %dma_wait3A_51, %dma_wait3A_52] : memref<2x16x80x128xi32, #tpu.memory_space<hbm>> -> memref<1x1x40x128xi32, #tpu.memory_space<hbm>>
      %dma_wait3A_54 = tpu.memref_squeeze %dma_wait3A_53 : memref<1x1x40x128xi32, #tpu.memory_space<hbm>> -> memref<40x128xi32, #tpu.memory_space<hbm>>
      tpu.wait_dma2 semaphore(%run_scoped3A : memref<!tpu.dma_semaphore, #tpu.memory_space<semaphore_mem>>) src(%dma_wait3A_54 : memref<40x128xi32, #tpu.memory_space<hbm>>) dst(%arg8 : memref<40x128xi32, #tpu.memory_space<vmem>>)
      tpu.yield
    }) : () -> ()
    %dma_start3A_17 = arith.constant 0 : i32
    %dma_start3A_18 = arith.constant 0 : i32
    %dma_start3A_19 = arith.constant 0 : i32
    %dma_start3A_20 = arith.constant 0 : i32
    %dma_start3A_21 = tpu.memref_slice %arg9[%dma_start3A_18, %dma_start3A_19, %dma_start3A_20] : memref<2x128x128xf32, #tpu.memory_space<vmem>> -> memref<1x128x128xf32, #tpu.memory_space<vmem>>
    %dma_start3A_22 = tpu.memref_squeeze %dma_start3A_21 : memref<1x128x128xf32, #tpu.memory_space<vmem>> -> memref<128x128xf32, #tpu.memory_space<vmem>>
    %dma_start3A_23 = arith.constant 0 : i32
    %dma_start3A_24 = tpu.memref_slice %arg7[%dma_start3A_17, %dma_start3A_23] : memref<40x128xi32, #tpu.memory_space<vmem>> -> memref<1x128xi32, #tpu.memory_space<vmem>>
    %dma_start3A_25 = tpu.memref_squeeze %dma_start3A_24 : memref<1x128xi32, #tpu.memory_space<vmem>> -> memref<128xi32, #tpu.memory_space<vmem>>
    %dma_start3A_26 = arith.constant 0 : i32
    %dma_start3A_27 = arith.constant 0 : i32
    %dma_start3A_28 = tpu.memref_slice %arg2[%dma_start3A_26, %dma_start3A_27] : memref<10000x128xf32, #tpu.memory_space<hbm>> -> memref<10000x128xf32, #tpu.memory_space<hbm>>
    tpu.enqueue_indirect_dma source(%dma_start3A_28 : memref<10000x128xf32, #tpu.memory_space<hbm>>) target(%dma_start3A_22 : memref<128x128xf32, #tpu.memory_space<vmem>>) offsets(%dma_start3A_25 : memref<128xi32, #tpu.memory_space<vmem>>) semaphore(%arg11 : memref<!tpu.dma_semaphore, #tpu.memory_space<semaphore_mem>>)
    %scan3A_29 = arith.constant 0 : i32
    %scan3A_30 = arith.constant 0 : i32
    %scan3A_31 = arith.constant 40 : i32
    %scan3A_32 = arith.addi %scan3A_30, %scan3A_31 : i32
    %scan3A_33 = arith.constant 1 : i32
    scf.for %scan3A_40 = %scan3A_30 to %scan3A_32 step %scan3A_33  : i32 {
      %add3A = arith.constant 1 : i32
      %add3A_41 = arith.addi %scan3A_40, %add3A : i32
      %lt3A = arith.constant 40 : i32
      %lt3A_42 = arith.cmpi slt, %add3A_41, %lt3A : i32
      %convert_element_type3A = arith.extui %lt3A_42 : i1 to i32
      %cond3A = arith.constant 0 : i32
      %cond3A_43 = arith.cmpi ne, %convert_element_type3A, %cond3A : i32
      scf.if %cond3A_43 {
        %add3A_99 = arith.constant 1 : i32
        %add3A_100 = arith.addi %scan3A_40, %add3A_99 : i32
        %add3A_101 = arith.constant 1 : i32
        %add3A_102 = arith.addi %scan3A_40, %add3A_101 : i32
        %jit3A_103 = arith.constant 2 : i32
        %eq3A_104 = arith.constant 0 : i32
        %eq3A_105 = arith.cmpi eq, %jit3A_103, %eq3A_104 : i32
        %jit3A_106 = arith.constant 1 : i32
        %select_n3A_107 = arith.select %eq3A_105, %jit3A_106, %jit3A_103 : i32
        %rem3A_108 = arith.remsi %add3A_102, %select_n3A_107 : i32
        %ne3A_109 = arith.constant 0 : i32
        %ne3A_110 = arith.cmpi ne, %rem3A_108, %ne3A_109 : i32
        %lt3A_111 = arith.constant 0 : i32
        %lt3A_112 = arith.cmpi slt, %rem3A_108, %lt3A_111 : i32
        %lt3A_113 = arith.constant 0 : i32
        %lt3A_114 = arith.cmpi slt, %select_n3A_107, %lt3A_113 : i32
        %ne3A_115 = arith.xori %lt3A_112, %lt3A_114 : i1
        %and3A_116 = arith.andi %ne3A_115, %ne3A_110 : i1
        %add3A_117 = arith.addi %rem3A_108, %select_n3A_107 : i32
        %select_n3A_118 = arith.select %and3A_116, %add3A_117, %rem3A_108 : i32
        %dma_start3A_119 = arith.constant 0 : i32
        %dma_start3A_120 = arith.constant 0 : i32
        %dma_start3A_121 = tpu.memref_slice %arg9[%select_n3A_118, %dma_start3A_119, %dma_start3A_120] : memref<2x128x128xf32, #tpu.memory_space<vmem>> -> memref<1x128x128xf32, #tpu.memory_space<vmem>>
        %dma_start3A_122 = tpu.memref_squeeze %dma_start3A_121 : memref<1x128x128xf32, #tpu.memory_space<vmem>> -> memref<128x128xf32, #tpu.memory_space<vmem>>
        %dma_start3A_123 = arith.constant 0 : i32
        %dma_start3A_124 = tpu.memref_slice %arg7[%add3A_100, %dma_start3A_123] : memref<40x128xi32, #tpu.memory_space<vmem>> -> memref<1x128xi32, #tpu.memory_space<vmem>>
        %dma_start3A_125 = tpu.memref_squeeze %dma_start3A_124 : memref<1x128xi32, #tpu.memory_space<vmem>> -> memref<128xi32, #tpu.memory_space<vmem>>
        %dma_start3A_126 = arith.constant 0 : i32
        %dma_start3A_127 = arith.constant 0 : i32
        %dma_start3A_128 = tpu.memref_slice %arg2[%dma_start3A_126, %dma_start3A_127] : memref<10000x128xf32, #tpu.memory_space<hbm>> -> memref<10000x128xf32, #tpu.memory_space<hbm>>
        tpu.enqueue_indirect_dma source(%dma_start3A_128 : memref<10000x128xf32, #tpu.memory_space<hbm>>) target(%dma_start3A_122 : memref<128x128xf32, #tpu.memory_space<vmem>>) offsets(%dma_start3A_125 : memref<128xi32, #tpu.memory_space<vmem>>) semaphore(%arg11 : memref<!tpu.dma_semaphore, #tpu.memory_space<semaphore_mem>>)
      } else {
      }
      %jit3A = arith.constant 2 : i32
      %eq3A = arith.constant 0 : i32
      %eq3A_44 = arith.cmpi eq, %jit3A, %eq3A : i32
      %jit3A_45 = arith.constant 1 : i32
      %select_n3A = arith.select %eq3A_44, %jit3A_45, %jit3A : i32
      %rem3A = arith.remsi %scan3A_40, %select_n3A : i32
      %ne3A = arith.constant 0 : i32
      %ne3A_46 = arith.cmpi ne, %rem3A, %ne3A : i32
      %lt3A_47 = arith.constant 0 : i32
      %lt3A_48 = arith.cmpi slt, %rem3A, %lt3A_47 : i32
      %lt3A_49 = arith.constant 0 : i32
      %lt3A_50 = arith.cmpi slt, %select_n3A, %lt3A_49 : i32
      %ne3A_51 = arith.xori %lt3A_48, %lt3A_50 : i1
      %and3A = arith.andi %ne3A_51, %ne3A_46 : i1
      %add3A_52 = arith.addi %rem3A, %select_n3A : i32
      %select_n3A_53 = arith.select %and3A, %add3A_52, %rem3A : i32
      %dma_wait3A = arith.constant 0 : i32
      %dma_wait3A_54 = arith.constant 0 : i32
      %dma_wait3A_55 = tpu.memref_slice %arg9[%select_n3A_53, %dma_wait3A, %dma_wait3A_54] : memref<2x128x128xf32, #tpu.memory_space<vmem>> -> memref<1x128x128xf32, #tpu.memory_space<vmem>>
      %dma_wait3A_56 = tpu.memref_squeeze %dma_wait3A_55 : memref<1x128x128xf32, #tpu.memory_space<vmem>> -> memref<128x128xf32, #tpu.memory_space<vmem>>
      %dma_wait3A_57 = arith.constant 0 : i32
      %dma_wait3A_58 = tpu.memref_slice %arg7[%scan3A_40, %dma_wait3A_57] : memref<40x128xi32, #tpu.memory_space<vmem>> -> memref<1x128xi32, #tpu.memory_space<vmem>>
      %dma_wait3A_59 = tpu.memref_squeeze %dma_wait3A_58 : memref<1x128xi32, #tpu.memory_space<vmem>> -> memref<128xi32, #tpu.memory_space<vmem>>
      %dma_wait3A_60 = arith.constant 0 : i32
      %dma_wait3A_61 = arith.constant 0 : i32
      %dma_wait3A_62 = tpu.memref_slice %arg2[%dma_wait3A_60, %dma_wait3A_61] : memref<10000x128xf32, #tpu.memory_space<hbm>> -> memref<10000x128xf32, #tpu.memory_space<hbm>>
      tpu.wait_indirect_dma semaphore(%arg11 : memref<!tpu.dma_semaphore, #tpu.memory_space<semaphore_mem>>) src(%dma_wait3A_62 : memref<10000x128xf32, #tpu.memory_space<hbm>>) dst(%dma_wait3A_56 : memref<128x128xf32, #tpu.memory_space<vmem>>)
      %jit3A_63 = arith.constant 2 : i32
      %eq3A_64 = arith.constant 0 : i32
      %eq3A_65 = arith.cmpi eq, %jit3A_63, %eq3A_64 : i32
      %jit3A_66 = arith.constant 1 : i32
      %select_n3A_67 = arith.select %eq3A_65, %jit3A_66, %jit3A_63 : i32
      %rem3A_68 = arith.remsi %scan3A_40, %select_n3A_67 : i32
      %ne3A_69 = arith.constant 0 : i32
      %ne3A_70 = arith.cmpi ne, %rem3A_68, %ne3A_69 : i32
      %lt3A_71 = arith.constant 0 : i32
      %lt3A_72 = arith.cmpi slt, %rem3A_68, %lt3A_71 : i32
      %lt3A_73 = arith.constant 0 : i32
      %lt3A_74 = arith.cmpi slt, %select_n3A_67, %lt3A_73 : i32
      %ne3A_75 = arith.xori %lt3A_72, %lt3A_74 : i1
      %and3A_76 = arith.andi %ne3A_75, %ne3A_70 : i1
      %add3A_77 = arith.addi %rem3A_68, %select_n3A_67 : i32
      %select_n3A_78 = arith.select %and3A_76, %add3A_77, %rem3A_68 : i32
      %dma_start3A_79 = arith.constant 0 : i32
      %dma_start3A_80 = arith.constant 0 : i32
      %dma_start3A_81 = tpu.memref_slice %arg9[%select_n3A_78, %dma_start3A_79, %dma_start3A_80] : memref<2x128x128xf32, #tpu.memory_space<vmem>> -> memref<1x128x128xf32, #tpu.memory_space<vmem>>
      %dma_start3A_82 = tpu.memref_squeeze %dma_start3A_81 : memref<1x128x128xf32, #tpu.memory_space<vmem>> -> memref<128x128xf32, #tpu.memory_space<vmem>>
      %dma_start3A_83 = arith.constant 0 : i32
      %dma_start3A_84 = tpu.memref_slice %arg8[%scan3A_40, %dma_start3A_83] : memref<40x128xi32, #tpu.memory_space<vmem>> -> memref<1x128xi32, #tpu.memory_space<vmem>>
      %dma_start3A_85 = tpu.memref_squeeze %dma_start3A_84 : memref<1x128xi32, #tpu.memory_space<vmem>> -> memref<128xi32, #tpu.memory_space<vmem>>
      %dma_start3A_86 = arith.constant 0 : i32
      %dma_start3A_87 = arith.constant 0 : i32
      %dma_start3A_88 = tpu.memref_slice %arg10[%dma_start3A_86, %dma_start3A_87] : memref<10112x128xf32, #tpu.memory_space<vmem_shared>> -> memref<10112x128xf32, #tpu.memory_space<vmem_shared>>
      tpu.enqueue_indirect_dma source(%dma_start3A_82 : memref<128x128xf32, #tpu.memory_space<vmem>>) target(%dma_start3A_88 : memref<10112x128xf32, #tpu.memory_space<vmem_shared>>) offsets(%dma_start3A_85 : memref<128xi32, #tpu.memory_space<vmem>>) semaphore(%arg12 : memref<!tpu.dma_semaphore, #tpu.memory_space<semaphore_mem>>) {add = true}
      %dma_wait3A_89 = arith.constant 0 : i32
      %dma_wait3A_90 = arith.constant 0 : i32
      %dma_wait3A_91 = tpu.memref_slice %arg9[%select_n3A_78, %dma_wait3A_89, %dma_wait3A_90] : memref<2x128x128xf32, #tpu.memory_space<vmem>> -> memref<1x128x128xf32, #tpu.memory_space<vmem>>
      %dma_wait3A_92 = tpu.memref_squeeze %dma_wait3A_91 : memref<1x128x128xf32, #tpu.memory_space<vmem>> -> memref<128x128xf32, #tpu.memory_space<vmem>>
      %dma_wait3A_93 = arith.constant 0 : i32
      %dma_wait3A_94 = tpu.memref_slice %arg8[%scan3A_40, %dma_wait3A_93] : memref<40x128xi32, #tpu.memory_space<vmem>> -> memref<1x128xi32, #tpu.memory_space<vmem>>
      %dma_wait3A_95 = tpu.memref_squeeze %dma_wait3A_94 : memref<1x128xi32, #tpu.memory_space<vmem>> -> memref<128xi32, #tpu.memory_space<vmem>>
      %dma_wait3A_96 = arith.constant 0 : i32
      %dma_wait3A_97 = arith.constant 0 : i32
      %dma_wait3A_98 = tpu.memref_slice %arg10[%dma_wait3A_96, %dma_wait3A_97] : memref<10112x128xf32, #tpu.memory_space<vmem_shared>> -> memref<10112x128xf32, #tpu.memory_space<vmem_shared>>
      tpu.wait_indirect_dma semaphore(%arg12 : memref<!tpu.dma_semaphore, #tpu.memory_space<semaphore_mem>>) src(%dma_wait3A_92 : memref<128x128xf32, #tpu.memory_space<vmem>>) dst(%dma_wait3A_98 : memref<10112x128xf32, #tpu.memory_space<vmem_shared>>)
    }
    %scan3A_34 = arith.constant 40 : i32
    %barrier3A_35 = arith.constant 0 : index
    tpu.barrier barrier_id(%barrier3A_35)
    %mul3A_36 = arith.constant 632 : i32
    %mul3A_37 = arith.muli %arg1, %mul3A_36 : i32
    %mul3A_38 = arith.constant 632 : i32
    %mul3A_39 = arith.muli %arg1, %mul3A_38 : i32
    "tpu.region"() ({
      %run_scoped3A = tpu.sem_alloc : memref<!tpu.dma_semaphore, #tpu.memory_space<semaphore_mem>>
      %dma_start3A_40 = arith.constant 0 : i32
      %dma_start3A_41 = tpu.memref_slice %arg6[%arg0, %mul3A_39, %dma_start3A_40] : memref<2x10112x128xf32, #tpu.memory_space<hbm>> -> memref<1x632x128xf32, #tpu.memory_space<hbm>>
      %dma_start3A_42 = tpu.memref_squeeze %dma_start3A_41 : memref<1x632x128xf32, #tpu.memory_space<hbm>> -> memref<632x128xf32, #tpu.memory_space<hbm>>
      %dma_start3A_43 = arith.constant 0 : i32
      %dma_start3A_44 = tpu.memref_slice %arg10[%mul3A_37, %dma_start3A_43] : memref<10112x128xf32, #tpu.memory_space<vmem_shared>> -> memref<632x128xf32, #tpu.memory_space<vmem_shared>>
      tpu.enqueue_dma source(%dma_start3A_44 : memref<632x128xf32, #tpu.memory_space<vmem_shared>>) target(%dma_start3A_42 : memref<632x128xf32, #tpu.memory_space<hbm>>) target_semaphore(%run_scoped3A : memref<!tpu.dma_semaphore, #tpu.memory_space<semaphore_mem>>)
      %dma_wait3A = arith.constant 0 : i32
      %dma_wait3A_45 = tpu.memref_slice %arg6[%arg0, %mul3A_39, %dma_wait3A] : memref<2x10112x128xf32, #tpu.memory_space<hbm>> -> memref<1x632x128xf32, #tpu.memory_space<hbm>>
      %dma_wait3A_46 = tpu.memref_squeeze %dma_wait3A_45 : memref<1x632x128xf32, #tpu.memory_space<hbm>> -> memref<632x128xf32, #tpu.memory_space<hbm>>
      %dma_wait3A_47 = arith.constant 0 : i32
      %dma_wait3A_48 = tpu.memref_slice %arg10[%mul3A_37, %dma_wait3A_47] : memref<10112x128xf32, #tpu.memory_space<vmem_shared>> -> memref<632x128xf32, #tpu.memory_space<vmem_shared>>
      tpu.wait_dma2 semaphore(%run_scoped3A : memref<!tpu.dma_semaphore, #tpu.memory_space<semaphore_mem>>) src(%dma_wait3A_48 : memref<632x128xf32, #tpu.memory_space<vmem_shared>>) dst(%dma_wait3A_46 : memref<632x128xf32, #tpu.memory_space<hbm>>)
      tpu.yield
    }) : () -> ()
    return
  }
}

module attributes {stable_mosaic.version = 14 : i64} {
  func.func @_embed_body(%arg0: i32, %arg1: memref<1x1x400xi32, #tpu.memory_space<vmem>>, %arg2: memref<1x1x400xi32, #tpu.memory_space<vmem>>, %arg3: memref<128x128xf32, #tpu.memory_space<vmem>>, %arg4: memref<8x128xf32, #tpu.memory_space<vmem>>, %arg5: memref<128x128xf32, #tpu.memory_space<vmem>>, %arg6: memref<400x128xf32, #tpu.memory_space<vmem>>) attributes {dimension_semantics = [#tpu.dimension_semantics<arbitrary>], iteration_bounds = array<i64: 25>, scalar_prefetch = 0 : i64, scratch_operands = 0 : i64, tpu.core_type = #tpu.core_type<tc>, window_params = [{transform_indices = @transform_0, window_bounds = array<i64: 1, 1, 400>}, {transform_indices = @transform_1, window_bounds = array<i64: 1, 1, 400>}, {pipeline_mode = #tpu.pipeline_mode<synchronous>, transform_indices = @transform_2, window_bounds = array<i64: 128, 128>}, {pipeline_mode = #tpu.pipeline_mode<synchronous>, transform_indices = @transform_3, window_bounds = array<i64: 8, 128>}, {pipeline_mode = #tpu.pipeline_mode<synchronous>, transform_indices = @transform_4, window_bounds = array<i64: 128, 128>}, {transform_indices = @transform_5, window_bounds = array<i64: 400, 128>}]} {
    %get3A = arith.constant 0 : index
    %get3A_0 = arith.constant 0 : index
    %get3A_1 = arith.constant 0 : index
    %get3A_2 = vector.load %arg1[%get3A, %get3A_0, %get3A_1] : memref<1x1x400xi32, #tpu.memory_space<vmem>>, vector<1x1x400xi32>
    %get3A_3 = vector.shape_cast %get3A_2 : vector<1x1x400xi32> to vector<400xi32>
    %get3A_4 = arith.constant 0 : index
    %get3A_5 = arith.constant 0 : index
    %get3A_6 = arith.constant 0 : index
    %get3A_7 = vector.load %arg2[%get3A_4, %get3A_5, %get3A_6] : memref<1x1x400xi32, #tpu.memory_space<vmem>>, vector<1x1x400xi32>
    %get3A_8 = vector.shape_cast %get3A_7 : vector<1x1x400xi32> to vector<400xi32>
    %iota3A = tpu.iota {dimensions = array<i32: 1>} : vector<400x128xi32>
    %broadcast_in_dim3A = vector.shape_cast %get3A_3 : vector<400xi32> to vector<400x1xi32>
    %eq3A = vector.broadcast %broadcast_in_dim3A : vector<400x1xi32> to vector<400x128xi32>
    %eq3A_9 = arith.cmpi eq, %eq3A, %iota3A : vector<400x128xi32>
    %convert_element_type3A = arith.extui %eq3A_9 : vector<400x128xi1> to vector<400x128xi32>
    %convert_element_type3A_10 = arith.sitofp %convert_element_type3A : vector<400x128xi32> to vector<400x128xf32>
    %iota3A_11 = tpu.iota {dimensions = array<i32: 1>} : vector<400x8xi32>
    %broadcast_in_dim3A_12 = vector.shape_cast %get3A_8 : vector<400xi32> to vector<400x1xi32>
    %eq3A_13 = vector.broadcast %broadcast_in_dim3A_12 : vector<400x1xi32> to vector<400x8xi32>
    %eq3A_14 = arith.cmpi eq, %eq3A_13, %iota3A_11 : vector<400x8xi32>
    %convert_element_type3A_15 = arith.extui %eq3A_14 : vector<400x8xi1> to vector<400x8xi32>
    %convert_element_type3A_16 = arith.sitofp %convert_element_type3A_15 : vector<400x8xi32> to vector<400x8xf32>
    %get3A_17 = arith.constant 0 : index
    %get3A_18 = arith.constant 0 : index
    %get3A_19 = vector.load %arg3[%get3A_17, %get3A_18] : memref<128x128xf32, #tpu.memory_space<vmem>>, vector<128x128xf32>
    %dot_general3A = arith.constant dense<0.000000e+00> : vector<400x128xf32>
    %dot_general3A_20 = tpu.matmul %convert_element_type3A_10, %get3A_19, %dot_general3A {dimension_numbers = #tpu.dot_dimension_numbers<[1], [0], [0], [1], [0, 0, 1, 1], [], []>, precision = #tpu.contract_precision<fp32>, transpose_lhs_hint = false} : vector<400x128xf32>, vector<128x128xf32>, vector<400x128xf32> -> vector<400x128xf32>
    %get3A_21 = arith.constant 0 : index
    %get3A_22 = arith.constant 0 : index
    %get3A_23 = vector.load %arg4[%get3A_21, %get3A_22] : memref<8x128xf32, #tpu.memory_space<vmem>>, vector<8x128xf32>
    %dot_general3A_24 = arith.constant dense<0.000000e+00> : vector<400x128xf32>
    %dot_general3A_25 = tpu.matmul %convert_element_type3A_16, %get3A_23, %dot_general3A_24 {dimension_numbers = #tpu.dot_dimension_numbers<[1], [0], [0], [1], [0, 0, 1, 1], [], []>, precision = #tpu.contract_precision<fp32>, transpose_lhs_hint = false} : vector<400x8xf32>, vector<8x128xf32>, vector<400x128xf32> -> vector<400x128xf32>
    %add3A = arith.addf %dot_general3A_20, %dot_general3A_25 : vector<400x128xf32>
    %get3A_26 = arith.constant 0 : index
    %get3A_27 = arith.constant 0 : index
    %get3A_28 = vector.load %arg5[%get3A_26, %get3A_27] : memref<128x128xf32, #tpu.memory_space<vmem>>, vector<128x128xf32>
    %dot_general3A_29 = arith.constant dense<0.000000e+00> : vector<400x128xf32>
    %dot_general3A_30 = tpu.matmul %add3A, %get3A_28, %dot_general3A_29 {dimension_numbers = #tpu.dot_dimension_numbers<[1], [0], [0], [1], [0, 0, 1, 1], [], []>, transpose_lhs_hint = false} : vector<400x128xf32>, vector<128x128xf32>, vector<400x128xf32> -> vector<400x128xf32>
    %swap3A = arith.constant 0 : index
    %swap3A_31 = arith.constant 0 : index
    %swap3A_32 = vector.load %arg6[%swap3A, %swap3A_31] : memref<400x128xf32, #tpu.memory_space<vmem>>, vector<400x128xf32>
    tpu.vector_store %arg6[%swap3A, %swap3A_31], %dot_general3A_30 {strides = array<i32>} : memref<400x128xf32, #tpu.memory_space<vmem>>, vector<400x128xf32>,
    return
  }
  func.func @transform_0(%arg0: i32) -> (i32, i32, i32) {
    %c0_i32 = arith.constant 0 : i32
    %c0_i32_0 = arith.constant 0 : i32
    %c0_i32_1 = arith.constant 0 : i32
    return %arg0, %c0_i32, %c0_i32_0 : i32, i32, i32
  }
  func.func @transform_1(%arg0: i32) -> (i32, i32, i32) {
    %c0_i32 = arith.constant 0 : i32
    %c0_i32_0 = arith.constant 0 : i32
    %c0_i32_1 = arith.constant 0 : i32
    return %arg0, %c0_i32, %c0_i32_0 : i32, i32, i32
  }
  func.func @transform_2(%arg0: i32) -> (i32, i32) {
    %c0_i32 = arith.constant 0 : i32
    %c0_i32_0 = arith.constant 0 : i32
    %c0_i32_1 = arith.constant 0 : i32
    return %c0_i32, %c0_i32_0 : i32, i32
  }
  func.func @transform_3(%arg0: i32) -> (i32, i32) {
    %c0_i32 = arith.constant 0 : i32
    %c0_i32_0 = arith.constant 0 : i32
    %c0_i32_1 = arith.constant 0 : i32
    return %c0_i32, %c0_i32_0 : i32, i32
  }
  func.func @transform_4(%arg0: i32) -> (i32, i32) {
    %c0_i32 = arith.constant 0 : i32
    %c0_i32_0 = arith.constant 0 : i32
    %c0_i32_1 = arith.constant 0 : i32
    return %c0_i32, %c0_i32_0 : i32, i32
  }
  func.func @transform_5(%arg0: i32) -> (i32, i32) {
    %c0_i32 = arith.constant 0 : i32
    %c0_i32_0 = arith.constant 0 : i32
    return %arg0, %c0_i32 : i32, i32
  }
}

module attributes {stable_mosaic.version = 14 : i64} {
  func.func @_layerA_body(%arg0: i32, %arg1: memref<400x128xf32, #tpu.memory_space<vmem>>, %arg2: memref<400x128xf32, #tpu.memory_space<vmem>>, %arg3: memref<400x128xf32, #tpu.memory_space<vmem>>, %arg4: memref<400x128xf32, #tpu.memory_space<vmem>>, %arg5: memref<400x128xf32, #tpu.memory_space<vmem>>, %arg6: memref<128x128xf32, #tpu.memory_space<vmem>>, %arg7: memref<8x128xf32, #tpu.memory_space<vmem>>, %arg8: memref<400x128xf32, #tpu.memory_space<vmem>>, %arg9: memref<8x128xf32, #tpu.memory_space<vmem>>) attributes {dimension_semantics = [#tpu.dimension_semantics<arbitrary>], iteration_bounds = array<i64: 25>, scalar_prefetch = 0 : i64, scratch_operands = 0 : i64, tpu.core_type = #tpu.core_type<tc>, window_params = [{transform_indices = @transform_0, window_bounds = array<i64: 400, 128>}, {transform_indices = @transform_1, window_bounds = array<i64: 400, 128>}, {transform_indices = @transform_2, window_bounds = array<i64: 400, 128>}, {transform_indices = @transform_3, window_bounds = array<i64: 400, 128>}, {transform_indices = @transform_4, window_bounds = array<i64: 400, 128>}, {pipeline_mode = #tpu.pipeline_mode<synchronous>, transform_indices = @transform_5, window_bounds = array<i64: 128, 128>}, {pipeline_mode = #tpu.pipeline_mode<synchronous>, transform_indices = @transform_6, window_bounds = array<i64: 8, 128>}, {transform_indices = @transform_7, window_bounds = array<i64: 400, 128>}, {pipeline_mode = #tpu.pipeline_mode<synchronous>, transform_indices = @transform_8, window_bounds = array<i64: 8, 128>}]} {
    %get3A = arith.constant 0 : index
    %get3A_0 = arith.constant 0 : index
    %get3A_1 = vector.load %arg4[%get3A, %get3A_0] : memref<400x128xf32, #tpu.memory_space<vmem>>, vector<400x128xf32>
    %get3A_2 = arith.constant 0 : index
    %get3A_3 = arith.constant 0 : index
    %get3A_4 = vector.load %arg5[%get3A_2, %get3A_3] : memref<400x128xf32, #tpu.memory_space<vmem>>, vector<400x128xf32>
    %add3A = arith.addf %get3A_1, %get3A_4 : vector<400x128xf32>
    %get3A_5 = arith.constant 0 : index
    %get3A_6 = arith.constant 0 : index
    %get3A_7 = vector.load %arg1[%get3A_5, %get3A_6] : memref<400x128xf32, #tpu.memory_space<vmem>>, vector<400x128xf32>
    %get3A_8 = arith.constant 0 : index
    %get3A_9 = arith.constant 0 : index
    %get3A_10 = vector.load %arg2[%get3A_8, %get3A_9] : memref<400x128xf32, #tpu.memory_space<vmem>>, vector<400x128xf32>
    %add3A_11 = arith.addf %get3A_7, %get3A_10 : vector<400x128xf32>
    %get3A_12 = arith.constant 0 : index
    %get3A_13 = arith.constant 0 : index
    %get3A_14 = vector.load %arg3[%get3A_12, %get3A_13] : memref<400x128xf32, #tpu.memory_space<vmem>>, vector<400x128xf32>
    %add3A_15 = arith.addf %add3A_11, %get3A_14 : vector<400x128xf32>
    %get3A_16 = arith.constant 0 : index
    %get3A_17 = arith.constant 0 : index
    %get3A_18 = vector.load %arg6[%get3A_16, %get3A_17] : memref<128x128xf32, #tpu.memory_space<vmem>>, vector<128x128xf32>
    %dot_general3A = arith.constant dense<0.000000e+00> : vector<400x128xf32>
    %dot_general3A_19 = tpu.matmul %add3A, %get3A_18, %dot_general3A {dimension_numbers = #tpu.dot_dimension_numbers<[1], [0], [0], [1], [0, 0, 1, 1], [], []>, precision = #tpu.contract_precision<fp32>, transpose_lhs_hint = false} : vector<400x128xf32>, vector<128x128xf32>, vector<400x128xf32> -> vector<400x128xf32>
    %add3A_20 = arith.addf %add3A_15, %dot_general3A_19 : vector<400x128xf32>
    %get3A_21 = arith.constant 0 : index
    %get3A_22 = arith.constant 0 : index
    %get3A_23 = vector.load %arg7[%get3A_21, %get3A_22] : memref<8x128xf32, #tpu.memory_space<vmem>>, vector<1x128xf32>
    %get3A_24 = vector.shape_cast %get3A_23 : vector<1x128xf32> to vector<128xf32>
    %broadcast_in_dim3A = vector.shape_cast %get3A_24 : vector<128xf32> to vector<1x128xf32>
    %add3A_25 = vector.broadcast %broadcast_in_dim3A : vector<1x128xf32> to vector<400x128xf32>
    %add3A_26 = arith.addf %add3A_20, %add3A_25 : vector<400x128xf32>
    %swap3A = arith.constant 0 : index
    %swap3A_27 = arith.constant 0 : index
    %swap3A_28 = vector.load %arg8[%swap3A, %swap3A_27] : memref<400x128xf32, #tpu.memory_space<vmem>>, vector<400x128xf32>
    tpu.vector_store %arg8[%swap3A, %swap3A_27], %add3A_26 {strides = array<i32>} : memref<400x128xf32, #tpu.memory_space<vmem>>, vector<400x128xf32>,
    %eq3A = arith.constant 0 : i32
    %eq3A_29 = arith.cmpi eq, %arg0, %eq3A : i32
    %convert_element_type3A = arith.extui %eq3A_29 : i1 to i32
    %cond3A = arith.constant 0 : i32
    %cond3A_30 = arith.cmpi ne, %convert_element_type3A, %cond3A : i32
    scf.if %cond3A_30 {
      %broadcast_in_dim3A_42 = arith.constant 0.000000e+00 : f32
      %broadcast_in_dim3A_43 = vector.broadcast %broadcast_in_dim3A_42 : f32 to vector<8x128xf32>
      %swap3A_44 = arith.constant 0 : index
      %swap3A_45 = arith.constant 0 : index
      %swap3A_46 = vector.load %arg9[%swap3A_44, %swap3A_45] : memref<8x128xf32, #tpu.memory_space<vmem>>, vector<8x128xf32>
      tpu.vector_store %arg9[%swap3A_44, %swap3A_45], %broadcast_in_dim3A_43 {strides = array<i32>} : memref<8x128xf32, #tpu.memory_space<vmem>>, vector<8x128xf32>,
    } else {
    }
    %reduce_sum3A = arith.constant dense<0.000000e+00> : vector<128xf32>
    %reduce_sum3A_31 = vector.multi_reduction <add>, %add3A_26, %reduce_sum3A [0] : vector<400x128xf32> to vector<128xf32>
    %broadcast_in_dim3A_32 = vector.shape_cast %reduce_sum3A_31 : vector<128xf32> to vector<1x128xf32>
    %broadcast_in_dim3A_33 = arith.constant 0.000000e+00 : f32
    %broadcast_in_dim3A_34 = vector.broadcast %broadcast_in_dim3A_33 : f32 to vector<7x128xf32>
    %concatenate3A = tpu.concatenate %broadcast_in_dim3A_32, %broadcast_in_dim3A_34 in 0 : vector<1x128xf32>, vector<7x128xf32> -> vector<8x128xf32>
    %get3A_35 = arith.constant 0 : index
    %get3A_36 = arith.constant 0 : index
    %get3A_37 = vector.load %arg9[%get3A_35, %get3A_36] : memref<8x128xf32, #tpu.memory_space<vmem>>, vector<8x128xf32>
    %add3A_38 = arith.addf %get3A_37, %concatenate3A : vector<8x128xf32>
    %swap3A_39 = arith.constant 0 : index
    %swap3A_40 = arith.constant 0 : index
    %swap3A_41 = vector.load %arg9[%swap3A_39, %swap3A_40] : memref<8x128xf32, #tpu.memory_space<vmem>>, vector<8x128xf32>
    tpu.vector_store %arg9[%swap3A_39, %swap3A_40], %add3A_38 {strides = array<i32>} : memref<8x128xf32, #tpu.memory_space<vmem>>, vector<8x128xf32>,
    return
  }
  func.func @transform_0(%arg0: i32) -> (i32, i32) {
    %c0_i32 = arith.constant 0 : i32
    %c0_i32_0 = arith.constant 0 : i32
    return %arg0, %c0_i32 : i32, i32
  }
  func.func @transform_1(%arg0: i32) -> (i32, i32) {
    %c0_i32 = arith.constant 0 : i32
    %c0_i32_0 = arith.constant 0 : i32
    return %arg0, %c0_i32 : i32, i32
  }
  func.func @transform_2(%arg0: i32) -> (i32, i32) {
    %c0_i32 = arith.constant 0 : i32
    %c0_i32_0 = arith.constant 0 : i32
    return %arg0, %c0_i32 : i32, i32
  }
  func.func @transform_3(%arg0: i32) -> (i32, i32) {
    %c0_i32 = arith.constant 0 : i32
    %c0_i32_0 = arith.constant 0 : i32
    return %arg0, %c0_i32 : i32, i32
  }
  func.func @transform_4(%arg0: i32) -> (i32, i32) {
    %c0_i32 = arith.constant 0 : i32
    %c0_i32_0 = arith.constant 0 : i32
    return %arg0, %c0_i32 : i32, i32
  }
  func.func @transform_5(%arg0: i32) -> (i32, i32) {
    %c0_i32 = arith.constant 0 : i32
    %c0_i32_0 = arith.constant 0 : i32
    %c0_i32_1 = arith.constant 0 : i32
    return %c0_i32, %c0_i32_0 : i32, i32
  }
  func.func @transform_6(%arg0: i32) -> (i32, i32) {
    %c0_i32 = arith.constant 0 : i32
    %c0_i32_0 = arith.constant 0 : i32
    %c0_i32_1 = arith.constant 0 : i32
    return %c0_i32, %c0_i32_0 : i32, i32
  }
  func.func @transform_7(%arg0: i32) -> (i32, i32) {
    %c0_i32 = arith.constant 0 : i32
    %c0_i32_0 = arith.constant 0 : i32
    return %arg0, %c0_i32 : i32, i32
  }
  func.func @transform_8(%arg0: i32) -> (i32, i32) {
    %c0_i32 = arith.constant 0 : i32
    %c0_i32_0 = arith.constant 0 : i32
    %c0_i32_1 = arith.constant 0 : i32
    return %c0_i32, %c0_i32_0 : i32, i32
  }
}

module attributes {stable_mosaic.version = 14 : i64} {
  func.func @_var_body(%arg0: i32, %arg1: memref<400x128xf32, #tpu.memory_space<vmem>>, %arg2: memref<8x128xf32, #tpu.memory_space<vmem>>, %arg3: memref<8x128xf32, #tpu.memory_space<vmem>>) attributes {dimension_semantics = [#tpu.dimension_semantics<arbitrary>], iteration_bounds = array<i64: 25>, scalar_prefetch = 0 : i64, scratch_operands = 0 : i64, tpu.core_type = #tpu.core_type<tc>, window_params = [{transform_indices = @transform_0, window_bounds = array<i64: 400, 128>}, {pipeline_mode = #tpu.pipeline_mode<synchronous>, transform_indices = @transform_1, window_bounds = array<i64: 8, 128>}, {pipeline_mode = #tpu.pipeline_mode<synchronous>, transform_indices = @transform_2, window_bounds = array<i64: 8, 128>}]} {
    %get3A = arith.constant 0 : index
    %get3A_0 = arith.constant 0 : index
    %get3A_1 = vector.load %arg2[%get3A, %get3A_0] : memref<8x128xf32, #tpu.memory_space<vmem>>, vector<1x128xf32>
    %get3A_2 = vector.shape_cast %get3A_1 : vector<1x128xf32> to vector<128xf32>
    %mul3A = arith.constant 9.99999974E-5 : f32
    %mul3A_3 = vector.broadcast %mul3A : f32 to vector<128xf32>
    %mul3A_4 = arith.mulf %get3A_2, %mul3A_3 : vector<128xf32>
    %get3A_5 = arith.constant 0 : index
    %get3A_6 = arith.constant 0 : index
    %get3A_7 = vector.load %arg1[%get3A_5, %get3A_6] : memref<400x128xf32, #tpu.memory_space<vmem>>, vector<400x128xf32>
    %broadcast_in_dim3A = vector.shape_cast %mul3A_4 : vector<128xf32> to vector<1x128xf32>
    %sub3A = vector.broadcast %broadcast_in_dim3A : vector<1x128xf32> to vector<400x128xf32>
    %sub3A_8 = arith.subf %get3A_7, %sub3A : vector<400x128xf32>
    %eq3A = arith.constant 0 : i32
    %eq3A_9 = arith.cmpi eq, %arg0, %eq3A : i32
    %convert_element_type3A = arith.extui %eq3A_9 : i1 to i32
    %cond3A = arith.constant 0 : i32
    %cond3A_10 = arith.cmpi ne, %convert_element_type3A, %cond3A : i32
    scf.if %cond3A_10 {
      %broadcast_in_dim3A_21 = arith.constant 0.000000e+00 : f32
      %broadcast_in_dim3A_22 = vector.broadcast %broadcast_in_dim3A_21 : f32 to vector<8x128xf32>
      %swap3A_23 = arith.constant 0 : index
      %swap3A_24 = arith.constant 0 : index
      %swap3A_25 = vector.load %arg3[%swap3A_23, %swap3A_24] : memref<8x128xf32, #tpu.memory_space<vmem>>, vector<8x128xf32>
      tpu.vector_store %arg3[%swap3A_23, %swap3A_24], %broadcast_in_dim3A_22 {strides = array<i32>} : memref<8x128xf32, #tpu.memory_space<vmem>>, vector<8x128xf32>,
    } else {
    }
    %mul3A_11 = arith.mulf %sub3A_8, %sub3A_8 : vector<400x128xf32>
    %reduce_sum3A = arith.constant dense<0.000000e+00> : vector<128xf32>
    %reduce_sum3A_12 = vector.multi_reduction <add>, %mul3A_11, %reduce_sum3A [0] : vector<400x128xf32> to vector<128xf32>
    %get3A_13 = arith.constant 0 : index
    %get3A_14 = arith.constant 0 : index
    %get3A_15 = vector.load %arg3[%get3A_13, %get3A_14] : memref<8x128xf32, #tpu.memory_space<vmem>>, vector<8x128xf32>
    %broadcast_in_dim3A_16 = vector.shape_cast %reduce_sum3A_12 : vector<128xf32> to vector<1x128xf32>
    %broadcast_in_dim3A_17 = arith.constant 0.000000e+00 : f32
    %broadcast_in_dim3A_18 = vector.broadcast %broadcast_in_dim3A_17 : f32 to vector<7x128xf32>
    %concatenate3A = tpu.concatenate %broadcast_in_dim3A_16, %broadcast_in_dim3A_18 in 0 : vector<1x128xf32>, vector<7x128xf32> -> vector<8x128xf32>
    %add3A = arith.addf %get3A_15, %concatenate3A : vector<8x128xf32>
    %swap3A = arith.constant 0 : index
    %swap3A_19 = arith.constant 0 : index
    %swap3A_20 = vector.load %arg3[%swap3A, %swap3A_19] : memref<8x128xf32, #tpu.memory_space<vmem>>, vector<8x128xf32>
    tpu.vector_store %arg3[%swap3A, %swap3A_19], %add3A {strides = array<i32>} : memref<8x128xf32, #tpu.memory_space<vmem>>, vector<8x128xf32>,
    return
  }
  func.func @transform_0(%arg0: i32) -> (i32, i32) {
    %c0_i32 = arith.constant 0 : i32
    %c0_i32_0 = arith.constant 0 : i32
    return %arg0, %c0_i32 : i32, i32
  }
  func.func @transform_1(%arg0: i32) -> (i32, i32) {
    %c0_i32 = arith.constant 0 : i32
    %c0_i32_0 = arith.constant 0 : i32
    %c0_i32_1 = arith.constant 0 : i32
    return %c0_i32, %c0_i32_0 : i32, i32
  }
  func.func @transform_2(%arg0: i32) -> (i32, i32) {
    %c0_i32 = arith.constant 0 : i32
    %c0_i32_0 = arith.constant 0 : i32
    %c0_i32_1 = arith.constant 0 : i32
    return %c0_i32, %c0_i32_0 : i32, i32
  }
}

module attributes {stable_mosaic.version = 14 : i64} {
  func.func @_layerB_mm_body(%arg0: i32, %arg1: memref<400x128xf32, #tpu.memory_space<vmem>>, %arg2: memref<8x128xf32, #tpu.memory_space<vmem>>, %arg3: memref<8x128xf32, #tpu.memory_space<vmem>>, %arg4: memref<8x128xf32, #tpu.memory_space<vmem>>, %arg5: memref<128x128xf32, #tpu.memory_space<vmem>>, %arg6: memref<400x128xf32, #tpu.memory_space<vmem>>) attributes {dimension_semantics = [#tpu.dimension_semantics<arbitrary>], iteration_bounds = array<i64: 25>, scalar_prefetch = 0 : i64, scratch_operands = 0 : i64, tpu.core_type = #tpu.core_type<tc>, window_params = [{transform_indices = @transform_0, window_bounds = array<i64: 400, 128>}, {pipeline_mode = #tpu.pipeline_mode<synchronous>, transform_indices = @transform_1, window_bounds = array<i64: 8, 128>}, {pipeline_mode = #tpu.pipeline_mode<synchronous>, transform_indices = @transform_2, window_bounds = array<i64: 8, 128>}, {pipeline_mode = #tpu.pipeline_mode<synchronous>, transform_indices = @transform_3, window_bounds = array<i64: 8, 128>}, {pipeline_mode = #tpu.pipeline_mode<synchronous>, transform_indices = @transform_4, window_bounds = array<i64: 128, 128>}, {transform_indices = @transform_5, window_bounds = array<i64: 400, 128>}]} {
    %get3A = arith.constant 0 : index
    %get3A_0 = arith.constant 0 : index
    %get3A_1 = vector.load %arg2[%get3A, %get3A_0] : memref<8x128xf32, #tpu.memory_space<vmem>>, vector<1x128xf32>
    %get3A_2 = vector.shape_cast %get3A_1 : vector<1x128xf32> to vector<128xf32>
    %mul3A = arith.constant 9.99999974E-5 : f32
    %mul3A_3 = vector.broadcast %mul3A : f32 to vector<128xf32>
    %mul3A_4 = arith.mulf %get3A_2, %mul3A_3 : vector<128xf32>
    %get3A_5 = arith.constant 0 : index
    %get3A_6 = arith.constant 0 : index
    %get3A_7 = vector.load %arg3[%get3A_5, %get3A_6] : memref<8x128xf32, #tpu.memory_space<vmem>>, vector<1x128xf32>
    %get3A_8 = vector.shape_cast %get3A_7 : vector<1x128xf32> to vector<128xf32>
    %mul3A_9 = arith.constant 9.99999974E-5 : f32
    %mul3A_10 = vector.broadcast %mul3A_9 : f32 to vector<128xf32>
    %mul3A_11 = arith.mulf %get3A_8, %mul3A_10 : vector<128xf32>
    %get3A_12 = arith.constant 1 : index
    %get3A_13 = arith.constant 0 : index
    %get3A_14 = vector.load %arg4[%get3A_12, %get3A_13] : memref<8x128xf32, #tpu.memory_space<vmem>>, vector<1x128xf32>
    %get3A_15 = vector.shape_cast %get3A_14 : vector<1x128xf32> to vector<128xf32>
    %get3A_16 = arith.constant 2 : index
    %get3A_17 = arith.constant 0 : index
    %get3A_18 = vector.load %arg4[%get3A_16, %get3A_17] : memref<8x128xf32, #tpu.memory_space<vmem>>, vector<1x128xf32>
    %get3A_19 = vector.shape_cast %get3A_18 : vector<1x128xf32> to vector<128xf32>
    %add3A = arith.constant 9.99999974E-6 : f32
    %add3A_20 = vector.broadcast %add3A : f32 to vector<128xf32>
    %add3A_21 = arith.addf %mul3A_11, %add3A_20 : vector<128xf32>
    %sqrt3A = math.sqrt %add3A_21 : vector<128xf32>
    %broadcast_in_dim3A = vector.shape_cast %get3A_15 : vector<128xf32> to vector<1x128xf32>
    %get3A_22 = arith.constant 0 : index
    %get3A_23 = arith.constant 0 : index
    %get3A_24 = vector.load %arg1[%get3A_22, %get3A_23] : memref<400x128xf32, #tpu.memory_space<vmem>>, vector<400x128xf32>
    %broadcast_in_dim3A_25 = vector.shape_cast %mul3A_4 : vector<128xf32> to vector<1x128xf32>
    %sub3A = vector.broadcast %broadcast_in_dim3A_25 : vector<1x128xf32> to vector<400x128xf32>
    %sub3A_26 = arith.subf %get3A_24, %sub3A : vector<400x128xf32>
    %broadcast_in_dim3A_27 = vector.shape_cast %sqrt3A : vector<128xf32> to vector<1x128xf32>
    %div3A = vector.broadcast %broadcast_in_dim3A_27 : vector<1x128xf32> to vector<400x128xf32>
    %div3A_28 = arith.divf %sub3A_26, %div3A : vector<400x128xf32>
    %mul3A_29 = vector.broadcast %broadcast_in_dim3A : vector<1x128xf32> to vector<400x128xf32>
    %mul3A_30 = arith.mulf %mul3A_29, %div3A_28 : vector<400x128xf32>
    %broadcast_in_dim3A_31 = vector.shape_cast %get3A_19 : vector<128xf32> to vector<1x128xf32>
    %add3A_32 = vector.broadcast %broadcast_in_dim3A_31 : vector<1x128xf32> to vector<400x128xf32>
    %add3A_33 = arith.addf %mul3A_30, %add3A_32 : vector<400x128xf32>
    %max3A = arith.constant 0.000000e+00 : f32
    %max3A_34 = vector.broadcast %max3A : f32 to vector<400x128xf32>
    %max3A_35 = arith.maximumf %add3A_33, %max3A_34 : vector<400x128xf32>
    %get3A_36 = arith.constant 0 : index
    %get3A_37 = arith.constant 0 : index
    %get3A_38 = vector.load %arg5[%get3A_36, %get3A_37] : memref<128x128xf32, #tpu.memory_space<vmem>>, vector<128x128xf32>
    %dot_general3A = arith.constant dense<0.000000e+00> : vector<400x128xf32>
    %dot_general3A_39 = tpu.matmul %max3A_35, %get3A_38, %dot_general3A {dimension_numbers = #tpu.dot_dimension_numbers<[1], [0], [0], [1], [0, 0, 1, 1], [], []>, transpose_lhs_hint = false} : vector<400x128xf32>, vector<128x128xf32>, vector<400x128xf32> -> vector<400x128xf32>
    %swap3A = arith.constant 0 : index
    %swap3A_40 = arith.constant 0 : index
    %swap3A_41 = vector.load %arg6[%swap3A, %swap3A_40] : memref<400x128xf32, #tpu.memory_space<vmem>>, vector<400x128xf32>
    tpu.vector_store %arg6[%swap3A, %swap3A_40], %dot_general3A_39 {strides = array<i32>} : memref<400x128xf32, #tpu.memory_space<vmem>>, vector<400x128xf32>,
    return
  }
  func.func @transform_0(%arg0: i32) -> (i32, i32) {
    %c0_i32 = arith.constant 0 : i32
    %c0_i32_0 = arith.constant 0 : i32
    return %arg0, %c0_i32 : i32, i32
  }
  func.func @transform_1(%arg0: i32) -> (i32, i32) {
    %c0_i32 = arith.constant 0 : i32
    %c0_i32_0 = arith.constant 0 : i32
    %c0_i32_1 = arith.constant 0 : i32
    return %c0_i32, %c0_i32_0 : i32, i32
  }
  func.func @transform_2(%arg0: i32) -> (i32, i32) {
    %c0_i32 = arith.constant 0 : i32
    %c0_i32_0 = arith.constant 0 : i32
    %c0_i32_1 = arith.constant 0 : i32
    return %c0_i32, %c0_i32_0 : i32, i32
  }
  func.func @transform_3(%arg0: i32) -> (i32, i32) {
    %c0_i32 = arith.constant 0 : i32
    %c0_i32_0 = arith.constant 0 : i32
    %c0_i32_1 = arith.constant 0 : i32
    return %c0_i32, %c0_i32_0 : i32, i32
  }
  func.func @transform_4(%arg0: i32) -> (i32, i32) {
    %c0_i32 = arith.constant 0 : i32
    %c0_i32_0 = arith.constant 0 : i32
    %c0_i32_1 = arith.constant 0 : i32
    return %c0_i32, %c0_i32_0 : i32, i32
  }
  func.func @transform_5(%arg0: i32) -> (i32, i32) {
    %c0_i32 = arith.constant 0 : i32
    %c0_i32_0 = arith.constant 0 : i32
    return %arg0, %c0_i32 : i32, i32
  }
}

module attributes {stable_mosaic.version = 14 : i64} {
  func.func @_layerB_last_body(%arg0: i32, %arg1: memref<400x128xf32, #tpu.memory_space<vmem>>, %arg2: memref<8x128xf32, #tpu.memory_space<vmem>>, %arg3: memref<8x128xf32, #tpu.memory_space<vmem>>, %arg4: memref<8x128xf32, #tpu.memory_space<vmem>>, %arg5: memref<400x128xf32, #tpu.memory_space<vmem>>) attributes {dimension_semantics = [#tpu.dimension_semantics<arbitrary>], iteration_bounds = array<i64: 25>, scalar_prefetch = 0 : i64, scratch_operands = 0 : i64, tpu.core_type = #tpu.core_type<tc>, window_params = [{transform_indices = @transform_0, window_bounds = array<i64: 400, 128>}, {pipeline_mode = #tpu.pipeline_mode<synchronous>, transform_indices = @transform_1, window_bounds = array<i64: 8, 128>}, {pipeline_mode = #tpu.pipeline_mode<synchronous>, transform_indices = @transform_2, window_bounds = array<i64: 8, 128>}, {pipeline_mode = #tpu.pipeline_mode<synchronous>, transform_indices = @transform_3, window_bounds = array<i64: 8, 128>}, {transform_indices = @transform_4, window_bounds = array<i64: 400, 128>}]} {
    %get3A = arith.constant 0 : index
    %get3A_0 = arith.constant 0 : index
    %get3A_1 = vector.load %arg2[%get3A, %get3A_0] : memref<8x128xf32, #tpu.memory_space<vmem>>, vector<1x128xf32>
    %get3A_2 = vector.shape_cast %get3A_1 : vector<1x128xf32> to vector<128xf32>
    %mul3A = arith.constant 9.99999974E-5 : f32
    %mul3A_3 = vector.broadcast %mul3A : f32 to vector<128xf32>
    %mul3A_4 = arith.mulf %get3A_2, %mul3A_3 : vector<128xf32>
    %get3A_5 = arith.constant 0 : index
    %get3A_6 = arith.constant 0 : index
    %get3A_7 = vector.load %arg3[%get3A_5, %get3A_6] : memref<8x128xf32, #tpu.memory_space<vmem>>, vector<1x128xf32>
    %get3A_8 = vector.shape_cast %get3A_7 : vector<1x128xf32> to vector<128xf32>
    %mul3A_9 = arith.constant 9.99999974E-5 : f32
    %mul3A_10 = vector.broadcast %mul3A_9 : f32 to vector<128xf32>
    %mul3A_11 = arith.mulf %get3A_8, %mul3A_10 : vector<128xf32>
    %get3A_12 = arith.constant 1 : index
    %get3A_13 = arith.constant 0 : index
    %get3A_14 = vector.load %arg4[%get3A_12, %get3A_13] : memref<8x128xf32, #tpu.memory_space<vmem>>, vector<1x128xf32>
    %get3A_15 = vector.shape_cast %get3A_14 : vector<1x128xf32> to vector<128xf32>
    %get3A_16 = arith.constant 2 : index
    %get3A_17 = arith.constant 0 : index
    %get3A_18 = vector.load %arg4[%get3A_16, %get3A_17] : memref<8x128xf32, #tpu.memory_space<vmem>>, vector<1x128xf32>
    %get3A_19 = vector.shape_cast %get3A_18 : vector<1x128xf32> to vector<128xf32>
    %add3A = arith.constant 9.99999974E-6 : f32
    %add3A_20 = vector.broadcast %add3A : f32 to vector<128xf32>
    %add3A_21 = arith.addf %mul3A_11, %add3A_20 : vector<128xf32>
    %sqrt3A = math.sqrt %add3A_21 : vector<128xf32>
    %broadcast_in_dim3A = vector.shape_cast %get3A_15 : vector<128xf32> to vector<1x128xf32>
    %get3A_22 = arith.constant 0 : index
    %get3A_23 = arith.constant 0 : index
    %get3A_24 = vector.load %arg1[%get3A_22, %get3A_23] : memref<400x128xf32, #tpu.memory_space<vmem>>, vector<400x128xf32>
    %broadcast_in_dim3A_25 = vector.shape_cast %mul3A_4 : vector<128xf32> to vector<1x128xf32>
    %sub3A = vector.broadcast %broadcast_in_dim3A_25 : vector<1x128xf32> to vector<400x128xf32>
    %sub3A_26 = arith.subf %get3A_24, %sub3A : vector<400x128xf32>
    %broadcast_in_dim3A_27 = vector.shape_cast %sqrt3A : vector<128xf32> to vector<1x128xf32>
    %div3A = vector.broadcast %broadcast_in_dim3A_27 : vector<1x128xf32> to vector<400x128xf32>
    %div3A_28 = arith.divf %sub3A_26, %div3A : vector<400x128xf32>
    %mul3A_29 = vector.broadcast %broadcast_in_dim3A : vector<1x128xf32> to vector<400x128xf32>
    %mul3A_30 = arith.mulf %mul3A_29, %div3A_28 : vector<400x128xf32>
    %broadcast_in_dim3A_31 = vector.shape_cast %get3A_19 : vector<128xf32> to vector<1x128xf32>
    %add3A_32 = vector.broadcast %broadcast_in_dim3A_31 : vector<1x128xf32> to vector<400x128xf32>
    %add3A_33 = arith.addf %mul3A_30, %add3A_32 : vector<400x128xf32>
    %swap3A = arith.constant 0 : index
    %swap3A_34 = arith.constant 0 : index
    %swap3A_35 = vector.load %arg5[%swap3A, %swap3A_34] : memref<400x128xf32, #tpu.memory_space<vmem>>, vector<400x128xf32>
    tpu.vector_store %arg5[%swap3A, %swap3A_34], %add3A_33 {strides = array<i32>} : memref<400x128xf32, #tpu.memory_space<vmem>>, vector<400x128xf32>,
    return
  }
  func.func @transform_0(%arg0: i32) -> (i32, i32) {
    %c0_i32 = arith.constant 0 : i32
    %c0_i32_0 = arith.constant 0 : i32
    return %arg0, %c0_i32 : i32, i32
  }
  func.func @transform_1(%arg0: i32) -> (i32, i32) {
    %c0_i32 = arith.constant 0 : i32
    %c0_i32_0 = arith.constant 0 : i32
    %c0_i32_1 = arith.constant 0 : i32
    return %c0_i32, %c0_i32_0 : i32, i32
  }
  func.func @transform_2(%arg0: i32) -> (i32, i32) {
    %c0_i32 = arith.constant 0 : i32
    %c0_i32_0 = arith.constant 0 : i32
    %c0_i32_1 = arith.constant 0 : i32
    return %c0_i32, %c0_i32_0 : i32, i32
  }
  func.func @transform_3(%arg0: i32) -> (i32, i32) {
    %c0_i32 = arith.constant 0 : i32
    %c0_i32_0 = arith.constant 0 : i32
    %c0_i32_1 = arith.constant 0 : i32
    return %c0_i32, %c0_i32_0 : i32, i32
  }
  func.func @transform_4(%arg0: i32) -> (i32, i32) {
    %c0_i32 = arith.constant 0 : i32
    %c0_i32_0 = arith.constant 0 : i32
    return %arg0, %c0_i32 : i32, i32
  }
}

module attributes {stable_mosaic.version = 14 : i64} {
  func.func @_pool_body(%arg0: i32, %arg1: memref<400x128xf32, #tpu.memory_space<vmem>>, %arg2: memref<1x1x400xi32, #tpu.memory_space<vmem>>, %arg3: memref<128x256xf32, #tpu.memory_space<vmem>>, %arg4: memref<8x256xf32, #tpu.memory_space<vmem>>, %arg5: memref<256x128xf32, #tpu.memory_space<vmem>>, %arg6: memref<8x128xf32, #tpu.memory_space<vmem>>, %arg7: memref<128x128xf32, #tpu.memory_space<vmem>>, %arg8: memref<8x128xf32, #tpu.memory_space<vmem>>, %arg9: memref<16x256xf32, #tpu.memory_space<vmem>>, %arg10: memref<16x128xf32, #tpu.memory_space<vmem>>, %arg11: memref<16x128xf32, #tpu.memory_space<vmem>>, %arg12: memref<16x128xf32, #tpu.memory_space<vmem>>) attributes {dimension_semantics = [#tpu.dimension_semantics<arbitrary>], iteration_bounds = array<i64: 25>, scalar_prefetch = 0 : i64, scratch_operands = 2 : i64, tpu.core_type = #tpu.core_type<tc>, window_params = [{transform_indices = @transform_0, window_bounds = array<i64: 400, 128>}, {transform_indices = @transform_1, window_bounds = array<i64: 1, 1, 400>}, {pipeline_mode = #tpu.pipeline_mode<synchronous>, transform_indices = @transform_2, window_bounds = array<i64: 128, 256>}, {pipeline_mode = #tpu.pipeline_mode<synchronous>, transform_indices = @transform_3, window_bounds = array<i64: 8, 256>}, {pipeline_mode = #tpu.pipeline_mode<synchronous>, transform_indices = @transform_4, window_bounds = array<i64: 256, 128>}, {pipeline_mode = #tpu.pipeline_mode<synchronous>, transform_indices = @transform_5, window_bounds = array<i64: 8, 128>}, {pipeline_mode = #tpu.pipeline_mode<synchronous>, transform_indices = @transform_6, window_bounds = array<i64: 128, 128>}, {pipeline_mode = #tpu.pipeline_mode<synchronous>, transform_indices = @transform_7, window_bounds = array<i64: 8, 128>}, {pipeline_mode = #tpu.pipeline_mode<synchronous>, transform_indices = @transform_8, window_bounds = array<i64: 16, 256>}, {pipeline_mode = #tpu.pipeline_mode<synchronous>, transform_indices = @transform_9, window_bounds = array<i64: 16, 128>}]} {
    %eq3A = arith.constant 0 : i32
    %eq3A_0 = arith.cmpi eq, %arg0, %eq3A : i32
    %convert_element_type3A = arith.extui %eq3A_0 : i1 to i32
    %cond3A = arith.constant 0 : i32
    %cond3A_1 = arith.cmpi ne, %convert_element_type3A, %cond3A : i32
    scf.if %cond3A_1 {
      %broadcast_in_dim3A_35 = arith.constant 0.000000e+00 : f32
      %broadcast_in_dim3A_36 = vector.broadcast %broadcast_in_dim3A_35 : f32 to vector<16x128xf32>
      %swap3A_37 = arith.constant 0 : index
      %swap3A_38 = arith.constant 0 : index
      %swap3A_39 = vector.load %arg11[%swap3A_37, %swap3A_38] : memref<16x128xf32, #tpu.memory_space<vmem>>, vector<16x128xf32>
      tpu.vector_store %arg11[%swap3A_37, %swap3A_38], %broadcast_in_dim3A_36 {strides = array<i32>} : memref<16x128xf32, #tpu.memory_space<vmem>>, vector<16x128xf32>,
      %broadcast_in_dim3A_40 = arith.constant 0.000000e+00 : f32
      %broadcast_in_dim3A_41 = vector.broadcast %broadcast_in_dim3A_40 : f32 to vector<16x128xf32>
      %swap3A_42 = arith.constant 0 : index
      %swap3A_43 = arith.constant 0 : index
      %swap3A_44 = vector.load %arg12[%swap3A_42, %swap3A_43] : memref<16x128xf32, #tpu.memory_space<vmem>>, vector<16x128xf32>
      tpu.vector_store %arg12[%swap3A_42, %swap3A_43], %broadcast_in_dim3A_41 {strides = array<i32>} : memref<16x128xf32, #tpu.memory_space<vmem>>, vector<16x128xf32>,
    } else {
    }
    %get3A = arith.constant 0 : index
    %get3A_2 = arith.constant 0 : index
    %get3A_3 = arith.constant 0 : index
    %get3A_4 = vector.load %arg2[%get3A, %get3A_2, %get3A_3] : memref<1x1x400xi32, #tpu.memory_space<vmem>>, vector<1x1x400xi32>
    %get3A_5 = vector.shape_cast %get3A_4 : vector<1x1x400xi32> to vector<400xi32>
    %iota3A = tpu.iota {dimensions = array<i32: 1>} : vector<400x16xi32>
    %broadcast_in_dim3A = vector.shape_cast %get3A_5 : vector<400xi32> to vector<400x1xi32>
    %eq3A_6 = vector.broadcast %broadcast_in_dim3A : vector<400x1xi32> to vector<400x16xi32>
    %eq3A_7 = arith.cmpi eq, %eq3A_6, %iota3A : vector<400x16xi32>
    %convert_element_type3A_8 = arith.extui %eq3A_7 : vector<400x16xi1> to vector<400x16xi32>
    %convert_element_type3A_9 = arith.sitofp %convert_element_type3A_8 : vector<400x16xi32> to vector<400x16xf32>
    %get3A_10 = arith.constant 0 : index
    %get3A_11 = arith.constant 0 : index
    %get3A_12 = vector.load %arg1[%get3A_10, %get3A_11] : memref<400x128xf32, #tpu.memory_space<vmem>>, vector<400x128xf32>
    %dot_general3A = arith.constant dense<0.000000e+00> : vector<16x128xf32>
    %dot_general3A_13 = tpu.matmul %convert_element_type3A_9, %get3A_12, %dot_general3A {dimension_numbers = #tpu.dot_dimension_numbers<[0], [0], [1], [1], [0, 1, 1, 1], [], []>, precision = #tpu.contract_precision<fp32>, transpose_lhs_hint = false} : vector<400x16xf32>, vector<400x128xf32>, vector<16x128xf32> -> vector<16x128xf32>
    %reduce_sum3A = arith.constant dense<0.000000e+00> : vector<16xf32>
    %reduce_sum3A_14 = vector.multi_reduction <add>, %convert_element_type3A_9, %reduce_sum3A [0] : vector<400x16xf32> to vector<16xf32>
    %get3A_15 = arith.constant 0 : index
    %get3A_16 = arith.constant 0 : index
    %get3A_17 = vector.load %arg11[%get3A_15, %get3A_16] : memref<16x128xf32, #tpu.memory_space<vmem>>, vector<16x128xf32>
    %add3A = arith.addf %get3A_17, %dot_general3A_13 : vector<16x128xf32>
    %swap3A = arith.constant 0 : index
    %swap3A_18 = arith.constant 0 : index
    %swap3A_19 = vector.load %arg11[%swap3A, %swap3A_18] : memref<16x128xf32, #tpu.memory_space<vmem>>, vector<16x128xf32>
    tpu.vector_store %arg11[%swap3A, %swap3A_18], %add3A {strides = array<i32>} : memref<16x128xf32, #tpu.memory_space<vmem>>, vector<16x128xf32>,
    %get3A_20 = arith.constant 0 : index
    %get3A_21 = arith.constant 0 : index
    %get3A_22 = vector.load %arg12[%get3A_20, %get3A_21] : memref<16x128xf32, #tpu.memory_space<vmem>>, vector<16x128xf32>
    %broadcast_in_dim3A_23 = vector.shape_cast %reduce_sum3A_14 : vector<16xf32> to vector<16x1xf32>
    %broadcast_in_dim3A_24 = vector.shape_cast %broadcast_in_dim3A_23 : vector<16x1xf32> to vector<16x1xf32>
    %broadcast_in_dim3A_25 = vector.broadcast %broadcast_in_dim3A_24 : vector<16x1xf32> to vector<16x128xf32>
    %add3A_26 = arith.addf %get3A_22, %broadcast_in_dim3A_25 : vector<16x128xf32>
    %swap3A_27 = arith.constant 0 : index
    %swap3A_28 = arith.constant 0 : index
    %swap3A_29 = vector.load %arg12[%swap3A_27, %swap3A_28] : memref<16x128xf32, #tpu.memory_space<vmem>>, vector<16x128xf32>
    tpu.vector_store %arg12[%swap3A_27, %swap3A_28], %add3A_26 {strides = array<i32>} : memref<16x128xf32, #tpu.memory_space<vmem>>, vector<16x128xf32>,
    %eq3A_30 = arith.constant 24 : i32
    %eq3A_31 = arith.cmpi eq, %arg0, %eq3A_30 : i32
    %convert_element_type3A_32 = arith.extui %eq3A_31 : i1 to i32
    %cond3A_33 = arith.constant 0 : i32
    %cond3A_34 = arith.cmpi ne, %convert_element_type3A_32, %cond3A_33 : i32
    scf.if %cond3A_34 {
      %get3A_35 = arith.constant 0 : index
      %get3A_36 = arith.constant 0 : index
      %get3A_37 = vector.load %arg11[%get3A_35, %get3A_36] : memref<16x128xf32, #tpu.memory_space<vmem>>, vector<16x128xf32>
      %get3A_38 = arith.constant 0 : index
      %get3A_39 = arith.constant 0 : index
      %get3A_40 = vector.load %arg12[%get3A_38, %get3A_39] : memref<16x128xf32, #tpu.memory_space<vmem>>, vector<16x128xf32>
      %max3A = arith.constant 1.000000e+00 : f32
      %max3A_41 = vector.broadcast %max3A : f32 to vector<16x128xf32>
      %max3A_42 = arith.maximumf %get3A_40, %max3A_41 : vector<16x128xf32>
      %div3A = arith.divf %get3A_37, %max3A_42 : vector<16x128xf32>
      %get3A_43 = arith.constant 0 : index
      %get3A_44 = arith.constant 0 : index
      %get3A_45 = vector.load %arg3[%get3A_43, %get3A_44] : memref<128x256xf32, #tpu.memory_space<vmem>>, vector<128x256xf32>
      %dot_general3A_46 = arith.constant dense<0.000000e+00> : vector<16x256xf32>
      %dot_general3A_47 = tpu.matmul %div3A, %get3A_45, %dot_general3A_46 {dimension_numbers = #tpu.dot_dimension_numbers<[1], [0], [0], [1], [0, 0, 1, 1], [], []>, transpose_lhs_hint = false} : vector<16x128xf32>, vector<128x256xf32>, vector<16x256xf32> -> vector<16x256xf32>
      %get3A_48 = arith.constant 0 : index
      %get3A_49 = arith.constant 0 : index
      %get3A_50 = vector.load %arg4[%get3A_48, %get3A_49] : memref<8x256xf32, #tpu.memory_space<vmem>>, vector<1x256xf32>
      %get3A_51 = vector.shape_cast %get3A_50 : vector<1x256xf32> to vector<256xf32>
      %broadcast_in_dim3A_52 = vector.shape_cast %get3A_51 : vector<256xf32> to vector<1x256xf32>
      %add3A_53 = vector.broadcast %broadcast_in_dim3A_52 : vector<1x256xf32> to vector<16x256xf32>
      %add3A_54 = arith.addf %dot_general3A_47, %add3A_53 : vector<16x256xf32>
      %swap3A_55 = arith.constant 0 : index
      %swap3A_56 = arith.constant 0 : index
      %swap3A_57 = vector.load %arg9[%swap3A_55, %swap3A_56] : memref<16x256xf32, #tpu.memory_space<vmem>>, vector<16x256xf32>
      tpu.vector_store %arg9[%swap3A_55, %swap3A_56], %add3A_54 {strides = array<i32>} : memref<16x256xf32, #tpu.memory_space<vmem>>, vector<16x256xf32>,
      %get3A_58 = arith.constant 0 : index
      %get3A_59 = arith.constant 0 : index
      %get3A_60 = vector.load %arg5[%get3A_58, %get3A_59] : memref<256x128xf32, #tpu.memory_space<vmem>>, vector<256x128xf32>
      %dot_general3A_61 = arith.constant dense<0.000000e+00> : vector<16x128xf32>
      %dot_general3A_62 = tpu.matmul %add3A_54, %get3A_60, %dot_general3A_61 {dimension_numbers = #tpu.dot_dimension_numbers<[1], [0], [0], [1], [0, 0, 1, 1], [], []>, transpose_lhs_hint = false} : vector<16x256xf32>, vector<256x128xf32>, vector<16x128xf32> -> vector<16x128xf32>
      %get3A_63 = arith.constant 0 : index
      %get3A_64 = arith.constant 0 : index
      %get3A_65 = vector.load %arg6[%get3A_63, %get3A_64] : memref<8x128xf32, #tpu.memory_space<vmem>>, vector<1x128xf32>
      %get3A_66 = vector.shape_cast %get3A_65 : vector<1x128xf32> to vector<128xf32>
      %broadcast_in_dim3A_67 = vector.shape_cast %get3A_66 : vector<128xf32> to vector<1x128xf32>
      %add3A_68 = vector.broadcast %broadcast_in_dim3A_67 : vector<1x128xf32> to vector<16x128xf32>
      %add3A_69 = arith.addf %dot_general3A_62, %add3A_68 : vector<16x128xf32>
      %max3A_70 = arith.constant 0.000000e+00 : f32
      %max3A_71 = vector.broadcast %max3A_70 : f32 to vector<16x128xf32>
      %max3A_72 = arith.maximumf %add3A_69, %max3A_71 : vector<16x128xf32>
      %abs3A = math.absf %add3A_69 : vector<16x128xf32>
      %neg3A = arith.constant 0.000000e+00 : f32
      %neg3A_73 = vector.broadcast %neg3A : f32 to vector<16x128xf32>
      %neg3A_74 = arith.subf %neg3A_73, %abs3A : vector<16x128xf32>
      %exp3A = math.exp %neg3A_74 : vector<16x128xf32>
      %log1p3A = math.log1p %exp3A : vector<16x128xf32>
      %add3A_75 = arith.addf %max3A_72, %log1p3A : vector<16x128xf32>
      %get3A_76 = arith.constant 0 : index
      %get3A_77 = arith.constant 0 : index
      %get3A_78 = vector.load %arg7[%get3A_76, %get3A_77] : memref<128x128xf32, #tpu.memory_space<vmem>>, vector<128x128xf32>
      %dot_general3A_79 = arith.constant dense<0.000000e+00> : vector<16x128xf32>
      %dot_general3A_80 = tpu.matmul %add3A_75, %get3A_78, %dot_general3A_79 {dimension_numbers = #tpu.dot_dimension_numbers<[1], [0], [0], [1], [0, 0, 1, 1], [], []>, transpose_lhs_hint = false} : vector<16x128xf32>, vector<128x128xf32>, vector<16x128xf32> -> vector<16x128xf32>
      %get3A_81 = arith.constant 0 : index
      %get3A_82 = arith.constant 0 : index
      %get3A_83 = vector.load %arg8[%get3A_81, %get3A_82] : memref<8x128xf32, #tpu.memory_space<vmem>>, vector<1x128xf32>
      %get3A_84 = vector.shape_cast %get3A_83 : vector<1x128xf32> to vector<128xf32>
      %broadcast_in_dim3A_85 = vector.shape_cast %get3A_84 : vector<128xf32> to vector<1x128xf32>
      %add3A_86 = vector.broadcast %broadcast_in_dim3A_85 : vector<1x128xf32> to vector<16x128xf32>
      %add3A_87 = arith.addf %dot_general3A_80, %add3A_86 : vector<16x128xf32>
      %swap3A_88 = arith.constant 0 : index
      %swap3A_89 = arith.constant 0 : index
      %swap3A_90 = vector.load %arg10[%swap3A_88, %swap3A_89] : memref<16x128xf32, #tpu.memory_space<vmem>>, vector<16x128xf32>
      tpu.vector_store %arg10[%swap3A_88, %swap3A_89], %add3A_87 {strides = array<i32>} : memref<16x128xf32, #tpu.memory_space<vmem>>, vector<16x128xf32>,
    } else {
    }
    return
  }
  func.func @transform_0(%arg0: i32) -> (i32, i32) {
    %c0_i32 = arith.constant 0 : i32
    %c0_i32_0 = arith.constant 0 : i32
    return %arg0, %c0_i32 : i32, i32
  }
  func.func @transform_1(%arg0: i32) -> (i32, i32, i32) {
    %c0_i32 = arith.constant 0 : i32
    %c0_i32_0 = arith.constant 0 : i32
    %c0_i32_1 = arith.constant 0 : i32
    return %arg0, %c0_i32, %c0_i32_0 : i32, i32, i32
  }
  func.func @transform_2(%arg0: i32) -> (i32, i32) {
    %c0_i32 = arith.constant 0 : i32
    %c0_i32_0 = arith.constant 0 : i32
    %c0_i32_1 = arith.constant 0 : i32
    return %c0_i32, %c0_i32_0 : i32, i32
  }
  func.func @transform_3(%arg0: i32) -> (i32, i32) {
    %c0_i32 = arith.constant 0 : i32
    %c0_i32_0 = arith.constant 0 : i32
    %c0_i32_1 = arith.constant 0 : i32
    return %c0_i32, %c0_i32_0 : i32, i32
  }
  func.func @transform_4(%arg0: i32) -> (i32, i32) {
    %c0_i32 = arith.constant 0 : i32
    %c0_i32_0 = arith.constant 0 : i32
    %c0_i32_1 = arith.constant 0 : i32
    return %c0_i32, %c0_i32_0 : i32, i32
  }
  func.func @transform_5(%arg0: i32) -> (i32, i32) {
    %c0_i32 = arith.constant 0 : i32
    %c0_i32_0 = arith.constant 0 : i32
    %c0_i32_1 = arith.constant 0 : i32
    return %c0_i32, %c0_i32_0 : i32, i32
  }
  func.func @transform_6(%arg0: i32) -> (i32, i32) {
    %c0_i32 = arith.constant 0 : i32
    %c0_i32_0 = arith.constant 0 : i32
    %c0_i32_1 = arith.constant 0 : i32
    return %c0_i32, %c0_i32_0 : i32, i32
  }
  func.func @transform_7(%arg0: i32) -> (i32, i32) {
    %c0_i32 = arith.constant 0 : i32
    %c0_i32_0 = arith.constant 0 : i32
    %c0_i32_1 = arith.constant 0 : i32
    return %c0_i32, %c0_i32_0 : i32, i32
  }
  func.func @transform_8(%arg0: i32) -> (i32, i32) {
    %c0_i32 = arith.constant 0 : i32
    %c0_i32_0 = arith.constant 0 : i32
    %c0_i32_1 = arith.constant 0 : i32
    return %c0_i32, %c0_i32_0 : i32, i32
  }
  func.func @transform_9(%arg0: i32) -> (i32, i32) {
    %c0_i32 = arith.constant 0 : i32
    %c0_i32_0 = arith.constant 0 : i32
    %c0_i32_1 = arith.constant 0 : i32
    return %c0_i32, %c0_i32_0 : i32, i32
  }
}

</mosaic_0001>

<sc_bundles>
// kernel: kernel.25.cloned.1.call-start
scs
__scs_entry_jumppad:
0x0: {  	(pc) =	sbr.rel $0x88, $3  }
0x1: {  	(tag) =	ssettag $0x0;
	lr =	simm.s32 $0x1  }
0x2: {  	[smem:$0x3F77] =	sst lr;
	_ =	strace $0xD0000000  }
0x3: {  	_ = 	snop  }
0x4: {  	_ = 	snop  }
0x5: {  	_ = 	snop  }
0x6: {  	_ = 	snop  }
0x7: {  	_ = 	snop  }
__scs_overlays_trampoline_lowered:
0x8: {  	[smem:$0x3F86] =	sst s0  }
0x9: {  	[smem:$0x3F87] =	sst s1  }
0xa: {  	[smem:$0x3F88] =	sst s2  }
0xb: {  	[smem:$0x3F89] =	sst s3  }
0xc: {  	[smem:$0x3F8A] =	sst s4  }
0xd: {  	[smem:$0x3F8B] =	sst s5  }
0xe: {  	[smem:$0x3F8C] =	sst s6  }
0xf: {  	[smem:$0x3F8D] =	sst s7  }
0x10: {  	[smem:$0x3F8E] =	sst s8  }
0x11: {  	[smem:$0x3F8F] =	sst s9;
	s0 =	simm.s32 @!p0 $0x0  }
0x12: {  	s1 =	sld [smem:$0x3F75];
	s0 =	simm.s32 @p0 $0x1  }
0x13: {  	[smem:$0x3F90] =	sst s0;
	s0 =	simm.s32 @!p1 $0x0  }
0x14: {  	s2 =	sld [smem:$0x3F74];
	s0 =	simm.s32 @p1 $0x1  }
0x15: {  	[smem:$0x3F91] =	sst s0;
	s0 =	simm.s32 @!p2 $0x0  }
0x16: {  	s3 =	sld [smem:$0x3FDB];
	s0 =	simm.s32 @p2 $0x1  }
0x17: {  	s4 =	simm.s32 $0x1BF5;
	[smem:$0x3F93] =	sst s0  }
0x18: {  	s0 =	sld [smem:$0x3F76];
	_ =	swait.ge [sflag:s4], $0x0  }
0x19: {  	s7 =	sld [smem:$0x3F77]  }
0x1a: {  	s8 =	sadd.s32 $0xFFFFE003, lr  }
0x1b: {  	s9 =	sadd.s32 $0xFFFFFEF7, lr;
	s5 =	simm.s32 $0xFFFFFFFF;
	p2 =	slt.u32 s8, $0xFFFFF086  }
0x1c: {  	p1 =	slt.u32 s9, $0xF7A;
	s5 =	simm.s32 @!p2 $0x0  }
0x1d: {  	s5 =	simm.s32 @p1 $0x1;
	p0 =	seq.s32 s7, s2  }
0x1e: {  	s7 =	smul.u32 @!p0 $0xF7A, s2;
	p2 =	seq.s32 @!p0 s5, $0x0  }
0x1f: {  	s9 =	smul.u32 $0xF7A, s1;
	s8 =	simm.s32 @!p0 $0x1BF5;
	p2 =	por !p2, p0  }
0x20: {  	[sflag:s8] =	ssyncset.s32 @!p0 $0xFFFFF086;
	s6 =	sadd.s32 @!p0 s3, s7;
	s7 =	simm.s32 @!p0 $0x108  }
0x21: {  	s3 =	sadd.s32 s3, s9;
	s6 =	sadd.s32 @!p0 $0x88, s6;
	s7 =	simm.s32 @p2 $0x1082  }
0x22: {  	[simem:s7], [sflag:s8] =	dma.local @!p0 [hbm:s6], $0xF7A  }
0x23: {  	s9 =	sor.u32 $0xD0000000, s2;
	s6 =	simm.s32 $0x108;
	_ =	swait.ge @!p0 [sflag:s8], $0x0  }
0x24: {  	s3 =	sadd.s32 $0x88, s3;
	s6 =	simm.s32 @!p1 $0x1082;
	[sflag:s4] =	ssyncset.s32 $0xFFFFF086  }
0x25: {  	[simem:s6], [sflag:s4] =	dma.local [hbm:s3], $0xF7A  }
0x26: {  	[smem:$0x3F77] =	sst s1;
	(tag) =	ssettag s2;
	_ =	strace s9  }
0x27: {  	s1 =	sld [smem:$0x3F87]  }
0x28: {  	s2 =	sld [smem:$0x3F88]  }
0x29: {  	s4 =	sld [smem:$0x3F8A]  }
0x2a: {  	p0 =	seq.s32 s5, $0x0;
	s5 =	sld [smem:$0x3F8B]  }
0x2b: {  	s6 =	sld [smem:$0x3F8C]  }
0x2c: {  	s7 =	sld [smem:$0x3F8D]  }
0x2d: {  	s3 =	simm.s32 $0x108;
	s8 =	sld [smem:$0x3F8E]  }
0x2e: {  	s3 =	simm.s32 @!p0 $0x1082;
	s9 =	sld [smem:$0x3F8F]  }
0x2f: {  	lr =	sadd.s32 s0, s3;
	s0 =	sld [smem:$0x3F86]  }
0x30: {  	s3 =	sld [smem:$0x3F89]  }
0x31: {  	[smem:$0x3F92] =	sst s10  }
0x32: {  	s10 =	sld [smem:$0x3F90];
	_ =	sdelay $0x3  }
0x33: {  	p0 =	seq.s32 s10, $0x1;
	s10 =	sld [smem:$0x3F92];
	_ =	sdelay $0x3  }
0x34: {  	[smem:$0x3F92] =	sst s10  }
0x35: {  	s10 =	sld [smem:$0x3F91];
	_ =	sdelay $0x3  }
0x36: {  	p1 =	seq.s32 s10, $0x1;
	s10 =	sld [smem:$0x3F92];
	_ =	sdelay $0x3  }
0x37: {  	[smem:$0x3F92] =	sst s10  }
0x38: {  	s10 =	sld [smem:$0x3F93]  }
0x39: {  	_ = 	snop;
	(pc) =	sbr.ind lr, $3  }
0x3a: {  	_ = 	snop  }
0x3b: {  	_ = 	snop  }
0x3c: {  	p2 =	seq.s32 s10, $0x1;
	s10 =	sld [smem:$0x3F92]  }
0x3d: {  	_ =	shalt  }
0x3e: {  	_ =	shalt  }
0x3f: {  	_ =	shalt  }
0x40: {  	_ =	shalt  }
0x41: {  	_ =	shalt  }
0x42: {  	_ =	shalt  }
0x43: {  	_ =	shalt  }
0x44: {  	_ =	shalt  }
0x45: {  	_ =	shalt  }
0x46: {  	_ =	shalt  }
0x47: {  	_ =	shalt  }
0x48: {  	_ =	shalt  }
0x49: {  	_ =	shalt  }
0x4a: {  	_ =	shalt  }
0x4b: {  	_ =	shalt  }
0x4c: {  	_ =	shalt  }
0x4d: {  	_ =	shalt  }
0x4e: {  	_ =	shalt  }
0x4f: {  	_ =	shalt  }
0x50: {  	_ =	shalt  }
0x51: {  	_ =	shalt  }
0x52: {  	_ =	shalt  }
0x53: {  	_ =	shalt  }
0x54: {  	_ =	shalt  }
0x55: {  	_ =	shalt  }
0x56: {  	_ =	shalt  }
0x57: {  	_ =	shalt  }
0x58: {  	_ =	shalt  }
0x59: {  	_ =	shalt  }
0x5a: {  	_ =	shalt  }
0x5b: {  	_ =	shalt  }
0x5c: {  	_ =	shalt  }
0x5d: {  	_ =	shalt  }
0x5e: {  	_ =	shalt  }
0x5f: {  	_ =	shalt  }
0x60: {  	_ =	shalt  }
0x61: {  	_ =	shalt  }
0x62: {  	_ =	shalt  }
0x63: {  	_ =	shalt  }
0x64: {  	_ =	shalt  }
0x65: {  	_ =	shalt  }
0x66: {  	_ =	shalt  }
0x67: {  	_ =	shalt  }
0x68: {  	_ =	shalt  }
0x69: {  	_ =	shalt  }
0x6a: {  	_ =	shalt  }
0x6b: {  	_ =	shalt  }
0x6c: {  	_ =	shalt  }
0x6d: {  	_ =	shalt  }
0x6e: {  	_ =	shalt  }
0x6f: {  	_ =	shalt  }
0x70: {  	_ =	shalt  }
0x71: {  	_ =	shalt  }
0x72: {  	_ =	shalt  }
0x73: {  	_ =	shalt  }
0x74: {  	_ =	shalt  }
0x75: {  	_ =	shalt  }
0x76: {  	_ =	shalt  }
0x77: {  	_ =	shalt  }
0x78: {  	_ =	shalt  }
0x79: {  	_ =	shalt  }
0x7a: {  	_ =	shalt  }
0x7b: {  	_ =	shalt  }
0x7c: {  	_ =	shalt  }
0x7d: {  	_ =	shalt  }
0x7e: {  	_ =	shalt  }
0x7f: {  	_ =	shalt  }
0x80: {  	_ =	shalt  }
0x81: {  	_ =	shalt  }
0x82: {  	_ =	shalt  }
0x83: {  	_ =	shalt  }
0x84: {  	_ =	shalt  }
0x85: {  	_ =	shalt  }
0x86: {  	_ =	shalt  }
0x87: {  	_ =	shalt  }
.Lfunc_end0:
.L_simem_size_0:
called_computation_lowered:
.L_overlay_start_0:
0x88: {  	s2 =	sld [smem:$0x3FD9]  }
0x89: {  	s3 =	sld [smem:$0x3FFE];
	_ =	sdelay $0x1  }
0x8a: {  	s1 =	srdreg.scid  }
0x8b: {  	s0 =	sand.u32 $0x1, s1  }
0x8c: {  	s17 =	sshll.u32 s0, $0xA;
	s2 =	sadd.s32 s3, s2  }
0x8d: {  	s2 =	sadd.s32 s2, s17  }
0x8e: {  	[smem:$0x3F9E] =	sst s2  }
0x8f: {  	_ = 	snop  }
0x90: {  	(tm) =	ssettm $0x1  }
0x91: {  	s18 =	sld [smem:$0x3FFB];
	_ =	sdelay $0x3  }
0x92: {  	_ =	strace s18  }
0x93: {  	s2 =	sld [smem:$0x3FFC];
	_ =	sdelay $0x3  }
0x94: {  	_ =	strace s2  }
0x95: {  	s2 =	sld [smem:$0x3FFD];
	_ =	sdelay $0x3  }
0x96: {  	_ =	strace s2  }
0x97: {  	_ =	strace $0x8FFFFFFF  }
0x98: {  	s19 =	sld [smem:$0x3FDB];
	_ =	sdelay $0x1  }
0x99: {  	s20 =	simm.s32 $_scs_section_size  }
0x9a: {  	s4 =	simm.s32 $_size__tile_overlayer_lowered;
	s5 =	simm.s32 $_tile_overlayer_lowered  }
0x9b: {  	s6 =	simm.s32 $0x1BFF;
	s21 =	sshll.u32 s5, $0x1;
	s3 =	sadd.s32 s20, s19  }
0x9c: {  	s22 =	simm.s32 $0x0;
	s4 =	sshll.u32 s4, $0x1;
	s5 =	sadd.s32 s21, s3  }
0x9d: {  	[timem:s22], [sflag:s6] =	dma.local [hbm:s5], s4  }
0x9e: {  	_ =	swait.ge [sflag:s6], s4  }
0x9f: {  	s4 =	ssub.s32 $0x0, s4;
	[sflag:s6] =	ssyncset.done $0x0  }
0xa0: {  	[sflag:s6] =	ssyncadd.s32 s4;
	_ =	sdelay $0x1  }
0xa1: {  	s23 =	simm.s32 $0x1B8B  }
0xa2: {  	_ =	swait.ge [sflag:s23], $0x1  }
0xa3: {  	[sflag:s23] =	ssyncset.done $0x0  }
0xa4: {  	[sflag:s23] =	ssyncadd.s32 $0xFFFFFFFF  }
0xa5: {  	s4 =	sld [smem:$0x0]  }
0xa6: {  	s5 =	sand.u32 $0xFFFFFFFE, s1  }
0xa7: {  	p0 =	sne.s32 s1, s5  }
0xa8: {  	s5 =	sshll.u32 @p0 s5, $0xE  }
0xa9: {  	s5 =	sadd.s32 @p0 $0x11B8D, s5;
	s6 =	sshll.u32 @p0 s4, $0x11  }
0xaa: {  	s5 =	sor.u32 @p0 s6, s5  }
0xab: {  	[sflag:s5] =	ssyncadd.remote.s32 @p0 $0x1;
	_ =	sdelay $0x1  }
0xac: {  	s5 =	simm.s32 @p0 $0x1B8D  }
0xad: {  	_ =	swait.eq @p0 [sflag:s5], $0x1  }
0xae: {  	[sflag:s5] =	ssyncadd.s32 @p0 $0xFFFFFFFF  }
0xaf: {  	s6 =	sshll.u32 @!p0 s1, $0xE  }
0xb0: {  	s6 =	sor.u32 @!p0 $0x4000, s6;
	s5 =	simm.s32 @!p0 $0x1B8D  }
0xb1: {  	s4 =	sshll.u32 @!p0 s4, $0x11;
	s6 =	sadd.s32 @!p0 $0x11B8D, s6;
	_ =	swait.eq @!p0 [sflag:s5], $0x1  }
0xb2: {  	s4 =	sor.u32 @!p0 s4, s6;
	[sflag:s5] =	ssyncadd.s32 @!p0 $0xFFFFFFFF  }
0xb3: {  	s25 =	simm.s32 $0x1B8E;
	s24 =	sld [smem:$0x3FFE];
	[sflag:s4] =	ssyncadd.remote.s32 @!p0 $0x1  }
0xb4: {  	s26 =	simm.s32 $execute0_lowered;
	[smem:$0x3FD2] =	sst s25  }
0xb5: {  	s5 =	sshll.u32 s26, $0x1;
	_ =	strace $0x80000049;
	[dreg:$0x1] =	wrdreg $0xFFFFFFFF  }
0xb6: {  	s28 =	simm.s32 $_size_execute0_lowered;
	s3 =	sadd.s32 s3, s5;
	[dreg:$0x0] =	wrdreg $0x0  }
0xb7: {  	s5 =	sshll.u32 s28, $0x1;
	[dreg:$0x2] =	wrdreg s3  }
0xb8: {  	[dreg:$0x3] =	wrdreg s5  }
0xb9: {  	[dreg:$0x4] =	wrdreg $0xC0  }
0xba: {  	_ =	task [dreg:s22], $0x5FFFF  }
0xbb: {  	[dreg:$0x1] =	wrdreg $0xFFFFFFFF  }
0xbc: {  	[dreg:$0x0] =	wrdreg $0x60  }
0xbd: {  	[dreg:$0x2] =	wrdreg s24  }
0xbe: {  	[dreg:$0x3] =	wrdreg $0xA8000  }
0xbf: {  	[dreg:$0x4] =	wrdreg $0x9  }
0xc0: {  	_ =	task.clear_ibuf [dreg:s22], $0x5FFFF;
	_ =	strace $0x90000049  }
0xc1: {  	s29 =	simm.s32 $0x9;
	_ =	strace $0x8000004B  }
0xc2: {  	_ =	swait.ge [sflag:s29], $0x1  }
0xc3: {  	[sflag:s29] =	ssyncadd.s32 $0xFFFFFFFF  }
0xc4: {  	_ =	strace $0x9000004B  }
0xc5: {  	_ =	sfence  }
0xc6: {  	s30 =	sld [smem:$0x0];
	_ =	sdelay $0x2  }
0xc7: {  	s31 =	sshll.u32 s1, $0xD;
	s1 =	sshrl.u32 s1, $0x2  }
0xc8: {  	s4 =	sand.u32 $0x4000, s31;
	s1 =	sadd.s32 s1, s30  }
0xc9: {  	s0 =	sor.u32 s4, s0;
	s1 =	sshll.u32 s1, $0x11  }
0xca: {  	s0 =	sor.u32 s1, s0  }
0xcb: {  	s0 =	sadd.s32 $0x8F2B, s0  }
0xcc: {  	[sflag:s0] =	ssyncadd.remote.s32 $0x1  }
0xcd: {  	_ =	sfence.sel $0xFFFF  }
0xce: {  	[dreg:$0x0] =	wrdreg $0xFFFFFFFF;
	(pc) =	sbr.abs _section_cstart, $3  }
0xcf: {  	[dreg:$0x1] =	wrdreg $0xFFFFFFFF  }
0xd0: {  	_ =	task.clear_ibuf [dreg:s22], $0x2FFFF;
	_ =	strace $0x9FFFFFFF  }
0xd1: {  	(tm) =	ssettm $0x7FFFFFFF  }
tec
execute0_lowered:
.L_overlay_start_1:
0x0: {  	(tag) =	ssettag $0x1  }
0x1: {  	s6 =	rddreg [dreg:$0x0]  }
0x2: {  	s1 =	rddreg [dreg:$0x1]  }
0x3: {  	s0 =	rddreg [dreg:$0x2];
	s2 =	simm.s32 $0x0  }
0x4: {  	s3 =	srdreg.scid;
	s16 =	simm.s32 $0x80;
	s17 =	simm.s32 $0x1  }
0x5: {  	s18 =	simm.s32 $0x2;
	s19 =	simm.s32 $0x2780;
	s7 =	sand.u32 $0x1, s3  }
0x6: {  	s20 =	simm.s32 $0x6800;
	s3 =	stileid.u32;
	s8 =	smul.u32 $0x13C000, s7  }
0x7: {  	s21 =	simm.s32 $0x0;
	[smem:$0x7FF] =	sst s2;
	s10 =	smul.u32 $0x13C00, s3  }
0x8: {  	s4 =	sadd.s32 $0xA0400, s6;
	s9 =	sadd.s32 $0x96400, s6;
	s12 =	smul.u32 $0x28000, s7  }
0x9: {  	s11 =	sadd.s32 $0x9A00, s6;
	s5 =	sadd.s32 $0x44C00, s6;
	s26 =	smul.u32 $0x2800, s3  }
0xa: {  	_ =	strace $0x8000004A;
	s7 =	ssub.s32 $0x2, s7;
	s14 =	smul.u32 $0x4F000, s3  }
0xb: {  	s30 =	sshll.u32 s3, $0x6;
	s13 =	sshrl.u32 s7, $0x1;
	s8 =	sadd.s32 s10, s8  }
0xc: {  	s13 =	ssub.s32 s7, s13;
	s28 =	sadd.s32 s26, s12;
	s29 =	sshrl.u32 s14, $0x2  }
0xd: {  	s8 =	sshrl.u32 s8, $0x3;
	s10 =	sshrl.u32 s28, $0x3;
	s14 =	sadd.s32 s29, s1  }
0xe: {  	s12 =	smax.u32 s13, $0x1;
	s15 =	sadd.s32 s8, s6;
	s6 =	sor.u32 $0x1C03, s30  }
0xf: {  	s31 =	sadd.s32 $0x280, s10;
	s7 =	sadd.s32 s9, s10;
	s8 =	sadd.s32 s11, s10  }
0x10: {  	s13 =	sshrl.u32 s14, $0x3;
	s14 =	simm.s32 $0x3;
	s9 =	sadd.s32 s9, s31  }
0x11: {  	s10 =	sadd.s32 s11, s31;
	s11 =	sadd.s32 $0xA4400, s15;
	s15 =	simm.s32 $0x2800  }
.LBB2_1:
0x12: {  	[spmem:s13], [sflag:s6] =	dma.local [hbm:s5], $0x2780  }
0x13: {  	_ =	swait.ge [sflag:s14], $0x2780  }
0x14: {  	[sflag:s14] =	ssyncset.done $0x0  }
0x15: {  	[sflag:s14] =	ssyncadd.s32 $0xFFFFD880  }
0x16: {  	[bflag:$0x0] =	sbarrier.arrive $0xFFFF  }
0x17: {  	[tilespmem:s2], [sflag:$0x3] =	stream.linear.gather [hbm4b:s7+s2], $0x1400, $0x38;
	[tilespmem:$0x1E400] =	vst v63  }
0x18: {  	_ =	swait.ge [sflag:s14], $0x1400  }
0x19: {  	[sflag:s14] =	ssyncset.done $0x0  }
0x1a: {  	s22 =	simm.s32 $0x1400;
	[sflag:s14] =	ssyncadd.s32 $0xFFFFEC00  }
0x1b: {  	[tilespmem:s22], [sflag:$0x3] =	stream.linear.gather [hbm4b:s8+s2], $0x1400, $0x38;
	[tilespmem:$0x1E400] =	vst v63  }
0x1c: {  	_ =	swait.ge [sflag:s14], $0x1400  }
0x1d: {  	s23 =	simm.s32 $0x4000;
	[sflag:s14] =	ssyncset.done $0x0  }
0x1e: {  	s24 =	sand.u32 $0x4000, s23;
	[sflag:s14] =	ssyncadd.s32 $0xFFFFEC00  }
0x1f: {  	[tilespmem:s15], [sflag:$0x1] =	stream.indirect.gather [hbm4b:s4+s16], $0x80, s2, s16, $0xb8;
	[tilespmem:$0x1E400] =	vst v63  }
0x20: {  	s24 =	sor.u32 $0x2800, s24  }
0x21: {  	[tilespmem:s24], [sflag:$0x1] =	stream.indirect.gather [hbm4b:s4+s16], $0x80, s16, s16, $0xb8;
	[tilespmem:$0x1E400] =	vst v63  }
0x22: {  	_ =	swait.ge [sflag:s17], $0x4000  }
0x23: {  	s31 =	sand.u32 $0x4000, s2;
	[sflag:s17] =	ssyncset.done $0x0  }
0x24: {  	s25 =	sor.u32 $0x2800, s31;
	s24 =	simm.s32 $0x80;
	[sflag:s17] =	ssyncadd.s32 $0xFFFFC000  }
.LBB2_2:
0x25: {  	[spmem:s1] =	stream.indirect.scatter.add.f32 [tilespmem:s25], [sflag:$0x2], $0x80, s22, s16, $0xb8;
	[tilespmem:$0x1E400] =	vst v63  }
0x26: {  	s25 =	smov.u32 s23  }
0x27: {  	p0 =	sne.s32 s23, $0x98000;
	s23 =	sadd.s32 $0x4000, s23;
	_ =	swait.ge [sflag:s18], $0x4000  }
0x28: {  	s24 =	sadd.s32 $0x80, s24;
	s26 =	sand.u32 $0x4000, s23;
	[sflag:s18] =	ssyncset.done $0x0  }
.Ltmp0:
0x29: {  	s26 =	sor.u32 $0x2800, s26;
	[sflag:s18] =	ssyncadd.s32 $0xFFFFC000;
	(pc) =	sbr.rel @p0 .LBB2_2-.Ltmp0, $4  }
0x2a: {  	[tilespmem:s26], [sflag:$0x1] =	stream.indirect.gather [hbm4b:s4+s16], $0x80, s24, s16, $0xb8;
	[tilespmem:$0x1E400] =	vst v63  }
0x2b: {  	_ =	swait.ge [sflag:s17], $0x4000  }
0x2c: {  	s25 =	sand.u32 $0x4000, s25;
	[sflag:s17] =	ssyncset.done $0x0  }
0x2d: {  	s22 =	sadd.s32 $0x80, s22;
	s25 =	sor.u32 $0x2800, s25;
	[sflag:s17] =	ssyncadd.s32 $0xFFFFC000  }
0x2e: {  	[spmem:s1] =	stream.indirect.scatter.add.f32 [tilespmem:s25], [sflag:$0x2], $0x80, s22, s16, $0xb8;
	[tilespmem:$0x1E400] =	vst v63  }
0x2f: {  	_ =	swait.ge [sflag:s18], $0x4000  }
0x30: {  	[sflag:s18] =	ssyncset.done $0x0  }
0x31: {  	[sflag:s18] =	ssyncadd.s32 $0xFFFFC000  }
0x32: {  	_ =	swait.ge [sflag:s17], $0x4000  }
0x33: {  	[sflag:s17] =	ssyncset.done $0x0  }
0x34: {  	s22 =	simm.s32 $0x80;
	[sflag:s17] =	ssyncadd.s32 $0xFFFFC000  }
0x35: {  	[spmem:s1] =	stream.indirect.scatter.add.f32 [tilespmem:s20], [sflag:$0x2], $0x80, s19, s22, $0xb8;
	[tilespmem:$0x1E400] =	vst v63  }
0x36: {  	_ =	swait.ge [sflag:s18], $0x4000  }
0x37: {  	[sflag:s18] =	ssyncset.done $0x0  }
0x38: {  	s31 =	simm.s32 $0x0;
	[sflag:s18] =	ssyncadd.s32 $0xFFFFC000  }
0x39: {  	[tilespmem:s31], [sflag:$0x3] =	stream.linear.gather [hbm4b:s9+s31], $0x1400, $0x38;
	[tilespmem:$0x1E400] =	vst v63  }
0x3a: {  	_ =	swait.ge [sflag:s14], $0x1400  }
0x3b: {  	[sflag:s14] =	ssyncset.done $0x0  }
0x3c: {  	s23 =	simm.s32 $0x1400;
	[sflag:s14] =	ssyncadd.s32 $0xFFFFEC00  }
0x3d: {  	[tilespmem:s23], [sflag:$0x3] =	stream.linear.gather [hbm4b:s10+s31], $0x1400, $0x38;
	[tilespmem:$0x1E400] =	vst v63  }
0x3e: {  	_ =	swait.ge [sflag:s14], $0x1400  }
0x3f: {  	s24 =	simm.s32 $0x4000;
	[sflag:s14] =	ssyncset.done $0x0  }
0x40: {  	s26 =	sand.u32 $0x4000, s24;
	[sflag:s14] =	ssyncadd.s32 $0xFFFFEC00  }
0x41: {  	[tilespmem:s15], [sflag:$0x1] =	stream.indirect.gather [hbm4b:s4+s22], $0x80, s31, s22, $0xb8;
	[tilespmem:$0x1E400] =	vst v63  }
0x42: {  	s26 =	sor.u32 $0x2800, s26  }
0x43: {  	[tilespmem:s26], [sflag:$0x1] =	stream.indirect.gather [hbm4b:s4+s16], $0x80, s22, s16, $0xb8;
	[tilespmem:$0x1E400] =	vst v63  }
0x44: {  	_ =	swait.ge [sflag:s17], $0x4000  }
0x45: {  	s25 =	sand.u32 $0x4000, s31;
	[sflag:s17] =	ssyncset.done $0x0  }
0x46: {  	s25 =	sor.u32 $0x2800, s25;
	[sflag:s17] =	ssyncadd.s32 $0xFFFFC000  }
.LBB2_4:
0x47: {  	[spmem:s1] =	stream.indirect.scatter.add.f32 [tilespmem:s25], [sflag:$0x2], $0x80, s23, s16, $0xb8;
	[tilespmem:$0x1E400] =	vst v63  }
0x48: {  	s25 =	smov.u32 s24  }
0x49: {  	p0 =	sne.s32 s24, $0x98000;
	s24 =	sadd.s32 $0x4000, s24;
	_ =	swait.ge [sflag:s18], $0x4000  }
0x4a: {  	s22 =	sadd.s32 $0x80, s22;
	s26 =	sand.u32 $0x4000, s24;
	[sflag:s18] =	ssyncset.done $0x0  }
.Ltmp1:
0x4b: {  	s26 =	sor.u32 $0x2800, s26;
	[sflag:s18] =	ssyncadd.s32 $0xFFFFC000;
	(pc) =	sbr.rel @p0 .LBB2_4-.Ltmp1, $4  }
0x4c: {  	[tilespmem:s26], [sflag:$0x1] =	stream.indirect.gather [hbm4b:s4+s16], $0x80, s22, s16, $0xb8;
	[tilespmem:$0x1E400] =	vst v63  }
0x4d: {  	_ =	swait.ge [sflag:s17], $0x4000  }
0x4e: {  	s25 =	sand.u32 $0x4000, s25;
	[sflag:s17] =	ssyncset.done $0x0  }
0x4f: {  	s23 =	sadd.s32 $0x80, s23;
	s25 =	sor.u32 $0x2800, s25;
	[sflag:s17] =	ssyncadd.s32 $0xFFFFC000  }
0x50: {  	[spmem:s1] =	stream.indirect.scatter.add.f32 [tilespmem:s25], [sflag:$0x2], $0x80, s23, s16, $0xb8;
	[tilespmem:$0x1E400] =	vst v63  }
0x51: {  	_ =	swait.ge [sflag:s18], $0x4000  }
0x52: {  	[sflag:s18] =	ssyncset.done $0x0  }
0x53: {  	[sflag:s18] =	ssyncadd.s32 $0xFFFFC000  }
0x54: {  	_ =	swait.ge [sflag:s17], $0x4000  }
0x55: {  	[sflag:s17] =	ssyncset.done $0x0  }
0x56: {  	[sflag:s17] =	ssyncadd.s32 $0xFFFFC000  }
0x57: {  	[spmem:s1] =	stream.indirect.scatter.add.f32 [tilespmem:s20], [sflag:$0x2], $0x80, s19, s16, $0xb8;
	[tilespmem:$0x1E400] =	vst v63  }
0x58: {  	_ =	swait.ge [sflag:s18], $0x4000  }
0x59: {  	s21 =	sadd.s32 $0x1, s21;
	[sflag:s18] =	ssyncset.done $0x0  }
0x5a: {  	p0 =	sne.s32 s21, s12;
	[sflag:s18] =	ssyncadd.s32 $0xFFFFC000  }
.Ltmp2:
0x5b: {  	[bflag:$0x0] =	sbarrier.arrive $0xFFFF;
	(pc) =	sbr.rel @p0 .LBB2_1-.Ltmp2, $4  }
0x5c: {  	[hbm:s11], [sflag:s6] =	dma.local [spmem:s13], $0x2780  }
0x5d: {  	_ =	swait.ge [sflag:s14], $0x2780  }
0x5e: {  	[sflag:s14] =	ssyncset.done $0x0  }
0x5f: {  	[sflag:s14] =	ssyncadd.s32 $0xFFFFD880  }
0x60: {  	_ =	sfence.sel $0x180000  }
0x61: {  	[bflag:$0x0] =	sbarrier.arrive $0xFFFF  }
0x62: {  	p0 =	sne.s32 s3, $0x0;
	_ =	strace $0x9000004A  }
0x63: {  	s0 =	sadd.s32 @!p0 $0x100000, s0;
	[bflag:$0x2] =	sbarrier.arrive $0xFFFF  }
0x64: {  	[sflag:s0] =	ssyncadd.tile.s32 @!p0 $0x1;
	_ =	shalt  }
.Lfunc_end2:
_tile_overlayer_lowered:
.L_overlay_start_2:
0x65: {  	(tag) =	ssettag $0x2  }
0x66: {  	s0 =	rddreg [dreg:$0x0];
	s2 =	stileid.u32  }
0x67: {  	s1 =	rddreg [dreg:$0x1];
	p0 =	sne.s32 s2, $0x0  }
0x68: {  	s3 =	rddreg [dreg:$0x2];
	[bflag:$0x3] =	sbarrier.arrive $0xFFFF;
	s2 =	simm.s32 @!p0 $0x1C03  }
0x69: {  	[timem:s3], [sflag:s2] =	dma.local @!p0 [hbm:s0], s1  }
0x6a: {  	s0 =	simm.s32 @!p0 $0x3  }
0x6b: {  	_ =	swait.ge @!p0 [sflag:s0], s1  }
0x6c: {  	s1 =	ssub.s32 @!p0 $0x0, s1;
	[sflag:s0] =	ssyncset.done @!p0 $0x0  }
0x6d: {  	[sflag:s0] =	ssyncadd.s32 @!p0 s1  }
0x6e: {  	[bflag:$0x3] =	sbarrier.arrive $0xFFFF  }
0x6f: {  	_ =	shalt  }

// kernel: kernel.28.cloned.1.call-start
scs
__scs_entry_jumppad:
0x0: {  	(pc) =	sbr.rel $0x88, $3  }
0x1: {  	(tag) =	ssettag $0x0;
	lr =	simm.s32 $0x1  }
0x2: {  	[smem:$0x3F77] =	sst lr;
	_ =	strace $0xD0000000  }
0x3: {  	_ = 	snop  }
0x4: {  	_ = 	snop  }
0x5: {  	_ = 	snop  }
0x6: {  	_ = 	snop  }
0x7: {  	_ = 	snop  }
__scs_overlays_trampoline_lowered:
0x8: {  	[smem:$0x3F86] =	sst s0  }
0x9: {  	[smem:$0x3F87] =	sst s1  }
0xa: {  	[smem:$0x3F88] =	sst s2  }
0xb: {  	[smem:$0x3F89] =	sst s3  }
0xc: {  	[smem:$0x3F8A] =	sst s4  }
0xd: {  	[smem:$0x3F8B] =	sst s5  }
0xe: {  	[smem:$0x3F8C] =	sst s6  }
0xf: {  	[smem:$0x3F8D] =	sst s7  }
0x10: {  	[smem:$0x3F8E] =	sst s8  }
0x11: {  	[smem:$0x3F8F] =	sst s9;
	s0 =	simm.s32 @!p0 $0x0  }
0x12: {  	s1 =	sld [smem:$0x3F75];
	s0 =	simm.s32 @p0 $0x1  }
0x13: {  	[smem:$0x3F90] =	sst s0;
	s0 =	simm.s32 @!p1 $0x0  }
0x14: {  	s2 =	sld [smem:$0x3F74];
	s0 =	simm.s32 @p1 $0x1  }
0x15: {  	[smem:$0x3F91] =	sst s0;
	s0 =	simm.s32 @!p2 $0x0  }
0x16: {  	s3 =	sld [smem:$0x3FDB];
	s0 =	simm.s32 @p2 $0x1  }
0x17: {  	s4 =	simm.s32 $0x1BF5;
	[smem:$0x3F93] =	sst s0  }
0x18: {  	s0 =	sld [smem:$0x3F76];
	_ =	swait.ge [sflag:s4], $0x0  }
0x19: {  	s7 =	sld [smem:$0x3F77]  }
0x1a: {  	s8 =	sadd.s32 $0xFFFFE003, lr  }
0x1b: {  	s9 =	sadd.s32 $0xFFFFFEF7, lr;
	s5 =	simm.s32 $0xFFFFFFFF;
	p2 =	slt.u32 s8, $0xFFFFF086  }
0x1c: {  	p1 =	slt.u32 s9, $0xF7A;
	s5 =	simm.s32 @!p2 $0x0  }
0x1d: {  	s5 =	simm.s32 @p1 $0x1;
	p0 =	seq.s32 s7, s2  }
0x1e: {  	s7 =	smul.u32 @!p0 $0xF7A, s2;
	p2 =	seq.s32 @!p0 s5, $0x0  }
0x1f: {  	s9 =	smul.u32 $0xF7A, s1;
	s8 =	simm.s32 @!p0 $0x1BF5;
	p2 =	por !p2, p0  }
0x20: {  	[sflag:s8] =	ssyncset.s32 @!p0 $0xFFFFF086;
	s6 =	sadd.s32 @!p0 s3, s7;
	s7 =	simm.s32 @!p0 $0x108  }
0x21: {  	s3 =	sadd.s32 s3, s9;
	s6 =	sadd.s32 @!p0 $0x88, s6;
	s7 =	simm.s32 @p2 $0x1082  }
0x22: {  	[simem:s7], [sflag:s8] =	dma.local @!p0 [hbm:s6], $0xF7A  }
0x23: {  	s9 =	sor.u32 $0xD0000000, s2;
	s6 =	simm.s32 $0x108;
	_ =	swait.ge @!p0 [sflag:s8], $0x0  }
0x24: {  	s3 =	sadd.s32 $0x88, s3;
	s6 =	simm.s32 @!p1 $0x1082;
	[sflag:s4] =	ssyncset.s32 $0xFFFFF086  }
0x25: {  	[simem:s6], [sflag:s4] =	dma.local [hbm:s3], $0xF7A  }
0x26: {  	[smem:$0x3F77] =	sst s1;
	(tag) =	ssettag s2;
	_ =	strace s9  }
0x27: {  	s1 =	sld [smem:$0x3F87]  }
0x28: {  	s2 =	sld [smem:$0x3F88]  }
0x29: {  	s4 =	sld [smem:$0x3F8A]  }
0x2a: {  	p0 =	seq.s32 s5, $0x0;
	s5 =	sld [smem:$0x3F8B]  }
0x2b: {  	s6 =	sld [smem:$0x3F8C]  }
0x2c: {  	s7 =	sld [smem:$0x3F8D]  }
0x2d: {  	s3 =	simm.s32 $0x108;
	s8 =	sld [smem:$0x3F8E]  }
0x2e: {  	s3 =	simm.s32 @!p0 $0x1082;
	s9 =	sld [smem:$0x3F8F]  }
0x2f: {  	lr =	sadd.s32 s0, s3;
	s0 =	sld [smem:$0x3F86]  }
0x30: {  	s3 =	sld [smem:$0x3F89]  }
0x31: {  	[smem:$0x3F92] =	sst s10  }
0x32: {  	s10 =	sld [smem:$0x3F90];
	_ =	sdelay $0x3  }
0x33: {  	p0 =	seq.s32 s10, $0x1;
	s10 =	sld [smem:$0x3F92];
	_ =	sdelay $0x3  }
0x34: {  	[smem:$0x3F92] =	sst s10  }
0x35: {  	s10 =	sld [smem:$0x3F91];
	_ =	sdelay $0x3  }
0x36: {  	p1 =	seq.s32 s10, $0x1;
	s10 =	sld [smem:$0x3F92];
	_ =	sdelay $0x3  }
0x37: {  	[smem:$0x3F92] =	sst s10  }
0x38: {  	s10 =	sld [smem:$0x3F93]  }
0x39: {  	_ = 	snop;
	(pc) =	sbr.ind lr, $3  }
0x3a: {  	_ = 	snop  }
0x3b: {  	_ = 	snop  }
0x3c: {  	p2 =	seq.s32 s10, $0x1;
	s10 =	sld [smem:$0x3F92]  }
0x3d: {  	_ =	shalt  }
0x3e: {  	_ =	shalt  }
0x3f: {  	_ =	shalt  }
0x40: {  	_ =	shalt  }
0x41: {  	_ =	shalt  }
0x42: {  	_ =	shalt  }
0x43: {  	_ =	shalt  }
0x44: {  	_ =	shalt  }
0x45: {  	_ =	shalt  }
0x46: {  	_ =	shalt  }
0x47: {  	_ =	shalt  }
0x48: {  	_ =	shalt  }
0x49: {  	_ =	shalt  }
0x4a: {  	_ =	shalt  }
0x4b: {  	_ =	shalt  }
0x4c: {  	_ =	shalt  }
0x4d: {  	_ =	shalt  }
0x4e: {  	_ =	shalt  }
0x4f: {  	_ =	shalt  }
0x50: {  	_ =	shalt  }
0x51: {  	_ =	shalt  }
0x52: {  	_ =	shalt  }
0x53: {  	_ =	shalt  }
0x54: {  	_ =	shalt  }
0x55: {  	_ =	shalt  }
0x56: {  	_ =	shalt  }
0x57: {  	_ =	shalt  }
0x58: {  	_ =	shalt  }
0x59: {  	_ =	shalt  }
0x5a: {  	_ =	shalt  }
0x5b: {  	_ =	shalt  }
0x5c: {  	_ =	shalt  }
0x5d: {  	_ =	shalt  }
0x5e: {  	_ =	shalt  }
0x5f: {  	_ =	shalt  }
0x60: {  	_ =	shalt  }
0x61: {  	_ =	shalt  }
0x62: {  	_ =	shalt  }
0x63: {  	_ =	shalt  }
0x64: {  	_ =	shalt  }
0x65: {  	_ =	shalt  }
0x66: {  	_ =	shalt  }
0x67: {  	_ =	shalt  }
0x68: {  	_ =	shalt  }
0x69: {  	_ =	shalt  }
0x6a: {  	_ =	shalt  }
0x6b: {  	_ =	shalt  }
0x6c: {  	_ =	shalt  }
0x6d: {  	_ =	shalt  }
0x6e: {  	_ =	shalt  }
0x6f: {  	_ =	shalt  }
0x70: {  	_ =	shalt  }
0x71: {  	_ =	shalt  }
0x72: {  	_ =	shalt  }
0x73: {  	_ =	shalt  }
0x74: {  	_ =	shalt  }
0x75: {  	_ =	shalt  }
0x76: {  	_ =	shalt  }
0x77: {  	_ =	shalt  }
0x78: {  	_ =	shalt  }
0x79: {  	_ =	shalt  }
0x7a: {  	_ =	shalt  }
0x7b: {  	_ =	shalt  }
0x7c: {  	_ =	shalt  }
0x7d: {  	_ =	shalt  }
0x7e: {  	_ =	shalt  }
0x7f: {  	_ =	shalt  }
0x80: {  	_ =	shalt  }
0x81: {  	_ =	shalt  }
0x82: {  	_ =	shalt  }
0x83: {  	_ =	shalt  }
0x84: {  	_ =	shalt  }
0x85: {  	_ =	shalt  }
0x86: {  	_ =	shalt  }
0x87: {  	_ =	shalt  }
.Lfunc_end0:
.L_simem_size_0:
called_computation.1_lowered:
.L_overlay_start_0:
0x88: {  	s2 =	sld [smem:$0x3FD9]  }
0x89: {  	s3 =	sld [smem:$0x3FFE];
	_ =	sdelay $0x1  }
0x8a: {  	s1 =	srdreg.scid  }
0x8b: {  	s0 =	sand.u32 $0x1, s1  }
0x8c: {  	s16 =	sshll.u32 s0, $0xA;
	s2 =	sadd.s32 s3, s2  }
0x8d: {  	s2 =	sadd.s32 s2, s16  }
0x8e: {  	[smem:$0x3F9E] =	sst s2  }
0x8f: {  	_ = 	snop  }
0x90: {  	(tm) =	ssettm $0x1  }
0x91: {  	s17 =	sld [smem:$0x3FFB];
	_ =	sdelay $0x3  }
0x92: {  	_ =	strace s17  }
0x93: {  	s2 =	sld [smem:$0x3FFC];
	_ =	sdelay $0x3  }
0x94: {  	_ =	strace s2  }
0x95: {  	s2 =	sld [smem:$0x3FFD];
	_ =	sdelay $0x3  }
0x96: {  	_ =	strace s2  }
0x97: {  	_ =	strace $0x8FFFFFFF  }
0x98: {  	s18 =	sld [smem:$0x3FDB];
	_ =	sdelay $0x1  }
0x99: {  	s19 =	simm.s32 $_scs_section_size  }
0x9a: {  	s4 =	simm.s32 $_size__tile_overlayer_lowered;
	s5 =	simm.s32 $_tile_overlayer_lowered  }
0x9b: {  	s22 =	simm.s32 $0x1BFF;
	s21 =	sshll.u32 s5, $0x1;
	s2 =	sadd.s32 s19, s18  }
0x9c: {  	s6 =	simm.s32 $0x0;
	s20 =	sshll.u32 s4, $0x1;
	s4 =	sadd.s32 s21, s2  }
0x9d: {  	[timem:s6], [sflag:s22] =	dma.local [hbm:s4], s20  }
0x9e: {  	_ =	swait.ge [sflag:s22], s20  }
0x9f: {  	s3 =	ssub.s32 $0x0, s20;
	[sflag:s22] =	ssyncset.done $0x0  }
0xa0: {  	[sflag:s22] =	ssyncadd.s32 s3;
	_ =	sdelay $0x1  }
0xa1: {  	s23 =	simm.s32 $0x1B8B  }
0xa2: {  	_ =	swait.ge [sflag:s23], $0x1  }
0xa3: {  	[sflag:s23] =	ssyncset.done $0x0  }
0xa4: {  	s25 =	simm.s32 $0x1B8E;
	s24 =	sld [smem:$0x3FFE];
	[sflag:s23] =	ssyncadd.s32 $0xFFFFFFFF  }
0xa5: {  	s26 =	simm.s32 $execute0_lowered;
	[smem:$0x3FD2] =	sst s25  }
0xa6: {  	s4 =	sshll.u32 s26, $0x1;
	_ =	strace $0x80000046;
	[dreg:$0x1] =	wrdreg $0xFFFFFFFF  }
0xa7: {  	s28 =	simm.s32 $_size_execute0_lowered;
	s2 =	sadd.s32 s2, s4;
	[dreg:$0x0] =	wrdreg $0x0  }
0xa8: {  	s4 =	sshll.u32 s28, $0x1;
	[dreg:$0x2] =	wrdreg s2  }
0xa9: {  	[dreg:$0x3] =	wrdreg s4  }
0xaa: {  	[dreg:$0x4] =	wrdreg $0xC0  }
0xab: {  	_ =	task [dreg:s6], $0x5FFFF  }
0xac: {  	[dreg:$0x1] =	wrdreg $0xFFFFFFFF  }
0xad: {  	[dreg:$0x0] =	wrdreg $0x60  }
0xae: {  	[dreg:$0x2] =	wrdreg s24  }
0xaf: {  	[dreg:$0x3] =	wrdreg $0xA8000  }
0xb0: {  	[dreg:$0x4] =	wrdreg $0xA  }
0xb1: {  	_ =	task.clear_ibuf [dreg:s6], $0x5FFFF;
	_ =	strace $0x90000046  }
0xb2: {  	s29 =	simm.s32 $0xA;
	_ =	strace $0x80000048  }
0xb3: {  	_ =	swait.ge [sflag:s29], $0x1  }
0xb4: {  	[sflag:s29] =	ssyncadd.s32 $0xFFFFFFFF  }
0xb5: {  	_ =	strace $0x90000048  }
0xb6: {  	_ =	sfence  }
0xb7: {  	s30 =	sld [smem:$0x0];
	_ =	sdelay $0x2  }
0xb8: {  	s31 =	sshll.u32 s1, $0xD;
	s1 =	sshrl.u32 s1, $0x2  }
0xb9: {  	s3 =	sand.u32 $0x4000, s31;
	s1 =	sadd.s32 s1, s30  }
0xba: {  	s0 =	sor.u32 s3, s0;
	s1 =	sshll.u32 s1, $0x11  }
0xbb: {  	s0 =	sor.u32 s1, s0  }
0xbc: {  	s0 =	sadd.s32 $0x8F2B, s0  }
0xbd: {  	[sflag:s0] =	ssyncadd.remote.s32 $0x1  }
0xbe: {  	_ =	sfence.sel $0xFFFF  }
0xbf: {  	[dreg:$0x0] =	wrdreg $0xFFFFFFFF;
	(pc) =	sbr.abs _section_cstart, $3  }
0xc0: {  	[dreg:$0x1] =	wrdreg $0xFFFFFFFF  }
0xc1: {  	_ =	task.clear_ibuf [dreg:s6], $0x2FFFF;
	_ =	strace $0x9FFFFFFF  }
0xc2: {  	(tm) =	ssettm $0x7FFFFFFF  }
0xc3: {  	_ =	shalt  }
tec
execute0_lowered:
.L_overlay_start_1:
0x0: {  	(tag) =	ssettag $0x1  }
0x1: {  	s6 =	rddreg [dreg:$0x0]  }
0x2: {  	s1 =	rddreg [dreg:$0x1]  }
0x3: {  	s0 =	rddreg [dreg:$0x2];
	s2 =	simm.s32 $0x0  }
0x4: {  	s3 =	srdreg.scid;
	s16 =	simm.s32 $0x80;
	s17 =	simm.s32 $0x1  }
0x5: {  	s18 =	simm.s32 $0x2;
	s19 =	simm.s32 $0x2780;
	s7 =	sand.u32 $0x1, s3  }
0x6: {  	s20 =	simm.s32 $0x6800;
	s3 =	stileid.u32;
	s8 =	smul.u32 $0x13C000, s7  }
0x7: {  	s21 =	simm.s32 $0x0;
	[smem:$0x7FF] =	sst s2;
	s10 =	smul.u32 $0x13C00, s3  }
0x8: {  	s4 =	sadd.s32 $0x1DA00, s6;
	s9 =	sadd.s32 $0x13A00, s6;
	s12 =	smul.u32 $0x28000, s7  }
0x9: {  	s11 =	sadd.s32 $0x9A00, s6;
	s5 =	sadd.s32 $0x44C00, s6;
	s26 =	smul.u32 $0x2800, s3  }
0xa: {  	_ =	strace $0x80000047;
	s7 =	ssub.s32 $0x2, s7;
	s14 =	smul.u32 $0x4F000, s3  }
0xb: {  	s30 =	sshll.u32 s3, $0x6;
	s13 =	sshrl.u32 s7, $0x1;
	s8 =	sadd.s32 s10, s8  }
0xc: {  	s13 =	ssub.s32 s7, s13;
	s28 =	sadd.s32 s26, s12;
	s29 =	sshrl.u32 s14, $0x2  }
0xd: {  	s8 =	sshrl.u32 s8, $0x3;
	s10 =	sshrl.u32 s28, $0x3;
	s14 =	sadd.s32 s29, s1  }
0xe: {  	s12 =	smax.u32 s13, $0x1;
	s15 =	sadd.s32 s8, s6;
	s6 =	sor.u32 $0x1C03, s30  }
0xf: {  	s31 =	sadd.s32 $0x280, s10;
	s7 =	sadd.s32 s9, s10;
	s8 =	sadd.s32 s11, s10  }
0x10: {  	s13 =	sshrl.u32 s14, $0x3;
	s14 =	simm.s32 $0x3;
	s9 =	sadd.s32 s9, s31  }
0x11: {  	s10 =	sadd.s32 s11, s31;
	s11 =	sadd.s32 $0x47400, s15;
	s15 =	simm.s32 $0x2800  }
.LBB2_1:
0x12: {  	[spmem:s13], [sflag:s6] =	dma.local [hbm:s5], $0x2780  }
0x13: {  	_ =	swait.ge [sflag:s14], $0x2780  }
0x14: {  	[sflag:s14] =	ssyncset.done $0x0  }
0x15: {  	[sflag:s14] =	ssyncadd.s32 $0xFFFFD880  }
0x16: {  	[bflag:$0x0] =	sbarrier.arrive $0xFFFF  }
0x17: {  	[tilespmem:s2], [sflag:$0x3] =	stream.linear.gather [hbm4b:s7+s2], $0x1400, $0x38;
	[tilespmem:$0x1E400] =	vst v63  }
0x18: {  	_ =	swait.ge [sflag:s14], $0x1400  }
0x19: {  	[sflag:s14] =	ssyncset.done $0x0  }
0x1a: {  	s22 =	simm.s32 $0x1400;
	[sflag:s14] =	ssyncadd.s32 $0xFFFFEC00  }
0x1b: {  	[tilespmem:s22], [sflag:$0x3] =	stream.linear.gather [hbm4b:s8+s2], $0x1400, $0x38;
	[tilespmem:$0x1E400] =	vst v63  }
0x1c: {  	_ =	swait.ge [sflag:s14], $0x1400  }
0x1d: {  	s23 =	simm.s32 $0x4000;
	[sflag:s14] =	ssyncset.done $0x0  }
0x1e: {  	s24 =	sand.u32 $0x4000, s23;
	[sflag:s14] =	ssyncadd.s32 $0xFFFFEC00  }
0x1f: {  	[tilespmem:s15], [sflag:$0x1] =	stream.indirect.gather [hbm4b:s4+s16], $0x80, s2, s16, $0xb8;
	[tilespmem:$0x1E400] =	vst v63  }
0x20: {  	s24 =	sor.u32 $0x2800, s24  }
0x21: {  	[tilespmem:s24], [sflag:$0x1] =	stream.indirect.gather [hbm4b:s4+s16], $0x80, s16, s16, $0xb8;
	[tilespmem:$0x1E400] =	vst v63  }
0x22: {  	_ =	swait.ge [sflag:s17], $0x4000  }
0x23: {  	s31 =	sand.u32 $0x4000, s2;
	[sflag:s17] =	ssyncset.done $0x0  }
0x24: {  	s25 =	sor.u32 $0x2800, s31;
	s24 =	simm.s32 $0x80;
	[sflag:s17] =	ssyncadd.s32 $0xFFFFC000  }
.LBB2_2:
0x25: {  	[spmem:s1] =	stream.indirect.scatter.add.f32 [tilespmem:s25], [sflag:$0x2], $0x80, s22, s16, $0xb8;
	[tilespmem:$0x1E400] =	vst v63  }
0x26: {  	s25 =	smov.u32 s23  }
0x27: {  	p0 =	sne.s32 s23, $0x98000;
	s23 =	sadd.s32 $0x4000, s23;
	_ =	swait.ge [sflag:s18], $0x4000  }
0x28: {  	s24 =	sadd.s32 $0x80, s24;
	s26 =	sand.u32 $0x4000, s23;
	[sflag:s18] =	ssyncset.done $0x0  }
.Ltmp0:
0x29: {  	s26 =	sor.u32 $0x2800, s26;
	[sflag:s18] =	ssyncadd.s32 $0xFFFFC000;
	(pc) =	sbr.rel @p0 .LBB2_2-.Ltmp0, $4  }
0x2a: {  	[tilespmem:s26], [sflag:$0x1] =	stream.indirect.gather [hbm4b:s4+s16], $0x80, s24, s16, $0xb8;
	[tilespmem:$0x1E400] =	vst v63  }
0x2b: {  	_ =	swait.ge [sflag:s17], $0x4000  }
0x2c: {  	s25 =	sand.u32 $0x4000, s25;
	[sflag:s17] =	ssyncset.done $0x0  }
0x2d: {  	s22 =	sadd.s32 $0x80, s22;
	s25 =	sor.u32 $0x2800, s25;
	[sflag:s17] =	ssyncadd.s32 $0xFFFFC000  }
0x2e: {  	[spmem:s1] =	stream.indirect.scatter.add.f32 [tilespmem:s25], [sflag:$0x2], $0x80, s22, s16, $0xb8;
	[tilespmem:$0x1E400] =	vst v63  }
0x2f: {  	_ =	swait.ge [sflag:s18], $0x4000  }
0x30: {  	[sflag:s18] =	ssyncset.done $0x0  }
0x31: {  	[sflag:s18] =	ssyncadd.s32 $0xFFFFC000  }
0x32: {  	_ =	swait.ge [sflag:s17], $0x4000  }
0x33: {  	[sflag:s17] =	ssyncset.done $0x0  }
0x34: {  	s22 =	simm.s32 $0x80;
	[sflag:s17] =	ssyncadd.s32 $0xFFFFC000  }
0x35: {  	[spmem:s1] =	stream.indirect.scatter.add.f32 [tilespmem:s20], [sflag:$0x2], $0x80, s19, s22, $0xb8;
	[tilespmem:$0x1E400] =	vst v63  }
0x36: {  	_ =	swait.ge [sflag:s18], $0x4000  }
0x37: {  	[sflag:s18] =	ssyncset.done $0x0  }
0x38: {  	s31 =	simm.s32 $0x0;
	[sflag:s18] =	ssyncadd.s32 $0xFFFFC000  }
0x39: {  	[tilespmem:s31], [sflag:$0x3] =	stream.linear.gather [hbm4b:s9+s31], $0x1400, $0x38;
	[tilespmem:$0x1E400] =	vst v63  }
0x3a: {  	_ =	swait.ge [sflag:s14], $0x1400  }
0x3b: {  	[sflag:s14] =	ssyncset.done $0x0  }
0x3c: {  	s23 =	simm.s32 $0x1400;
	[sflag:s14] =	ssyncadd.s32 $0xFFFFEC00  }
0x3d: {  	[tilespmem:s23], [sflag:$0x3] =	stream.linear.gather [hbm4b:s10+s31], $0x1400, $0x38;
	[tilespmem:$0x1E400] =	vst v63  }
0x3e: {  	_ =	swait.ge [sflag:s14], $0x1400  }
0x3f: {  	s24 =	simm.s32 $0x4000;
	[sflag:s14] =	ssyncset.done $0x0  }
0x40: {  	s26 =	sand.u32 $0x4000, s24;
	[sflag:s14] =	ssyncadd.s32 $0xFFFFEC00  }
0x41: {  	[tilespmem:s15], [sflag:$0x1] =	stream.indirect.gather [hbm4b:s4+s22], $0x80, s31, s22, $0xb8;
	[tilespmem:$0x1E400] =	vst v63  }
0x42: {  	s26 =	sor.u32 $0x2800, s26  }
0x43: {  	[tilespmem:s26], [sflag:$0x1] =	stream.indirect.gather [hbm4b:s4+s16], $0x80, s22, s16, $0xb8;
	[tilespmem:$0x1E400] =	vst v63  }
0x44: {  	_ =	swait.ge [sflag:s17], $0x4000  }
0x45: {  	s25 =	sand.u32 $0x4000, s31;
	[sflag:s17] =	ssyncset.done $0x0  }
0x46: {  	s25 =	sor.u32 $0x2800, s25;
	[sflag:s17] =	ssyncadd.s32 $0xFFFFC000  }
.LBB2_4:
0x47: {  	[spmem:s1] =	stream.indirect.scatter.add.f32 [tilespmem:s25], [sflag:$0x2], $0x80, s23, s16, $0xb8;
	[tilespmem:$0x1E400] =	vst v63  }
0x48: {  	s25 =	smov.u32 s24  }
0x49: {  	p0 =	sne.s32 s24, $0x98000;
	s24 =	sadd.s32 $0x4000, s24;
	_ =	swait.ge [sflag:s18], $0x4000  }
0x4a: {  	s22 =	sadd.s32 $0x80, s22;
	s26 =	sand.u32 $0x4000, s24;
	[sflag:s18] =	ssyncset.done $0x0  }
.Ltmp1:
0x4b: {  	s26 =	sor.u32 $0x2800, s26;
	[sflag:s18] =	ssyncadd.s32 $0xFFFFC000;
	(pc) =	sbr.rel @p0 .LBB2_4-.Ltmp1, $4  }
0x4c: {  	[tilespmem:s26], [sflag:$0x1] =	stream.indirect.gather [hbm4b:s4+s16], $0x80, s22, s16, $0xb8;
	[tilespmem:$0x1E400] =	vst v63  }
0x4d: {  	_ =	swait.ge [sflag:s17], $0x4000  }
0x4e: {  	s25 =	sand.u32 $0x4000, s25;
	[sflag:s17] =	ssyncset.done $0x0  }
0x4f: {  	s23 =	sadd.s32 $0x80, s23;
	s25 =	sor.u32 $0x2800, s25;
	[sflag:s17] =	ssyncadd.s32 $0xFFFFC000  }
0x50: {  	[spmem:s1] =	stream.indirect.scatter.add.f32 [tilespmem:s25], [sflag:$0x2], $0x80, s23, s16, $0xb8;
	[tilespmem:$0x1E400] =	vst v63  }
0x51: {  	_ =	swait.ge [sflag:s18], $0x4000  }
0x52: {  	[sflag:s18] =	ssyncset.done $0x0  }
0x53: {  	[sflag:s18] =	ssyncadd.s32 $0xFFFFC000  }
0x54: {  	_ =	swait.ge [sflag:s17], $0x4000  }
0x55: {  	[sflag:s17] =	ssyncset.done $0x0  }
0x56: {  	[sflag:s17] =	ssyncadd.s32 $0xFFFFC000  }
0x57: {  	[spmem:s1] =	stream.indirect.scatter.add.f32 [tilespmem:s20], [sflag:$0x2], $0x80, s19, s16, $0xb8;
	[tilespmem:$0x1E400] =	vst v63  }
0x58: {  	_ =	swait.ge [sflag:s18], $0x4000  }
0x59: {  	s21 =	sadd.s32 $0x1, s21;
	[sflag:s18] =	ssyncset.done $0x0  }
0x5a: {  	p0 =	sne.s32 s21, s12;
	[sflag:s18] =	ssyncadd.s32 $0xFFFFC000  }
.Ltmp2:
0x5b: {  	[bflag:$0x0] =	sbarrier.arrive $0xFFFF;
	(pc) =	sbr.rel @p0 .LBB2_1-.Ltmp2, $4  }
0x5c: {  	[hbm:s11], [sflag:s6] =	dma.local [spmem:s13], $0x2780  }
0x5d: {  	_ =	swait.ge [sflag:s14], $0x2780  }
0x5e: {  	[sflag:s14] =	ssyncset.done $0x0  }
0x5f: {  	[sflag:s14] =	ssyncadd.s32 $0xFFFFD880  }
0x60: {  	_ =	sfence.sel $0x180000  }
0x61: {  	[bflag:$0x0] =	sbarrier.arrive $0xFFFF  }
0x62: {  	p0 =	sne.s32 s3, $0x0;
	_ =	strace $0x90000047  }
0x63: {  	s0 =	sadd.s32 @!p0 $0x100000, s0;
	[bflag:$0x2] =	sbarrier.arrive $0xFFFF  }
0x64: {  	[sflag:s0] =	ssyncadd.tile.s32 @!p0 $0x1;
	_ =	shalt  }
.Lfunc_end2:
_tile_overlayer_lowered:
.L_overlay_start_2:
0x65: {  	(tag) =	ssettag $0x2  }
0x66: {  	s0 =	rddreg [dreg:$0x0];
	s2 =	stileid.u32  }
0x67: {  	s1 =	rddreg [dreg:$0x1];
	p0 =	sne.s32 s2, $0x0  }
0x68: {  	s3 =	rddreg [dreg:$0x2];
	[bflag:$0x3] =	sbarrier.arrive $0xFFFF;
	s2 =	simm.s32 @!p0 $0x1C03  }
0x69: {  	[timem:s3], [sflag:s2] =	dma.local @!p0 [hbm:s0], s1  }
0x6a: {  	s0 =	simm.s32 @!p0 $0x3  }
0x6b: {  	_ =	swait.ge @!p0 [sflag:s0], s1  }
0x6c: {  	s1 =	ssub.s32 @!p0 $0x0, s1;
	[sflag:s0] =	ssyncset.done @!p0 $0x0  }
0x6d: {  	[sflag:s0] =	ssyncadd.s32 @!p0 s1  }
0x6e: {  	[bflag:$0x3] =	sbarrier.arrive $0xFFFF  }
0x6f: {  	_ =	shalt  }

// kernel: kernel.31.cloned.1.call-start
scs
__scs_entry_jumppad:
0x0: {  	(pc) =	sbr.rel $0x88, $3  }
0x1: {  	(tag) =	ssettag $0x0;
	lr =	simm.s32 $0x1  }
0x2: {  	[smem:$0x3F77] =	sst lr;
	_ =	strace $0xD0000000  }
0x3: {  	_ = 	snop  }
0x4: {  	_ = 	snop  }
0x5: {  	_ = 	snop  }
0x6: {  	_ = 	snop  }
0x7: {  	_ = 	snop  }
__scs_overlays_trampoline_lowered:
0x8: {  	[smem:$0x3F86] =	sst s0  }
0x9: {  	[smem:$0x3F87] =	sst s1  }
0xa: {  	[smem:$0x3F88] =	sst s2  }
0xb: {  	[smem:$0x3F89] =	sst s3  }
0xc: {  	[smem:$0x3F8A] =	sst s4  }
0xd: {  	[smem:$0x3F8B] =	sst s5  }
0xe: {  	[smem:$0x3F8C] =	sst s6  }
0xf: {  	[smem:$0x3F8D] =	sst s7  }
0x10: {  	[smem:$0x3F8E] =	sst s8  }
0x11: {  	[smem:$0x3F8F] =	sst s9;
	s0 =	simm.s32 @!p0 $0x0  }
0x12: {  	s1 =	sld [smem:$0x3F75];
	s0 =	simm.s32 @p0 $0x1  }
0x13: {  	[smem:$0x3F90] =	sst s0;
	s0 =	simm.s32 @!p1 $0x0  }
0x14: {  	s2 =	sld [smem:$0x3F74];
	s0 =	simm.s32 @p1 $0x1  }
0x15: {  	[smem:$0x3F91] =	sst s0;
	s0 =	simm.s32 @!p2 $0x0  }
0x16: {  	s3 =	sld [smem:$0x3FDB];
	s0 =	simm.s32 @p2 $0x1  }
0x17: {  	s4 =	simm.s32 $0x1BF5;
	[smem:$0x3F93] =	sst s0  }
0x18: {  	s0 =	sld [smem:$0x3F76];
	_ =	swait.ge [sflag:s4], $0x0  }
0x19: {  	s7 =	sld [smem:$0x3F77]  }
0x1a: {  	s8 =	sadd.s32 $0xFFFFE003, lr  }
0x1b: {  	s9 =	sadd.s32 $0xFFFFFEF7, lr;
	s5 =	simm.s32 $0xFFFFFFFF;
	p2 =	slt.u32 s8, $0xFFFFF086  }
0x1c: {  	p1 =	slt.u32 s9, $0xF7A;
	s5 =	simm.s32 @!p2 $0x0  }
0x1d: {  	s5 =	simm.s32 @p1 $0x1;
	p0 =	seq.s32 s7, s2  }
0x1e: {  	s7 =	smul.u32 @!p0 $0xF7A, s2;
	p2 =	seq.s32 @!p0 s5, $0x0  }
0x1f: {  	s9 =	smul.u32 $0xF7A, s1;
	s8 =	simm.s32 @!p0 $0x1BF5;
	p2 =	por !p2, p0  }
0x20: {  	[sflag:s8] =	ssyncset.s32 @!p0 $0xFFFFF086;
	s6 =	sadd.s32 @!p0 s3, s7;
	s7 =	simm.s32 @!p0 $0x108  }
0x21: {  	s3 =	sadd.s32 s3, s9;
	s6 =	sadd.s32 @!p0 $0x88, s6;
	s7 =	simm.s32 @p2 $0x1082  }
0x22: {  	[simem:s7], [sflag:s8] =	dma.local @!p0 [hbm:s6], $0xF7A  }
0x23: {  	s9 =	sor.u32 $0xD0000000, s2;
	s6 =	simm.s32 $0x108;
	_ =	swait.ge @!p0 [sflag:s8], $0x0  }
0x24: {  	s3 =	sadd.s32 $0x88, s3;
	s6 =	simm.s32 @!p1 $0x1082;
	[sflag:s4] =	ssyncset.s32 $0xFFFFF086  }
0x25: {  	[simem:s6], [sflag:s4] =	dma.local [hbm:s3], $0xF7A  }
0x26: {  	[smem:$0x3F77] =	sst s1;
	(tag) =	ssettag s2;
	_ =	strace s9  }
0x27: {  	s1 =	sld [smem:$0x3F87]  }
0x28: {  	s2 =	sld [smem:$0x3F88]  }
0x29: {  	s4 =	sld [smem:$0x3F8A]  }
0x2a: {  	p0 =	seq.s32 s5, $0x0;
	s5 =	sld [smem:$0x3F8B]  }
0x2b: {  	s6 =	sld [smem:$0x3F8C]  }
0x2c: {  	s7 =	sld [smem:$0x3F8D]  }
0x2d: {  	s3 =	simm.s32 $0x108;
	s8 =	sld [smem:$0x3F8E]  }
0x2e: {  	s3 =	simm.s32 @!p0 $0x1082;
	s9 =	sld [smem:$0x3F8F]  }
0x2f: {  	lr =	sadd.s32 s0, s3;
	s0 =	sld [smem:$0x3F86]  }
0x30: {  	s3 =	sld [smem:$0x3F89]  }
0x31: {  	[smem:$0x3F92] =	sst s10  }
0x32: {  	s10 =	sld [smem:$0x3F90];
	_ =	sdelay $0x3  }
0x33: {  	p0 =	seq.s32 s10, $0x1;
	s10 =	sld [smem:$0x3F92];
	_ =	sdelay $0x3  }
0x34: {  	[smem:$0x3F92] =	sst s10  }
0x35: {  	s10 =	sld [smem:$0x3F91];
	_ =	sdelay $0x3  }
0x36: {  	p1 =	seq.s32 s10, $0x1;
	s10 =	sld [smem:$0x3F92];
	_ =	sdelay $0x3  }
0x37: {  	[smem:$0x3F92] =	sst s10  }
0x38: {  	s10 =	sld [smem:$0x3F93]  }
0x39: {  	_ = 	snop;
	(pc) =	sbr.ind lr, $3  }
0x3a: {  	_ = 	snop  }
0x3b: {  	_ = 	snop  }
0x3c: {  	p2 =	seq.s32 s10, $0x1;
	s10 =	sld [smem:$0x3F92]  }
0x3d: {  	_ =	shalt  }
0x3e: {  	_ =	shalt  }
0x3f: {  	_ =	shalt  }
0x40: {  	_ =	shalt  }
0x41: {  	_ =	shalt  }
0x42: {  	_ =	shalt  }
0x43: {  	_ =	shalt  }
0x44: {  	_ =	shalt  }
0x45: {  	_ =	shalt  }
0x46: {  	_ =	shalt  }
0x47: {  	_ =	shalt  }
0x48: {  	_ =	shalt  }
0x49: {  	_ =	shalt  }
0x4a: {  	_ =	shalt  }
0x4b: {  	_ =	shalt  }
0x4c: {  	_ =	shalt  }
0x4d: {  	_ =	shalt  }
0x4e: {  	_ =	shalt  }
0x4f: {  	_ =	shalt  }
0x50: {  	_ =	shalt  }
0x51: {  	_ =	shalt  }
0x52: {  	_ =	shalt  }
0x53: {  	_ =	shalt  }
0x54: {  	_ =	shalt  }
0x55: {  	_ =	shalt  }
0x56: {  	_ =	shalt  }
0x57: {  	_ =	shalt  }
0x58: {  	_ =	shalt  }
0x59: {  	_ =	shalt  }
0x5a: {  	_ =	shalt  }
0x5b: {  	_ =	shalt  }
0x5c: {  	_ =	shalt  }
0x5d: {  	_ =	shalt  }
0x5e: {  	_ =	shalt  }
0x5f: {  	_ =	shalt  }
0x60: {  	_ =	shalt  }
0x61: {  	_ =	shalt  }
0x62: {  	_ =	shalt  }
0x63: {  	_ =	shalt  }
0x64: {  	_ =	shalt  }
0x65: {  	_ =	shalt  }
0x66: {  	_ =	shalt  }
0x67: {  	_ =	shalt  }
0x68: {  	_ =	shalt  }
0x69: {  	_ =	shalt  }
0x6a: {  	_ =	shalt  }
0x6b: {  	_ =	shalt  }
0x6c: {  	_ =	shalt  }
0x6d: {  	_ =	shalt  }
0x6e: {  	_ =	shalt  }
0x6f: {  	_ =	shalt  }
0x70: {  	_ =	shalt  }
0x71: {  	_ =	shalt  }
0x72: {  	_ =	shalt  }
0x73: {  	_ =	shalt  }
0x74: {  	_ =	shalt  }
0x75: {  	_ =	shalt  }
0x76: {  	_ =	shalt  }
0x77: {  	_ =	shalt  }
0x78: {  	_ =	shalt  }
0x79: {  	_ =	shalt  }
0x7a: {  	_ =	shalt  }
0x7b: {  	_ =	shalt  }
0x7c: {  	_ =	shalt  }
0x7d: {  	_ =	shalt  }
0x7e: {  	_ =	shalt  }
0x7f: {  	_ =	shalt  }
0x80: {  	_ =	shalt  }
0x81: {  	_ =	shalt  }
0x82: {  	_ =	shalt  }
0x83: {  	_ =	shalt  }
0x84: {  	_ =	shalt  }
0x85: {  	_ =	shalt  }
0x86: {  	_ =	shalt  }
0x87: {  	_ =	shalt  }
.Lfunc_end0:
.L_simem_size_0:
called_computation.2_lowered:
.L_overlay_start_0:
0x88: {  	s2 =	sld [smem:$0x3FD9]  }
0x89: {  	s3 =	sld [smem:$0x3FFE];
	_ =	sdelay $0x1  }
0x8a: {  	s1 =	srdreg.scid  }
0x8b: {  	s0 =	sand.u32 $0x1, s1  }
0x8c: {  	s16 =	sshll.u32 s0, $0xA;
	s2 =	sadd.s32 s3, s2  }
0x8d: {  	s2 =	sadd.s32 s2, s16  }
0x8e: {  	[smem:$0x3F9E] =	sst s2  }
0x8f: {  	_ = 	snop  }
0x90: {  	(tm) =	ssettm $0x1  }
0x91: {  	s17 =	sld [smem:$0x3FFB];
	_ =	sdelay $0x3  }
0x92: {  	_ =	strace s17  }
0x93: {  	s2 =	sld [smem:$0x3FFC];
	_ =	sdelay $0x3  }
0x94: {  	_ =	strace s2  }
0x95: {  	s2 =	sld [smem:$0x3FFD];
	_ =	sdelay $0x3  }
0x96: {  	_ =	strace s2  }
0x97: {  	_ =	strace $0x8FFFFFFF  }
0x98: {  	s18 =	sld [smem:$0x3FDB];
	_ =	sdelay $0x1  }
0x99: {  	s19 =	simm.s32 $_scs_section_size  }
0x9a: {  	s4 =	simm.s32 $_size__tile_overlayer_lowered;
	s5 =	simm.s32 $_tile_overlayer_lowered  }
0x9b: {  	s22 =	simm.s32 $0x1BFF;
	s21 =	sshll.u32 s5, $0x1;
	s2 =	sadd.s32 s19, s18  }
0x9c: {  	s6 =	simm.s32 $0x0;
	s20 =	sshll.u32 s4, $0x1;
	s4 =	sadd.s32 s21, s2  }
0x9d: {  	[timem:s6], [sflag:s22] =	dma.local [hbm:s4], s20  }
0x9e: {  	_ =	swait.ge [sflag:s22], s20  }
0x9f: {  	s3 =	ssub.s32 $0x0, s20;
	[sflag:s22] =	ssyncset.done $0x0  }
0xa0: {  	[sflag:s22] =	ssyncadd.s32 s3;
	_ =	sdelay $0x1  }
0xa1: {  	s23 =	simm.s32 $0x1B8B  }
0xa2: {  	_ =	swait.ge [sflag:s23], $0x1  }
0xa3: {  	[sflag:s23] =	ssyncset.done $0x0  }
0xa4: {  	s25 =	simm.s32 $0x1B8E;
	s24 =	sld [smem:$0x3FFE];
	[sflag:s23] =	ssyncadd.s32 $0xFFFFFFFF  }
0xa5: {  	s26 =	simm.s32 $execute0_lowered;
	[smem:$0x3FD2] =	sst s25  }
0xa6: {  	s4 =	sshll.u32 s26, $0x1;
	_ =	strace $0x8000004C;
	[dreg:$0x1] =	wrdreg $0xFFFFFFFF  }
0xa7: {  	s28 =	simm.s32 $_size_execute0_lowered;
	s2 =	sadd.s32 s2, s4;
	[dreg:$0x0] =	wrdreg $0x0  }
0xa8: {  	s4 =	sshll.u32 s28, $0x1;
	[dreg:$0x2] =	wrdreg s2  }
0xa9: {  	[dreg:$0x3] =	wrdreg s4  }
0xaa: {  	[dreg:$0x4] =	wrdreg $0xC0  }
0xab: {  	_ =	task [dreg:s6], $0x5FFFF  }
0xac: {  	[dreg:$0x1] =	wrdreg $0xFFFFFFFF  }
0xad: {  	[dreg:$0x0] =	wrdreg $0x60  }
0xae: {  	[dreg:$0x2] =	wrdreg s24  }
0xaf: {  	[dreg:$0x3] =	wrdreg $0xA8000  }
0xb0: {  	[dreg:$0x4] =	wrdreg $0x9  }
0xb1: {  	_ =	task.clear_ibuf [dreg:s6], $0x5FFFF;
	_ =	strace $0x9000004C  }
0xb2: {  	s29 =	simm.s32 $0x9;
	_ =	strace $0x8000004E  }
0xb3: {  	_ =	swait.ge [sflag:s29], $0x1  }
0xb4: {  	[sflag:s29] =	ssyncadd.s32 $0xFFFFFFFF  }
0xb5: {  	_ =	strace $0x9000004E  }
0xb6: {  	_ =	sfence  }
0xb7: {  	s30 =	sld [smem:$0x0];
	_ =	sdelay $0x2  }
0xb8: {  	s31 =	sshll.u32 s1, $0xD;
	s1 =	sshrl.u32 s1, $0x2  }
0xb9: {  	s3 =	sand.u32 $0x4000, s31;
	s1 =	sadd.s32 s1, s30  }
0xba: {  	s0 =	sor.u32 s3, s0;
	s1 =	sshll.u32 s1, $0x11  }
0xbb: {  	s0 =	sor.u32 s1, s0  }
0xbc: {  	s0 =	sadd.s32 $0x8F2B, s0  }
0xbd: {  	[sflag:s0] =	ssyncadd.remote.s32 $0x1  }
0xbe: {  	_ =	sfence.sel $0xFFFF  }
0xbf: {  	[dreg:$0x0] =	wrdreg $0xFFFFFFFF;
	(pc) =	sbr.abs _section_cstart, $3  }
0xc0: {  	[dreg:$0x1] =	wrdreg $0xFFFFFFFF  }
0xc1: {  	_ =	task.clear_ibuf [dreg:s6], $0x2FFFF;
	_ =	strace $0x9FFFFFFF  }
0xc2: {  	(tm) =	ssettm $0x7FFFFFFF  }
0xc3: {  	_ =	shalt  }
tec
execute0_lowered:
.L_overlay_start_1:
0x0: {  	(tag) =	ssettag $0x1  }
0x1: {  	s6 =	rddreg [dreg:$0x0]  }
0x2: {  	s1 =	rddreg [dreg:$0x1]  }
0x3: {  	s0 =	rddreg [dreg:$0x2];
	s2 =	simm.s32 $0x0  }
0x4: {  	s3 =	srdreg.scid;
	s16 =	simm.s32 $0x80;
	s17 =	simm.s32 $0x1  }
0x5: {  	s18 =	simm.s32 $0x2;
	s19 =	simm.s32 $0x2780;
	s7 =	sand.u32 $0x1, s3  }
0x6: {  	s20 =	simm.s32 $0x6800;
	s3 =	stileid.u32;
	s8 =	smul.u32 $0x13C000, s7  }
0x7: {  	s21 =	simm.s32 $0x0;
	[smem:$0x7FF] =	sst s2;
	s10 =	smul.u32 $0x13C00, s3  }
0x8: {  	s4 =	sadd.s32 $0x1DA00, s6;
	s9 =	sadd.s32 $0x13A00, s6;
	s12 =	smul.u32 $0x28000, s7  }
0x9: {  	s11 =	sadd.s32 $0x9A00, s6;
	s5 =	sadd.s32 $0x44C00, s6;
	s26 =	smul.u32 $0x2800, s3  }
0xa: {  	_ =	strace $0x8000004D;
	s7 =	ssub.s32 $0x2, s7;
	s14 =	smul.u32 $0x4F000, s3  }
0xb: {  	s30 =	sshll.u32 s3, $0x6;
	s13 =	sshrl.u32 s7, $0x1;
	s8 =	sadd.s32 s10, s8  }
0xc: {  	s13 =	ssub.s32 s7, s13;
	s28 =	sadd.s32 s26, s12;
	s29 =	sshrl.u32 s14, $0x2  }
0xd: {  	s8 =	sshrl.u32 s8, $0x3;
	s10 =	sshrl.u32 s28, $0x3;
	s14 =	sadd.s32 s29, s1  }
0xe: {  	s12 =	smax.u32 s13, $0x1;
	s15 =	sadd.s32 s8, s6;
	s6 =	sor.u32 $0x1C03, s30  }
0xf: {  	s31 =	sadd.s32 $0x280, s10;
	s7 =	sadd.s32 s9, s10;
	s8 =	sadd.s32 s11, s10  }
0x10: {  	s13 =	sshrl.u32 s14, $0x3;
	s14 =	simm.s32 $0x3;
	s9 =	sadd.s32 s9, s31  }
0x11: {  	s10 =	sadd.s32 s11, s31;
	s11 =	sadd.s32 $0x95800, s15;
	s15 =	simm.s32 $0x2800  }
.LBB2_1:
0x12: {  	[spmem:s13], [sflag:s6] =	dma.local [hbm:s5], $0x2780  }
0x13: {  	_ =	swait.ge [sflag:s14], $0x2780  }
0x14: {  	[sflag:s14] =	ssyncset.done $0x0  }
0x15: {  	[sflag:s14] =	ssyncadd.s32 $0xFFFFD880  }
0x16: {  	[bflag:$0x0] =	sbarrier.arrive $0xFFFF  }
0x17: {  	[tilespmem:s2], [sflag:$0x3] =	stream.linear.gather [hbm4b:s7+s2], $0x1400, $0x38;
	[tilespmem:$0x1E400] =	vst v63  }
0x18: {  	_ =	swait.ge [sflag:s14], $0x1400  }
0x19: {  	[sflag:s14] =	ssyncset.done $0x0  }
0x1a: {  	s22 =	simm.s32 $0x1400;
	[sflag:s14] =	ssyncadd.s32 $0xFFFFEC00  }
0x1b: {  	[tilespmem:s22], [sflag:$0x3] =	stream.linear.gather [hbm4b:s8+s2], $0x1400, $0x38;
	[tilespmem:$0x1E400] =	vst v63  }
0x1c: {  	_ =	swait.ge [sflag:s14], $0x1400  }
0x1d: {  	s23 =	simm.s32 $0x4000;
	[sflag:s14] =	ssyncset.done $0x0  }
0x1e: {  	s24 =	sand.u32 $0x4000, s23;
	[sflag:s14] =	ssyncadd.s32 $0xFFFFEC00  }
0x1f: {  	[tilespmem:s15], [sflag:$0x1] =	stream.indirect.gather [hbm4b:s4+s16], $0x80, s2, s16, $0xb8;
	[tilespmem:$0x1E400] =	vst v63  }
0x20: {  	s24 =	sor.u32 $0x2800, s24  }
0x21: {  	[tilespmem:s24], [sflag:$0x1] =	stream.indirect.gather [hbm4b:s4+s16], $0x80, s16, s16, $0xb8;
	[tilespmem:$0x1E400] =	vst v63  }
0x22: {  	_ =	swait.ge [sflag:s17], $0x4000  }
0x23: {  	s31 =	sand.u32 $0x4000, s2;
	[sflag:s17] =	ssyncset.done $0x0  }
0x24: {  	s25 =	sor.u32 $0x2800, s31;
	s24 =	simm.s32 $0x80;
	[sflag:s17] =	ssyncadd.s32 $0xFFFFC000  }
.LBB2_2:
0x25: {  	[spmem:s1] =	stream.indirect.scatter.add.f32 [tilespmem:s25], [sflag:$0x2], $0x80, s22, s16, $0xb8;
	[tilespmem:$0x1E400] =	vst v63  }
0x26: {  	s25 =	smov.u32 s23  }
0x27: {  	p0 =	sne.s32 s23, $0x98000;
	s23 =	sadd.s32 $0x4000, s23;
	_ =	swait.ge [sflag:s18], $0x4000  }
0x28: {  	s24 =	sadd.s32 $0x80, s24;
	s26 =	sand.u32 $0x4000, s23;
	[sflag:s18] =	ssyncset.done $0x0  }
.Ltmp0:
0x29: {  	s26 =	sor.u32 $0x2800, s26;
	[sflag:s18] =	ssyncadd.s32 $0xFFFFC000;
	(pc) =	sbr.rel @p0 .LBB2_2-.Ltmp0, $4  }
0x2a: {  	[tilespmem:s26], [sflag:$0x1] =	stream.indirect.gather [hbm4b:s4+s16], $0x80, s24, s16, $0xb8;
	[tilespmem:$0x1E400] =	vst v63  }
0x2b: {  	_ =	swait.ge [sflag:s17], $0x4000  }
0x2c: {  	s25 =	sand.u32 $0x4000, s25;
	[sflag:s17] =	ssyncset.done $0x0  }
0x2d: {  	s22 =	sadd.s32 $0x80, s22;
	s25 =	sor.u32 $0x2800, s25;
	[sflag:s17] =	ssyncadd.s32 $0xFFFFC000  }
0x2e: {  	[spmem:s1] =	stream.indirect.scatter.add.f32 [tilespmem:s25], [sflag:$0x2], $0x80, s22, s16, $0xb8;
	[tilespmem:$0x1E400] =	vst v63  }
0x2f: {  	_ =	swait.ge [sflag:s18], $0x4000  }
0x30: {  	[sflag:s18] =	ssyncset.done $0x0  }
0x31: {  	[sflag:s18] =	ssyncadd.s32 $0xFFFFC000  }
0x32: {  	_ =	swait.ge [sflag:s17], $0x4000  }
0x33: {  	[sflag:s17] =	ssyncset.done $0x0  }
0x34: {  	s22 =	simm.s32 $0x80;
	[sflag:s17] =	ssyncadd.s32 $0xFFFFC000  }
0x35: {  	[spmem:s1] =	stream.indirect.scatter.add.f32 [tilespmem:s20], [sflag:$0x2], $0x80, s19, s22, $0xb8;
	[tilespmem:$0x1E400] =	vst v63  }
0x36: {  	_ =	swait.ge [sflag:s18], $0x4000  }
0x37: {  	[sflag:s18] =	ssyncset.done $0x0  }
0x38: {  	s31 =	simm.s32 $0x0;
	[sflag:s18] =	ssyncadd.s32 $0xFFFFC000  }
0x39: {  	[tilespmem:s31], [sflag:$0x3] =	stream.linear.gather [hbm4b:s9+s31], $0x1400, $0x38;
	[tilespmem:$0x1E400] =	vst v63  }
0x3a: {  	_ =	swait.ge [sflag:s14], $0x1400  }
0x3b: {  	[sflag:s14] =	ssyncset.done $0x0  }
0x3c: {  	s23 =	simm.s32 $0x1400;
	[sflag:s14] =	ssyncadd.s32 $0xFFFFEC00  }
0x3d: {  	[tilespmem:s23], [sflag:$0x3] =	stream.linear.gather [hbm4b:s10+s31], $0x1400, $0x38;
	[tilespmem:$0x1E400] =	vst v63  }
0x3e: {  	_ =	swait.ge [sflag:s14], $0x1400  }
0x3f: {  	s24 =	simm.s32 $0x4000;
	[sflag:s14] =	ssyncset.done $0x0  }
0x40: {  	s26 =	sand.u32 $0x4000, s24;
	[sflag:s14] =	ssyncadd.s32 $0xFFFFEC00  }
0x41: {  	[tilespmem:s15], [sflag:$0x1] =	stream.indirect.gather [hbm4b:s4+s22], $0x80, s31, s22, $0xb8;
	[tilespmem:$0x1E400] =	vst v63  }
0x42: {  	s26 =	sor.u32 $0x2800, s26  }
0x43: {  	[tilespmem:s26], [sflag:$0x1] =	stream.indirect.gather [hbm4b:s4+s16], $0x80, s22, s16, $0xb8;
	[tilespmem:$0x1E400] =	vst v63  }
0x44: {  	_ =	swait.ge [sflag:s17], $0x4000  }
0x45: {  	s25 =	sand.u32 $0x4000, s31;
	[sflag:s17] =	ssyncset.done $0x0  }
0x46: {  	s25 =	sor.u32 $0x2800, s25;
	[sflag:s17] =	ssyncadd.s32 $0xFFFFC000  }
.LBB2_4:
0x47: {  	[spmem:s1] =	stream.indirect.scatter.add.f32 [tilespmem:s25], [sflag:$0x2], $0x80, s23, s16, $0xb8;
	[tilespmem:$0x1E400] =	vst v63  }
0x48: {  	s25 =	smov.u32 s24  }
0x49: {  	p0 =	sne.s32 s24, $0x98000;
	s24 =	sadd.s32 $0x4000, s24;
	_ =	swait.ge [sflag:s18], $0x4000  }
0x4a: {  	s22 =	sadd.s32 $0x80, s22;
	s26 =	sand.u32 $0x4000, s24;
	[sflag:s18] =	ssyncset.done $0x0  }
.Ltmp1:
0x4b: {  	s26 =	sor.u32 $0x2800, s26;
	[sflag:s18] =	ssyncadd.s32 $0xFFFFC000;
	(pc) =	sbr.rel @p0 .LBB2_4-.Ltmp1, $4  }
0x4c: {  	[tilespmem:s26], [sflag:$0x1] =	stream.indirect.gather [hbm4b:s4+s16], $0x80, s22, s16, $0xb8;
	[tilespmem:$0x1E400] =	vst v63  }
0x4d: {  	_ =	swait.ge [sflag:s17], $0x4000  }
0x4e: {  	s25 =	sand.u32 $0x4000, s25;
	[sflag:s17] =	ssyncset.done $0x0  }
0x4f: {  	s23 =	sadd.s32 $0x80, s23;
	s25 =	sor.u32 $0x2800, s25;
	[sflag:s17] =	ssyncadd.s32 $0xFFFFC000  }
0x50: {  	[spmem:s1] =	stream.indirect.scatter.add.f32 [tilespmem:s25], [sflag:$0x2], $0x80, s23, s16, $0xb8;
	[tilespmem:$0x1E400] =	vst v63  }
0x51: {  	_ =	swait.ge [sflag:s18], $0x4000  }
0x52: {  	[sflag:s18] =	ssyncset.done $0x0  }
0x53: {  	[sflag:s18] =	ssyncadd.s32 $0xFFFFC000  }
0x54: {  	_ =	swait.ge [sflag:s17], $0x4000  }
0x55: {  	[sflag:s17] =	ssyncset.done $0x0  }
0x56: {  	[sflag:s17] =	ssyncadd.s32 $0xFFFFC000  }
0x57: {  	[spmem:s1] =	stream.indirect.scatter.add.f32 [tilespmem:s20], [sflag:$0x2], $0x80, s19, s16, $0xb8;
	[tilespmem:$0x1E400] =	vst v63  }
0x58: {  	_ =	swait.ge [sflag:s18], $0x4000  }
0x59: {  	s21 =	sadd.s32 $0x1, s21;
	[sflag:s18] =	ssyncset.done $0x0  }
0x5a: {  	p0 =	sne.s32 s21, s12;
	[sflag:s18] =	ssyncadd.s32 $0xFFFFC000  }
.Ltmp2:
0x5b: {  	[bflag:$0x0] =	sbarrier.arrive $0xFFFF;
	(pc) =	sbr.rel @p0 .LBB2_1-.Ltmp2, $4  }
0x5c: {  	[hbm:s11], [sflag:s6] =	dma.local [spmem:s13], $0x2780  }
0x5d: {  	_ =	swait.ge [sflag:s14], $0x2780  }
0x5e: {  	[sflag:s14] =	ssyncset.done $0x0  }
0x5f: {  	[sflag:s14] =	ssyncadd.s32 $0xFFFFD880  }
0x60: {  	_ =	sfence.sel $0x180000  }
0x61: {  	[bflag:$0x0] =	sbarrier.arrive $0xFFFF  }
0x62: {  	p0 =	sne.s32 s3, $0x0;
	_ =	strace $0x9000004D  }
0x63: {  	s0 =	sadd.s32 @!p0 $0x100000, s0;
	[bflag:$0x2] =	sbarrier.arrive $0xFFFF  }
0x64: {  	[sflag:s0] =	ssyncadd.tile.s32 @!p0 $0x1;
	_ =	shalt  }
.Lfunc_end2:
_tile_overlayer_lowered:
.L_overlay_start_2:
0x65: {  	(tag) =	ssettag $0x2  }
0x66: {  	s0 =	rddreg [dreg:$0x0];
	s2 =	stileid.u32  }
0x67: {  	s1 =	rddreg [dreg:$0x1];
	p0 =	sne.s32 s2, $0x0  }
0x68: {  	s3 =	rddreg [dreg:$0x2];
	[bflag:$0x3] =	sbarrier.arrive $0xFFFF;
	s2 =	simm.s32 @!p0 $0x1C03  }
0x69: {  	[timem:s3], [sflag:s2] =	dma.local @!p0 [hbm:s0], s1  }
0x6a: {  	s0 =	simm.s32 @!p0 $0x3  }
0x6b: {  	_ =	swait.ge @!p0 [sflag:s0], s1  }
0x6c: {  	s1 =	ssub.s32 @!p0 $0x0, s1;
	[sflag:s0] =	ssyncset.done @!p0 $0x0  }
0x6d: {  	[sflag:s0] =	ssyncadd.s32 @!p0 s1  }
0x6e: {  	[bflag:$0x3] =	sbarrier.arrive $0xFFFF  }
0x6f: {  	_ =	shalt  }

// kernel: kernel.34.cloned.1.call-start
scs
__scs_entry_jumppad:
0x0: {  	(pc) =	sbr.rel $0x88, $3  }
0x1: {  	(tag) =	ssettag $0x0;
	lr =	simm.s32 $0x1  }
0x2: {  	[smem:$0x3F77] =	sst lr;
	_ =	strace $0xD0000000  }
0x3: {  	_ = 	snop  }
0x4: {  	_ = 	snop  }
0x5: {  	_ = 	snop  }
0x6: {  	_ = 	snop  }
0x7: {  	_ = 	snop  }
__scs_overlays_trampoline_lowered:
0x8: {  	[smem:$0x3F86] =	sst s0  }
0x9: {  	[smem:$0x3F87] =	sst s1  }
0xa: {  	[smem:$0x3F88] =	sst s2  }
0xb: {  	[smem:$0x3F89] =	sst s3  }
0xc: {  	[smem:$0x3F8A] =	sst s4  }
0xd: {  	[smem:$0x3F8B] =	sst s5  }
0xe: {  	[smem:$0x3F8C] =	sst s6  }
0xf: {  	[smem:$0x3F8D] =	sst s7  }
0x10: {  	[smem:$0x3F8E] =	sst s8  }
0x11: {  	[smem:$0x3F8F] =	sst s9;
	s0 =	simm.s32 @!p0 $0x0  }
0x12: {  	s1 =	sld [smem:$0x3F75];
	s0 =	simm.s32 @p0 $0x1  }
0x13: {  	[smem:$0x3F90] =	sst s0;
	s0 =	simm.s32 @!p1 $0x0  }
0x14: {  	s2 =	sld [smem:$0x3F74];
	s0 =	simm.s32 @p1 $0x1  }
0x15: {  	[smem:$0x3F91] =	sst s0;
	s0 =	simm.s32 @!p2 $0x0  }
0x16: {  	s3 =	sld [smem:$0x3FDB];
	s0 =	simm.s32 @p2 $0x1  }
0x17: {  	s4 =	simm.s32 $0x1BF5;
	[smem:$0x3F93] =	sst s0  }
0x18: {  	s0 =	sld [smem:$0x3F76];
	_ =	swait.ge [sflag:s4], $0x0  }
0x19: {  	s7 =	sld [smem:$0x3F77]  }
0x1a: {  	s8 =	sadd.s32 $0xFFFFE003, lr  }
0x1b: {  	s9 =	sadd.s32 $0xFFFFFEF7, lr;
	s5 =	simm.s32 $0xFFFFFFFF;
	p2 =	slt.u32 s8, $0xFFFFF086  }
0x1c: {  	p1 =	slt.u32 s9, $0xF7A;
	s5 =	simm.s32 @!p2 $0x0  }
0x1d: {  	s5 =	simm.s32 @p1 $0x1;
	p0 =	seq.s32 s7, s2  }
0x1e: {  	s7 =	smul.u32 @!p0 $0xF7A, s2;
	p2 =	seq.s32 @!p0 s5, $0x0  }
0x1f: {  	s9 =	smul.u32 $0xF7A, s1;
	s8 =	simm.s32 @!p0 $0x1BF5;
	p2 =	por !p2, p0  }
0x20: {  	[sflag:s8] =	ssyncset.s32 @!p0 $0xFFFFF086;
	s6 =	sadd.s32 @!p0 s3, s7;
	s7 =	simm.s32 @!p0 $0x108  }
0x21: {  	s3 =	sadd.s32 s3, s9;
	s6 =	sadd.s32 @!p0 $0x88, s6;
	s7 =	simm.s32 @p2 $0x1082  }
0x22: {  	[simem:s7], [sflag:s8] =	dma.local @!p0 [hbm:s6], $0xF7A  }
0x23: {  	s9 =	sor.u32 $0xD0000000, s2;
	s6 =	simm.s32 $0x108;
	_ =	swait.ge @!p0 [sflag:s8], $0x0  }
0x24: {  	s3 =	sadd.s32 $0x88, s3;
	s6 =	simm.s32 @!p1 $0x1082;
	[sflag:s4] =	ssyncset.s32 $0xFFFFF086  }
0x25: {  	[simem:s6], [sflag:s4] =	dma.local [hbm:s3], $0xF7A  }
0x26: {  	[smem:$0x3F77] =	sst s1;
	(tag) =	ssettag s2;
	_ =	strace s9  }
0x27: {  	s1 =	sld [smem:$0x3F87]  }
0x28: {  	s2 =	sld [smem:$0x3F88]  }
0x29: {  	s4 =	sld [smem:$0x3F8A]  }
0x2a: {  	p0 =	seq.s32 s5, $0x0;
	s5 =	sld [smem:$0x3F8B]  }
0x2b: {  	s6 =	sld [smem:$0x3F8C]  }
0x2c: {  	s7 =	sld [smem:$0x3F8D]  }
0x2d: {  	s3 =	simm.s32 $0x108;
	s8 =	sld [smem:$0x3F8E]  }
0x2e: {  	s3 =	simm.s32 @!p0 $0x1082;
	s9 =	sld [smem:$0x3F8F]  }
0x2f: {  	lr =	sadd.s32 s0, s3;
	s0 =	sld [smem:$0x3F86]  }
0x30: {  	s3 =	sld [smem:$0x3F89]  }
0x31: {  	[smem:$0x3F92] =	sst s10  }
0x32: {  	s10 =	sld [smem:$0x3F90];
	_ =	sdelay $0x3  }
0x33: {  	p0 =	seq.s32 s10, $0x1;
	s10 =	sld [smem:$0x3F92];
	_ =	sdelay $0x3  }
0x34: {  	[smem:$0x3F92] =	sst s10  }
0x35: {  	s10 =	sld [smem:$0x3F91];
	_ =	sdelay $0x3  }
0x36: {  	p1 =	seq.s32 s10, $0x1;
	s10 =	sld [smem:$0x3F92];
	_ =	sdelay $0x3  }
0x37: {  	[smem:$0x3F92] =	sst s10  }
0x38: {  	s10 =	sld [smem:$0x3F93]  }
0x39: {  	_ = 	snop;
	(pc) =	sbr.ind lr, $3  }
0x3a: {  	_ = 	snop  }
0x3b: {  	_ = 	snop  }
0x3c: {  	p2 =	seq.s32 s10, $0x1;
	s10 =	sld [smem:$0x3F92]  }
0x3d: {  	_ =	shalt  }
0x3e: {  	_ =	shalt  }
0x3f: {  	_ =	shalt  }
0x40: {  	_ =	shalt  }
0x41: {  	_ =	shalt  }
0x42: {  	_ =	shalt  }
0x43: {  	_ =	shalt  }
0x44: {  	_ =	shalt  }
0x45: {  	_ =	shalt  }
0x46: {  	_ =	shalt  }
0x47: {  	_ =	shalt  }
0x48: {  	_ =	shalt  }
0x49: {  	_ =	shalt  }
0x4a: {  	_ =	shalt  }
0x4b: {  	_ =	shalt  }
0x4c: {  	_ =	shalt  }
0x4d: {  	_ =	shalt  }
0x4e: {  	_ =	shalt  }
0x4f: {  	_ =	shalt  }
0x50: {  	_ =	shalt  }
0x51: {  	_ =	shalt  }
0x52: {  	_ =	shalt  }
0x53: {  	_ =	shalt  }
0x54: {  	_ =	shalt  }
0x55: {  	_ =	shalt  }
0x56: {  	_ =	shalt  }
0x57: {  	_ =	shalt  }
0x58: {  	_ =	shalt  }
0x59: {  	_ =	shalt  }
0x5a: {  	_ =	shalt  }
0x5b: {  	_ =	shalt  }
0x5c: {  	_ =	shalt  }
0x5d: {  	_ =	shalt  }
0x5e: {  	_ =	shalt  }
0x5f: {  	_ =	shalt  }
0x60: {  	_ =	shalt  }
0x61: {  	_ =	shalt  }
0x62: {  	_ =	shalt  }
0x63: {  	_ =	shalt  }
0x64: {  	_ =	shalt  }
0x65: {  	_ =	shalt  }
0x66: {  	_ =	shalt  }
0x67: {  	_ =	shalt  }
0x68: {  	_ =	shalt  }
0x69: {  	_ =	shalt  }
0x6a: {  	_ =	shalt  }
0x6b: {  	_ =	shalt  }
0x6c: {  	_ =	shalt  }
0x6d: {  	_ =	shalt  }
0x6e: {  	_ =	shalt  }
0x6f: {  	_ =	shalt  }
0x70: {  	_ =	shalt  }
0x71: {  	_ =	shalt  }
0x72: {  	_ =	shalt  }
0x73: {  	_ =	shalt  }
0x74: {  	_ =	shalt  }
0x75: {  	_ =	shalt  }
0x76: {  	_ =	shalt  }
0x77: {  	_ =	shalt  }
0x78: {  	_ =	shalt  }
0x79: {  	_ =	shalt  }
0x7a: {  	_ =	shalt  }
0x7b: {  	_ =	shalt  }
0x7c: {  	_ =	shalt  }
0x7d: {  	_ =	shalt  }
0x7e: {  	_ =	shalt  }
0x7f: {  	_ =	shalt  }
0x80: {  	_ =	shalt  }
0x81: {  	_ =	shalt  }
0x82: {  	_ =	shalt  }
0x83: {  	_ =	shalt  }
0x84: {  	_ =	shalt  }
0x85: {  	_ =	shalt  }
0x86: {  	_ =	shalt  }
0x87: {  	_ =	shalt  }
.Lfunc_end0:
.L_simem_size_0:
called_computation.3_lowered:
.L_overlay_start_0:
0x88: {  	s2 =	sld [smem:$0x3FD9]  }
0x89: {  	s3 =	sld [smem:$0x3FFE];
	_ =	sdelay $0x1  }
0x8a: {  	s1 =	srdreg.scid  }
0x8b: {  	s0 =	sand.u32 $0x1, s1  }
0x8c: {  	s16 =	sshll.u32 s0, $0xA;
	s2 =	sadd.s32 s3, s2  }
0x8d: {  	s2 =	sadd.s32 s2, s16  }
0x8e: {  	[smem:$0x3F9E] =	sst s2  }
0x8f: {  	_ = 	snop  }
0x90: {  	(tm) =	ssettm $0x1  }
0x91: {  	s17 =	sld [smem:$0x3FFB];
	_ =	sdelay $0x3  }
0x92: {  	_ =	strace s17  }
0x93: {  	s2 =	sld [smem:$0x3FFC];
	_ =	sdelay $0x3  }
0x94: {  	_ =	strace s2  }
0x95: {  	s2 =	sld [smem:$0x3FFD];
	_ =	sdelay $0x3  }
0x96: {  	_ =	strace s2  }
0x97: {  	_ =	strace $0x8FFFFFFF  }
0x98: {  	s18 =	sld [smem:$0x3FDB];
	_ =	sdelay $0x1  }
0x99: {  	s19 =	simm.s32 $_scs_section_size  }
0x9a: {  	s4 =	simm.s32 $_size__tile_overlayer_lowered;
	s5 =	simm.s32 $_tile_overlayer_lowered  }
0x9b: {  	s22 =	simm.s32 $0x1BFF;
	s21 =	sshll.u32 s5, $0x1;
	s2 =	sadd.s32 s19, s18  }
0x9c: {  	s6 =	simm.s32 $0x0;
	s20 =	sshll.u32 s4, $0x1;
	s4 =	sadd.s32 s21, s2  }
0x9d: {  	[timem:s6], [sflag:s22] =	dma.local [hbm:s4], s20  }
0x9e: {  	_ =	swait.ge [sflag:s22], s20  }
0x9f: {  	s3 =	ssub.s32 $0x0, s20;
	[sflag:s22] =	ssyncset.done $0x0  }
0xa0: {  	[sflag:s22] =	ssyncadd.s32 s3;
	_ =	sdelay $0x1  }
0xa1: {  	s23 =	simm.s32 $0x1B8B  }
0xa2: {  	_ =	swait.ge [sflag:s23], $0x1  }
0xa3: {  	[sflag:s23] =	ssyncset.done $0x0  }
0xa4: {  	s25 =	simm.s32 $0x1B8E;
	s24 =	sld [smem:$0x3FFE];
	[sflag:s23] =	ssyncadd.s32 $0xFFFFFFFF  }
0xa5: {  	s26 =	simm.s32 $execute0_lowered;
	[smem:$0x3FD2] =	sst s25  }
0xa6: {  	s4 =	sshll.u32 s26, $0x1;
	_ =	strace $0x8000004F;
	[dreg:$0x1] =	wrdreg $0xFFFFFFFF  }
0xa7: {  	s28 =	simm.s32 $_size_execute0_lowered;
	s2 =	sadd.s32 s2, s4;
	[dreg:$0x0] =	wrdreg $0x0  }
0xa8: {  	s4 =	sshll.u32 s28, $0x1;
	[dreg:$0x2] =	wrdreg s2  }
0xa9: {  	[dreg:$0x3] =	wrdreg s4  }
0xaa: {  	[dreg:$0x4] =	wrdreg $0xC0  }
0xab: {  	_ =	task [dreg:s6], $0x5FFFF  }
0xac: {  	[dreg:$0x1] =	wrdreg $0xFFFFFFFF  }
0xad: {  	[dreg:$0x0] =	wrdreg $0x60  }
0xae: {  	[dreg:$0x2] =	wrdreg s24  }
0xaf: {  	[dreg:$0x3] =	wrdreg $0xA8000  }
0xb0: {  	[dreg:$0x4] =	wrdreg $0x9  }
0xb1: {  	_ =	task.clear_ibuf [dreg:s6], $0x5FFFF;
	_ =	strace $0x9000004F  }
0xb2: {  	s29 =	simm.s32 $0x9;
	_ =	strace $0x80000051  }
0xb3: {  	_ =	swait.ge [sflag:s29], $0x1  }
0xb4: {  	[sflag:s29] =	ssyncadd.s32 $0xFFFFFFFF  }
0xb5: {  	_ =	strace $0x90000051  }
0xb6: {  	_ =	sfence  }
0xb7: {  	s30 =	sld [smem:$0x0];
	_ =	sdelay $0x2  }
0xb8: {  	s31 =	sshll.u32 s1, $0xD;
	s1 =	sshrl.u32 s1, $0x2  }
0xb9: {  	s3 =	sand.u32 $0x4000, s31;
	s1 =	sadd.s32 s1, s30  }
0xba: {  	s0 =	sor.u32 s3, s0;
	s1 =	sshll.u32 s1, $0x11  }
0xbb: {  	s0 =	sor.u32 s1, s0  }
0xbc: {  	s0 =	sadd.s32 $0x8F2B, s0  }
0xbd: {  	[sflag:s0] =	ssyncadd.remote.s32 $0x1  }
0xbe: {  	_ =	sfence.sel $0xFFFF  }
0xbf: {  	[dreg:$0x0] =	wrdreg $0xFFFFFFFF;
	(pc) =	sbr.abs _section_cstart, $3  }
0xc0: {  	[dreg:$0x1] =	wrdreg $0xFFFFFFFF  }
0xc1: {  	_ =	task.clear_ibuf [dreg:s6], $0x2FFFF;
	_ =	strace $0x9FFFFFFF  }
0xc2: {  	(tm) =	ssettm $0x7FFFFFFF  }
0xc3: {  	_ =	shalt  }
tec
execute0_lowered:
.L_overlay_start_1:
0x0: {  	(tag) =	ssettag $0x1  }
0x1: {  	s6 =	rddreg [dreg:$0x0]  }
0x2: {  	s1 =	rddreg [dreg:$0x1]  }
0x3: {  	s0 =	rddreg [dreg:$0x2];
	s2 =	simm.s32 $0x0  }
0x4: {  	s3 =	srdreg.scid;
	s16 =	simm.s32 $0x80;
	s17 =	simm.s32 $0x1  }
0x5: {  	s18 =	simm.s32 $0x2;
	s19 =	simm.s32 $0x2780;
	s7 =	sand.u32 $0x1, s3  }
0x6: {  	s20 =	simm.s32 $0x6800;
	s3 =	stileid.u32;
	s8 =	smul.u32 $0x13C000, s7  }
0x7: {  	s21 =	simm.s32 $0x0;
	[smem:$0x7FF] =	sst s2;
	s10 =	smul.u32 $0x13C00, s3  }
0x8: {  	s4 =	sadd.s32 $0x1DA00, s6;
	s9 =	sadd.s32 $0x13A00, s6;
	s12 =	smul.u32 $0x28000, s7  }
0x9: {  	s11 =	sadd.s32 $0x9A00, s6;
	s5 =	sadd.s32 $0x44C00, s6;
	s26 =	smul.u32 $0x2800, s3  }
0xa: {  	_ =	strace $0x80000050;
	s7 =	ssub.s32 $0x2, s7;
	s14 =	smul.u32 $0x4F000, s3  }
0xb: {  	s30 =	sshll.u32 s3, $0x6;
	s13 =	sshrl.u32 s7, $0x1;
	s8 =	sadd.s32 s10, s8  }
0xc: {  	s13 =	ssub.s32 s7, s13;
	s28 =	sadd.s32 s26, s12;
	s29 =	sshrl.u32 s14, $0x2  }
0xd: {  	s8 =	sshrl.u32 s8, $0x3;
	s10 =	sshrl.u32 s28, $0x3;
	s14 =	sadd.s32 s29, s1  }
0xe: {  	s12 =	smax.u32 s13, $0x1;
	s15 =	sadd.s32 s8, s6;
	s6 =	sor.u32 $0x1C03, s30  }
0xf: {  	s31 =	sadd.s32 $0x280, s10;
	s7 =	sadd.s32 s9, s10;
	s8 =	sadd.s32 s11, s10  }
0x10: {  	s13 =	sshrl.u32 s14, $0x3;
	s14 =	simm.s32 $0x3;
	s9 =	sadd.s32 s9, s31  }
0x11: {  	s10 =	sadd.s32 s11, s31;
	s11 =	sadd.s32 $0x95800, s15;
	s15 =	simm.s32 $0x2800  }
.LBB2_1:
0x12: {  	[spmem:s13], [sflag:s6] =	dma.local [hbm:s5], $0x2780  }
0x13: {  	_ =	swait.ge [sflag:s14], $0x2780  }
0x14: {  	[sflag:s14] =	ssyncset.done $0x0  }
0x15: {  	[sflag:s14] =	ssyncadd.s32 $0xFFFFD880  }
0x16: {  	[bflag:$0x0] =	sbarrier.arrive $0xFFFF  }
0x17: {  	[tilespmem:s2], [sflag:$0x3] =	stream.linear.gather [hbm4b:s7+s2], $0x1400, $0x38;
	[tilespmem:$0x1E400] =	vst v63  }
0x18: {  	_ =	swait.ge [sflag:s14], $0x1400  }
0x19: {  	[sflag:s14] =	ssyncset.done $0x0  }
0x1a: {  	s22 =	simm.s32 $0x1400;
	[sflag:s14] =	ssyncadd.s32 $0xFFFFEC00  }
0x1b: {  	[tilespmem:s22], [sflag:$0x3] =	stream.linear.gather [hbm4b:s8+s2], $0x1400, $0x38;
	[tilespmem:$0x1E400] =	vst v63  }
0x1c: {  	_ =	swait.ge [sflag:s14], $0x1400  }
0x1d: {  	s23 =	simm.s32 $0x4000;
	[sflag:s14] =	ssyncset.done $0x0  }
0x1e: {  	s24 =	sand.u32 $0x4000, s23;
	[sflag:s14] =	ssyncadd.s32 $0xFFFFEC00  }
0x1f: {  	[tilespmem:s15], [sflag:$0x1] =	stream.indirect.gather [hbm4b:s4+s16], $0x80, s2, s16, $0xb8;
	[tilespmem:$0x1E400] =	vst v63  }
0x20: {  	s24 =	sor.u32 $0x2800, s24  }
0x21: {  	[tilespmem:s24], [sflag:$0x1] =	stream.indirect.gather [hbm4b:s4+s16], $0x80, s16, s16, $0xb8;
	[tilespmem:$0x1E400] =	vst v63  }
0x22: {  	_ =	swait.ge [sflag:s17], $0x4000  }
0x23: {  	s31 =	sand.u32 $0x4000, s2;
	[sflag:s17] =	ssyncset.done $0x0  }
0x24: {  	s25 =	sor.u32 $0x2800, s31;
	s24 =	simm.s32 $0x80;
	[sflag:s17] =	ssyncadd.s32 $0xFFFFC000  }
.LBB2_2:
0x25: {  	[spmem:s1] =	stream.indirect.scatter.add.f32 [tilespmem:s25], [sflag:$0x2], $0x80, s22, s16, $0xb8;
	[tilespmem:$0x1E400] =	vst v63  }
0x26: {  	s25 =	smov.u32 s23  }
0x27: {  	p0 =	sne.s32 s23, $0x98000;
	s23 =	sadd.s32 $0x4000, s23;
	_ =	swait.ge [sflag:s18], $0x4000  }
0x28: {  	s24 =	sadd.s32 $0x80, s24;
	s26 =	sand.u32 $0x4000, s23;
	[sflag:s18] =	ssyncset.done $0x0  }
.Ltmp0:
0x29: {  	s26 =	sor.u32 $0x2800, s26;
	[sflag:s18] =	ssyncadd.s32 $0xFFFFC000;
	(pc) =	sbr.rel @p0 .LBB2_2-.Ltmp0, $4  }
0x2a: {  	[tilespmem:s26], [sflag:$0x1] =	stream.indirect.gather [hbm4b:s4+s16], $0x80, s24, s16, $0xb8;
	[tilespmem:$0x1E400] =	vst v63  }
0x2b: {  	_ =	swait.ge [sflag:s17], $0x4000  }
0x2c: {  	s25 =	sand.u32 $0x4000, s25;
	[sflag:s17] =	ssyncset.done $0x0  }
0x2d: {  	s22 =	sadd.s32 $0x80, s22;
	s25 =	sor.u32 $0x2800, s25;
	[sflag:s17] =	ssyncadd.s32 $0xFFFFC000  }
0x2e: {  	[spmem:s1] =	stream.indirect.scatter.add.f32 [tilespmem:s25], [sflag:$0x2], $0x80, s22, s16, $0xb8;
	[tilespmem:$0x1E400] =	vst v63  }
0x2f: {  	_ =	swait.ge [sflag:s18], $0x4000  }
0x30: {  	[sflag:s18] =	ssyncset.done $0x0  }
0x31: {  	[sflag:s18] =	ssyncadd.s32 $0xFFFFC000  }
0x32: {  	_ =	swait.ge [sflag:s17], $0x4000  }
0x33: {  	[sflag:s17] =	ssyncset.done $0x0  }
0x34: {  	s22 =	simm.s32 $0x80;
	[sflag:s17] =	ssyncadd.s32 $0xFFFFC000  }
0x35: {  	[spmem:s1] =	stream.indirect.scatter.add.f32 [tilespmem:s20], [sflag:$0x2], $0x80, s19, s22, $0xb8;
	[tilespmem:$0x1E400] =	vst v63  }
0x36: {  	_ =	swait.ge [sflag:s18], $0x4000  }
0x37: {  	[sflag:s18] =	ssyncset.done $0x0  }
0x38: {  	s31 =	simm.s32 $0x0;
	[sflag:s18] =	ssyncadd.s32 $0xFFFFC000  }
0x39: {  	[tilespmem:s31], [sflag:$0x3] =	stream.linear.gather [hbm4b:s9+s31], $0x1400, $0x38;
	[tilespmem:$0x1E400] =	vst v63  }
0x3a: {  	_ =	swait.ge [sflag:s14], $0x1400  }
0x3b: {  	[sflag:s14] =	ssyncset.done $0x0  }
0x3c: {  	s23 =	simm.s32 $0x1400;
	[sflag:s14] =	ssyncadd.s32 $0xFFFFEC00  }
0x3d: {  	[tilespmem:s23], [sflag:$0x3] =	stream.linear.gather [hbm4b:s10+s31], $0x1400, $0x38;
	[tilespmem:$0x1E400] =	vst v63  }
0x3e: {  	_ =	swait.ge [sflag:s14], $0x1400  }
0x3f: {  	s24 =	simm.s32 $0x4000;
	[sflag:s14] =	ssyncset.done $0x0  }
0x40: {  	s26 =	sand.u32 $0x4000, s24;
	[sflag:s14] =	ssyncadd.s32 $0xFFFFEC00  }
0x41: {  	[tilespmem:s15], [sflag:$0x1] =	stream.indirect.gather [hbm4b:s4+s22], $0x80, s31, s22, $0xb8;
	[tilespmem:$0x1E400] =	vst v63  }
0x42: {  	s26 =	sor.u32 $0x2800, s26  }
0x43: {  	[tilespmem:s26], [sflag:$0x1] =	stream.indirect.gather [hbm4b:s4+s16], $0x80, s22, s16, $0xb8;
	[tilespmem:$0x1E400] =	vst v63  }
0x44: {  	_ =	swait.ge [sflag:s17], $0x4000  }
0x45: {  	s25 =	sand.u32 $0x4000, s31;
	[sflag:s17] =	ssyncset.done $0x0  }
0x46: {  	s25 =	sor.u32 $0x2800, s25;
	[sflag:s17] =	ssyncadd.s32 $0xFFFFC000  }
.LBB2_4:
0x47: {  	[spmem:s1] =	stream.indirect.scatter.add.f32 [tilespmem:s25], [sflag:$0x2], $0x80, s23, s16, $0xb8;
	[tilespmem:$0x1E400] =	vst v63  }
0x48: {  	s25 =	smov.u32 s24  }
0x49: {  	p0 =	sne.s32 s24, $0x98000;
	s24 =	sadd.s32 $0x4000, s24;
	_ =	swait.ge [sflag:s18], $0x4000  }
0x4a: {  	s22 =	sadd.s32 $0x80, s22;
	s26 =	sand.u32 $0x4000, s24;
	[sflag:s18] =	ssyncset.done $0x0  }
.Ltmp1:
0x4b: {  	s26 =	sor.u32 $0x2800, s26;
	[sflag:s18] =	ssyncadd.s32 $0xFFFFC000;
	(pc) =	sbr.rel @p0 .LBB2_4-.Ltmp1, $4  }
0x4c: {  	[tilespmem:s26], [sflag:$0x1] =	stream.indirect.gather [hbm4b:s4+s16], $0x80, s22, s16, $0xb8;
	[tilespmem:$0x1E400] =	vst v63  }
0x4d: {  	_ =	swait.ge [sflag:s17], $0x4000  }
0x4e: {  	s25 =	sand.u32 $0x4000, s25;
	[sflag:s17] =	ssyncset.done $0x0  }
0x4f: {  	s23 =	sadd.s32 $0x80, s23;
	s25 =	sor.u32 $0x2800, s25;
	[sflag:s17] =	ssyncadd.s32 $0xFFFFC000  }
0x50: {  	[spmem:s1] =	stream.indirect.scatter.add.f32 [tilespmem:s25], [sflag:$0x2], $0x80, s23, s16, $0xb8;
	[tilespmem:$0x1E400] =	vst v63  }
0x51: {  	_ =	swait.ge [sflag:s18], $0x4000  }
0x52: {  	[sflag:s18] =	ssyncset.done $0x0  }
0x53: {  	[sflag:s18] =	ssyncadd.s32 $0xFFFFC000  }
0x54: {  	_ =	swait.ge [sflag:s17], $0x4000  }
0x55: {  	[sflag:s17] =	ssyncset.done $0x0  }
0x56: {  	[sflag:s17] =	ssyncadd.s32 $0xFFFFC000  }
0x57: {  	[spmem:s1] =	stream.indirect.scatter.add.f32 [tilespmem:s20], [sflag:$0x2], $0x80, s19, s16, $0xb8;
	[tilespmem:$0x1E400] =	vst v63  }
0x58: {  	_ =	swait.ge [sflag:s18], $0x4000  }
0x59: {  	s21 =	sadd.s32 $0x1, s21;
	[sflag:s18] =	ssyncset.done $0x0  }
0x5a: {  	p0 =	sne.s32 s21, s12;
	[sflag:s18] =	ssyncadd.s32 $0xFFFFC000  }
.Ltmp2:
0x5b: {  	[bflag:$0x0] =	sbarrier.arrive $0xFFFF;
	(pc) =	sbr.rel @p0 .LBB2_1-.Ltmp2, $4  }
0x5c: {  	[hbm:s11], [sflag:s6] =	dma.local [spmem:s13], $0x2780  }
0x5d: {  	_ =	swait.ge [sflag:s14], $0x2780  }
0x5e: {  	[sflag:s14] =	ssyncset.done $0x0  }
0x5f: {  	[sflag:s14] =	ssyncadd.s32 $0xFFFFD880  }
0x60: {  	_ =	sfence.sel $0x180000  }
0x61: {  	[bflag:$0x0] =	sbarrier.arrive $0xFFFF  }
0x62: {  	p0 =	sne.s32 s3, $0x0;
	_ =	strace $0x90000050  }
0x63: {  	s0 =	sadd.s32 @!p0 $0x100000, s0;
	[bflag:$0x2] =	sbarrier.arrive $0xFFFF  }
0x64: {  	[sflag:s0] =	ssyncadd.tile.s32 @!p0 $0x1;
	_ =	shalt  }
.Lfunc_end2:
_tile_overlayer_lowered:
.L_overlay_start_2:
0x65: {  	(tag) =	ssettag $0x2  }
0x66: {  	s0 =	rddreg [dreg:$0x0];
	s2 =	stileid.u32  }
0x67: {  	s1 =	rddreg [dreg:$0x1];
	p0 =	sne.s32 s2, $0x0  }
0x68: {  	s3 =	rddreg [dreg:$0x2];
	[bflag:$0x3] =	sbarrier.arrive $0xFFFF;
	s2 =	simm.s32 @!p0 $0x1C03  }
0x69: {  	[timem:s3], [sflag:s2] =	dma.local @!p0 [hbm:s0], s1  }
0x6a: {  	s0 =	simm.s32 @!p0 $0x3  }
0x6b: {  	_ =	swait.ge @!p0 [sflag:s0], s1  }
0x6c: {  	s1 =	ssub.s32 @!p0 $0x0, s1;
	[sflag:s0] =	ssyncset.done @!p0 $0x0  }
0x6d: {  	[sflag:s0] =	ssyncadd.s32 @!p0 s1  }
0x6e: {  	[bflag:$0x3] =	sbarrier.arrive $0xFFFF  }
0x6f: {  	_ =	shalt  }

// kernel: kernel.37.cloned.1.call-start
scs
__scs_entry_jumppad:
0x0: {  	(pc) =	sbr.rel $0x88, $3  }
0x1: {  	(tag) =	ssettag $0x0;
	lr =	simm.s32 $0x1  }
0x2: {  	[smem:$0x3F77] =	sst lr;
	_ =	strace $0xD0000000  }
0x3: {  	_ = 	snop  }
0x4: {  	_ = 	snop  }
0x5: {  	_ = 	snop  }
0x6: {  	_ = 	snop  }
0x7: {  	_ = 	snop  }
__scs_overlays_trampoline_lowered:
0x8: {  	[smem:$0x3F86] =	sst s0  }
0x9: {  	[smem:$0x3F87] =	sst s1  }
0xa: {  	[smem:$0x3F88] =	sst s2  }
0xb: {  	[smem:$0x3F89] =	sst s3  }
0xc: {  	[smem:$0x3F8A] =	sst s4  }
0xd: {  	[smem:$0x3F8B] =	sst s5  }
0xe: {  	[smem:$0x3F8C] =	sst s6  }
0xf: {  	[smem:$0x3F8D] =	sst s7  }
0x10: {  	[smem:$0x3F8E] =	sst s8  }
0x11: {  	[smem:$0x3F8F] =	sst s9;
	s0 =	simm.s32 @!p0 $0x0  }
0x12: {  	s1 =	sld [smem:$0x3F75];
	s0 =	simm.s32 @p0 $0x1  }
0x13: {  	[smem:$0x3F90] =	sst s0;
	s0 =	simm.s32 @!p1 $0x0  }
0x14: {  	s2 =	sld [smem:$0x3F74];
	s0 =	simm.s32 @p1 $0x1  }
0x15: {  	[smem:$0x3F91] =	sst s0;
	s0 =	simm.s32 @!p2 $0x0  }
0x16: {  	s3 =	sld [smem:$0x3FDB];
	s0 =	simm.s32 @p2 $0x1  }
0x17: {  	s4 =	simm.s32 $0x1BF5;
	[smem:$0x3F93] =	sst s0  }
0x18: {  	s0 =	sld [smem:$0x3F76];
	_ =	swait.ge [sflag:s4], $0x0  }
0x19: {  	s7 =	sld [smem:$0x3F77]  }
0x1a: {  	s8 =	sadd.s32 $0xFFFFE003, lr  }
0x1b: {  	s9 =	sadd.s32 $0xFFFFFEF7, lr;
	s5 =	simm.s32 $0xFFFFFFFF;
	p2 =	slt.u32 s8, $0xFFFFF086  }
0x1c: {  	p1 =	slt.u32 s9, $0xF7A;
	s5 =	simm.s32 @!p2 $0x0  }
0x1d: {  	s5 =	simm.s32 @p1 $0x1;
	p0 =	seq.s32 s7, s2  }
0x1e: {  	s7 =	smul.u32 @!p0 $0xF7A, s2;
	p2 =	seq.s32 @!p0 s5, $0x0  }
0x1f: {  	s9 =	smul.u32 $0xF7A, s1;
	s8 =	simm.s32 @!p0 $0x1BF5;
	p2 =	por !p2, p0  }
0x20: {  	[sflag:s8] =	ssyncset.s32 @!p0 $0xFFFFF086;
	s6 =	sadd.s32 @!p0 s3, s7;
	s7 =	simm.s32 @!p0 $0x108  }
0x21: {  	s3 =	sadd.s32 s3, s9;
	s6 =	sadd.s32 @!p0 $0x88, s6;
	s7 =	simm.s32 @p2 $0x1082  }
0x22: {  	[simem:s7], [sflag:s8] =	dma.local @!p0 [hbm:s6], $0xF7A  }
0x23: {  	s9 =	sor.u32 $0xD0000000, s2;
	s6 =	simm.s32 $0x108;
	_ =	swait.ge @!p0 [sflag:s8], $0x0  }
0x24: {  	s3 =	sadd.s32 $0x88, s3;
	s6 =	simm.s32 @!p1 $0x1082;
	[sflag:s4] =	ssyncset.s32 $0xFFFFF086  }
0x25: {  	[simem:s6], [sflag:s4] =	dma.local [hbm:s3], $0xF7A  }
0x26: {  	[smem:$0x3F77] =	sst s1;
	(tag) =	ssettag s2;
	_ =	strace s9  }
0x27: {  	s1 =	sld [smem:$0x3F87]  }
0x28: {  	s2 =	sld [smem:$0x3F88]  }
0x29: {  	s4 =	sld [smem:$0x3F8A]  }
0x2a: {  	p0 =	seq.s32 s5, $0x0;
	s5 =	sld [smem:$0x3F8B]  }
0x2b: {  	s6 =	sld [smem:$0x3F8C]  }
0x2c: {  	s7 =	sld [smem:$0x3F8D]  }
0x2d: {  	s3 =	simm.s32 $0x108;
	s8 =	sld [smem:$0x3F8E]  }
0x2e: {  	s3 =	simm.s32 @!p0 $0x1082;
	s9 =	sld [smem:$0x3F8F]  }
0x2f: {  	lr =	sadd.s32 s0, s3;
	s0 =	sld [smem:$0x3F86]  }
0x30: {  	s3 =	sld [smem:$0x3F89]  }
0x31: {  	[smem:$0x3F92] =	sst s10  }
0x32: {  	s10 =	sld [smem:$0x3F90];
	_ =	sdelay $0x3  }
0x33: {  	p0 =	seq.s32 s10, $0x1;
	s10 =	sld [smem:$0x3F92];
	_ =	sdelay $0x3  }
0x34: {  	[smem:$0x3F92] =	sst s10  }
0x35: {  	s10 =	sld [smem:$0x3F91];
	_ =	sdelay $0x3  }
0x36: {  	p1 =	seq.s32 s10, $0x1;
	s10 =	sld [smem:$0x3F92];
	_ =	sdelay $0x3  }
0x37: {  	[smem:$0x3F92] =	sst s10  }
0x38: {  	s10 =	sld [smem:$0x3F93]  }
0x39: {  	_ = 	snop;
	(pc) =	sbr.ind lr, $3  }
0x3a: {  	_ = 	snop  }
0x3b: {  	_ = 	snop  }
0x3c: {  	p2 =	seq.s32 s10, $0x1;
	s10 =	sld [smem:$0x3F92]  }
0x3d: {  	_ =	shalt  }
0x3e: {  	_ =	shalt  }
0x3f: {  	_ =	shalt  }
0x40: {  	_ =	shalt  }
0x41: {  	_ =	shalt  }
0x42: {  	_ =	shalt  }
0x43: {  	_ =	shalt  }
0x44: {  	_ =	shalt  }
0x45: {  	_ =	shalt  }
0x46: {  	_ =	shalt  }
0x47: {  	_ =	shalt  }
0x48: {  	_ =	shalt  }
0x49: {  	_ =	shalt  }
0x4a: {  	_ =	shalt  }
0x4b: {  	_ =	shalt  }
0x4c: {  	_ =	shalt  }
0x4d: {  	_ =	shalt  }
0x4e: {  	_ =	shalt  }
0x4f: {  	_ =	shalt  }
0x50: {  	_ =	shalt  }
0x51: {  	_ =	shalt  }
0x52: {  	_ =	shalt  }
0x53: {  	_ =	shalt  }
0x54: {  	_ =	shalt  }
0x55: {  	_ =	shalt  }
0x56: {  	_ =	shalt  }
0x57: {  	_ =	shalt  }
0x58: {  	_ =	shalt  }
0x59: {  	_ =	shalt  }
0x5a: {  	_ =	shalt  }
0x5b: {  	_ =	shalt  }
0x5c: {  	_ =	shalt  }
0x5d: {  	_ =	shalt  }
0x5e: {  	_ =	shalt  }
0x5f: {  	_ =	shalt  }
0x60: {  	_ =	shalt  }
0x61: {  	_ =	shalt  }
0x62: {  	_ =	shalt  }
0x63: {  	_ =	shalt  }
0x64: {  	_ =	shalt  }
0x65: {  	_ =	shalt  }
0x66: {  	_ =	shalt  }
0x67: {  	_ =	shalt  }
0x68: {  	_ =	shalt  }
0x69: {  	_ =	shalt  }
0x6a: {  	_ =	shalt  }
0x6b: {  	_ =	shalt  }
0x6c: {  	_ =	shalt  }
0x6d: {  	_ =	shalt  }
0x6e: {  	_ =	shalt  }
0x6f: {  	_ =	shalt  }
0x70: {  	_ =	shalt  }
0x71: {  	_ =	shalt  }
0x72: {  	_ =	shalt  }
0x73: {  	_ =	shalt  }
0x74: {  	_ =	shalt  }
0x75: {  	_ =	shalt  }
0x76: {  	_ =	shalt  }
0x77: {  	_ =	shalt  }
0x78: {  	_ =	shalt  }
0x79: {  	_ =	shalt  }
0x7a: {  	_ =	shalt  }
0x7b: {  	_ =	shalt  }
0x7c: {  	_ =	shalt  }
0x7d: {  	_ =	shalt  }
0x7e: {  	_ =	shalt  }
0x7f: {  	_ =	shalt  }
0x80: {  	_ =	shalt  }
0x81: {  	_ =	shalt  }
0x82: {  	_ =	shalt  }
0x83: {  	_ =	shalt  }
0x84: {  	_ =	shalt  }
0x85: {  	_ =	shalt  }
0x86: {  	_ =	shalt  }
0x87: {  	_ =	shalt  }
.Lfunc_end0:
.L_simem_size_0:
called_computation.4_lowered:
.L_overlay_start_0:
0x88: {  	s2 =	sld [smem:$0x3FD9]  }
0x89: {  	s3 =	sld [smem:$0x3FFE];
	_ =	sdelay $0x1  }
0x8a: {  	s1 =	srdreg.scid  }
0x8b: {  	s0 =	sand.u32 $0x1, s1  }
0x8c: {  	s16 =	sshll.u32 s0, $0xA;
	s2 =	sadd.s32 s3, s2  }
0x8d: {  	s2 =	sadd.s32 s2, s16  }
0x8e: {  	[smem:$0x3F9E] =	sst s2  }
0x8f: {  	_ = 	snop  }
0x90: {  	(tm) =	ssettm $0x1  }
0x91: {  	s17 =	sld [smem:$0x3FFB];
	_ =	sdelay $0x3  }
0x92: {  	_ =	strace s17  }
0x93: {  	s2 =	sld [smem:$0x3FFC];
	_ =	sdelay $0x3  }
0x94: {  	_ =	strace s2  }
0x95: {  	s2 =	sld [smem:$0x3FFD];
	_ =	sdelay $0x3  }
0x96: {  	_ =	strace s2  }
0x97: {  	_ =	strace $0x8FFFFFFF  }
0x98: {  	s18 =	sld [smem:$0x3FDB];
	_ =	sdelay $0x1  }
0x99: {  	s19 =	simm.s32 $_scs_section_size  }
0x9a: {  	s4 =	simm.s32 $_size__tile_overlayer_lowered;
	s5 =	simm.s32 $_tile_overlayer_lowered  }
0x9b: {  	s22 =	simm.s32 $0x1BFF;
	s21 =	sshll.u32 s5, $0x1;
	s2 =	sadd.s32 s19, s18  }
0x9c: {  	s6 =	simm.s32 $0x0;
	s20 =	sshll.u32 s4, $0x1;
	s4 =	sadd.s32 s21, s2  }
0x9d: {  	[timem:s6], [sflag:s22] =	dma.local [hbm:s4], s20  }
0x9e: {  	_ =	swait.ge [sflag:s22], s20  }
0x9f: {  	s3 =	ssub.s32 $0x0, s20;
	[sflag:s22] =	ssyncset.done $0x0  }
0xa0: {  	[sflag:s22] =	ssyncadd.s32 s3;
	_ =	sdelay $0x1  }
0xa1: {  	s23 =	simm.s32 $0x1B8B  }
0xa2: {  	_ =	swait.ge [sflag:s23], $0x1  }
0xa3: {  	[sflag:s23] =	ssyncset.done $0x0  }
0xa4: {  	s25 =	simm.s32 $0x1B8E;
	s24 =	sld [smem:$0x3FFE];
	[sflag:s23] =	ssyncadd.s32 $0xFFFFFFFF  }
0xa5: {  	s26 =	simm.s32 $execute0_lowered;
	[smem:$0x3FD2] =	sst s25  }
0xa6: {  	s4 =	sshll.u32 s26, $0x1;
	_ =	strace $0x80000052;
	[dreg:$0x1] =	wrdreg $0xFFFFFFFF  }
0xa7: {  	s28 =	simm.s32 $_size_execute0_lowered;
	s2 =	sadd.s32 s2, s4;
	[dreg:$0x0] =	wrdreg $0x0  }
0xa8: {  	s4 =	sshll.u32 s28, $0x1;
	[dreg:$0x2] =	wrdreg s2  }
0xa9: {  	[dreg:$0x3] =	wrdreg s4  }
0xaa: {  	[dreg:$0x4] =	wrdreg $0xC0  }
0xab: {  	_ =	task [dreg:s6], $0x5FFFF  }
0xac: {  	[dreg:$0x1] =	wrdreg $0xFFFFFFFF  }
0xad: {  	[dreg:$0x0] =	wrdreg $0x60  }
0xae: {  	[dreg:$0x2] =	wrdreg s24  }
0xaf: {  	[dreg:$0x3] =	wrdreg $0xA8000  }
0xb0: {  	[dreg:$0x4] =	wrdreg $0x9  }
0xb1: {  	_ =	task.clear_ibuf [dreg:s6], $0x5FFFF;
	_ =	strace $0x90000052  }
0xb2: {  	s29 =	simm.s32 $0x9;
	_ =	strace $0x80000054  }
0xb3: {  	_ =	swait.ge [sflag:s29], $0x1  }
0xb4: {  	[sflag:s29] =	ssyncadd.s32 $0xFFFFFFFF  }
0xb5: {  	_ =	strace $0x90000054  }
0xb6: {  	_ =	sfence  }
0xb7: {  	s30 =	sld [smem:$0x0];
	_ =	sdelay $0x2  }
0xb8: {  	s31 =	sshll.u32 s1, $0xD;
	s1 =	sshrl.u32 s1, $0x2  }
0xb9: {  	s3 =	sand.u32 $0x4000, s31;
	s1 =	sadd.s32 s1, s30  }
0xba: {  	s0 =	sor.u32 s3, s0;
	s1 =	sshll.u32 s1, $0x11  }
0xbb: {  	s0 =	sor.u32 s1, s0  }
0xbc: {  	s0 =	sadd.s32 $0x8F2B, s0  }
0xbd: {  	[sflag:s0] =	ssyncadd.remote.s32 $0x1  }
0xbe: {  	_ =	sfence.sel $0xFFFF  }
0xbf: {  	[dreg:$0x0] =	wrdreg $0xFFFFFFFF;
	(pc) =	sbr.abs _section_cstart, $3  }
0xc0: {  	[dreg:$0x1] =	wrdreg $0xFFFFFFFF  }
0xc1: {  	_ =	task.clear_ibuf [dreg:s6], $0x2FFFF;
	_ =	strace $0x9FFFFFFF  }
0xc2: {  	(tm) =	ssettm $0x7FFFFFFF  }
0xc3: {  	_ =	shalt  }
tec
execute0_lowered:
.L_overlay_start_1:
0x0: {  	(tag) =	ssettag $0x1  }
0x1: {  	s6 =	rddreg [dreg:$0x0]  }
0x2: {  	s1 =	rddreg [dreg:$0x1]  }
0x3: {  	s0 =	rddreg [dreg:$0x2];
	s2 =	simm.s32 $0x0  }
0x4: {  	s3 =	srdreg.scid;
	s16 =	simm.s32 $0x80;
	s17 =	simm.s32 $0x1  }
0x5: {  	s18 =	simm.s32 $0x2;
	s19 =	simm.s32 $0x2780;
	s7 =	sand.u32 $0x1, s3  }
0x6: {  	s20 =	simm.s32 $0x6800;
	s3 =	stileid.u32;
	s8 =	smul.u32 $0x13C000, s7  }
0x7: {  	s21 =	simm.s32 $0x0;
	[smem:$0x7FF] =	sst s2;
	s10 =	smul.u32 $0x13C00, s3  }
0x8: {  	s4 =	sadd.s32 $0x1DA00, s6;
	s9 =	sadd.s32 $0x13A00, s6;
	s12 =	smul.u32 $0x28000, s7  }
0x9: {  	s11 =	sadd.s32 $0x9A00, s6;
	s5 =	sadd.s32 $0x44C00, s6;
	s26 =	smul.u32 $0x2800, s3  }
0xa: {  	_ =	strace $0x80000053;
	s7 =	ssub.s32 $0x2, s7;
	s14 =	smul.u32 $0x4F000, s3  }
0xb: {  	s30 =	sshll.u32 s3, $0x6;
	s13 =	sshrl.u32 s7, $0x1;
	s8 =	sadd.s32 s10, s8  }
0xc: {  	s13 =	ssub.s32 s7, s13;
	s28 =	sadd.s32 s26, s12;
	s29 =	sshrl.u32 s14, $0x2  }
0xd: {  	s8 =	sshrl.u32 s8, $0x3;
	s10 =	sshrl.u32 s28, $0x3;
	s14 =	sadd.s32 s29, s1  }
0xe: {  	s12 =	smax.u32 s13, $0x1;
	s15 =	sadd.s32 s8, s6;
	s6 =	sor.u32 $0x1C03, s30  }
0xf: {  	s31 =	sadd.s32 $0x280, s10;
	s7 =	sadd.s32 s9, s10;
	s8 =	sadd.s32 s11, s10  }
0x10: {  	s13 =	sshrl.u32 s14, $0x3;
	s14 =	simm.s32 $0x3;
	s9 =	sadd.s32 s9, s31  }
0x11: {  	s10 =	sadd.s32 s11, s31;
	s11 =	sadd.s32 $0x95800, s15;
	s15 =	simm.s32 $0x2800  }
.LBB2_1:
0x12: {  	[spmem:s13], [sflag:s6] =	dma.local [hbm:s5], $0x2780  }
0x13: {  	_ =	swait.ge [sflag:s14], $0x2780  }
0x14: {  	[sflag:s14] =	ssyncset.done $0x0  }
0x15: {  	[sflag:s14] =	ssyncadd.s32 $0xFFFFD880  }
0x16: {  	[bflag:$0x0] =	sbarrier.arrive $0xFFFF  }
0x17: {  	[tilespmem:s2], [sflag:$0x3] =	stream.linear.gather [hbm4b:s7+s2], $0x1400, $0x38;
	[tilespmem:$0x1E400] =	vst v63  }
0x18: {  	_ =	swait.ge [sflag:s14], $0x1400  }
0x19: {  	[sflag:s14] =	ssyncset.done $0x0  }
0x1a: {  	s22 =	simm.s32 $0x1400;
	[sflag:s14] =	ssyncadd.s32 $0xFFFFEC00  }
0x1b: {  	[tilespmem:s22], [sflag:$0x3] =	stream.linear.gather [hbm4b:s8+s2], $0x1400, $0x38;
	[tilespmem:$0x1E400] =	vst v63  }
0x1c: {  	_ =	swait.ge [sflag:s14], $0x1400  }
0x1d: {  	s23 =	simm.s32 $0x4000;
	[sflag:s14] =	ssyncset.done $0x0  }
0x1e: {  	s24 =	sand.u32 $0x4000, s23;
	[sflag:s14] =	ssyncadd.s32 $0xFFFFEC00  }
0x1f: {  	[tilespmem:s15], [sflag:$0x1] =	stream.indirect.gather [hbm4b:s4+s16], $0x80, s2, s16, $0xb8;
	[tilespmem:$0x1E400] =	vst v63  }
0x20: {  	s24 =	sor.u32 $0x2800, s24  }
0x21: {  	[tilespmem:s24], [sflag:$0x1] =	stream.indirect.gather [hbm4b:s4+s16], $0x80, s16, s16, $0xb8;
	[tilespmem:$0x1E400] =	vst v63  }
0x22: {  	_ =	swait.ge [sflag:s17], $0x4000  }
0x23: {  	s31 =	sand.u32 $0x4000, s2;
	[sflag:s17] =	ssyncset.done $0x0  }
0x24: {  	s25 =	sor.u32 $0x2800, s31;
	s24 =	simm.s32 $0x80;
	[sflag:s17] =	ssyncadd.s32 $0xFFFFC000  }
.LBB2_2:
0x25: {  	[spmem:s1] =	stream.indirect.scatter.add.f32 [tilespmem:s25], [sflag:$0x2], $0x80, s22, s16, $0xb8;
	[tilespmem:$0x1E400] =	vst v63  }
0x26: {  	s25 =	smov.u32 s23  }
0x27: {  	p0 =	sne.s32 s23, $0x98000;
	s23 =	sadd.s32 $0x4000, s23;
	_ =	swait.ge [sflag:s18], $0x4000  }
0x28: {  	s24 =	sadd.s32 $0x80, s24;
	s26 =	sand.u32 $0x4000, s23;
	[sflag:s18] =	ssyncset.done $0x0  }
.Ltmp0:
0x29: {  	s26 =	sor.u32 $0x2800, s26;
	[sflag:s18] =	ssyncadd.s32 $0xFFFFC000;
	(pc) =	sbr.rel @p0 .LBB2_2-.Ltmp0, $4  }
0x2a: {  	[tilespmem:s26], [sflag:$0x1] =	stream.indirect.gather [hbm4b:s4+s16], $0x80, s24, s16, $0xb8;
	[tilespmem:$0x1E400] =	vst v63  }
0x2b: {  	_ =	swait.ge [sflag:s17], $0x4000  }
0x2c: {  	s25 =	sand.u32 $0x4000, s25;
	[sflag:s17] =	ssyncset.done $0x0  }
0x2d: {  	s22 =	sadd.s32 $0x80, s22;
	s25 =	sor.u32 $0x2800, s25;
	[sflag:s17] =	ssyncadd.s32 $0xFFFFC000  }
0x2e: {  	[spmem:s1] =	stream.indirect.scatter.add.f32 [tilespmem:s25], [sflag:$0x2], $0x80, s22, s16, $0xb8;
	[tilespmem:$0x1E400] =	vst v63  }
0x2f: {  	_ =	swait.ge [sflag:s18], $0x4000  }
0x30: {  	[sflag:s18] =	ssyncset.done $0x0  }
0x31: {  	[sflag:s18] =	ssyncadd.s32 $0xFFFFC000  }
0x32: {  	_ =	swait.ge [sflag:s17], $0x4000  }
0x33: {  	[sflag:s17] =	ssyncset.done $0x0  }
0x34: {  	s22 =	simm.s32 $0x80;
	[sflag:s17] =	ssyncadd.s32 $0xFFFFC000  }
0x35: {  	[spmem:s1] =	stream.indirect.scatter.add.f32 [tilespmem:s20], [sflag:$0x2], $0x80, s19, s22, $0xb8;
	[tilespmem:$0x1E400] =	vst v63  }
0x36: {  	_ =	swait.ge [sflag:s18], $0x4000  }
0x37: {  	[sflag:s18] =	ssyncset.done $0x0  }
0x38: {  	s31 =	simm.s32 $0x0;
	[sflag:s18] =	ssyncadd.s32 $0xFFFFC000  }
0x39: {  	[tilespmem:s31], [sflag:$0x3] =	stream.linear.gather [hbm4b:s9+s31], $0x1400, $0x38;
	[tilespmem:$0x1E400] =	vst v63  }
0x3a: {  	_ =	swait.ge [sflag:s14], $0x1400  }
0x3b: {  	[sflag:s14] =	ssyncset.done $0x0  }
0x3c: {  	s23 =	simm.s32 $0x1400;
	[sflag:s14] =	ssyncadd.s32 $0xFFFFEC00  }
0x3d: {  	[tilespmem:s23], [sflag:$0x3] =	stream.linear.gather [hbm4b:s10+s31], $0x1400, $0x38;
	[tilespmem:$0x1E400] =	vst v63  }
0x3e: {  	_ =	swait.ge [sflag:s14], $0x1400  }
0x3f: {  	s24 =	simm.s32 $0x4000;
	[sflag:s14] =	ssyncset.done $0x0  }
0x40: {  	s26 =	sand.u32 $0x4000, s24;
	[sflag:s14] =	ssyncadd.s32 $0xFFFFEC00  }
0x41: {  	[tilespmem:s15], [sflag:$0x1] =	stream.indirect.gather [hbm4b:s4+s22], $0x80, s31, s22, $0xb8;
	[tilespmem:$0x1E400] =	vst v63  }
0x42: {  	s26 =	sor.u32 $0x2800, s26  }
0x43: {  	[tilespmem:s26], [sflag:$0x1] =	stream.indirect.gather [hbm4b:s4+s16], $0x80, s22, s16, $0xb8;
	[tilespmem:$0x1E400] =	vst v63  }
0x44: {  	_ =	swait.ge [sflag:s17], $0x4000  }
0x45: {  	s25 =	sand.u32 $0x4000, s31;
	[sflag:s17] =	ssyncset.done $0x0  }
0x46: {  	s25 =	sor.u32 $0x2800, s25;
	[sflag:s17] =	ssyncadd.s32 $0xFFFFC000  }
.LBB2_4:
0x47: {  	[spmem:s1] =	stream.indirect.scatter.add.f32 [tilespmem:s25], [sflag:$0x2], $0x80, s23, s16, $0xb8;
	[tilespmem:$0x1E400] =	vst v63  }
0x48: {  	s25 =	smov.u32 s24  }
0x49: {  	p0 =	sne.s32 s24, $0x98000;
	s24 =	sadd.s32 $0x4000, s24;
	_ =	swait.ge [sflag:s18], $0x4000  }
0x4a: {  	s22 =	sadd.s32 $0x80, s22;
	s26 =	sand.u32 $0x4000, s24;
	[sflag:s18] =	ssyncset.done $0x0  }
.Ltmp1:
0x4b: {  	s26 =	sor.u32 $0x2800, s26;
	[sflag:s18] =	ssyncadd.s32 $0xFFFFC000;
	(pc) =	sbr.rel @p0 .LBB2_4-.Ltmp1, $4  }
0x4c: {  	[tilespmem:s26], [sflag:$0x1] =	stream.indirect.gather [hbm4b:s4+s16], $0x80, s22, s16, $0xb8;
	[tilespmem:$0x1E400] =	vst v63  }
0x4d: {  	_ =	swait.ge [sflag:s17], $0x4000  }
0x4e: {  	s25 =	sand.u32 $0x4000, s25;
	[sflag:s17] =	ssyncset.done $0x0  }
0x4f: {  	s23 =	sadd.s32 $0x80, s23;
	s25 =	sor.u32 $0x2800, s25;
	[sflag:s17] =	ssyncadd.s32 $0xFFFFC000  }
0x50: {  	[spmem:s1] =	stream.indirect.scatter.add.f32 [tilespmem:s25], [sflag:$0x2], $0x80, s23, s16, $0xb8;
	[tilespmem:$0x1E400] =	vst v63  }
0x51: {  	_ =	swait.ge [sflag:s18], $0x4000  }
0x52: {  	[sflag:s18] =	ssyncset.done $0x0  }
0x53: {  	[sflag:s18] =	ssyncadd.s32 $0xFFFFC000  }
0x54: {  	_ =	swait.ge [sflag:s17], $0x4000  }
0x55: {  	[sflag:s17] =	ssyncset.done $0x0  }
0x56: {  	[sflag:s17] =	ssyncadd.s32 $0xFFFFC000  }
0x57: {  	[spmem:s1] =	stream.indirect.scatter.add.f32 [tilespmem:s20], [sflag:$0x2], $0x80, s19, s16, $0xb8;
	[tilespmem:$0x1E400] =	vst v63  }
0x58: {  	_ =	swait.ge [sflag:s18], $0x4000  }
0x59: {  	s21 =	sadd.s32 $0x1, s21;
	[sflag:s18] =	ssyncset.done $0x0  }
0x5a: {  	p0 =	sne.s32 s21, s12;
	[sflag:s18] =	ssyncadd.s32 $0xFFFFC000  }
.Ltmp2:
0x5b: {  	[bflag:$0x0] =	sbarrier.arrive $0xFFFF;
	(pc) =	sbr.rel @p0 .LBB2_1-.Ltmp2, $4  }
0x5c: {  	[hbm:s11], [sflag:s6] =	dma.local [spmem:s13], $0x2780  }
0x5d: {  	_ =	swait.ge [sflag:s14], $0x2780  }
0x5e: {  	[sflag:s14] =	ssyncset.done $0x0  }
0x5f: {  	[sflag:s14] =	ssyncadd.s32 $0xFFFFD880  }
0x60: {  	_ =	sfence.sel $0x180000  }
0x61: {  	[bflag:$0x0] =	sbarrier.arrive $0xFFFF  }
0x62: {  	p0 =	sne.s32 s3, $0x0;
	_ =	strace $0x90000053  }
0x63: {  	s0 =	sadd.s32 @!p0 $0x100000, s0;
	[bflag:$0x2] =	sbarrier.arrive $0xFFFF  }
0x64: {  	[sflag:s0] =	ssyncadd.tile.s32 @!p0 $0x1;
	_ =	shalt  }
.Lfunc_end2:
_tile_overlayer_lowered:
.L_overlay_start_2:
0x65: {  	(tag) =	ssettag $0x2  }
0x66: {  	s0 =	rddreg [dreg:$0x0];
	s2 =	stileid.u32  }
0x67: {  	s1 =	rddreg [dreg:$0x1];
	p0 =	sne.s32 s2, $0x0  }
0x68: {  	s3 =	rddreg [dreg:$0x2];
	[bflag:$0x3] =	sbarrier.arrive $0xFFFF;
	s2 =	simm.s32 @!p0 $0x1C03  }
0x69: {  	[timem:s3], [sflag:s2] =	dma.local @!p0 [hbm:s0], s1  }
0x6a: {  	s0 =	simm.s32 @!p0 $0x3  }
0x6b: {  	_ =	swait.ge @!p0 [sflag:s0], s1  }
0x6c: {  	s1 =	ssub.s32 @!p0 $0x0, s1;
	[sflag:s0] =	ssyncset.done @!p0 $0x0  }
0x6d: {  	[sflag:s0] =	ssyncadd.s32 @!p0 s1  }
0x6e: {  	[bflag:$0x3] =	sbarrier.arrive $0xFFFF  }
0x6f: {  	_ =	shalt  }

// kernel: kernel.40.cloned.1.call-start
scs
__scs_entry_jumppad:
0x0: {  	(pc) =	sbr.rel $0x88, $3  }
0x1: {  	(tag) =	ssettag $0x0;
	lr =	simm.s32 $0x1  }
0x2: {  	[smem:$0x3F77] =	sst lr;
	_ =	strace $0xD0000000  }
0x3: {  	_ = 	snop  }
0x4: {  	_ = 	snop  }
0x5: {  	_ = 	snop  }
0x6: {  	_ = 	snop  }
0x7: {  	_ = 	snop  }
__scs_overlays_trampoline_lowered:
0x8: {  	[smem:$0x3F86] =	sst s0  }
0x9: {  	[smem:$0x3F87] =	sst s1  }
0xa: {  	[smem:$0x3F88] =	sst s2  }
0xb: {  	[smem:$0x3F89] =	sst s3  }
0xc: {  	[smem:$0x3F8A] =	sst s4  }
0xd: {  	[smem:$0x3F8B] =	sst s5  }
0xe: {  	[smem:$0x3F8C] =	sst s6  }
0xf: {  	[smem:$0x3F8D] =	sst s7  }
0x10: {  	[smem:$0x3F8E] =	sst s8  }
0x11: {  	[smem:$0x3F8F] =	sst s9;
	s0 =	simm.s32 @!p0 $0x0  }
0x12: {  	s1 =	sld [smem:$0x3F75];
	s0 =	simm.s32 @p0 $0x1  }
0x13: {  	[smem:$0x3F90] =	sst s0;
	s0 =	simm.s32 @!p1 $0x0  }
0x14: {  	s2 =	sld [smem:$0x3F74];
	s0 =	simm.s32 @p1 $0x1  }
0x15: {  	[smem:$0x3F91] =	sst s0;
	s0 =	simm.s32 @!p2 $0x0  }
0x16: {  	s3 =	sld [smem:$0x3FDB];
	s0 =	simm.s32 @p2 $0x1  }
0x17: {  	s4 =	simm.s32 $0x1BF5;
	[smem:$0x3F93] =	sst s0  }
0x18: {  	s0 =	sld [smem:$0x3F76];
	_ =	swait.ge [sflag:s4], $0x0  }
0x19: {  	s7 =	sld [smem:$0x3F77]  }
0x1a: {  	s8 =	sadd.s32 $0xFFFFE003, lr  }
0x1b: {  	s9 =	sadd.s32 $0xFFFFFEF7, lr;
	s5 =	simm.s32 $0xFFFFFFFF;
	p2 =	slt.u32 s8, $0xFFFFF086  }
0x1c: {  	p1 =	slt.u32 s9, $0xF7A;
	s5 =	simm.s32 @!p2 $0x0  }
0x1d: {  	s5 =	simm.s32 @p1 $0x1;
	p0 =	seq.s32 s7, s2  }
0x1e: {  	s7 =	smul.u32 @!p0 $0xF7A, s2;
	p2 =	seq.s32 @!p0 s5, $0x0  }
0x1f: {  	s9 =	smul.u32 $0xF7A, s1;
	s8 =	simm.s32 @!p0 $0x1BF5;
	p2 =	por !p2, p0  }
0x20: {  	[sflag:s8] =	ssyncset.s32 @!p0 $0xFFFFF086;
	s6 =	sadd.s32 @!p0 s3, s7;
	s7 =	simm.s32 @!p0 $0x108  }
0x21: {  	s3 =	sadd.s32 s3, s9;
	s6 =	sadd.s32 @!p0 $0x88, s6;
	s7 =	simm.s32 @p2 $0x1082  }
0x22: {  	[simem:s7], [sflag:s8] =	dma.local @!p0 [hbm:s6], $0xF7A  }
0x23: {  	s9 =	sor.u32 $0xD0000000, s2;
	s6 =	simm.s32 $0x108;
	_ =	swait.ge @!p0 [sflag:s8], $0x0  }
0x24: {  	s3 =	sadd.s32 $0x88, s3;
	s6 =	simm.s32 @!p1 $0x1082;
	[sflag:s4] =	ssyncset.s32 $0xFFFFF086  }
0x25: {  	[simem:s6], [sflag:s4] =	dma.local [hbm:s3], $0xF7A  }
0x26: {  	[smem:$0x3F77] =	sst s1;
	(tag) =	ssettag s2;
	_ =	strace s9  }
0x27: {  	s1 =	sld [smem:$0x3F87]  }
0x28: {  	s2 =	sld [smem:$0x3F88]  }
0x29: {  	s4 =	sld [smem:$0x3F8A]  }
0x2a: {  	p0 =	seq.s32 s5, $0x0;
	s5 =	sld [smem:$0x3F8B]  }
0x2b: {  	s6 =	sld [smem:$0x3F8C]  }
0x2c: {  	s7 =	sld [smem:$0x3F8D]  }
0x2d: {  	s3 =	simm.s32 $0x108;
	s8 =	sld [smem:$0x3F8E]  }
0x2e: {  	s3 =	simm.s32 @!p0 $0x1082;
	s9 =	sld [smem:$0x3F8F]  }
0x2f: {  	lr =	sadd.s32 s0, s3;
	s0 =	sld [smem:$0x3F86]  }
0x30: {  	s3 =	sld [smem:$0x3F89]  }
0x31: {  	[smem:$0x3F92] =	sst s10  }
0x32: {  	s10 =	sld [smem:$0x3F90];
	_ =	sdelay $0x3  }
0x33: {  	p0 =	seq.s32 s10, $0x1;
	s10 =	sld [smem:$0x3F92];
	_ =	sdelay $0x3  }
0x34: {  	[smem:$0x3F92] =	sst s10  }
0x35: {  	s10 =	sld [smem:$0x3F91];
	_ =	sdelay $0x3  }
0x36: {  	p1 =	seq.s32 s10, $0x1;
	s10 =	sld [smem:$0x3F92];
	_ =	sdelay $0x3  }
0x37: {  	[smem:$0x3F92] =	sst s10  }
0x38: {  	s10 =	sld [smem:$0x3F93]  }
0x39: {  	_ = 	snop;
	(pc) =	sbr.ind lr, $3  }
0x3a: {  	_ = 	snop  }
0x3b: {  	_ = 	snop  }
0x3c: {  	p2 =	seq.s32 s10, $0x1;
	s10 =	sld [smem:$0x3F92]  }
0x3d: {  	_ =	shalt  }
0x3e: {  	_ =	shalt  }
0x3f: {  	_ =	shalt  }
0x40: {  	_ =	shalt  }
0x41: {  	_ =	shalt  }
0x42: {  	_ =	shalt  }
0x43: {  	_ =	shalt  }
0x44: {  	_ =	shalt  }
0x45: {  	_ =	shalt  }
0x46: {  	_ =	shalt  }
0x47: {  	_ =	shalt  }
0x48: {  	_ =	shalt  }
0x49: {  	_ =	shalt  }
0x4a: {  	_ =	shalt  }
0x4b: {  	_ =	shalt  }
0x4c: {  	_ =	shalt  }
0x4d: {  	_ =	shalt  }
0x4e: {  	_ =	shalt  }
0x4f: {  	_ =	shalt  }
0x50: {  	_ =	shalt  }
0x51: {  	_ =	shalt  }
0x52: {  	_ =	shalt  }
0x53: {  	_ =	shalt  }
0x54: {  	_ =	shalt  }
0x55: {  	_ =	shalt  }
0x56: {  	_ =	shalt  }
0x57: {  	_ =	shalt  }
0x58: {  	_ =	shalt  }
0x59: {  	_ =	shalt  }
0x5a: {  	_ =	shalt  }
0x5b: {  	_ =	shalt  }
0x5c: {  	_ =	shalt  }
0x5d: {  	_ =	shalt  }
0x5e: {  	_ =	shalt  }
0x5f: {  	_ =	shalt  }
0x60: {  	_ =	shalt  }
0x61: {  	_ =	shalt  }
0x62: {  	_ =	shalt  }
0x63: {  	_ =	shalt  }
0x64: {  	_ =	shalt  }
0x65: {  	_ =	shalt  }
0x66: {  	_ =	shalt  }
0x67: {  	_ =	shalt  }
0x68: {  	_ =	shalt  }
0x69: {  	_ =	shalt  }
0x6a: {  	_ =	shalt  }
0x6b: {  	_ =	shalt  }
0x6c: {  	_ =	shalt  }
0x6d: {  	_ =	shalt  }
0x6e: {  	_ =	shalt  }
0x6f: {  	_ =	shalt  }
0x70: {  	_ =	shalt  }
0x71: {  	_ =	shalt  }
0x72: {  	_ =	shalt  }
0x73: {  	_ =	shalt  }
0x74: {  	_ =	shalt  }
0x75: {  	_ =	shalt  }
0x76: {  	_ =	shalt  }
0x77: {  	_ =	shalt  }
0x78: {  	_ =	shalt  }
0x79: {  	_ =	shalt  }
0x7a: {  	_ =	shalt  }
0x7b: {  	_ =	shalt  }
0x7c: {  	_ =	shalt  }
0x7d: {  	_ =	shalt  }
0x7e: {  	_ =	shalt  }
0x7f: {  	_ =	shalt  }
0x80: {  	_ =	shalt  }
0x81: {  	_ =	shalt  }
0x82: {  	_ =	shalt  }
0x83: {  	_ =	shalt  }
0x84: {  	_ =	shalt  }
0x85: {  	_ =	shalt  }
0x86: {  	_ =	shalt  }
0x87: {  	_ =	shalt  }
.Lfunc_end0:
.L_simem_size_0:
called_computation.5_lowered:
.L_overlay_start_0:
0x88: {  	s2 =	sld [smem:$0x3FD9]  }
0x89: {  	s3 =	sld [smem:$0x3FFE];
	_ =	sdelay $0x1  }
0x8a: {  	s1 =	srdreg.scid  }
0x8b: {  	s0 =	sand.u32 $0x1, s1  }
0x8c: {  	s16 =	sshll.u32 s0, $0xA;
	s2 =	sadd.s32 s3, s2  }
0x8d: {  	s2 =	sadd.s32 s2, s16  }
0x8e: {  	[smem:$0x3F9E] =	sst s2  }
0x8f: {  	_ = 	snop  }
0x90: {  	(tm) =	ssettm $0x1  }
0x91: {  	s17 =	sld [smem:$0x3FFB];
	_ =	sdelay $0x3  }
0x92: {  	_ =	strace s17  }
0x93: {  	s2 =	sld [smem:$0x3FFC];
	_ =	sdelay $0x3  }
0x94: {  	_ =	strace s2  }
0x95: {  	s2 =	sld [smem:$0x3FFD];
	_ =	sdelay $0x3  }
0x96: {  	_ =	strace s2  }
0x97: {  	_ =	strace $0x8FFFFFFF  }
0x98: {  	s18 =	sld [smem:$0x3FDB];
	_ =	sdelay $0x1  }
0x99: {  	s19 =	simm.s32 $_scs_section_size  }
0x9a: {  	s4 =	simm.s32 $_size__tile_overlayer_lowered;
	s5 =	simm.s32 $_tile_overlayer_lowered  }
0x9b: {  	s22 =	simm.s32 $0x1BFF;
	s21 =	sshll.u32 s5, $0x1;
	s2 =	sadd.s32 s19, s18  }
0x9c: {  	s6 =	simm.s32 $0x0;
	s20 =	sshll.u32 s4, $0x1;
	s4 =	sadd.s32 s21, s2  }
0x9d: {  	[timem:s6], [sflag:s22] =	dma.local [hbm:s4], s20  }
0x9e: {  	_ =	swait.ge [sflag:s22], s20  }
0x9f: {  	s3 =	ssub.s32 $0x0, s20;
	[sflag:s22] =	ssyncset.done $0x0  }
0xa0: {  	[sflag:s22] =	ssyncadd.s32 s3;
	_ =	sdelay $0x1  }
0xa1: {  	s23 =	simm.s32 $0x1B8B  }
0xa2: {  	_ =	swait.ge [sflag:s23], $0x1  }
0xa3: {  	[sflag:s23] =	ssyncset.done $0x0  }
0xa4: {  	s25 =	simm.s32 $0x1B8E;
	s24 =	sld [smem:$0x3FFE];
	[sflag:s23] =	ssyncadd.s32 $0xFFFFFFFF  }
0xa5: {  	s26 =	simm.s32 $execute0_lowered;
	[smem:$0x3FD2] =	sst s25  }
0xa6: {  	s4 =	sshll.u32 s26, $0x1;
	_ =	strace $0x80000055;
	[dreg:$0x1] =	wrdreg $0xFFFFFFFF  }
0xa7: {  	s28 =	simm.s32 $_size_execute0_lowered;
	s2 =	sadd.s32 s2, s4;
	[dreg:$0x0] =	wrdreg $0x0  }
0xa8: {  	s4 =	sshll.u32 s28, $0x1;
	[dreg:$0x2] =	wrdreg s2  }
0xa9: {  	[dreg:$0x3] =	wrdreg s4  }
0xaa: {  	[dreg:$0x4] =	wrdreg $0xC0  }
0xab: {  	_ =	task [dreg:s6], $0x5FFFF  }
0xac: {  	[dreg:$0x1] =	wrdreg $0xFFFFFFFF  }
0xad: {  	[dreg:$0x0] =	wrdreg $0x60  }
0xae: {  	[dreg:$0x2] =	wrdreg s24  }
0xaf: {  	[dreg:$0x3] =	wrdreg $0xA8000  }
0xb0: {  	[dreg:$0x4] =	wrdreg $0x9  }
0xb1: {  	_ =	task.clear_ibuf [dreg:s6], $0x5FFFF;
	_ =	strace $0x90000055  }
0xb2: {  	s29 =	simm.s32 $0x9;
	_ =	strace $0x80000057  }
0xb3: {  	_ =	swait.ge [sflag:s29], $0x1  }
0xb4: {  	[sflag:s29] =	ssyncadd.s32 $0xFFFFFFFF  }
0xb5: {  	_ =	strace $0x90000057  }
0xb6: {  	_ =	sfence  }
0xb7: {  	s30 =	sld [smem:$0x0];
	_ =	sdelay $0x2  }
0xb8: {  	s31 =	sshll.u32 s1, $0xD;
	s1 =	sshrl.u32 s1, $0x2  }
0xb9: {  	s3 =	sand.u32 $0x4000, s31;
	s1 =	sadd.s32 s1, s30  }
0xba: {  	s0 =	sor.u32 s3, s0;
	s1 =	sshll.u32 s1, $0x11  }
0xbb: {  	s0 =	sor.u32 s1, s0  }
0xbc: {  	s0 =	sadd.s32 $0x8F2B, s0  }
0xbd: {  	[sflag:s0] =	ssyncadd.remote.s32 $0x1  }
0xbe: {  	_ =	sfence.sel $0xFFFF  }
0xbf: {  	[dreg:$0x0] =	wrdreg $0xFFFFFFFF;
	(pc) =	sbr.abs _section_cstart, $3  }
0xc0: {  	[dreg:$0x1] =	wrdreg $0xFFFFFFFF  }
0xc1: {  	_ =	task.clear_ibuf [dreg:s6], $0x2FFFF;
	_ =	strace $0x9FFFFFFF  }
0xc2: {  	(tm) =	ssettm $0x7FFFFFFF  }
0xc3: {  	_ =	shalt  }
tec
execute0_lowered:
.L_overlay_start_1:
0x0: {  	(tag) =	ssettag $0x1  }
0x1: {  	s6 =	rddreg [dreg:$0x0]  }
0x2: {  	s1 =	rddreg [dreg:$0x1]  }
0x3: {  	s0 =	rddreg [dreg:$0x2];
	s2 =	simm.s32 $0x0  }
0x4: {  	s3 =	srdreg.scid;
	s16 =	simm.s32 $0x80;
	s17 =	simm.s32 $0x1  }
0x5: {  	s18 =	simm.s32 $0x2;
	s19 =	simm.s32 $0x2780;
	s7 =	sand.u32 $0x1, s3  }
0x6: {  	s20 =	simm.s32 $0x6800;
	s3 =	stileid.u32;
	s8 =	smul.u32 $0x13C000, s7  }
0x7: {  	s21 =	simm.s32 $0x0;
	[smem:$0x7FF] =	sst s2;
	s10 =	smul.u32 $0x13C00, s3  }
0x8: {  	s4 =	sadd.s32 $0x1DA00, s6;
	s9 =	sadd.s32 $0x13A00, s6;
	s12 =	smul.u32 $0x28000, s7  }
0x9: {  	s11 =	sadd.s32 $0x9A00, s6;
	s5 =	sadd.s32 $0x44C00, s6;
	s26 =	smul.u32 $0x2800, s3  }
0xa: {  	_ =	strace $0x80000056;
	s7 =	ssub.s32 $0x2, s7;
	s14 =	smul.u32 $0x4F000, s3  }
0xb: {  	s30 =	sshll.u32 s3, $0x6;
	s13 =	sshrl.u32 s7, $0x1;
	s8 =	sadd.s32 s10, s8  }
0xc: {  	s13 =	ssub.s32 s7, s13;
	s28 =	sadd.s32 s26, s12;
	s29 =	sshrl.u32 s14, $0x2  }
0xd: {  	s8 =	sshrl.u32 s8, $0x3;
	s10 =	sshrl.u32 s28, $0x3;
	s14 =	sadd.s32 s29, s1  }
0xe: {  	s12 =	smax.u32 s13, $0x1;
	s15 =	sadd.s32 s8, s6;
	s6 =	sor.u32 $0x1C03, s30  }
0xf: {  	s31 =	sadd.s32 $0x280, s10;
	s7 =	sadd.s32 s9, s10;
	s8 =	sadd.s32 s11, s10  }
0x10: {  	s13 =	sshrl.u32 s14, $0x3;
	s14 =	simm.s32 $0x3;
	s9 =	sadd.s32 s9, s31  }
0x11: {  	s10 =	sadd.s32 s11, s31;
	s11 =	sadd.s32 $0x95800, s15;
	s15 =	simm.s32 $0x2800  }
.LBB2_1:
0x12: {  	[spmem:s13], [sflag:s6] =	dma.local [hbm:s5], $0x2780  }
0x13: {  	_ =	swait.ge [sflag:s14], $0x2780  }
0x14: {  	[sflag:s14] =	ssyncset.done $0x0  }
0x15: {  	[sflag:s14] =	ssyncadd.s32 $0xFFFFD880  }
0x16: {  	[bflag:$0x0] =	sbarrier.arrive $0xFFFF  }
0x17: {  	[tilespmem:s2], [sflag:$0x3] =	stream.linear.gather [hbm4b:s7+s2], $0x1400, $0x38;
	[tilespmem:$0x1E400] =	vst v63  }
0x18: {  	_ =	swait.ge [sflag:s14], $0x1400  }
0x19: {  	[sflag:s14] =	ssyncset.done $0x0  }
0x1a: {  	s22 =	simm.s32 $0x1400;
	[sflag:s14] =	ssyncadd.s32 $0xFFFFEC00  }
0x1b: {  	[tilespmem:s22], [sflag:$0x3] =	stream.linear.gather [hbm4b:s8+s2], $0x1400, $0x38;
	[tilespmem:$0x1E400] =	vst v63  }
0x1c: {  	_ =	swait.ge [sflag:s14], $0x1400  }
0x1d: {  	s23 =	simm.s32 $0x4000;
	[sflag:s14] =	ssyncset.done $0x0  }
0x1e: {  	s24 =	sand.u32 $0x4000, s23;
	[sflag:s14] =	ssyncadd.s32 $0xFFFFEC00  }
0x1f: {  	[tilespmem:s15], [sflag:$0x1] =	stream.indirect.gather [hbm4b:s4+s16], $0x80, s2, s16, $0xb8;
	[tilespmem:$0x1E400] =	vst v63  }
0x20: {  	s24 =	sor.u32 $0x2800, s24  }
0x21: {  	[tilespmem:s24], [sflag:$0x1] =	stream.indirect.gather [hbm4b:s4+s16], $0x80, s16, s16, $0xb8;
	[tilespmem:$0x1E400] =	vst v63  }
0x22: {  	_ =	swait.ge [sflag:s17], $0x4000  }
0x23: {  	s31 =	sand.u32 $0x4000, s2;
	[sflag:s17] =	ssyncset.done $0x0  }
0x24: {  	s25 =	sor.u32 $0x2800, s31;
	s24 =	simm.s32 $0x80;
	[sflag:s17] =	ssyncadd.s32 $0xFFFFC000  }
.LBB2_2:
0x25: {  	[spmem:s1] =	stream.indirect.scatter.add.f32 [tilespmem:s25], [sflag:$0x2], $0x80, s22, s16, $0xb8;
	[tilespmem:$0x1E400] =	vst v63  }
0x26: {  	s25 =	smov.u32 s23  }
0x27: {  	p0 =	sne.s32 s23, $0x98000;
	s23 =	sadd.s32 $0x4000, s23;
	_ =	swait.ge [sflag:s18], $0x4000  }
0x28: {  	s24 =	sadd.s32 $0x80, s24;
	s26 =	sand.u32 $0x4000, s23;
	[sflag:s18] =	ssyncset.done $0x0  }
.Ltmp0:
0x29: {  	s26 =	sor.u32 $0x2800, s26;
	[sflag:s18] =	ssyncadd.s32 $0xFFFFC000;
	(pc) =	sbr.rel @p0 .LBB2_2-.Ltmp0, $4  }
0x2a: {  	[tilespmem:s26], [sflag:$0x1] =	stream.indirect.gather [hbm4b:s4+s16], $0x80, s24, s16, $0xb8;
	[tilespmem:$0x1E400] =	vst v63  }
0x2b: {  	_ =	swait.ge [sflag:s17], $0x4000  }
0x2c: {  	s25 =	sand.u32 $0x4000, s25;
	[sflag:s17] =	ssyncset.done $0x0  }
0x2d: {  	s22 =	sadd.s32 $0x80, s22;
	s25 =	sor.u32 $0x2800, s25;
	[sflag:s17] =	ssyncadd.s32 $0xFFFFC000  }
0x2e: {  	[spmem:s1] =	stream.indirect.scatter.add.f32 [tilespmem:s25], [sflag:$0x2], $0x80, s22, s16, $0xb8;
	[tilespmem:$0x1E400] =	vst v63  }
0x2f: {  	_ =	swait.ge [sflag:s18], $0x4000  }
0x30: {  	[sflag:s18] =	ssyncset.done $0x0  }
0x31: {  	[sflag:s18] =	ssyncadd.s32 $0xFFFFC000  }
0x32: {  	_ =	swait.ge [sflag:s17], $0x4000  }
0x33: {  	[sflag:s17] =	ssyncset.done $0x0  }
0x34: {  	s22 =	simm.s32 $0x80;
	[sflag:s17] =	ssyncadd.s32 $0xFFFFC000  }
0x35: {  	[spmem:s1] =	stream.indirect.scatter.add.f32 [tilespmem:s20], [sflag:$0x2], $0x80, s19, s22, $0xb8;
	[tilespmem:$0x1E400] =	vst v63  }
0x36: {  	_ =	swait.ge [sflag:s18], $0x4000  }
0x37: {  	[sflag:s18] =	ssyncset.done $0x0  }
0x38: {  	s31 =	simm.s32 $0x0;
	[sflag:s18] =	ssyncadd.s32 $0xFFFFC000  }
0x39: {  	[tilespmem:s31], [sflag:$0x3] =	stream.linear.gather [hbm4b:s9+s31], $0x1400, $0x38;
	[tilespmem:$0x1E400] =	vst v63  }
0x3a: {  	_ =	swait.ge [sflag:s14], $0x1400  }
0x3b: {  	[sflag:s14] =	ssyncset.done $0x0  }
0x3c: {  	s23 =	simm.s32 $0x1400;
	[sflag:s14] =	ssyncadd.s32 $0xFFFFEC00  }
0x3d: {  	[tilespmem:s23], [sflag:$0x3] =	stream.linear.gather [hbm4b:s10+s31], $0x1400, $0x38;
	[tilespmem:$0x1E400] =	vst v63  }
0x3e: {  	_ =	swait.ge [sflag:s14], $0x1400  }
0x3f: {  	s24 =	simm.s32 $0x4000;
	[sflag:s14] =	ssyncset.done $0x0  }
0x40: {  	s26 =	sand.u32 $0x4000, s24;
	[sflag:s14] =	ssyncadd.s32 $0xFFFFEC00  }
0x41: {  	[tilespmem:s15], [sflag:$0x1] =	stream.indirect.gather [hbm4b:s4+s22], $0x80, s31, s22, $0xb8;
	[tilespmem:$0x1E400] =	vst v63  }
0x42: {  	s26 =	sor.u32 $0x2800, s26  }
0x43: {  	[tilespmem:s26], [sflag:$0x1] =	stream.indirect.gather [hbm4b:s4+s16], $0x80, s22, s16, $0xb8;
	[tilespmem:$0x1E400] =	vst v63  }
0x44: {  	_ =	swait.ge [sflag:s17], $0x4000  }
0x45: {  	s25 =	sand.u32 $0x4000, s31;
	[sflag:s17] =	ssyncset.done $0x0  }
0x46: {  	s25 =	sor.u32 $0x2800, s25;
	[sflag:s17] =	ssyncadd.s32 $0xFFFFC000  }
.LBB2_4:
0x47: {  	[spmem:s1] =	stream.indirect.scatter.add.f32 [tilespmem:s25], [sflag:$0x2], $0x80, s23, s16, $0xb8;
	[tilespmem:$0x1E400] =	vst v63  }
0x48: {  	s25 =	smov.u32 s24  }
0x49: {  	p0 =	sne.s32 s24, $0x98000;
	s24 =	sadd.s32 $0x4000, s24;
	_ =	swait.ge [sflag:s18], $0x4000  }
0x4a: {  	s22 =	sadd.s32 $0x80, s22;
	s26 =	sand.u32 $0x4000, s24;
	[sflag:s18] =	ssyncset.done $0x0  }
.Ltmp1:
0x4b: {  	s26 =	sor.u32 $0x2800, s26;
	[sflag:s18] =	ssyncadd.s32 $0xFFFFC000;
	(pc) =	sbr.rel @p0 .LBB2_4-.Ltmp1, $4  }
0x4c: {  	[tilespmem:s26], [sflag:$0x1] =	stream.indirect.gather [hbm4b:s4+s16], $0x80, s22, s16, $0xb8;
	[tilespmem:$0x1E400] =	vst v63  }
0x4d: {  	_ =	swait.ge [sflag:s17], $0x4000  }
0x4e: {  	s25 =	sand.u32 $0x4000, s25;
	[sflag:s17] =	ssyncset.done $0x0  }
0x4f: {  	s23 =	sadd.s32 $0x80, s23;
	s25 =	sor.u32 $0x2800, s25;
	[sflag:s17] =	ssyncadd.s32 $0xFFFFC000  }
0x50: {  	[spmem:s1] =	stream.indirect.scatter.add.f32 [tilespmem:s25], [sflag:$0x2], $0x80, s23, s16, $0xb8;
	[tilespmem:$0x1E400] =	vst v63  }
0x51: {  	_ =	swait.ge [sflag:s18], $0x4000  }
0x52: {  	[sflag:s18] =	ssyncset.done $0x0  }
0x53: {  	[sflag:s18] =	ssyncadd.s32 $0xFFFFC000  }
0x54: {  	_ =	swait.ge [sflag:s17], $0x4000  }
0x55: {  	[sflag:s17] =	ssyncset.done $0x0  }
0x56: {  	[sflag:s17] =	ssyncadd.s32 $0xFFFFC000  }
0x57: {  	[spmem:s1] =	stream.indirect.scatter.add.f32 [tilespmem:s20], [sflag:$0x2], $0x80, s19, s16, $0xb8;
	[tilespmem:$0x1E400] =	vst v63  }
0x58: {  	_ =	swait.ge [sflag:s18], $0x4000  }
0x59: {  	s21 =	sadd.s32 $0x1, s21;
	[sflag:s18] =	ssyncset.done $0x0  }
0x5a: {  	p0 =	sne.s32 s21, s12;
	[sflag:s18] =	ssyncadd.s32 $0xFFFFC000  }
.Ltmp2:
0x5b: {  	[bflag:$0x0] =	sbarrier.arrive $0xFFFF;
	(pc) =	sbr.rel @p0 .LBB2_1-.Ltmp2, $4  }
0x5c: {  	[hbm:s11], [sflag:s6] =	dma.local [spmem:s13], $0x2780  }
0x5d: {  	_ =	swait.ge [sflag:s14], $0x2780  }
0x5e: {  	[sflag:s14] =	ssyncset.done $0x0  }
0x5f: {  	[sflag:s14] =	ssyncadd.s32 $0xFFFFD880  }
0x60: {  	_ =	sfence.sel $0x180000  }
0x61: {  	[bflag:$0x0] =	sbarrier.arrive $0xFFFF  }
0x62: {  	p0 =	sne.s32 s3, $0x0;
	_ =	strace $0x90000056  }
0x63: {  	s0 =	sadd.s32 @!p0 $0x100000, s0;
	[bflag:$0x2] =	sbarrier.arrive $0xFFFF  }
0x64: {  	[sflag:s0] =	ssyncadd.tile.s32 @!p0 $0x1;
	_ =	shalt  }
.Lfunc_end2:
_tile_overlayer_lowered:
.L_overlay_start_2:
0x65: {  	(tag) =	ssettag $0x2  }
0x66: {  	s0 =	rddreg [dreg:$0x0];
	s2 =	stileid.u32  }
0x67: {  	s1 =	rddreg [dreg:$0x1];
	p0 =	sne.s32 s2, $0x0  }
0x68: {  	s3 =	rddreg [dreg:$0x2];
	[bflag:$0x3] =	sbarrier.arrive $0xFFFF;
	s2 =	simm.s32 @!p0 $0x1C03  }
0x69: {  	[timem:s3], [sflag:s2] =	dma.local @!p0 [hbm:s0], s1  }
0x6a: {  	s0 =	simm.s32 @!p0 $0x3  }
0x6b: {  	_ =	swait.ge @!p0 [sflag:s0], s1  }
0x6c: {  	s1 =	ssub.s32 @!p0 $0x0, s1;
	[sflag:s0] =	ssyncset.done @!p0 $0x0  }
0x6d: {  	[sflag:s0] =	ssyncadd.s32 @!p0 s1  }
0x6e: {  	[bflag:$0x3] =	sbarrier.arrive $0xFFFF  }
0x6f: {  	_ =	shalt  }

</sc_bundles>
